<compile_context>
chip_gen: v7x
topology: tpu7x:2x2x1
jax: 0.10.2.dev20260603
libtpu: 0.0.44.dev20260713+nightly
codegen_flags: <defaults>
</compile_context>

<pallas_src>
import jax
import jax.numpy as jnp
from jax import lax
from jax.experimental import pallas as pl
from jax.experimental.pallas import tpu as pltpu
from jax.experimental.pallas import tpu_sc as plsc

NUM_COLLISIONS = 1000
EMBED = 64
WORDS = EMBED // 2
L = 16
NC, NS = 2, 16
NW = NC * NS
BATCH, FIELDS = 16384, 26
TOTAL = BATCH * FIELDS
PER_W = TOTAL // NW
CHUNK = 128
N_CHUNKS = PER_W // CHUNK
RING = 4
N_GROUPS = N_CHUNKS // RING
SLICES = CHUNK // L


def _qr_body(idx_hbm, wqp_hbm, wrp_hbm, out_hbm,
             idx_all, qv, rv, rq, rr, prod, wq_sh, wr_sh, sem_g, sem_o):
    wid = lax.axis_index("s") * NC + lax.axis_index("c")
    obase = wid * PER_W

    @pl.when(lax.axis_index("s") == 0)
    def _():
        pltpu.sync_copy(wqp_hbm, wq_sh)
        pltpu.sync_copy(wrp_hbm, wr_sh)

    pltpu.sync_copy(idx_hbm.at[wid], idx_all)
    plsc.subcore_barrier()

    def pack_body(i, carry):
        row = lax.div(i, SLICES)
        col = lax.rem(i, SLICES) * L
        v = idx_all[row, pl.ds(col, L)]
        vf = (v.astype(jnp.float32) + 0.5) * jnp.float32(1.0 / NUM_COLLISIONS)
        q = vf.astype(jnp.int32)
        r = v - q * NUM_COLLISIONS
        idx_all[row, pl.ds(col, L)] = q * 65536 + r
        return carry
    lax.fori_loop(0, N_CHUNKS * SLICES, pack_body, 0)

    def unpack_and_fire(cg, b):
        for s in range(SLICES):
            c = idx_all[cg, pl.ds(s * L, L)]
            qv[b, pl.ds(s * L, L)] = lax.shift_right_logical(c, 16)
            rv[b, pl.ds(s * L, L)] = lax.bitwise_and(c, 65535)
        pltpu.async_copy(wq_sh.at[qv.at[b]], rq.at[b], sem_g.at[b])
        pltpu.async_copy(wr_sh.at[rv.at[b]], rr.at[b], sem_g.at[b])

    for b in range(RING):
        unpack_and_fire(b, b)

    def group_body(g, carry):
        for b in range(RING):
            cg = g * RING + b
            @pl.when(g > 0)
            def _():
                pltpu.make_async_copy(
                    prod.at[b], out_hbm.at[pl.ds(obase, CHUNK)], sem_o.at[b]
                ).wait()
            pltpu.make_async_copy(wq_sh.at[qv.at[b]], rq.at[b],
                                  sem_g.at[b]).wait()
            pltpu.make_async_copy(wr_sh.at[rv.at[b]], rr.at[b],
                                  sem_g.at[b]).wait()

            @plsc.parallel_loop(0, CHUNK, 1, unroll=4)
            def _(i):
                for s in range(2):
                    cq = plsc.bitcast(rq[b, i, pl.ds(s * L, L)], jnp.bfloat16)
                    cr = plsc.bitcast(rr[b, i, pl.ds(s * L, L)], jnp.bfloat16)
                    qa, qb = plsc.unpack(cq, format=plsc.PackFormat.INTERLEAVED)
                    ra, rb = plsc.unpack(cr, format=plsc.PackFormat.INTERLEAVED)
                    prod[b, i, pl.ds(s * 2 * L, L)] = qa * ra
                    prod[b, i, pl.ds((s * 2 + 1) * L, L)] = qb * rb

            pltpu.async_copy(
                prod.at[b], out_hbm.at[pl.ds(obase + cg * CHUNK, CHUNK)],
                sem_o.at[b])

            @pl.when(g < N_GROUPS - 1)
            def _():
                unpack_and_fire(cg + RING, b)
        return carry

    lax.fori_loop(0, N_GROUPS, group_body, 0)

    for b in range(RING):
        pltpu.make_async_copy(
            prod.at[b], out_hbm.at[pl.ds(obase, CHUNK)], sem_o.at[b]).wait()


@jax.jit
def _qr_embed(idx_3d, wq_packed, wr_packed):
    mesh = plsc.VectorSubcoreMesh(core_axis_name="c", subcore_axis_name="s")
    return pl.kernel(
        _qr_body,
        out_type=jax.ShapeDtypeStruct((TOTAL, EMBED), jnp.float32),
        mesh=mesh,
        scratch_types=[
            pltpu.VMEM((N_CHUNKS, CHUNK), jnp.int32),
            pltpu.VMEM((RING, CHUNK), jnp.int32),
            pltpu.VMEM((RING, CHUNK), jnp.int32),
            pltpu.VMEM((RING, CHUNK, WORDS), jnp.int32),
            pltpu.VMEM((RING, CHUNK, WORDS), jnp.int32),
            pltpu.VMEM((RING, CHUNK, EMBED), jnp.float32),
            pltpu.VMEM_SHARED((NUM_COLLISIONS, WORDS), jnp.int32),
            pltpu.VMEM_SHARED((NUM_COLLISIONS, WORDS), jnp.int32),
            pltpu.SemaphoreType.DMA((RING,)),
            pltpu.SemaphoreType.DMA((RING,)),
        ],
        compiler_params=pltpu.CompilerParams(
            use_tc_tiling_on_sc=False, needs_layout_passes=False),
    )(idx_3d, wq_packed, wr_packed)


def _pack_table(w):
    u = lax.bitcast_convert_type(w.astype(jnp.bfloat16), jnp.uint16)
    u = u.astype(jnp.uint32).reshape(w.shape[0], 2, 2, L)
    packed = u[:, :, 0, :] | (u[:, :, 1, :] << 16)
    return lax.bitcast_convert_type(packed, jnp.int32).reshape(w.shape[0], WORDS)


def kernel(indices, weight_q, weight_r):
    idx_3d = indices.reshape(NW, N_CHUNKS, CHUNK)
    out = _qr_embed(idx_3d, _pack_table(weight_q), _pack_table(weight_r))
    return out.reshape(BATCH, FIELDS, EMBED)

# --- scband reference (transcript-rebuilt; emitter-appended) ---
"""Pipeline reference for scband-qrembedding-89000312308291 (READ-ONLY COPY).

The authoritative reference and input builder live on the scoring server;
editing this copy changes nothing except your own understanding.
"""

import jax, jax.numpy as jnp
import numpy as np

NUM_CATEGORIES = 1000000
NUM_COLLISIONS = 1000
EMBED_DIM = 64
NUM_Q = int(np.ceil(NUM_CATEGORIES / NUM_COLLISIONS))
BATCH = 16384
FIELDS = 26


def setup_inputs(seed: int = 0) -> dict:
    key = jax.random.key(seed)
    k1, k2, k3 = jax.random.split(key, 3)
    indices = jax.random.randint(k1, (BATCH, FIELDS), 0, NUM_CATEGORIES, dtype=jnp.int32)
    bound = float(np.sqrt(1.0 / NUM_CATEGORIES))
    weight_q = jax.random.uniform(k2, (NUM_Q, EMBED_DIM), dtype=jnp.float32, minval=-bound, maxval=bound)
    weight_r = jax.random.uniform(k3, (NUM_COLLISIONS, EMBED_DIM), dtype=jnp.float32, minval=-bound, maxval=bound)
    return {"indices": indices, "weight_q": weight_q, "weight_r": weight_r}


def reference(indices, weight_q, weight_r):
    # QR trick: index = q * num_collisions + r
    input_q = indices // NUM_COLLISIONS
    input_r = jnp.remainder(indices, NUM_COLLISIONS)
    embed_q = jnp.take(weight_q, input_q, axis=0)
    embed_r = jnp.take(weight_r, input_r, axis=0)
    # operation == 'mult'
    embed = embed_q * embed_r
    return embed

if __name__ == "__main__":
    import jax
    _d = setup_inputs()
    print(jax.jit(kernel)(*tuple(_d.values())))

</pallas_src>

<mosaic_0001>
#map = affine_map<(d0, d1) -> (0, 0, 0)>
#map1 = affine_map<(d0, d1) -> (0, 0)>
module attributes {stable_mosaic.version = 14 : i64} {
  func.func @_qr_body(%arg0: i32, %arg1: i32, %arg2: memref<32x104x128xi32, #tpu.memory_space<hbm>>, %arg3: memref<1000x32xi32, #tpu.memory_space<hbm>>, %arg4: memref<1000x32xi32, #tpu.memory_space<hbm>>, %arg5: memref<425984x64xf32, #tpu.memory_space<hbm>>, %arg6: memref<104x128xi32, #tpu.memory_space<vmem>>, %arg7: memref<4x128xi32, #tpu.memory_space<vmem>>, %arg8: memref<4x128xi32, #tpu.memory_space<vmem>>, %arg9: memref<4x128x32xi32, #tpu.memory_space<vmem>>, %arg10: memref<4x128x32xi32, #tpu.memory_space<vmem>>, %arg11: memref<4x128x64xf32, #tpu.memory_space<vmem>>, %arg12: memref<1000x32xi32, #tpu.memory_space<vmem_shared>>, %arg13: memref<1000x32xi32, #tpu.memory_space<vmem_shared>>, %arg14: memref<4x!tpu.dma_semaphore, #tpu.memory_space<semaphore_mem>>, %arg15: memref<4x!tpu.dma_semaphore, #tpu.memory_space<semaphore_mem>>) attributes {dimension_semantics = [#tpu.dimension_semantics<core_parallel>, #tpu.dimension_semantics<subcore_parallel>], iteration_bounds = array<i64: 2, 16>, scalar_prefetch = 0 : i64, scratch_operands = 10 : i64, tpu.core_type = #tpu.core_type<sc_vector_subcore>, window_params = [{transform_indices = #map}, {transform_indices = #map1}, {transform_indices = #map1}, {transform_indices = #map1}]} {
    %mul3A = arith.constant 2 : i32
    %mul3A_0 = arith.muli %arg1, %mul3A : i32
    %add3A = arith.addi %mul3A_0, %arg0 : i32
    %mul3A_1 = arith.constant 13312 : i32
    %mul3A_2 = arith.muli %add3A, %mul3A_1 : i32
    %eq3A = arith.constant 0 : i32
    %eq3A_3 = arith.cmpi eq, %arg1, %eq3A : i32
    %convert_element_type3A = arith.extui %eq3A_3 : i1 to i32
    %cond3A = arith.constant 0 : i32
    %cond3A_4 = arith.cmpi ne, %convert_element_type3A, %cond3A : i32
    scf.if %cond3A_4 {
      "tpu.region"() ({
        %run_scoped3A = tpu.sem_alloc : memref<!tpu.dma_semaphore, #tpu.memory_space<semaphore_mem>>
        tpu.enqueue_dma source(%arg3 : memref<1000x32xi32, #tpu.memory_space<hbm>>) target(%arg12 : memref<1000x32xi32, #tpu.memory_space<vmem_shared>>) target_semaphore(%run_scoped3A : memref<!tpu.dma_semaphore, #tpu.memory_space<semaphore_mem>>)
        tpu.wait_dma2 semaphore(%run_scoped3A : memref<!tpu.dma_semaphore, #tpu.memory_space<semaphore_mem>>) src(%arg3 : memref<1000x32xi32, #tpu.memory_space<hbm>>) dst(%arg12 : memref<1000x32xi32, #tpu.memory_space<vmem_shared>>)
        tpu.yield
      }) : () -> ()
      "tpu.region"() ({
        %run_scoped3A = tpu.sem_alloc : memref<!tpu.dma_semaphore, #tpu.memory_space<semaphore_mem>>
        tpu.enqueue_dma source(%arg4 : memref<1000x32xi32, #tpu.memory_space<hbm>>) target(%arg13 : memref<1000x32xi32, #tpu.memory_space<vmem_shared>>) target_semaphore(%run_scoped3A : memref<!tpu.dma_semaphore, #tpu.memory_space<semaphore_mem>>)
        tpu.wait_dma2 semaphore(%run_scoped3A : memref<!tpu.dma_semaphore, #tpu.memory_space<semaphore_mem>>) src(%arg4 : memref<1000x32xi32, #tpu.memory_space<hbm>>) dst(%arg13 : memref<1000x32xi32, #tpu.memory_space<vmem_shared>>)
        tpu.yield
      }) : () -> ()
    } else {
    }
    "tpu.region"() ({
      %run_scoped3A = tpu.sem_alloc : memref<!tpu.dma_semaphore, #tpu.memory_space<semaphore_mem>>
      %dma_start3A_770 = arith.constant 0 : i32
      %dma_start3A_771 = arith.constant 0 : i32
      %dma_start3A_772 = tpu.memref_slice %arg2[%add3A, %dma_start3A_770, %dma_start3A_771] : memref<32x104x128xi32, #tpu.memory_space<hbm>> -> memref<1x104x128xi32, #tpu.memory_space<hbm>>
      %dma_start3A_773 = tpu.memref_squeeze %dma_start3A_772 : memref<1x104x128xi32, #tpu.memory_space<hbm>> -> memref<104x128xi32, #tpu.memory_space<hbm>>
      %dma_start3A_774 = arith.constant 0 : i32
      %dma_start3A_775 = arith.constant 0 : i32
      %dma_start3A_776 = tpu.memref_slice %arg2[%add3A, %dma_start3A_774, %dma_start3A_775] : memref<32x104x128xi32, #tpu.memory_space<hbm>> -> memref<1x104x128xi32, #tpu.memory_space<hbm>>
      %dma_start3A_777 = tpu.memref_squeeze %dma_start3A_776 : memref<1x104x128xi32, #tpu.memory_space<hbm>> -> memref<104x128xi32, #tpu.memory_space<hbm>>
      tpu.enqueue_dma source(%dma_start3A_777 : memref<104x128xi32, #tpu.memory_space<hbm>>) target(%arg6 : memref<104x128xi32, #tpu.memory_space<vmem>>) target_semaphore(%run_scoped3A : memref<!tpu.dma_semaphore, #tpu.memory_space<semaphore_mem>>)
      %dma_wait3A_778 = arith.constant 0 : i32
      %dma_wait3A_779 = arith.constant 0 : i32
      %dma_wait3A_780 = tpu.memref_slice %arg2[%add3A, %dma_wait3A_778, %dma_wait3A_779] : memref<32x104x128xi32, #tpu.memory_space<hbm>> -> memref<1x104x128xi32, #tpu.memory_space<hbm>>
      %dma_wait3A_781 = tpu.memref_squeeze %dma_wait3A_780 : memref<1x104x128xi32, #tpu.memory_space<hbm>> -> memref<104x128xi32, #tpu.memory_space<hbm>>
      %dma_wait3A_782 = arith.constant 0 : i32
      %dma_wait3A_783 = arith.constant 0 : i32
      %dma_wait3A_784 = tpu.memref_slice %arg2[%add3A, %dma_wait3A_782, %dma_wait3A_783] : memref<32x104x128xi32, #tpu.memory_space<hbm>> -> memref<1x104x128xi32, #tpu.memory_space<hbm>>
      %dma_wait3A_785 = tpu.memref_squeeze %dma_wait3A_784 : memref<1x104x128xi32, #tpu.memory_space<hbm>> -> memref<104x128xi32, #tpu.memory_space<hbm>>
      tpu.wait_dma2 semaphore(%run_scoped3A : memref<!tpu.dma_semaphore, #tpu.memory_space<semaphore_mem>>) src(%dma_wait3A_785 : memref<104x128xi32, #tpu.memory_space<hbm>>) dst(%arg6 : memref<104x128xi32, #tpu.memory_space<vmem>>)
      tpu.yield
    }) : () -> ()
    %barrier3A = arith.constant 0 : index
    tpu.barrier barrier_id(%barrier3A)
    %scan3A = arith.constant 0 : i32
    %scan3A_5 = arith.constant 0 : i32
    %scan3A_6 = arith.constant 832 : i32
    %scan3A_7 = arith.addi %scan3A_5, %scan3A_6 : i32
    %scan3A_8 = arith.constant 1 : i32
    scf.for %scan3A_770 = %scan3A_5 to %scan3A_7 step %scan3A_8  : i32 {
      %div3A = arith.constant 8 : i32
      %div3A_771 = arith.divsi %scan3A_770, %div3A : i32
      %rem3A = arith.constant 8 : i32
      %rem3A_772 = arith.remsi %scan3A_770, %rem3A : i32
      %mul3A_773 = arith.constant 16 : i32
      %mul3A_774 = arith.muli %rem3A_772, %mul3A_773 : i32
      %get3A_775 = arith.index_cast %div3A_771 : i32 to index
      %get3A_776 = arith.index_cast %mul3A_774 : i32 to index
      %get3A_777 = tpu.vector_load %arg6[%get3A_775, %get3A_776] {strides = array<i32>} : memref<104x128xi32, #tpu.memory_space<vmem>>, vector<16xi32>,
      %convert_element_type3A_778 = arith.sitofp %get3A_777 : vector<16xi32> to vector<16xf32>
      %add3A_779 = arith.constant 5.000000e-01 : f32
      %add3A_780 = vector.broadcast %add3A_779 : f32 to vector<16xf32>
      %add3A_781 = arith.addf %convert_element_type3A_778, %add3A_780 : vector<16xf32>
      %mul3A_782 = arith.constant 1.000000e-03 : f32
      %mul3A_783 = vector.broadcast %mul3A_782 : f32 to vector<16xf32>
      %mul3A_784 = arith.mulf %add3A_781, %mul3A_783 : vector<16xf32>
      %convert_element_type3A_785 = arith.fptosi %mul3A_784 : vector<16xf32> to vector<16xi32>
      %mul3A_786 = arith.constant 1000 : i32
      %mul3A_787 = vector.broadcast %mul3A_786 : i32 to vector<16xi32>
      %mul3A_788 = arith.muli %convert_element_type3A_785, %mul3A_787 : vector<16xi32>
      %sub3A = arith.subi %get3A_777, %mul3A_788 : vector<16xi32>
      %mul3A_789 = arith.constant 65536 : i32
      %mul3A_790 = vector.broadcast %mul3A_789 : i32 to vector<16xi32>
      %mul3A_791 = arith.muli %convert_element_type3A_785, %mul3A_790 : vector<16xi32>
      %add3A_792 = arith.addi %mul3A_791, %sub3A : vector<16xi32>
      %swap3A_793 = arith.index_cast %div3A_771 : i32 to index
      %swap3A_794 = arith.index_cast %mul3A_774 : i32 to index
      %swap3A_795 = tpu.vector_load %arg6[%swap3A_793, %swap3A_794] {strides = array<i32>} : memref<104x128xi32, #tpu.memory_space<vmem>>, vector<16xi32>,
      tpu.vector_store %arg6[%swap3A_793, %swap3A_794], %add3A_792 {strides = array<i32>} : memref<104x128xi32, #tpu.memory_space<vmem>>, vector<16xi32>,
    }
    %scan3A_9 = arith.constant 832 : i32
    %get3A = arith.constant 0 : i32
    %get3A_10 = arith.index_cast %get3A : i32 to index
    %get3A_11 = arith.constant 0 : index
    %get3A_12 = tpu.vector_load %arg6[%get3A_10, %get3A_11] {strides = array<i32>} : memref<104x128xi32, #tpu.memory_space<vmem>>, vector<16xi32>,
    %shift_right_logical3A = arith.constant 16 : i32
    %shift_right_logical3A_13 = vector.broadcast %shift_right_logical3A : i32 to vector<16xi32>
    %shift_right_logical3A_14 = arith.shrui %get3A_12, %shift_right_logical3A_13 : vector<16xi32>
    %swap3A = arith.constant 0 : i32
    %swap3A_15 = arith.index_cast %swap3A : i32 to index
    %swap3A_16 = arith.constant 0 : index
    %swap3A_17 = tpu.vector_load %arg7[%swap3A_15, %swap3A_16] {strides = array<i32>} : memref<4x128xi32, #tpu.memory_space<vmem>>, vector<16xi32>,
    tpu.vector_store %arg7[%swap3A_15, %swap3A_16], %shift_right_logical3A_14 {strides = array<i32>} : memref<4x128xi32, #tpu.memory_space<vmem>>, vector<16xi32>,
    %and3A = arith.constant 65535 : i32
    %and3A_18 = vector.broadcast %and3A : i32 to vector<16xi32>
    %and3A_19 = arith.andi %get3A_12, %and3A_18 : vector<16xi32>
    %swap3A_20 = arith.constant 0 : i32
    %swap3A_21 = arith.index_cast %swap3A_20 : i32 to index
    %swap3A_22 = arith.constant 0 : index
    %swap3A_23 = tpu.vector_load %arg8[%swap3A_21, %swap3A_22] {strides = array<i32>} : memref<4x128xi32, #tpu.memory_space<vmem>>, vector<16xi32>,
    tpu.vector_store %arg8[%swap3A_21, %swap3A_22], %and3A_19 {strides = array<i32>} : memref<4x128xi32, #tpu.memory_space<vmem>>, vector<16xi32>,
    %get3A_24 = arith.constant 0 : i32
    %get3A_25 = arith.index_cast %get3A_24 : i32 to index
    %get3A_26 = arith.constant 16 : index
    %get3A_27 = tpu.vector_load %arg6[%get3A_25, %get3A_26] {strides = array<i32>} : memref<104x128xi32, #tpu.memory_space<vmem>>, vector<16xi32>,
    %shift_right_logical3A_28 = arith.constant 16 : i32
    %shift_right_logical3A_29 = vector.broadcast %shift_right_logical3A_28 : i32 to vector<16xi32>
    %shift_right_logical3A_30 = arith.shrui %get3A_27, %shift_right_logical3A_29 : vector<16xi32>
    %swap3A_31 = arith.constant 0 : i32
    %swap3A_32 = arith.index_cast %swap3A_31 : i32 to index
    %swap3A_33 = arith.constant 16 : index
    %swap3A_34 = tpu.vector_load %arg7[%swap3A_32, %swap3A_33] {strides = array<i32>} : memref<4x128xi32, #tpu.memory_space<vmem>>, vector<16xi32>,
    tpu.vector_store %arg7[%swap3A_32, %swap3A_33], %shift_right_logical3A_30 {strides = array<i32>} : memref<4x128xi32, #tpu.memory_space<vmem>>, vector<16xi32>,
    %and3A_35 = arith.constant 65535 : i32
    %and3A_36 = vector.broadcast %and3A_35 : i32 to vector<16xi32>
    %and3A_37 = arith.andi %get3A_27, %and3A_36 : vector<16xi32>
    %swap3A_38 = arith.constant 0 : i32
    %swap3A_39 = arith.index_cast %swap3A_38 : i32 to index
    %swap3A_40 = arith.constant 16 : index
    %swap3A_41 = tpu.vector_load %arg8[%swap3A_39, %swap3A_40] {strides = array<i32>} : memref<4x128xi32, #tpu.memory_space<vmem>>, vector<16xi32>,
    tpu.vector_store %arg8[%swap3A_39, %swap3A_40], %and3A_37 {strides = array<i32>} : memref<4x128xi32, #tpu.memory_space<vmem>>, vector<16xi32>,
    %get3A_42 = arith.constant 0 : i32
    %get3A_43 = arith.index_cast %get3A_42 : i32 to index
    %get3A_44 = arith.constant 32 : index
    %get3A_45 = tpu.vector_load %arg6[%get3A_43, %get3A_44] {strides = array<i32>} : memref<104x128xi32, #tpu.memory_space<vmem>>, vector<16xi32>,
    %shift_right_logical3A_46 = arith.constant 16 : i32
    %shift_right_logical3A_47 = vector.broadcast %shift_right_logical3A_46 : i32 to vector<16xi32>
    %shift_right_logical3A_48 = arith.shrui %get3A_45, %shift_right_logical3A_47 : vector<16xi32>
    %swap3A_49 = arith.constant 0 : i32
    %swap3A_50 = arith.index_cast %swap3A_49 : i32 to index
    %swap3A_51 = arith.constant 32 : index
    %swap3A_52 = tpu.vector_load %arg7[%swap3A_50, %swap3A_51] {strides = array<i32>} : memref<4x128xi32, #tpu.memory_space<vmem>>, vector<16xi32>,
    tpu.vector_store %arg7[%swap3A_50, %swap3A_51], %shift_right_logical3A_48 {strides = array<i32>} : memref<4x128xi32, #tpu.memory_space<vmem>>, vector<16xi32>,
    %and3A_53 = arith.constant 65535 : i32
    %and3A_54 = vector.broadcast %and3A_53 : i32 to vector<16xi32>
    %and3A_55 = arith.andi %get3A_45, %and3A_54 : vector<16xi32>
    %swap3A_56 = arith.constant 0 : i32
    %swap3A_57 = arith.index_cast %swap3A_56 : i32 to index
    %swap3A_58 = arith.constant 32 : index
    %swap3A_59 = tpu.vector_load %arg8[%swap3A_57, %swap3A_58] {strides = array<i32>} : memref<4x128xi32, #tpu.memory_space<vmem>>, vector<16xi32>,
    tpu.vector_store %arg8[%swap3A_57, %swap3A_58], %and3A_55 {strides = array<i32>} : memref<4x128xi32, #tpu.memory_space<vmem>>, vector<16xi32>,
    %get3A_60 = arith.constant 0 : i32
    %get3A_61 = arith.index_cast %get3A_60 : i32 to index
    %get3A_62 = arith.constant 48 : index
    %get3A_63 = tpu.vector_load %arg6[%get3A_61, %get3A_62] {strides = array<i32>} : memref<104x128xi32, #tpu.memory_space<vmem>>, vector<16xi32>,
    %shift_right_logical3A_64 = arith.constant 16 : i32
    %shift_right_logical3A_65 = vector.broadcast %shift_right_logical3A_64 : i32 to vector<16xi32>
    %shift_right_logical3A_66 = arith.shrui %get3A_63, %shift_right_logical3A_65 : vector<16xi32>
    %swap3A_67 = arith.constant 0 : i32
    %swap3A_68 = arith.index_cast %swap3A_67 : i32 to index
    %swap3A_69 = arith.constant 48 : index
    %swap3A_70 = tpu.vector_load %arg7[%swap3A_68, %swap3A_69] {strides = array<i32>} : memref<4x128xi32, #tpu.memory_space<vmem>>, vector<16xi32>,
    tpu.vector_store %arg7[%swap3A_68, %swap3A_69], %shift_right_logical3A_66 {strides = array<i32>} : memref<4x128xi32, #tpu.memory_space<vmem>>, vector<16xi32>,
    %and3A_71 = arith.constant 65535 : i32
    %and3A_72 = vector.broadcast %and3A_71 : i32 to vector<16xi32>
    %and3A_73 = arith.andi %get3A_63, %and3A_72 : vector<16xi32>
    %swap3A_74 = arith.constant 0 : i32
    %swap3A_75 = arith.index_cast %swap3A_74 : i32 to index
    %swap3A_76 = arith.constant 48 : index
    %swap3A_77 = tpu.vector_load %arg8[%swap3A_75, %swap3A_76] {strides = array<i32>} : memref<4x128xi32, #tpu.memory_space<vmem>>, vector<16xi32>,
    tpu.vector_store %arg8[%swap3A_75, %swap3A_76], %and3A_73 {strides = array<i32>} : memref<4x128xi32, #tpu.memory_space<vmem>>, vector<16xi32>,
    %get3A_78 = arith.constant 0 : i32
    %get3A_79 = arith.index_cast %get3A_78 : i32 to index
    %get3A_80 = arith.constant 64 : index
    %get3A_81 = tpu.vector_load %arg6[%get3A_79, %get3A_80] {strides = array<i32>} : memref<104x128xi32, #tpu.memory_space<vmem>>, vector<16xi32>,
    %shift_right_logical3A_82 = arith.constant 16 : i32
    %shift_right_logical3A_83 = vector.broadcast %shift_right_logical3A_82 : i32 to vector<16xi32>
    %shift_right_logical3A_84 = arith.shrui %get3A_81, %shift_right_logical3A_83 : vector<16xi32>
    %swap3A_85 = arith.constant 0 : i32
    %swap3A_86 = arith.index_cast %swap3A_85 : i32 to index
    %swap3A_87 = arith.constant 64 : index
    %swap3A_88 = tpu.vector_load %arg7[%swap3A_86, %swap3A_87] {strides = array<i32>} : memref<4x128xi32, #tpu.memory_space<vmem>>, vector<16xi32>,
    tpu.vector_store %arg7[%swap3A_86, %swap3A_87], %shift_right_logical3A_84 {strides = array<i32>} : memref<4x128xi32, #tpu.memory_space<vmem>>, vector<16xi32>,
    %and3A_89 = arith.constant 65535 : i32
    %and3A_90 = vector.broadcast %and3A_89 : i32 to vector<16xi32>
    %and3A_91 = arith.andi %get3A_81, %and3A_90 : vector<16xi32>
    %swap3A_92 = arith.constant 0 : i32
    %swap3A_93 = arith.index_cast %swap3A_92 : i32 to index
    %swap3A_94 = arith.constant 64 : index
    %swap3A_95 = tpu.vector_load %arg8[%swap3A_93, %swap3A_94] {strides = array<i32>} : memref<4x128xi32, #tpu.memory_space<vmem>>, vector<16xi32>,
    tpu.vector_store %arg8[%swap3A_93, %swap3A_94], %and3A_91 {strides = array<i32>} : memref<4x128xi32, #tpu.memory_space<vmem>>, vector<16xi32>,
    %get3A_96 = arith.constant 0 : i32
    %get3A_97 = arith.index_cast %get3A_96 : i32 to index
    %get3A_98 = arith.constant 80 : index
    %get3A_99 = tpu.vector_load %arg6[%get3A_97, %get3A_98] {strides = array<i32>} : memref<104x128xi32, #tpu.memory_space<vmem>>, vector<16xi32>,
    %shift_right_logical3A_100 = arith.constant 16 : i32
    %shift_right_logical3A_101 = vector.broadcast %shift_right_logical3A_100 : i32 to vector<16xi32>
    %shift_right_logical3A_102 = arith.shrui %get3A_99, %shift_right_logical3A_101 : vector<16xi32>
    %swap3A_103 = arith.constant 0 : i32
    %swap3A_104 = arith.index_cast %swap3A_103 : i32 to index
    %swap3A_105 = arith.constant 80 : index
    %swap3A_106 = tpu.vector_load %arg7[%swap3A_104, %swap3A_105] {strides = array<i32>} : memref<4x128xi32, #tpu.memory_space<vmem>>, vector<16xi32>,
    tpu.vector_store %arg7[%swap3A_104, %swap3A_105], %shift_right_logical3A_102 {strides = array<i32>} : memref<4x128xi32, #tpu.memory_space<vmem>>, vector<16xi32>,
    %and3A_107 = arith.constant 65535 : i32
    %and3A_108 = vector.broadcast %and3A_107 : i32 to vector<16xi32>
    %and3A_109 = arith.andi %get3A_99, %and3A_108 : vector<16xi32>
    %swap3A_110 = arith.constant 0 : i32
    %swap3A_111 = arith.index_cast %swap3A_110 : i32 to index
    %swap3A_112 = arith.constant 80 : index
    %swap3A_113 = tpu.vector_load %arg8[%swap3A_111, %swap3A_112] {strides = array<i32>} : memref<4x128xi32, #tpu.memory_space<vmem>>, vector<16xi32>,
    tpu.vector_store %arg8[%swap3A_111, %swap3A_112], %and3A_109 {strides = array<i32>} : memref<4x128xi32, #tpu.memory_space<vmem>>, vector<16xi32>,
    %get3A_114 = arith.constant 0 : i32
    %get3A_115 = arith.index_cast %get3A_114 : i32 to index
    %get3A_116 = arith.constant 96 : index
    %get3A_117 = tpu.vector_load %arg6[%get3A_115, %get3A_116] {strides = array<i32>} : memref<104x128xi32, #tpu.memory_space<vmem>>, vector<16xi32>,
    %shift_right_logical3A_118 = arith.constant 16 : i32
    %shift_right_logical3A_119 = vector.broadcast %shift_right_logical3A_118 : i32 to vector<16xi32>
    %shift_right_logical3A_120 = arith.shrui %get3A_117, %shift_right_logical3A_119 : vector<16xi32>
    %swap3A_121 = arith.constant 0 : i32
    %swap3A_122 = arith.index_cast %swap3A_121 : i32 to index
    %swap3A_123 = arith.constant 96 : index
    %swap3A_124 = tpu.vector_load %arg7[%swap3A_122, %swap3A_123] {strides = array<i32>} : memref<4x128xi32, #tpu.memory_space<vmem>>, vector<16xi32>,
    tpu.vector_store %arg7[%swap3A_122, %swap3A_123], %shift_right_logical3A_120 {strides = array<i32>} : memref<4x128xi32, #tpu.memory_space<vmem>>, vector<16xi32>,
    %and3A_125 = arith.constant 65535 : i32
    %and3A_126 = vector.broadcast %and3A_125 : i32 to vector<16xi32>
    %and3A_127 = arith.andi %get3A_117, %and3A_126 : vector<16xi32>
    %swap3A_128 = arith.constant 0 : i32
    %swap3A_129 = arith.index_cast %swap3A_128 : i32 to index
    %swap3A_130 = arith.constant 96 : index
    %swap3A_131 = tpu.vector_load %arg8[%swap3A_129, %swap3A_130] {strides = array<i32>} : memref<4x128xi32, #tpu.memory_space<vmem>>, vector<16xi32>,
    tpu.vector_store %arg8[%swap3A_129, %swap3A_130], %and3A_127 {strides = array<i32>} : memref<4x128xi32, #tpu.memory_space<vmem>>, vector<16xi32>,
    %get3A_132 = arith.constant 0 : i32
    %get3A_133 = arith.index_cast %get3A_132 : i32 to index
    %get3A_134 = arith.constant 112 : index
    %get3A_135 = tpu.vector_load %arg6[%get3A_133, %get3A_134] {strides = array<i32>} : memref<104x128xi32, #tpu.memory_space<vmem>>, vector<16xi32>,
    %shift_right_logical3A_136 = arith.constant 16 : i32
    %shift_right_logical3A_137 = vector.broadcast %shift_right_logical3A_136 : i32 to vector<16xi32>
    %shift_right_logical3A_138 = arith.shrui %get3A_135, %shift_right_logical3A_137 : vector<16xi32>
    %swap3A_139 = arith.constant 0 : i32
    %swap3A_140 = arith.index_cast %swap3A_139 : i32 to index
    %swap3A_141 = arith.constant 112 : index
    %swap3A_142 = tpu.vector_load %arg7[%swap3A_140, %swap3A_141] {strides = array<i32>} : memref<4x128xi32, #tpu.memory_space<vmem>>, vector<16xi32>,
    tpu.vector_store %arg7[%swap3A_140, %swap3A_141], %shift_right_logical3A_138 {strides = array<i32>} : memref<4x128xi32, #tpu.memory_space<vmem>>, vector<16xi32>,
    %and3A_143 = arith.constant 65535 : i32
    %and3A_144 = vector.broadcast %and3A_143 : i32 to vector<16xi32>
    %and3A_145 = arith.andi %get3A_135, %and3A_144 : vector<16xi32>
    %swap3A_146 = arith.constant 0 : i32
    %swap3A_147 = arith.index_cast %swap3A_146 : i32 to index
    %swap3A_148 = arith.constant 112 : index
    %swap3A_149 = tpu.vector_load %arg8[%swap3A_147, %swap3A_148] {strides = array<i32>} : memref<4x128xi32, #tpu.memory_space<vmem>>, vector<16xi32>,
    tpu.vector_store %arg8[%swap3A_147, %swap3A_148], %and3A_145 {strides = array<i32>} : memref<4x128xi32, #tpu.memory_space<vmem>>, vector<16xi32>,
    %dma_start3A = arith.constant 0 : i32
    %dma_start3A_150 = arith.constant 0 : i32
    %dma_start3A_151 = arith.constant 0 : i32
    %dma_start3A_152 = arith.constant 0 : i32
    %dma_start3A_153 = arith.constant 0 : i32
    %dma_start3A_154 = tpu.memref_slice %arg9[%dma_start3A_150, %dma_start3A_152, %dma_start3A_153] : memref<4x128x32xi32, #tpu.memory_space<vmem>> -> memref<1x128x32xi32, #tpu.memory_space<vmem>>
    %dma_start3A_155 = tpu.memref_squeeze %dma_start3A_154 : memref<1x128x32xi32, #tpu.memory_space<vmem>> -> memref<128x32xi32, #tpu.memory_space<vmem>>
    %dma_start3A_156 = arith.constant 0 : i32
    %dma_start3A_157 = tpu.memref_slice %arg7[%dma_start3A, %dma_start3A_156] : memref<4x128xi32, #tpu.memory_space<vmem>> -> memref<1x128xi32, #tpu.memory_space<vmem>>
    %dma_start3A_158 = tpu.memref_squeeze %dma_start3A_157 : memref<1x128xi32, #tpu.memory_space<vmem>> -> memref<128xi32, #tpu.memory_space<vmem>>
    %dma_start3A_159 = arith.constant 0 : i32
    %dma_start3A_160 = arith.constant 0 : i32
    %dma_start3A_161 = tpu.memref_slice %arg12[%dma_start3A_159, %dma_start3A_160] : memref<1000x32xi32, #tpu.memory_space<vmem_shared>> -> memref<1000x32xi32, #tpu.memory_space<vmem_shared>>
    %dma_start3A_162 = tpu.memref_slice %arg14[%dma_start3A_151] : memref<4x!tpu.dma_semaphore, #tpu.memory_space<semaphore_mem>> -> memref<1x!tpu.dma_semaphore, #tpu.memory_space<semaphore_mem>>
    %dma_start3A_163 = tpu.memref_squeeze %dma_start3A_162 : memref<1x!tpu.dma_semaphore, #tpu.memory_space<semaphore_mem>> -> memref<!tpu.dma_semaphore, #tpu.memory_space<semaphore_mem>>
    tpu.enqueue_indirect_dma source(%dma_start3A_161 : memref<1000x32xi32, #tpu.memory_space<vmem_shared>>) target(%dma_start3A_155 : memref<128x32xi32, #tpu.memory_space<vmem>>) offsets(%dma_start3A_158 : memref<128xi32, #tpu.memory_space<vmem>>) semaphore(%dma_start3A_163 : memref<!tpu.dma_semaphore, #tpu.memory_space<semaphore_mem>>)
    %dma_start3A_164 = arith.constant 0 : i32
    %dma_start3A_165 = arith.constant 0 : i32
    %dma_start3A_166 = arith.constant 0 : i32
    %dma_start3A_167 = arith.constant 0 : i32
    %dma_start3A_168 = arith.constant 0 : i32
    %dma_start3A_169 = tpu.memref_slice %arg10[%dma_start3A_165, %dma_start3A_167, %dma_start3A_168] : memref<4x128x32xi32, #tpu.memory_space<vmem>> -> memref<1x128x32xi32, #tpu.memory_space<vmem>>
    %dma_start3A_170 = tpu.memref_squeeze %dma_start3A_169 : memref<1x128x32xi32, #tpu.memory_space<vmem>> -> memref<128x32xi32, #tpu.memory_space<vmem>>
    %dma_start3A_171 = arith.constant 0 : i32
    %dma_start3A_172 = tpu.memref_slice %arg8[%dma_start3A_164, %dma_start3A_171] : memref<4x128xi32, #tpu.memory_space<vmem>> -> memref<1x128xi32, #tpu.memory_space<vmem>>
    %dma_start3A_173 = tpu.memref_squeeze %dma_start3A_172 : memref<1x128xi32, #tpu.memory_space<vmem>> -> memref<128xi32, #tpu.memory_space<vmem>>
    %dma_start3A_174 = arith.constant 0 : i32
    %dma_start3A_175 = arith.constant 0 : i32
    %dma_start3A_176 = tpu.memref_slice %arg13[%dma_start3A_174, %dma_start3A_175] : memref<1000x32xi32, #tpu.memory_space<vmem_shared>> -> memref<1000x32xi32, #tpu.memory_space<vmem_shared>>
    %dma_start3A_177 = tpu.memref_slice %arg14[%dma_start3A_166] : memref<4x!tpu.dma_semaphore, #tpu.memory_space<semaphore_mem>> -> memref<1x!tpu.dma_semaphore, #tpu.memory_space<semaphore_mem>>
    %dma_start3A_178 = tpu.memref_squeeze %dma_start3A_177 : memref<1x!tpu.dma_semaphore, #tpu.memory_space<semaphore_mem>> -> memref<!tpu.dma_semaphore, #tpu.memory_space<semaphore_mem>>
    tpu.enqueue_indirect_dma source(%dma_start3A_176 : memref<1000x32xi32, #tpu.memory_space<vmem_shared>>) target(%dma_start3A_170 : memref<128x32xi32, #tpu.memory_space<vmem>>) offsets(%dma_start3A_173 : memref<128xi32, #tpu.memory_space<vmem>>) semaphore(%dma_start3A_178 : memref<!tpu.dma_semaphore, #tpu.memory_space<semaphore_mem>>)
    %get3A_179 = arith.constant 1 : i32
    %get3A_180 = arith.index_cast %get3A_179 : i32 to index
    %get3A_181 = arith.constant 0 : index
    %get3A_182 = tpu.vector_load %arg6[%get3A_180, %get3A_181] {strides = array<i32>} : memref<104x128xi32, #tpu.memory_space<vmem>>, vector<16xi32>,
    %shift_right_logical3A_183 = arith.constant 16 : i32
    %shift_right_logical3A_184 = vector.broadcast %shift_right_logical3A_183 : i32 to vector<16xi32>
    %shift_right_logical3A_185 = arith.shrui %get3A_182, %shift_right_logical3A_184 : vector<16xi32>
    %swap3A_186 = arith.constant 1 : i32
    %swap3A_187 = arith.index_cast %swap3A_186 : i32 to index
    %swap3A_188 = arith.constant 0 : index
    %swap3A_189 = tpu.vector_load %arg7[%swap3A_187, %swap3A_188] {strides = array<i32>} : memref<4x128xi32, #tpu.memory_space<vmem>>, vector<16xi32>,
    tpu.vector_store %arg7[%swap3A_187, %swap3A_188], %shift_right_logical3A_185 {strides = array<i32>} : memref<4x128xi32, #tpu.memory_space<vmem>>, vector<16xi32>,
    %and3A_190 = arith.constant 65535 : i32
    %and3A_191 = vector.broadcast %and3A_190 : i32 to vector<16xi32>
    %and3A_192 = arith.andi %get3A_182, %and3A_191 : vector<16xi32>
    %swap3A_193 = arith.constant 1 : i32
    %swap3A_194 = arith.index_cast %swap3A_193 : i32 to index
    %swap3A_195 = arith.constant 0 : index
    %swap3A_196 = tpu.vector_load %arg8[%swap3A_194, %swap3A_195] {strides = array<i32>} : memref<4x128xi32, #tpu.memory_space<vmem>>, vector<16xi32>,
    tpu.vector_store %arg8[%swap3A_194, %swap3A_195], %and3A_192 {strides = array<i32>} : memref<4x128xi32, #tpu.memory_space<vmem>>, vector<16xi32>,
    %get3A_197 = arith.constant 1 : i32
    %get3A_198 = arith.index_cast %get3A_197 : i32 to index
    %get3A_199 = arith.constant 16 : index
    %get3A_200 = tpu.vector_load %arg6[%get3A_198, %get3A_199] {strides = array<i32>} : memref<104x128xi32, #tpu.memory_space<vmem>>, vector<16xi32>,
    %shift_right_logical3A_201 = arith.constant 16 : i32
    %shift_right_logical3A_202 = vector.broadcast %shift_right_logical3A_201 : i32 to vector<16xi32>
    %shift_right_logical3A_203 = arith.shrui %get3A_200, %shift_right_logical3A_202 : vector<16xi32>
    %swap3A_204 = arith.constant 1 : i32
    %swap3A_205 = arith.index_cast %swap3A_204 : i32 to index
    %swap3A_206 = arith.constant 16 : index
    %swap3A_207 = tpu.vector_load %arg7[%swap3A_205, %swap3A_206] {strides = array<i32>} : memref<4x128xi32, #tpu.memory_space<vmem>>, vector<16xi32>,
    tpu.vector_store %arg7[%swap3A_205, %swap3A_206], %shift_right_logical3A_203 {strides = array<i32>} : memref<4x128xi32, #tpu.memory_space<vmem>>, vector<16xi32>,
    %and3A_208 = arith.constant 65535 : i32
    %and3A_209 = vector.broadcast %and3A_208 : i32 to vector<16xi32>
    %and3A_210 = arith.andi %get3A_200, %and3A_209 : vector<16xi32>
    %swap3A_211 = arith.constant 1 : i32
    %swap3A_212 = arith.index_cast %swap3A_211 : i32 to index
    %swap3A_213 = arith.constant 16 : index
    %swap3A_214 = tpu.vector_load %arg8[%swap3A_212, %swap3A_213] {strides = array<i32>} : memref<4x128xi32, #tpu.memory_space<vmem>>, vector<16xi32>,
    tpu.vector_store %arg8[%swap3A_212, %swap3A_213], %and3A_210 {strides = array<i32>} : memref<4x128xi32, #tpu.memory_space<vmem>>, vector<16xi32>,
    %get3A_215 = arith.constant 1 : i32
    %get3A_216 = arith.index_cast %get3A_215 : i32 to index
    %get3A_217 = arith.constant 32 : index
    %get3A_218 = tpu.vector_load %arg6[%get3A_216, %get3A_217] {strides = array<i32>} : memref<104x128xi32, #tpu.memory_space<vmem>>, vector<16xi32>,
    %shift_right_logical3A_219 = arith.constant 16 : i32
    %shift_right_logical3A_220 = vector.broadcast %shift_right_logical3A_219 : i32 to vector<16xi32>
    %shift_right_logical3A_221 = arith.shrui %get3A_218, %shift_right_logical3A_220 : vector<16xi32>
    %swap3A_222 = arith.constant 1 : i32
    %swap3A_223 = arith.index_cast %swap3A_222 : i32 to index
    %swap3A_224 = arith.constant 32 : index
    %swap3A_225 = tpu.vector_load %arg7[%swap3A_223, %swap3A_224] {strides = array<i32>} : memref<4x128xi32, #tpu.memory_space<vmem>>, vector<16xi32>,
    tpu.vector_store %arg7[%swap3A_223, %swap3A_224], %shift_right_logical3A_221 {strides = array<i32>} : memref<4x128xi32, #tpu.memory_space<vmem>>, vector<16xi32>,
    %and3A_226 = arith.constant 65535 : i32
    %and3A_227 = vector.broadcast %and3A_226 : i32 to vector<16xi32>
    %and3A_228 = arith.andi %get3A_218, %and3A_227 : vector<16xi32>
    %swap3A_229 = arith.constant 1 : i32
    %swap3A_230 = arith.index_cast %swap3A_229 : i32 to index
    %swap3A_231 = arith.constant 32 : index
    %swap3A_232 = tpu.vector_load %arg8[%swap3A_230, %swap3A_231] {strides = array<i32>} : memref<4x128xi32, #tpu.memory_space<vmem>>, vector<16xi32>,
    tpu.vector_store %arg8[%swap3A_230, %swap3A_231], %and3A_228 {strides = array<i32>} : memref<4x128xi32, #tpu.memory_space<vmem>>, vector<16xi32>,
    %get3A_233 = arith.constant 1 : i32
    %get3A_234 = arith.index_cast %get3A_233 : i32 to index
    %get3A_235 = arith.constant 48 : index
    %get3A_236 = tpu.vector_load %arg6[%get3A_234, %get3A_235] {strides = array<i32>} : memref<104x128xi32, #tpu.memory_space<vmem>>, vector<16xi32>,
    %shift_right_logical3A_237 = arith.constant 16 : i32
    %shift_right_logical3A_238 = vector.broadcast %shift_right_logical3A_237 : i32 to vector<16xi32>
    %shift_right_logical3A_239 = arith.shrui %get3A_236, %shift_right_logical3A_238 : vector<16xi32>
    %swap3A_240 = arith.constant 1 : i32
    %swap3A_241 = arith.index_cast %swap3A_240 : i32 to index
    %swap3A_242 = arith.constant 48 : index
    %swap3A_243 = tpu.vector_load %arg7[%swap3A_241, %swap3A_242] {strides = array<i32>} : memref<4x128xi32, #tpu.memory_space<vmem>>, vector<16xi32>,
    tpu.vector_store %arg7[%swap3A_241, %swap3A_242], %shift_right_logical3A_239 {strides = array<i32>} : memref<4x128xi32, #tpu.memory_space<vmem>>, vector<16xi32>,
    %and3A_244 = arith.constant 65535 : i32
    %and3A_245 = vector.broadcast %and3A_244 : i32 to vector<16xi32>
    %and3A_246 = arith.andi %get3A_236, %and3A_245 : vector<16xi32>
    %swap3A_247 = arith.constant 1 : i32
    %swap3A_248 = arith.index_cast %swap3A_247 : i32 to index
    %swap3A_249 = arith.constant 48 : index
    %swap3A_250 = tpu.vector_load %arg8[%swap3A_248, %swap3A_249] {strides = array<i32>} : memref<4x128xi32, #tpu.memory_space<vmem>>, vector<16xi32>,
    tpu.vector_store %arg8[%swap3A_248, %swap3A_249], %and3A_246 {strides = array<i32>} : memref<4x128xi32, #tpu.memory_space<vmem>>, vector<16xi32>,
    %get3A_251 = arith.constant 1 : i32
    %get3A_252 = arith.index_cast %get3A_251 : i32 to index
    %get3A_253 = arith.constant 64 : index
    %get3A_254 = tpu.vector_load %arg6[%get3A_252, %get3A_253] {strides = array<i32>} : memref<104x128xi32, #tpu.memory_space<vmem>>, vector<16xi32>,
    %shift_right_logical3A_255 = arith.constant 16 : i32
    %shift_right_logical3A_256 = vector.broadcast %shift_right_logical3A_255 : i32 to vector<16xi32>
    %shift_right_logical3A_257 = arith.shrui %get3A_254, %shift_right_logical3A_256 : vector<16xi32>
    %swap3A_258 = arith.constant 1 : i32
    %swap3A_259 = arith.index_cast %swap3A_258 : i32 to index
    %swap3A_260 = arith.constant 64 : index
    %swap3A_261 = tpu.vector_load %arg7[%swap3A_259, %swap3A_260] {strides = array<i32>} : memref<4x128xi32, #tpu.memory_space<vmem>>, vector<16xi32>,
    tpu.vector_store %arg7[%swap3A_259, %swap3A_260], %shift_right_logical3A_257 {strides = array<i32>} : memref<4x128xi32, #tpu.memory_space<vmem>>, vector<16xi32>,
    %and3A_262 = arith.constant 65535 : i32
    %and3A_263 = vector.broadcast %and3A_262 : i32 to vector<16xi32>
    %and3A_264 = arith.andi %get3A_254, %and3A_263 : vector<16xi32>
    %swap3A_265 = arith.constant 1 : i32
    %swap3A_266 = arith.index_cast %swap3A_265 : i32 to index
    %swap3A_267 = arith.constant 64 : index
    %swap3A_268 = tpu.vector_load %arg8[%swap3A_266, %swap3A_267] {strides = array<i32>} : memref<4x128xi32, #tpu.memory_space<vmem>>, vector<16xi32>,
    tpu.vector_store %arg8[%swap3A_266, %swap3A_267], %and3A_264 {strides = array<i32>} : memref<4x128xi32, #tpu.memory_space<vmem>>, vector<16xi32>,
    %get3A_269 = arith.constant 1 : i32
    %get3A_270 = arith.index_cast %get3A_269 : i32 to index
    %get3A_271 = arith.constant 80 : index
    %get3A_272 = tpu.vector_load %arg6[%get3A_270, %get3A_271] {strides = array<i32>} : memref<104x128xi32, #tpu.memory_space<vmem>>, vector<16xi32>,
    %shift_right_logical3A_273 = arith.constant 16 : i32
    %shift_right_logical3A_274 = vector.broadcast %shift_right_logical3A_273 : i32 to vector<16xi32>
    %shift_right_logical3A_275 = arith.shrui %get3A_272, %shift_right_logical3A_274 : vector<16xi32>
    %swap3A_276 = arith.constant 1 : i32
    %swap3A_277 = arith.index_cast %swap3A_276 : i32 to index
    %swap3A_278 = arith.constant 80 : index
    %swap3A_279 = tpu.vector_load %arg7[%swap3A_277, %swap3A_278] {strides = array<i32>} : memref<4x128xi32, #tpu.memory_space<vmem>>, vector<16xi32>,
    tpu.vector_store %arg7[%swap3A_277, %swap3A_278], %shift_right_logical3A_275 {strides = array<i32>} : memref<4x128xi32, #tpu.memory_space<vmem>>, vector<16xi32>,
    %and3A_280 = arith.constant 65535 : i32
    %and3A_281 = vector.broadcast %and3A_280 : i32 to vector<16xi32>
    %and3A_282 = arith.andi %get3A_272, %and3A_281 : vector<16xi32>
    %swap3A_283 = arith.constant 1 : i32
    %swap3A_284 = arith.index_cast %swap3A_283 : i32 to index
    %swap3A_285 = arith.constant 80 : index
    %swap3A_286 = tpu.vector_load %arg8[%swap3A_284, %swap3A_285] {strides = array<i32>} : memref<4x128xi32, #tpu.memory_space<vmem>>, vector<16xi32>,
    tpu.vector_store %arg8[%swap3A_284, %swap3A_285], %and3A_282 {strides = array<i32>} : memref<4x128xi32, #tpu.memory_space<vmem>>, vector<16xi32>,
    %get3A_287 = arith.constant 1 : i32
    %get3A_288 = arith.index_cast %get3A_287 : i32 to index
    %get3A_289 = arith.constant 96 : index
    %get3A_290 = tpu.vector_load %arg6[%get3A_288, %get3A_289] {strides = array<i32>} : memref<104x128xi32, #tpu.memory_space<vmem>>, vector<16xi32>,
    %shift_right_logical3A_291 = arith.constant 16 : i32
    %shift_right_logical3A_292 = vector.broadcast %shift_right_logical3A_291 : i32 to vector<16xi32>
    %shift_right_logical3A_293 = arith.shrui %get3A_290, %shift_right_logical3A_292 : vector<16xi32>
    %swap3A_294 = arith.constant 1 : i32
    %swap3A_295 = arith.index_cast %swap3A_294 : i32 to index
    %swap3A_296 = arith.constant 96 : index
    %swap3A_297 = tpu.vector_load %arg7[%swap3A_295, %swap3A_296] {strides = array<i32>} : memref<4x128xi32, #tpu.memory_space<vmem>>, vector<16xi32>,
    tpu.vector_store %arg7[%swap3A_295, %swap3A_296], %shift_right_logical3A_293 {strides = array<i32>} : memref<4x128xi32, #tpu.memory_space<vmem>>, vector<16xi32>,
    %and3A_298 = arith.constant 65535 : i32
    %and3A_299 = vector.broadcast %and3A_298 : i32 to vector<16xi32>
    %and3A_300 = arith.andi %get3A_290, %and3A_299 : vector<16xi32>
    %swap3A_301 = arith.constant 1 : i32
    %swap3A_302 = arith.index_cast %swap3A_301 : i32 to index
    %swap3A_303 = arith.constant 96 : index
    %swap3A_304 = tpu.vector_load %arg8[%swap3A_302, %swap3A_303] {strides = array<i32>} : memref<4x128xi32, #tpu.memory_space<vmem>>, vector<16xi32>,
    tpu.vector_store %arg8[%swap3A_302, %swap3A_303], %and3A_300 {strides = array<i32>} : memref<4x128xi32, #tpu.memory_space<vmem>>, vector<16xi32>,
    %get3A_305 = arith.constant 1 : i32
    %get3A_306 = arith.index_cast %get3A_305 : i32 to index
    %get3A_307 = arith.constant 112 : index
    %get3A_308 = tpu.vector_load %arg6[%get3A_306, %get3A_307] {strides = array<i32>} : memref<104x128xi32, #tpu.memory_space<vmem>>, vector<16xi32>,
    %shift_right_logical3A_309 = arith.constant 16 : i32
    %shift_right_logical3A_310 = vector.broadcast %shift_right_logical3A_309 : i32 to vector<16xi32>
    %shift_right_logical3A_311 = arith.shrui %get3A_308, %shift_right_logical3A_310 : vector<16xi32>
    %swap3A_312 = arith.constant 1 : i32
    %swap3A_313 = arith.index_cast %swap3A_312 : i32 to index
    %swap3A_314 = arith.constant 112 : index
    %swap3A_315 = tpu.vector_load %arg7[%swap3A_313, %swap3A_314] {strides = array<i32>} : memref<4x128xi32, #tpu.memory_space<vmem>>, vector<16xi32>,
    tpu.vector_store %arg7[%swap3A_313, %swap3A_314], %shift_right_logical3A_311 {strides = array<i32>} : memref<4x128xi32, #tpu.memory_space<vmem>>, vector<16xi32>,
    %and3A_316 = arith.constant 65535 : i32
    %and3A_317 = vector.broadcast %and3A_316 : i32 to vector<16xi32>
    %and3A_318 = arith.andi %get3A_308, %and3A_317 : vector<16xi32>
    %swap3A_319 = arith.constant 1 : i32
    %swap3A_320 = arith.index_cast %swap3A_319 : i32 to index
    %swap3A_321 = arith.constant 112 : index
    %swap3A_322 = tpu.vector_load %arg8[%swap3A_320, %swap3A_321] {strides = array<i32>} : memref<4x128xi32, #tpu.memory_space<vmem>>, vector<16xi32>,
    tpu.vector_store %arg8[%swap3A_320, %swap3A_321], %and3A_318 {strides = array<i32>} : memref<4x128xi32, #tpu.memory_space<vmem>>, vector<16xi32>,
    %dma_start3A_323 = arith.constant 1 : i32
    %dma_start3A_324 = arith.constant 1 : i32
    %dma_start3A_325 = arith.constant 1 : i32
    %dma_start3A_326 = arith.constant 0 : i32
    %dma_start3A_327 = arith.constant 0 : i32
    %dma_start3A_328 = tpu.memref_slice %arg9[%dma_start3A_324, %dma_start3A_326, %dma_start3A_327] : memref<4x128x32xi32, #tpu.memory_space<vmem>> -> memref<1x128x32xi32, #tpu.memory_space<vmem>>
    %dma_start3A_329 = tpu.memref_squeeze %dma_start3A_328 : memref<1x128x32xi32, #tpu.memory_space<vmem>> -> memref<128x32xi32, #tpu.memory_space<vmem>>
    %dma_start3A_330 = arith.constant 0 : i32
    %dma_start3A_331 = tpu.memref_slice %arg7[%dma_start3A_323, %dma_start3A_330] : memref<4x128xi32, #tpu.memory_space<vmem>> -> memref<1x128xi32, #tpu.memory_space<vmem>>
    %dma_start3A_332 = tpu.memref_squeeze %dma_start3A_331 : memref<1x128xi32, #tpu.memory_space<vmem>> -> memref<128xi32, #tpu.memory_space<vmem>>
    %dma_start3A_333 = arith.constant 0 : i32
    %dma_start3A_334 = arith.constant 0 : i32
    %dma_start3A_335 = tpu.memref_slice %arg12[%dma_start3A_333, %dma_start3A_334] : memref<1000x32xi32, #tpu.memory_space<vmem_shared>> -> memref<1000x32xi32, #tpu.memory_space<vmem_shared>>
    %dma_start3A_336 = tpu.memref_slice %arg14[%dma_start3A_325] : memref<4x!tpu.dma_semaphore, #tpu.memory_space<semaphore_mem>> -> memref<1x!tpu.dma_semaphore, #tpu.memory_space<semaphore_mem>>
    %dma_start3A_337 = tpu.memref_squeeze %dma_start3A_336 : memref<1x!tpu.dma_semaphore, #tpu.memory_space<semaphore_mem>> -> memref<!tpu.dma_semaphore, #tpu.memory_space<semaphore_mem>>
    tpu.enqueue_indirect_dma source(%dma_start3A_335 : memref<1000x32xi32, #tpu.memory_space<vmem_shared>>) target(%dma_start3A_329 : memref<128x32xi32, #tpu.memory_space<vmem>>) offsets(%dma_start3A_332 : memref<128xi32, #tpu.memory_space<vmem>>) semaphore(%dma_start3A_337 : memref<!tpu.dma_semaphore, #tpu.memory_space<semaphore_mem>>)
    %dma_start3A_338 = arith.constant 1 : i32
    %dma_start3A_339 = arith.constant 1 : i32
    %dma_start3A_340 = arith.constant 1 : i32
    %dma_start3A_341 = arith.constant 0 : i32
    %dma_start3A_342 = arith.constant 0 : i32
    %dma_start3A_343 = tpu.memref_slice %arg10[%dma_start3A_339, %dma_start3A_341, %dma_start3A_342] : memref<4x128x32xi32, #tpu.memory_space<vmem>> -> memref<1x128x32xi32, #tpu.memory_space<vmem>>
    %dma_start3A_344 = tpu.memref_squeeze %dma_start3A_343 : memref<1x128x32xi32, #tpu.memory_space<vmem>> -> memref<128x32xi32, #tpu.memory_space<vmem>>
    %dma_start3A_345 = arith.constant 0 : i32
    %dma_start3A_346 = tpu.memref_slice %arg8[%dma_start3A_338, %dma_start3A_345] : memref<4x128xi32, #tpu.memory_space<vmem>> -> memref<1x128xi32, #tpu.memory_space<vmem>>
    %dma_start3A_347 = tpu.memref_squeeze %dma_start3A_346 : memref<1x128xi32, #tpu.memory_space<vmem>> -> memref<128xi32, #tpu.memory_space<vmem>>
    %dma_start3A_348 = arith.constant 0 : i32
    %dma_start3A_349 = arith.constant 0 : i32
    %dma_start3A_350 = tpu.memref_slice %arg13[%dma_start3A_348, %dma_start3A_349] : memref<1000x32xi32, #tpu.memory_space<vmem_shared>> -> memref<1000x32xi32, #tpu.memory_space<vmem_shared>>
    %dma_start3A_351 = tpu.memref_slice %arg14[%dma_start3A_340] : memref<4x!tpu.dma_semaphore, #tpu.memory_space<semaphore_mem>> -> memref<1x!tpu.dma_semaphore, #tpu.memory_space<semaphore_mem>>
    %dma_start3A_352 = tpu.memref_squeeze %dma_start3A_351 : memref<1x!tpu.dma_semaphore, #tpu.memory_space<semaphore_mem>> -> memref<!tpu.dma_semaphore, #tpu.memory_space<semaphore_mem>>
    tpu.enqueue_indirect_dma source(%dma_start3A_350 : memref<1000x32xi32, #tpu.memory_space<vmem_shared>>) target(%dma_start3A_344 : memref<128x32xi32, #tpu.memory_space<vmem>>) offsets(%dma_start3A_347 : memref<128xi32, #tpu.memory_space<vmem>>) semaphore(%dma_start3A_352 : memref<!tpu.dma_semaphore, #tpu.memory_space<semaphore_mem>>)
    %get3A_353 = arith.constant 2 : i32
    %get3A_354 = arith.index_cast %get3A_353 : i32 to index
    %get3A_355 = arith.constant 0 : index
    %get3A_356 = tpu.vector_load %arg6[%get3A_354, %get3A_355] {strides = array<i32>} : memref<104x128xi32, #tpu.memory_space<vmem>>, vector<16xi32>,
    %shift_right_logical3A_357 = arith.constant 16 : i32
    %shift_right_logical3A_358 = vector.broadcast %shift_right_logical3A_357 : i32 to vector<16xi32>
    %shift_right_logical3A_359 = arith.shrui %get3A_356, %shift_right_logical3A_358 : vector<16xi32>
    %swap3A_360 = arith.constant 2 : i32
    %swap3A_361 = arith.index_cast %swap3A_360 : i32 to index
    %swap3A_362 = arith.constant 0 : index
    %swap3A_363 = tpu.vector_load %arg7[%swap3A_361, %swap3A_362] {strides = array<i32>} : memref<4x128xi32, #tpu.memory_space<vmem>>, vector<16xi32>,
    tpu.vector_store %arg7[%swap3A_361, %swap3A_362], %shift_right_logical3A_359 {strides = array<i32>} : memref<4x128xi32, #tpu.memory_space<vmem>>, vector<16xi32>,
    %and3A_364 = arith.constant 65535 : i32
    %and3A_365 = vector.broadcast %and3A_364 : i32 to vector<16xi32>
    %and3A_366 = arith.andi %get3A_356, %and3A_365 : vector<16xi32>
    %swap3A_367 = arith.constant 2 : i32
    %swap3A_368 = arith.index_cast %swap3A_367 : i32 to index
    %swap3A_369 = arith.constant 0 : index
    %swap3A_370 = tpu.vector_load %arg8[%swap3A_368, %swap3A_369] {strides = array<i32>} : memref<4x128xi32, #tpu.memory_space<vmem>>, vector<16xi32>,
    tpu.vector_store %arg8[%swap3A_368, %swap3A_369], %and3A_366 {strides = array<i32>} : memref<4x128xi32, #tpu.memory_space<vmem>>, vector<16xi32>,
    %get3A_371 = arith.constant 2 : i32
    %get3A_372 = arith.index_cast %get3A_371 : i32 to index
    %get3A_373 = arith.constant 16 : index
    %get3A_374 = tpu.vector_load %arg6[%get3A_372, %get3A_373] {strides = array<i32>} : memref<104x128xi32, #tpu.memory_space<vmem>>, vector<16xi32>,
    %shift_right_logical3A_375 = arith.constant 16 : i32
    %shift_right_logical3A_376 = vector.broadcast %shift_right_logical3A_375 : i32 to vector<16xi32>
    %shift_right_logical3A_377 = arith.shrui %get3A_374, %shift_right_logical3A_376 : vector<16xi32>
    %swap3A_378 = arith.constant 2 : i32
    %swap3A_379 = arith.index_cast %swap3A_378 : i32 to index
    %swap3A_380 = arith.constant 16 : index
    %swap3A_381 = tpu.vector_load %arg7[%swap3A_379, %swap3A_380] {strides = array<i32>} : memref<4x128xi32, #tpu.memory_space<vmem>>, vector<16xi32>,
    tpu.vector_store %arg7[%swap3A_379, %swap3A_380], %shift_right_logical3A_377 {strides = array<i32>} : memref<4x128xi32, #tpu.memory_space<vmem>>, vector<16xi32>,
    %and3A_382 = arith.constant 65535 : i32
    %and3A_383 = vector.broadcast %and3A_382 : i32 to vector<16xi32>
    %and3A_384 = arith.andi %get3A_374, %and3A_383 : vector<16xi32>
    %swap3A_385 = arith.constant 2 : i32
    %swap3A_386 = arith.index_cast %swap3A_385 : i32 to index
    %swap3A_387 = arith.constant 16 : index
    %swap3A_388 = tpu.vector_load %arg8[%swap3A_386, %swap3A_387] {strides = array<i32>} : memref<4x128xi32, #tpu.memory_space<vmem>>, vector<16xi32>,
    tpu.vector_store %arg8[%swap3A_386, %swap3A_387], %and3A_384 {strides = array<i32>} : memref<4x128xi32, #tpu.memory_space<vmem>>, vector<16xi32>,
    %get3A_389 = arith.constant 2 : i32
    %get3A_390 = arith.index_cast %get3A_389 : i32 to index
    %get3A_391 = arith.constant 32 : index
    %get3A_392 = tpu.vector_load %arg6[%get3A_390, %get3A_391] {strides = array<i32>} : memref<104x128xi32, #tpu.memory_space<vmem>>, vector<16xi32>,
    %shift_right_logical3A_393 = arith.constant 16 : i32
    %shift_right_logical3A_394 = vector.broadcast %shift_right_logical3A_393 : i32 to vector<16xi32>
    %shift_right_logical3A_395 = arith.shrui %get3A_392, %shift_right_logical3A_394 : vector<16xi32>
    %swap3A_396 = arith.constant 2 : i32
    %swap3A_397 = arith.index_cast %swap3A_396 : i32 to index
    %swap3A_398 = arith.constant 32 : index
    %swap3A_399 = tpu.vector_load %arg7[%swap3A_397, %swap3A_398] {strides = array<i32>} : memref<4x128xi32, #tpu.memory_space<vmem>>, vector<16xi32>,
    tpu.vector_store %arg7[%swap3A_397, %swap3A_398], %shift_right_logical3A_395 {strides = array<i32>} : memref<4x128xi32, #tpu.memory_space<vmem>>, vector<16xi32>,
    %and3A_400 = arith.constant 65535 : i32
    %and3A_401 = vector.broadcast %and3A_400 : i32 to vector<16xi32>
    %and3A_402 = arith.andi %get3A_392, %and3A_401 : vector<16xi32>
    %swap3A_403 = arith.constant 2 : i32
    %swap3A_404 = arith.index_cast %swap3A_403 : i32 to index
    %swap3A_405 = arith.constant 32 : index
    %swap3A_406 = tpu.vector_load %arg8[%swap3A_404, %swap3A_405] {strides = array<i32>} : memref<4x128xi32, #tpu.memory_space<vmem>>, vector<16xi32>,
    tpu.vector_store %arg8[%swap3A_404, %swap3A_405], %and3A_402 {strides = array<i32>} : memref<4x128xi32, #tpu.memory_space<vmem>>, vector<16xi32>,
    %get3A_407 = arith.constant 2 : i32
    %get3A_408 = arith.index_cast %get3A_407 : i32 to index
    %get3A_409 = arith.constant 48 : index
    %get3A_410 = tpu.vector_load %arg6[%get3A_408, %get3A_409] {strides = array<i32>} : memref<104x128xi32, #tpu.memory_space<vmem>>, vector<16xi32>,
    %shift_right_logical3A_411 = arith.constant 16 : i32
    %shift_right_logical3A_412 = vector.broadcast %shift_right_logical3A_411 : i32 to vector<16xi32>
    %shift_right_logical3A_413 = arith.shrui %get3A_410, %shift_right_logical3A_412 : vector<16xi32>
    %swap3A_414 = arith.constant 2 : i32
    %swap3A_415 = arith.index_cast %swap3A_414 : i32 to index
    %swap3A_416 = arith.constant 48 : index
    %swap3A_417 = tpu.vector_load %arg7[%swap3A_415, %swap3A_416] {strides = array<i32>} : memref<4x128xi32, #tpu.memory_space<vmem>>, vector<16xi32>,
    tpu.vector_store %arg7[%swap3A_415, %swap3A_416], %shift_right_logical3A_413 {strides = array<i32>} : memref<4x128xi32, #tpu.memory_space<vmem>>, vector<16xi32>,
    %and3A_418 = arith.constant 65535 : i32
    %and3A_419 = vector.broadcast %and3A_418 : i32 to vector<16xi32>
    %and3A_420 = arith.andi %get3A_410, %and3A_419 : vector<16xi32>
    %swap3A_421 = arith.constant 2 : i32
    %swap3A_422 = arith.index_cast %swap3A_421 : i32 to index
    %swap3A_423 = arith.constant 48 : index
    %swap3A_424 = tpu.vector_load %arg8[%swap3A_422, %swap3A_423] {strides = array<i32>} : memref<4x128xi32, #tpu.memory_space<vmem>>, vector<16xi32>,
    tpu.vector_store %arg8[%swap3A_422, %swap3A_423], %and3A_420 {strides = array<i32>} : memref<4x128xi32, #tpu.memory_space<vmem>>, vector<16xi32>,
    %get3A_425 = arith.constant 2 : i32
    %get3A_426 = arith.index_cast %get3A_425 : i32 to index
    %get3A_427 = arith.constant 64 : index
    %get3A_428 = tpu.vector_load %arg6[%get3A_426, %get3A_427] {strides = array<i32>} : memref<104x128xi32, #tpu.memory_space<vmem>>, vector<16xi32>,
    %shift_right_logical3A_429 = arith.constant 16 : i32
    %shift_right_logical3A_430 = vector.broadcast %shift_right_logical3A_429 : i32 to vector<16xi32>
    %shift_right_logical3A_431 = arith.shrui %get3A_428, %shift_right_logical3A_430 : vector<16xi32>
    %swap3A_432 = arith.constant 2 : i32
    %swap3A_433 = arith.index_cast %swap3A_432 : i32 to index
    %swap3A_434 = arith.constant 64 : index
    %swap3A_435 = tpu.vector_load %arg7[%swap3A_433, %swap3A_434] {strides = array<i32>} : memref<4x128xi32, #tpu.memory_space<vmem>>, vector<16xi32>,
    tpu.vector_store %arg7[%swap3A_433, %swap3A_434], %shift_right_logical3A_431 {strides = array<i32>} : memref<4x128xi32, #tpu.memory_space<vmem>>, vector<16xi32>,
    %and3A_436 = arith.constant 65535 : i32
    %and3A_437 = vector.broadcast %and3A_436 : i32 to vector<16xi32>
    %and3A_438 = arith.andi %get3A_428, %and3A_437 : vector<16xi32>
    %swap3A_439 = arith.constant 2 : i32
    %swap3A_440 = arith.index_cast %swap3A_439 : i32 to index
    %swap3A_441 = arith.constant 64 : index
    %swap3A_442 = tpu.vector_load %arg8[%swap3A_440, %swap3A_441] {strides = array<i32>} : memref<4x128xi32, #tpu.memory_space<vmem>>, vector<16xi32>,
    tpu.vector_store %arg8[%swap3A_440, %swap3A_441], %and3A_438 {strides = array<i32>} : memref<4x128xi32, #tpu.memory_space<vmem>>, vector<16xi32>,
    %get3A_443 = arith.constant 2 : i32
    %get3A_444 = arith.index_cast %get3A_443 : i32 to index
    %get3A_445 = arith.constant 80 : index
    %get3A_446 = tpu.vector_load %arg6[%get3A_444, %get3A_445] {strides = array<i32>} : memref<104x128xi32, #tpu.memory_space<vmem>>, vector<16xi32>,
    %shift_right_logical3A_447 = arith.constant 16 : i32
    %shift_right_logical3A_448 = vector.broadcast %shift_right_logical3A_447 : i32 to vector<16xi32>
    %shift_right_logical3A_449 = arith.shrui %get3A_446, %shift_right_logical3A_448 : vector<16xi32>
    %swap3A_450 = arith.constant 2 : i32
    %swap3A_451 = arith.index_cast %swap3A_450 : i32 to index
    %swap3A_452 = arith.constant 80 : index
    %swap3A_453 = tpu.vector_load %arg7[%swap3A_451, %swap3A_452] {strides = array<i32>} : memref<4x128xi32, #tpu.memory_space<vmem>>, vector<16xi32>,
    tpu.vector_store %arg7[%swap3A_451, %swap3A_452], %shift_right_logical3A_449 {strides = array<i32>} : memref<4x128xi32, #tpu.memory_space<vmem>>, vector<16xi32>,
    %and3A_454 = arith.constant 65535 : i32
    %and3A_455 = vector.broadcast %and3A_454 : i32 to vector<16xi32>
    %and3A_456 = arith.andi %get3A_446, %and3A_455 : vector<16xi32>
    %swap3A_457 = arith.constant 2 : i32
    %swap3A_458 = arith.index_cast %swap3A_457 : i32 to index
    %swap3A_459 = arith.constant 80 : index
    %swap3A_460 = tpu.vector_load %arg8[%swap3A_458, %swap3A_459] {strides = array<i32>} : memref<4x128xi32, #tpu.memory_space<vmem>>, vector<16xi32>,
    tpu.vector_store %arg8[%swap3A_458, %swap3A_459], %and3A_456 {strides = array<i32>} : memref<4x128xi32, #tpu.memory_space<vmem>>, vector<16xi32>,
    %get3A_461 = arith.constant 2 : i32
    %get3A_462 = arith.index_cast %get3A_461 : i32 to index
    %get3A_463 = arith.constant 96 : index
    %get3A_464 = tpu.vector_load %arg6[%get3A_462, %get3A_463] {strides = array<i32>} : memref<104x128xi32, #tpu.memory_space<vmem>>, vector<16xi32>,
    %shift_right_logical3A_465 = arith.constant 16 : i32
    %shift_right_logical3A_466 = vector.broadcast %shift_right_logical3A_465 : i32 to vector<16xi32>
    %shift_right_logical3A_467 = arith.shrui %get3A_464, %shift_right_logical3A_466 : vector<16xi32>
    %swap3A_468 = arith.constant 2 : i32
    %swap3A_469 = arith.index_cast %swap3A_468 : i32 to index
    %swap3A_470 = arith.constant 96 : index
    %swap3A_471 = tpu.vector_load %arg7[%swap3A_469, %swap3A_470] {strides = array<i32>} : memref<4x128xi32, #tpu.memory_space<vmem>>, vector<16xi32>,
    tpu.vector_store %arg7[%swap3A_469, %swap3A_470], %shift_right_logical3A_467 {strides = array<i32>} : memref<4x128xi32, #tpu.memory_space<vmem>>, vector<16xi32>,
    %and3A_472 = arith.constant 65535 : i32
    %and3A_473 = vector.broadcast %and3A_472 : i32 to vector<16xi32>
    %and3A_474 = arith.andi %get3A_464, %and3A_473 : vector<16xi32>
    %swap3A_475 = arith.constant 2 : i32
    %swap3A_476 = arith.index_cast %swap3A_475 : i32 to index
    %swap3A_477 = arith.constant 96 : index
    %swap3A_478 = tpu.vector_load %arg8[%swap3A_476, %swap3A_477] {strides = array<i32>} : memref<4x128xi32, #tpu.memory_space<vmem>>, vector<16xi32>,
    tpu.vector_store %arg8[%swap3A_476, %swap3A_477], %and3A_474 {strides = array<i32>} : memref<4x128xi32, #tpu.memory_space<vmem>>, vector<16xi32>,
    %get3A_479 = arith.constant 2 : i32
    %get3A_480 = arith.index_cast %get3A_479 : i32 to index
    %get3A_481 = arith.constant 112 : index
    %get3A_482 = tpu.vector_load %arg6[%get3A_480, %get3A_481] {strides = array<i32>} : memref<104x128xi32, #tpu.memory_space<vmem>>, vector<16xi32>,
    %shift_right_logical3A_483 = arith.constant 16 : i32
    %shift_right_logical3A_484 = vector.broadcast %shift_right_logical3A_483 : i32 to vector<16xi32>
    %shift_right_logical3A_485 = arith.shrui %get3A_482, %shift_right_logical3A_484 : vector<16xi32>
    %swap3A_486 = arith.constant 2 : i32
    %swap3A_487 = arith.index_cast %swap3A_486 : i32 to index
    %swap3A_488 = arith.constant 112 : index
    %swap3A_489 = tpu.vector_load %arg7[%swap3A_487, %swap3A_488] {strides = array<i32>} : memref<4x128xi32, #tpu.memory_space<vmem>>, vector<16xi32>,
    tpu.vector_store %arg7[%swap3A_487, %swap3A_488], %shift_right_logical3A_485 {strides = array<i32>} : memref<4x128xi32, #tpu.memory_space<vmem>>, vector<16xi32>,
    %and3A_490 = arith.constant 65535 : i32
    %and3A_491 = vector.broadcast %and3A_490 : i32 to vector<16xi32>
    %and3A_492 = arith.andi %get3A_482, %and3A_491 : vector<16xi32>
    %swap3A_493 = arith.constant 2 : i32
    %swap3A_494 = arith.index_cast %swap3A_493 : i32 to index
    %swap3A_495 = arith.constant 112 : index
    %swap3A_496 = tpu.vector_load %arg8[%swap3A_494, %swap3A_495] {strides = array<i32>} : memref<4x128xi32, #tpu.memory_space<vmem>>, vector<16xi32>,
    tpu.vector_store %arg8[%swap3A_494, %swap3A_495], %and3A_492 {strides = array<i32>} : memref<4x128xi32, #tpu.memory_space<vmem>>, vector<16xi32>,
    %dma_start3A_497 = arith.constant 2 : i32
    %dma_start3A_498 = arith.constant 2 : i32
    %dma_start3A_499 = arith.constant 2 : i32
    %dma_start3A_500 = arith.constant 0 : i32
    %dma_start3A_501 = arith.constant 0 : i32
    %dma_start3A_502 = tpu.memref_slice %arg9[%dma_start3A_498, %dma_start3A_500, %dma_start3A_501] : memref<4x128x32xi32, #tpu.memory_space<vmem>> -> memref<1x128x32xi32, #tpu.memory_space<vmem>>
    %dma_start3A_503 = tpu.memref_squeeze %dma_start3A_502 : memref<1x128x32xi32, #tpu.memory_space<vmem>> -> memref<128x32xi32, #tpu.memory_space<vmem>>
    %dma_start3A_504 = arith.constant 0 : i32
    %dma_start3A_505 = tpu.memref_slice %arg7[%dma_start3A_497, %dma_start3A_504] : memref<4x128xi32, #tpu.memory_space<vmem>> -> memref<1x128xi32, #tpu.memory_space<vmem>>
    %dma_start3A_506 = tpu.memref_squeeze %dma_start3A_505 : memref<1x128xi32, #tpu.memory_space<vmem>> -> memref<128xi32, #tpu.memory_space<vmem>>
    %dma_start3A_507 = arith.constant 0 : i32
    %dma_start3A_508 = arith.constant 0 : i32
    %dma_start3A_509 = tpu.memref_slice %arg12[%dma_start3A_507, %dma_start3A_508] : memref<1000x32xi32, #tpu.memory_space<vmem_shared>> -> memref<1000x32xi32, #tpu.memory_space<vmem_shared>>
    %dma_start3A_510 = tpu.memref_slice %arg14[%dma_start3A_499] : memref<4x!tpu.dma_semaphore, #tpu.memory_space<semaphore_mem>> -> memref<1x!tpu.dma_semaphore, #tpu.memory_space<semaphore_mem>>
    %dma_start3A_511 = tpu.memref_squeeze %dma_start3A_510 : memref<1x!tpu.dma_semaphore, #tpu.memory_space<semaphore_mem>> -> memref<!tpu.dma_semaphore, #tpu.memory_space<semaphore_mem>>
    tpu.enqueue_indirect_dma source(%dma_start3A_509 : memref<1000x32xi32, #tpu.memory_space<vmem_shared>>) target(%dma_start3A_503 : memref<128x32xi32, #tpu.memory_space<vmem>>) offsets(%dma_start3A_506 : memref<128xi32, #tpu.memory_space<vmem>>) semaphore(%dma_start3A_511 : memref<!tpu.dma_semaphore, #tpu.memory_space<semaphore_mem>>)
    %dma_start3A_512 = arith.constant 2 : i32
    %dma_start3A_513 = arith.constant 2 : i32
    %dma_start3A_514 = arith.constant 2 : i32
    %dma_start3A_515 = arith.constant 0 : i32
    %dma_start3A_516 = arith.constant 0 : i32
    %dma_start3A_517 = tpu.memref_slice %arg10[%dma_start3A_513, %dma_start3A_515, %dma_start3A_516] : memref<4x128x32xi32, #tpu.memory_space<vmem>> -> memref<1x128x32xi32, #tpu.memory_space<vmem>>
    %dma_start3A_518 = tpu.memref_squeeze %dma_start3A_517 : memref<1x128x32xi32, #tpu.memory_space<vmem>> -> memref<128x32xi32, #tpu.memory_space<vmem>>
    %dma_start3A_519 = arith.constant 0 : i32
    %dma_start3A_520 = tpu.memref_slice %arg8[%dma_start3A_512, %dma_start3A_519] : memref<4x128xi32, #tpu.memory_space<vmem>> -> memref<1x128xi32, #tpu.memory_space<vmem>>
    %dma_start3A_521 = tpu.memref_squeeze %dma_start3A_520 : memref<1x128xi32, #tpu.memory_space<vmem>> -> memref<128xi32, #tpu.memory_space<vmem>>
    %dma_start3A_522 = arith.constant 0 : i32
    %dma_start3A_523 = arith.constant 0 : i32
    %dma_start3A_524 = tpu.memref_slice %arg13[%dma_start3A_522, %dma_start3A_523] : memref<1000x32xi32, #tpu.memory_space<vmem_shared>> -> memref<1000x32xi32, #tpu.memory_space<vmem_shared>>
    %dma_start3A_525 = tpu.memref_slice %arg14[%dma_start3A_514] : memref<4x!tpu.dma_semaphore, #tpu.memory_space<semaphore_mem>> -> memref<1x!tpu.dma_semaphore, #tpu.memory_space<semaphore_mem>>
    %dma_start3A_526 = tpu.memref_squeeze %dma_start3A_525 : memref<1x!tpu.dma_semaphore, #tpu.memory_space<semaphore_mem>> -> memref<!tpu.dma_semaphore, #tpu.memory_space<semaphore_mem>>
    tpu.enqueue_indirect_dma source(%dma_start3A_524 : memref<1000x32xi32, #tpu.memory_space<vmem_shared>>) target(%dma_start3A_518 : memref<128x32xi32, #tpu.memory_space<vmem>>) offsets(%dma_start3A_521 : memref<128xi32, #tpu.memory_space<vmem>>) semaphore(%dma_start3A_526 : memref<!tpu.dma_semaphore, #tpu.memory_space<semaphore_mem>>)
    %get3A_527 = arith.constant 3 : i32
    %get3A_528 = arith.index_cast %get3A_527 : i32 to index
    %get3A_529 = arith.constant 0 : index
    %get3A_530 = tpu.vector_load %arg6[%get3A_528, %get3A_529] {strides = array<i32>} : memref<104x128xi32, #tpu.memory_space<vmem>>, vector<16xi32>,
    %shift_right_logical3A_531 = arith.constant 16 : i32
    %shift_right_logical3A_532 = vector.broadcast %shift_right_logical3A_531 : i32 to vector<16xi32>
    %shift_right_logical3A_533 = arith.shrui %get3A_530, %shift_right_logical3A_532 : vector<16xi32>
    %swap3A_534 = arith.constant 3 : i32
    %swap3A_535 = arith.index_cast %swap3A_534 : i32 to index
    %swap3A_536 = arith.constant 0 : index
    %swap3A_537 = tpu.vector_load %arg7[%swap3A_535, %swap3A_536] {strides = array<i32>} : memref<4x128xi32, #tpu.memory_space<vmem>>, vector<16xi32>,
    tpu.vector_store %arg7[%swap3A_535, %swap3A_536], %shift_right_logical3A_533 {strides = array<i32>} : memref<4x128xi32, #tpu.memory_space<vmem>>, vector<16xi32>,
    %and3A_538 = arith.constant 65535 : i32
    %and3A_539 = vector.broadcast %and3A_538 : i32 to vector<16xi32>
    %and3A_540 = arith.andi %get3A_530, %and3A_539 : vector<16xi32>
    %swap3A_541 = arith.constant 3 : i32
    %swap3A_542 = arith.index_cast %swap3A_541 : i32 to index
    %swap3A_543 = arith.constant 0 : index
    %swap3A_544 = tpu.vector_load %arg8[%swap3A_542, %swap3A_543] {strides = array<i32>} : memref<4x128xi32, #tpu.memory_space<vmem>>, vector<16xi32>,
    tpu.vector_store %arg8[%swap3A_542, %swap3A_543], %and3A_540 {strides = array<i32>} : memref<4x128xi32, #tpu.memory_space<vmem>>, vector<16xi32>,
    %get3A_545 = arith.constant 3 : i32
    %get3A_546 = arith.index_cast %get3A_545 : i32 to index
    %get3A_547 = arith.constant 16 : index
    %get3A_548 = tpu.vector_load %arg6[%get3A_546, %get3A_547] {strides = array<i32>} : memref<104x128xi32, #tpu.memory_space<vmem>>, vector<16xi32>,
    %shift_right_logical3A_549 = arith.constant 16 : i32
    %shift_right_logical3A_550 = vector.broadcast %shift_right_logical3A_549 : i32 to vector<16xi32>
    %shift_right_logical3A_551 = arith.shrui %get3A_548, %shift_right_logical3A_550 : vector<16xi32>
    %swap3A_552 = arith.constant 3 : i32
    %swap3A_553 = arith.index_cast %swap3A_552 : i32 to index
    %swap3A_554 = arith.constant 16 : index
    %swap3A_555 = tpu.vector_load %arg7[%swap3A_553, %swap3A_554] {strides = array<i32>} : memref<4x128xi32, #tpu.memory_space<vmem>>, vector<16xi32>,
    tpu.vector_store %arg7[%swap3A_553, %swap3A_554], %shift_right_logical3A_551 {strides = array<i32>} : memref<4x128xi32, #tpu.memory_space<vmem>>, vector<16xi32>,
    %and3A_556 = arith.constant 65535 : i32
    %and3A_557 = vector.broadcast %and3A_556 : i32 to vector<16xi32>
    %and3A_558 = arith.andi %get3A_548, %and3A_557 : vector<16xi32>
    %swap3A_559 = arith.constant 3 : i32
    %swap3A_560 = arith.index_cast %swap3A_559 : i32 to index
    %swap3A_561 = arith.constant 16 : index
    %swap3A_562 = tpu.vector_load %arg8[%swap3A_560, %swap3A_561] {strides = array<i32>} : memref<4x128xi32, #tpu.memory_space<vmem>>, vector<16xi32>,
    tpu.vector_store %arg8[%swap3A_560, %swap3A_561], %and3A_558 {strides = array<i32>} : memref<4x128xi32, #tpu.memory_space<vmem>>, vector<16xi32>,
    %get3A_563 = arith.constant 3 : i32
    %get3A_564 = arith.index_cast %get3A_563 : i32 to index
    %get3A_565 = arith.constant 32 : index
    %get3A_566 = tpu.vector_load %arg6[%get3A_564, %get3A_565] {strides = array<i32>} : memref<104x128xi32, #tpu.memory_space<vmem>>, vector<16xi32>,
    %shift_right_logical3A_567 = arith.constant 16 : i32
    %shift_right_logical3A_568 = vector.broadcast %shift_right_logical3A_567 : i32 to vector<16xi32>
    %shift_right_logical3A_569 = arith.shrui %get3A_566, %shift_right_logical3A_568 : vector<16xi32>
    %swap3A_570 = arith.constant 3 : i32
    %swap3A_571 = arith.index_cast %swap3A_570 : i32 to index
    %swap3A_572 = arith.constant 32 : index
    %swap3A_573 = tpu.vector_load %arg7[%swap3A_571, %swap3A_572] {strides = array<i32>} : memref<4x128xi32, #tpu.memory_space<vmem>>, vector<16xi32>,
    tpu.vector_store %arg7[%swap3A_571, %swap3A_572], %shift_right_logical3A_569 {strides = array<i32>} : memref<4x128xi32, #tpu.memory_space<vmem>>, vector<16xi32>,
    %and3A_574 = arith.constant 65535 : i32
    %and3A_575 = vector.broadcast %and3A_574 : i32 to vector<16xi32>
    %and3A_576 = arith.andi %get3A_566, %and3A_575 : vector<16xi32>
    %swap3A_577 = arith.constant 3 : i32
    %swap3A_578 = arith.index_cast %swap3A_577 : i32 to index
    %swap3A_579 = arith.constant 32 : index
    %swap3A_580 = tpu.vector_load %arg8[%swap3A_578, %swap3A_579] {strides = array<i32>} : memref<4x128xi32, #tpu.memory_space<vmem>>, vector<16xi32>,
    tpu.vector_store %arg8[%swap3A_578, %swap3A_579], %and3A_576 {strides = array<i32>} : memref<4x128xi32, #tpu.memory_space<vmem>>, vector<16xi32>,
    %get3A_581 = arith.constant 3 : i32
    %get3A_582 = arith.index_cast %get3A_581 : i32 to index
    %get3A_583 = arith.constant 48 : index
    %get3A_584 = tpu.vector_load %arg6[%get3A_582, %get3A_583] {strides = array<i32>} : memref<104x128xi32, #tpu.memory_space<vmem>>, vector<16xi32>,
    %shift_right_logical3A_585 = arith.constant 16 : i32
    %shift_right_logical3A_586 = vector.broadcast %shift_right_logical3A_585 : i32 to vector<16xi32>
    %shift_right_logical3A_587 = arith.shrui %get3A_584, %shift_right_logical3A_586 : vector<16xi32>
    %swap3A_588 = arith.constant 3 : i32
    %swap3A_589 = arith.index_cast %swap3A_588 : i32 to index
    %swap3A_590 = arith.constant 48 : index
    %swap3A_591 = tpu.vector_load %arg7[%swap3A_589, %swap3A_590] {strides = array<i32>} : memref<4x128xi32, #tpu.memory_space<vmem>>, vector<16xi32>,
    tpu.vector_store %arg7[%swap3A_589, %swap3A_590], %shift_right_logical3A_587 {strides = array<i32>} : memref<4x128xi32, #tpu.memory_space<vmem>>, vector<16xi32>,
    %and3A_592 = arith.constant 65535 : i32
    %and3A_593 = vector.broadcast %and3A_592 : i32 to vector<16xi32>
    %and3A_594 = arith.andi %get3A_584, %and3A_593 : vector<16xi32>
    %swap3A_595 = arith.constant 3 : i32
    %swap3A_596 = arith.index_cast %swap3A_595 : i32 to index
    %swap3A_597 = arith.constant 48 : index
    %swap3A_598 = tpu.vector_load %arg8[%swap3A_596, %swap3A_597] {strides = array<i32>} : memref<4x128xi32, #tpu.memory_space<vmem>>, vector<16xi32>,
    tpu.vector_store %arg8[%swap3A_596, %swap3A_597], %and3A_594 {strides = array<i32>} : memref<4x128xi32, #tpu.memory_space<vmem>>, vector<16xi32>,
    %get3A_599 = arith.constant 3 : i32
    %get3A_600 = arith.index_cast %get3A_599 : i32 to index
    %get3A_601 = arith.constant 64 : index
    %get3A_602 = tpu.vector_load %arg6[%get3A_600, %get3A_601] {strides = array<i32>} : memref<104x128xi32, #tpu.memory_space<vmem>>, vector<16xi32>,
    %shift_right_logical3A_603 = arith.constant 16 : i32
    %shift_right_logical3A_604 = vector.broadcast %shift_right_logical3A_603 : i32 to vector<16xi32>
    %shift_right_logical3A_605 = arith.shrui %get3A_602, %shift_right_logical3A_604 : vector<16xi32>
    %swap3A_606 = arith.constant 3 : i32
    %swap3A_607 = arith.index_cast %swap3A_606 : i32 to index
    %swap3A_608 = arith.constant 64 : index
    %swap3A_609 = tpu.vector_load %arg7[%swap3A_607, %swap3A_608] {strides = array<i32>} : memref<4x128xi32, #tpu.memory_space<vmem>>, vector<16xi32>,
    tpu.vector_store %arg7[%swap3A_607, %swap3A_608], %shift_right_logical3A_605 {strides = array<i32>} : memref<4x128xi32, #tpu.memory_space<vmem>>, vector<16xi32>,
    %and3A_610 = arith.constant 65535 : i32
    %and3A_611 = vector.broadcast %and3A_610 : i32 to vector<16xi32>
    %and3A_612 = arith.andi %get3A_602, %and3A_611 : vector<16xi32>
    %swap3A_613 = arith.constant 3 : i32
    %swap3A_614 = arith.index_cast %swap3A_613 : i32 to index
    %swap3A_615 = arith.constant 64 : index
    %swap3A_616 = tpu.vector_load %arg8[%swap3A_614, %swap3A_615] {strides = array<i32>} : memref<4x128xi32, #tpu.memory_space<vmem>>, vector<16xi32>,
    tpu.vector_store %arg8[%swap3A_614, %swap3A_615], %and3A_612 {strides = array<i32>} : memref<4x128xi32, #tpu.memory_space<vmem>>, vector<16xi32>,
    %get3A_617 = arith.constant 3 : i32
    %get3A_618 = arith.index_cast %get3A_617 : i32 to index
    %get3A_619 = arith.constant 80 : index
    %get3A_620 = tpu.vector_load %arg6[%get3A_618, %get3A_619] {strides = array<i32>} : memref<104x128xi32, #tpu.memory_space<vmem>>, vector<16xi32>,
    %shift_right_logical3A_621 = arith.constant 16 : i32
    %shift_right_logical3A_622 = vector.broadcast %shift_right_logical3A_621 : i32 to vector<16xi32>
    %shift_right_logical3A_623 = arith.shrui %get3A_620, %shift_right_logical3A_622 : vector<16xi32>
    %swap3A_624 = arith.constant 3 : i32
    %swap3A_625 = arith.index_cast %swap3A_624 : i32 to index
    %swap3A_626 = arith.constant 80 : index
    %swap3A_627 = tpu.vector_load %arg7[%swap3A_625, %swap3A_626] {strides = array<i32>} : memref<4x128xi32, #tpu.memory_space<vmem>>, vector<16xi32>,
    tpu.vector_store %arg7[%swap3A_625, %swap3A_626], %shift_right_logical3A_623 {strides = array<i32>} : memref<4x128xi32, #tpu.memory_space<vmem>>, vector<16xi32>,
    %and3A_628 = arith.constant 65535 : i32
    %and3A_629 = vector.broadcast %and3A_628 : i32 to vector<16xi32>
    %and3A_630 = arith.andi %get3A_620, %and3A_629 : vector<16xi32>
    %swap3A_631 = arith.constant 3 : i32
    %swap3A_632 = arith.index_cast %swap3A_631 : i32 to index
    %swap3A_633 = arith.constant 80 : index
    %swap3A_634 = tpu.vector_load %arg8[%swap3A_632, %swap3A_633] {strides = array<i32>} : memref<4x128xi32, #tpu.memory_space<vmem>>, vector<16xi32>,
    tpu.vector_store %arg8[%swap3A_632, %swap3A_633], %and3A_630 {strides = array<i32>} : memref<4x128xi32, #tpu.memory_space<vmem>>, vector<16xi32>,
    %get3A_635 = arith.constant 3 : i32
    %get3A_636 = arith.index_cast %get3A_635 : i32 to index
    %get3A_637 = arith.constant 96 : index
    %get3A_638 = tpu.vector_load %arg6[%get3A_636, %get3A_637] {strides = array<i32>} : memref<104x128xi32, #tpu.memory_space<vmem>>, vector<16xi32>,
    %shift_right_logical3A_639 = arith.constant 16 : i32
    %shift_right_logical3A_640 = vector.broadcast %shift_right_logical3A_639 : i32 to vector<16xi32>
    %shift_right_logical3A_641 = arith.shrui %get3A_638, %shift_right_logical3A_640 : vector<16xi32>
    %swap3A_642 = arith.constant 3 : i32
    %swap3A_643 = arith.index_cast %swap3A_642 : i32 to index
    %swap3A_644 = arith.constant 96 : index
    %swap3A_645 = tpu.vector_load %arg7[%swap3A_643, %swap3A_644] {strides = array<i32>} : memref<4x128xi32, #tpu.memory_space<vmem>>, vector<16xi32>,
    tpu.vector_store %arg7[%swap3A_643, %swap3A_644], %shift_right_logical3A_641 {strides = array<i32>} : memref<4x128xi32, #tpu.memory_space<vmem>>, vector<16xi32>,
    %and3A_646 = arith.constant 65535 : i32
    %and3A_647 = vector.broadcast %and3A_646 : i32 to vector<16xi32>
    %and3A_648 = arith.andi %get3A_638, %and3A_647 : vector<16xi32>
    %swap3A_649 = arith.constant 3 : i32
    %swap3A_650 = arith.index_cast %swap3A_649 : i32 to index
    %swap3A_651 = arith.constant 96 : index
    %swap3A_652 = tpu.vector_load %arg8[%swap3A_650, %swap3A_651] {strides = array<i32>} : memref<4x128xi32, #tpu.memory_space<vmem>>, vector<16xi32>,
    tpu.vector_store %arg8[%swap3A_650, %swap3A_651], %and3A_648 {strides = array<i32>} : memref<4x128xi32, #tpu.memory_space<vmem>>, vector<16xi32>,
    %get3A_653 = arith.constant 3 : i32
    %get3A_654 = arith.index_cast %get3A_653 : i32 to index
    %get3A_655 = arith.constant 112 : index
    %get3A_656 = tpu.vector_load %arg6[%get3A_654, %get3A_655] {strides = array<i32>} : memref<104x128xi32, #tpu.memory_space<vmem>>, vector<16xi32>,
    %shift_right_logical3A_657 = arith.constant 16 : i32
    %shift_right_logical3A_658 = vector.broadcast %shift_right_logical3A_657 : i32 to vector<16xi32>
    %shift_right_logical3A_659 = arith.shrui %get3A_656, %shift_right_logical3A_658 : vector<16xi32>
    %swap3A_660 = arith.constant 3 : i32
    %swap3A_661 = arith.index_cast %swap3A_660 : i32 to index
    %swap3A_662 = arith.constant 112 : index
    %swap3A_663 = tpu.vector_load %arg7[%swap3A_661, %swap3A_662] {strides = array<i32>} : memref<4x128xi32, #tpu.memory_space<vmem>>, vector<16xi32>,
    tpu.vector_store %arg7[%swap3A_661, %swap3A_662], %shift_right_logical3A_659 {strides = array<i32>} : memref<4x128xi32, #tpu.memory_space<vmem>>, vector<16xi32>,
    %and3A_664 = arith.constant 65535 : i32
    %and3A_665 = vector.broadcast %and3A_664 : i32 to vector<16xi32>
    %and3A_666 = arith.andi %get3A_656, %and3A_665 : vector<16xi32>
    %swap3A_667 = arith.constant 3 : i32
    %swap3A_668 = arith.index_cast %swap3A_667 : i32 to index
    %swap3A_669 = arith.constant 112 : index
    %swap3A_670 = tpu.vector_load %arg8[%swap3A_668, %swap3A_669] {strides = array<i32>} : memref<4x128xi32, #tpu.memory_space<vmem>>, vector<16xi32>,
    tpu.vector_store %arg8[%swap3A_668, %swap3A_669], %and3A_666 {strides = array<i32>} : memref<4x128xi32, #tpu.memory_space<vmem>>, vector<16xi32>,
    %dma_start3A_671 = arith.constant 3 : i32
    %dma_start3A_672 = arith.constant 3 : i32
    %dma_start3A_673 = arith.constant 3 : i32
    %dma_start3A_674 = arith.constant 0 : i32
    %dma_start3A_675 = arith.constant 0 : i32
    %dma_start3A_676 = tpu.memref_slice %arg9[%dma_start3A_672, %dma_start3A_674, %dma_start3A_675] : memref<4x128x32xi32, #tpu.memory_space<vmem>> -> memref<1x128x32xi32, #tpu.memory_space<vmem>>
    %dma_start3A_677 = tpu.memref_squeeze %dma_start3A_676 : memref<1x128x32xi32, #tpu.memory_space<vmem>> -> memref<128x32xi32, #tpu.memory_space<vmem>>
    %dma_start3A_678 = arith.constant 0 : i32
    %dma_start3A_679 = tpu.memref_slice %arg7[%dma_start3A_671, %dma_start3A_678] : memref<4x128xi32, #tpu.memory_space<vmem>> -> memref<1x128xi32, #tpu.memory_space<vmem>>
    %dma_start3A_680 = tpu.memref_squeeze %dma_start3A_679 : memref<1x128xi32, #tpu.memory_space<vmem>> -> memref<128xi32, #tpu.memory_space<vmem>>
    %dma_start3A_681 = arith.constant 0 : i32
    %dma_start3A_682 = arith.constant 0 : i32
    %dma_start3A_683 = tpu.memref_slice %arg12[%dma_start3A_681, %dma_start3A_682] : memref<1000x32xi32, #tpu.memory_space<vmem_shared>> -> memref<1000x32xi32, #tpu.memory_space<vmem_shared>>
    %dma_start3A_684 = tpu.memref_slice %arg14[%dma_start3A_673] : memref<4x!tpu.dma_semaphore, #tpu.memory_space<semaphore_mem>> -> memref<1x!tpu.dma_semaphore, #tpu.memory_space<semaphore_mem>>
    %dma_start3A_685 = tpu.memref_squeeze %dma_start3A_684 : memref<1x!tpu.dma_semaphore, #tpu.memory_space<semaphore_mem>> -> memref<!tpu.dma_semaphore, #tpu.memory_space<semaphore_mem>>
    tpu.enqueue_indirect_dma source(%dma_start3A_683 : memref<1000x32xi32, #tpu.memory_space<vmem_shared>>) target(%dma_start3A_677 : memref<128x32xi32, #tpu.memory_space<vmem>>) offsets(%dma_start3A_680 : memref<128xi32, #tpu.memory_space<vmem>>) semaphore(%dma_start3A_685 : memref<!tpu.dma_semaphore, #tpu.memory_space<semaphore_mem>>)
    %dma_start3A_686 = arith.constant 3 : i32
    %dma_start3A_687 = arith.constant 3 : i32
    %dma_start3A_688 = arith.constant 3 : i32
    %dma_start3A_689 = arith.constant 0 : i32
    %dma_start3A_690 = arith.constant 0 : i32
    %dma_start3A_691 = tpu.memref_slice %arg10[%dma_start3A_687, %dma_start3A_689, %dma_start3A_690] : memref<4x128x32xi32, #tpu.memory_space<vmem>> -> memref<1x128x32xi32, #tpu.memory_space<vmem>>
    %dma_start3A_692 = tpu.memref_squeeze %dma_start3A_691 : memref<1x128x32xi32, #tpu.memory_space<vmem>> -> memref<128x32xi32, #tpu.memory_space<vmem>>
    %dma_start3A_693 = arith.constant 0 : i32
    %dma_start3A_694 = tpu.memref_slice %arg8[%dma_start3A_686, %dma_start3A_693] : memref<4x128xi32, #tpu.memory_space<vmem>> -> memref<1x128xi32, #tpu.memory_space<vmem>>
    %dma_start3A_695 = tpu.memref_squeeze %dma_start3A_694 : memref<1x128xi32, #tpu.memory_space<vmem>> -> memref<128xi32, #tpu.memory_space<vmem>>
    %dma_start3A_696 = arith.constant 0 : i32
    %dma_start3A_697 = arith.constant 0 : i32
    %dma_start3A_698 = tpu.memref_slice %arg13[%dma_start3A_696, %dma_start3A_697] : memref<1000x32xi32, #tpu.memory_space<vmem_shared>> -> memref<1000x32xi32, #tpu.memory_space<vmem_shared>>
    %dma_start3A_699 = tpu.memref_slice %arg14[%dma_start3A_688] : memref<4x!tpu.dma_semaphore, #tpu.memory_space<semaphore_mem>> -> memref<1x!tpu.dma_semaphore, #tpu.memory_space<semaphore_mem>>
    %dma_start3A_700 = tpu.memref_squeeze %dma_start3A_699 : memref<1x!tpu.dma_semaphore, #tpu.memory_space<semaphore_mem>> -> memref<!tpu.dma_semaphore, #tpu.memory_space<semaphore_mem>>
    tpu.enqueue_indirect_dma source(%dma_start3A_698 : memref<1000x32xi32, #tpu.memory_space<vmem_shared>>) target(%dma_start3A_692 : memref<128x32xi32, #tpu.memory_space<vmem>>) offsets(%dma_start3A_695 : memref<128xi32, #tpu.memory_space<vmem>>) semaphore(%dma_start3A_700 : memref<!tpu.dma_semaphore, #tpu.memory_space<semaphore_mem>>)
    %scan3A_701 = arith.constant 0 : i32
    %scan3A_702 = arith.constant 0 : i32
    %scan3A_703 = arith.constant 26 : i32
    %scan3A_704 = arith.addi %scan3A_702, %scan3A_703 : i32
    %scan3A_705 = arith.constant 1 : i32
    scf.for %scan3A_770 = %scan3A_702 to %scan3A_704 step %scan3A_705  : i32 {
      %mul3A_771 = arith.constant 4 : i32
      %mul3A_772 = arith.muli %scan3A_770, %mul3A_771 : i32
      %add3A_773 = arith.constant 0 : i32
      %add3A_774 = arith.addi %mul3A_772, %add3A_773 : i32
      %gt3A = arith.constant 0 : i32
      %gt3A_775 = arith.cmpi sgt, %scan3A_770, %gt3A : i32
      %convert_element_type3A_776 = arith.extui %gt3A_775 : i1 to i32
      %cond3A_777 = arith.constant 0 : i32
      %cond3A_778 = arith.cmpi ne, %convert_element_type3A_776, %cond3A_777 : i32
      scf.if %cond3A_778 {
        %dma_wait3A_1032 = arith.constant 0 : i32
        %dma_wait3A_1033 = arith.constant 0 : i32
        %dma_wait3A_1034 = arith.constant 0 : i32
        %dma_wait3A_1035 = arith.constant 0 : i32
        %dma_wait3A_1036 = tpu.memref_slice %arg11[%dma_wait3A_1032, %dma_wait3A_1034, %dma_wait3A_1035] : memref<4x128x64xf32, #tpu.memory_space<vmem>> -> memref<1x128x64xf32, #tpu.memory_space<vmem>>
        %dma_wait3A_1037 = tpu.memref_squeeze %dma_wait3A_1036 : memref<1x128x64xf32, #tpu.memory_space<vmem>> -> memref<128x64xf32, #tpu.memory_space<vmem>>
        %dma_wait3A_1038 = arith.constant 0 : i32
        %dma_wait3A_1039 = tpu.memref_slice %arg5[%mul3A_2, %dma_wait3A_1038] : memref<425984x64xf32, #tpu.memory_space<hbm>> -> memref<128x64xf32, #tpu.memory_space<hbm>>
        %dma_wait3A_1040 = tpu.memref_slice %arg15[%dma_wait3A_1033] : memref<4x!tpu.dma_semaphore, #tpu.memory_space<semaphore_mem>> -> memref<1x!tpu.dma_semaphore, #tpu.memory_space<semaphore_mem>>
        %dma_wait3A_1041 = tpu.memref_squeeze %dma_wait3A_1040 : memref<1x!tpu.dma_semaphore, #tpu.memory_space<semaphore_mem>> -> memref<!tpu.dma_semaphore, #tpu.memory_space<semaphore_mem>>
        %dma_wait3A_1042 = arith.constant 0 : i32
        %dma_wait3A_1043 = tpu.memref_slice %arg5[%mul3A_2, %dma_wait3A_1042] : memref<425984x64xf32, #tpu.memory_space<hbm>> -> memref<128x64xf32, #tpu.memory_space<hbm>>
        %dma_wait3A_1044 = arith.constant 0 : i32
        %dma_wait3A_1045 = arith.constant 0 : i32
        %dma_wait3A_1046 = tpu.memref_slice %arg11[%dma_wait3A_1032, %dma_wait3A_1044, %dma_wait3A_1045] : memref<4x128x64xf32, #tpu.memory_space<vmem>> -> memref<1x128x64xf32, #tpu.memory_space<vmem>>
        %dma_wait3A_1047 = tpu.memref_squeeze %dma_wait3A_1046 : memref<1x128x64xf32, #tpu.memory_space<vmem>> -> memref<128x64xf32, #tpu.memory_space<vmem>>
        tpu.wait_dma2 semaphore(%dma_wait3A_1041 : memref<!tpu.dma_semaphore, #tpu.memory_space<semaphore_mem>>) src(%dma_wait3A_1047 : memref<128x64xf32, #tpu.memory_space<vmem>>) dst(%dma_wait3A_1043 : memref<128x64xf32, #tpu.memory_space<hbm>>)
      } else {
      }
      %dma_wait3A_779 = arith.constant 0 : i32
      %dma_wait3A_780 = arith.constant 0 : i32
      %dma_wait3A_781 = arith.constant 0 : i32
      %dma_wait3A_782 = arith.constant 0 : i32
      %dma_wait3A_783 = arith.constant 0 : i32
      %dma_wait3A_784 = tpu.memref_slice %arg9[%dma_wait3A_780, %dma_wait3A_782, %dma_wait3A_783] : memref<4x128x32xi32, #tpu.memory_space<vmem>> -> memref<1x128x32xi32, #tpu.memory_space<vmem>>
      %dma_wait3A_785 = tpu.memref_squeeze %dma_wait3A_784 : memref<1x128x32xi32, #tpu.memory_space<vmem>> -> memref<128x32xi32, #tpu.memory_space<vmem>>
      %dma_wait3A_786 = arith.constant 0 : i32
      %dma_wait3A_787 = tpu.memref_slice %arg7[%dma_wait3A_779, %dma_wait3A_786] : memref<4x128xi32, #tpu.memory_space<vmem>> -> memref<1x128xi32, #tpu.memory_space<vmem>>
      %dma_wait3A_788 = tpu.memref_squeeze %dma_wait3A_787 : memref<1x128xi32, #tpu.memory_space<vmem>> -> memref<128xi32, #tpu.memory_space<vmem>>
      %dma_wait3A_789 = arith.constant 0 : i32
      %dma_wait3A_790 = arith.constant 0 : i32
      %dma_wait3A_791 = tpu.memref_slice %arg12[%dma_wait3A_789, %dma_wait3A_790] : memref<1000x32xi32, #tpu.memory_space<vmem_shared>> -> memref<1000x32xi32, #tpu.memory_space<vmem_shared>>
      %dma_wait3A_792 = tpu.memref_slice %arg14[%dma_wait3A_781] : memref<4x!tpu.dma_semaphore, #tpu.memory_space<semaphore_mem>> -> memref<1x!tpu.dma_semaphore, #tpu.memory_space<semaphore_mem>>
      %dma_wait3A_793 = tpu.memref_squeeze %dma_wait3A_792 : memref<1x!tpu.dma_semaphore, #tpu.memory_space<semaphore_mem>> -> memref<!tpu.dma_semaphore, #tpu.memory_space<semaphore_mem>>
      tpu.wait_indirect_dma semaphore(%dma_wait3A_793 : memref<!tpu.dma_semaphore, #tpu.memory_space<semaphore_mem>>) src(%dma_wait3A_791 : memref<1000x32xi32, #tpu.memory_space<vmem_shared>>) dst(%dma_wait3A_785 : memref<128x32xi32, #tpu.memory_space<vmem>>)
      %dma_wait3A_794 = arith.constant 0 : i32
      %dma_wait3A_795 = arith.constant 0 : i32
      %dma_wait3A_796 = arith.constant 0 : i32
      %dma_wait3A_797 = arith.constant 0 : i32
      %dma_wait3A_798 = arith.constant 0 : i32
      %dma_wait3A_799 = tpu.memref_slice %arg10[%dma_wait3A_795, %dma_wait3A_797, %dma_wait3A_798] : memref<4x128x32xi32, #tpu.memory_space<vmem>> -> memref<1x128x32xi32, #tpu.memory_space<vmem>>
      %dma_wait3A_800 = tpu.memref_squeeze %dma_wait3A_799 : memref<1x128x32xi32, #tpu.memory_space<vmem>> -> memref<128x32xi32, #tpu.memory_space<vmem>>
      %dma_wait3A_801 = arith.constant 0 : i32
      %dma_wait3A_802 = tpu.memref_slice %arg8[%dma_wait3A_794, %dma_wait3A_801] : memref<4x128xi32, #tpu.memory_space<vmem>> -> memref<1x128xi32, #tpu.memory_space<vmem>>
      %dma_wait3A_803 = tpu.memref_squeeze %dma_wait3A_802 : memref<1x128xi32, #tpu.memory_space<vmem>> -> memref<128xi32, #tpu.memory_space<vmem>>
      %dma_wait3A_804 = arith.constant 0 : i32
      %dma_wait3A_805 = arith.constant 0 : i32
      %dma_wait3A_806 = tpu.memref_slice %arg13[%dma_wait3A_804, %dma_wait3A_805] : memref<1000x32xi32, #tpu.memory_space<vmem_shared>> -> memref<1000x32xi32, #tpu.memory_space<vmem_shared>>
      %dma_wait3A_807 = tpu.memref_slice %arg14[%dma_wait3A_796] : memref<4x!tpu.dma_semaphore, #tpu.memory_space<semaphore_mem>> -> memref<1x!tpu.dma_semaphore, #tpu.memory_space<semaphore_mem>>
      %dma_wait3A_808 = tpu.memref_squeeze %dma_wait3A_807 : memref<1x!tpu.dma_semaphore, #tpu.memory_space<semaphore_mem>> -> memref<!tpu.dma_semaphore, #tpu.memory_space<semaphore_mem>>
      tpu.wait_indirect_dma semaphore(%dma_wait3A_808 : memref<!tpu.dma_semaphore, #tpu.memory_space<semaphore_mem>>) src(%dma_wait3A_806 : memref<1000x32xi32, #tpu.memory_space<vmem_shared>>) dst(%dma_wait3A_800 : memref<128x32xi32, #tpu.memory_space<vmem>>)
      %parallel_loop3A = arith.constant 0 : i32
      %parallel_loop3A_809 = arith.constant 128 : i32
      %parallel_loop3A_810 = arith.constant 1 : i32
      scf.for %parallel_loop3A_1032 = %parallel_loop3A to %parallel_loop3A_809 step %parallel_loop3A_810  : i32 {
        %parallel_loop3A_1033 = arith.constant 0 : i32
        %parallel_loop3A_1034 = arith.index_cast %parallel_loop3A_1033 : i32 to index
        %parallel_loop3A_1035 = arith.index_cast %parallel_loop3A_1032 : i32 to index
        %parallel_loop3A_1036 = arith.constant 0 : index
        %parallel_loop3A_1037 = tpu.vector_load %arg9[%parallel_loop3A_1034, %parallel_loop3A_1035, %parallel_loop3A_1036] {strides = array<i32>} : memref<4x128x32xi32, #tpu.memory_space<vmem>>, vector<16xi32>,
        %parallel_loop3A_1038 = vector.bitcast %parallel_loop3A_1037 : vector<16xi32> to vector<32xbf16>
        %parallel_loop3A_1039 = arith.constant 0 : i32
        %parallel_loop3A_1040 = arith.index_cast %parallel_loop3A_1039 : i32 to index
        %parallel_loop3A_1041 = arith.index_cast %parallel_loop3A_1032 : i32 to index
        %parallel_loop3A_1042 = arith.constant 0 : index
        %parallel_loop3A_1043 = tpu.vector_load %arg10[%parallel_loop3A_1040, %parallel_loop3A_1041, %parallel_loop3A_1042] {strides = array<i32>} : memref<4x128x32xi32, #tpu.memory_space<vmem>>, vector<16xi32>,
        %parallel_loop3A_1044 = vector.bitcast %parallel_loop3A_1043 : vector<16xi32> to vector<32xbf16>
        %parallel_loop3A_1045 = tpu.unpack_subelements %parallel_loop3A_1038, 0 {pack_format = #tpu.pack_format<interleaved>} : vector<32xbf16> -> vector<16xf32>
        %parallel_loop3A_1046 = tpu.unpack_subelements %parallel_loop3A_1038, 1 {pack_format = #tpu.pack_format<interleaved>} : vector<32xbf16> -> vector<16xf32>
        %parallel_loop3A_1047 = tpu.unpack_subelements %parallel_loop3A_1044, 0 {pack_format = #tpu.pack_format<interleaved>} : vector<32xbf16> -> vector<16xf32>
        %parallel_loop3A_1048 = tpu.unpack_subelements %parallel_loop3A_1044, 1 {pack_format = #tpu.pack_format<interleaved>} : vector<32xbf16> -> vector<16xf32>
        %parallel_loop3A_1049 = arith.mulf %parallel_loop3A_1045, %parallel_loop3A_1047 : vector<16xf32>
        %parallel_loop3A_1050 = arith.constant 0 : i32
        %parallel_loop3A_1051 = arith.index_cast %parallel_loop3A_1050 : i32 to index
        %parallel_loop3A_1052 = arith.index_cast %parallel_loop3A_1032 : i32 to index
        %parallel_loop3A_1053 = arith.constant 0 : index
        %parallel_loop3A_1054 = tpu.vector_load %arg11[%parallel_loop3A_1051, %parallel_loop3A_1052, %parallel_loop3A_1053] {strides = array<i32>} : memref<4x128x64xf32, #tpu.memory_space<vmem>>, vector<16xf32>,
        tpu.vector_store %arg11[%parallel_loop3A_1051, %parallel_loop3A_1052, %parallel_loop3A_1053], %parallel_loop3A_1049 {strides = array<i32>} : memref<4x128x64xf32, #tpu.memory_space<vmem>>, vector<16xf32>,
        %parallel_loop3A_1055 = arith.mulf %parallel_loop3A_1046, %parallel_loop3A_1048 : vector<16xf32>
        %parallel_loop3A_1056 = arith.constant 0 : i32
        %parallel_loop3A_1057 = arith.index_cast %parallel_loop3A_1056 : i32 to index
        %parallel_loop3A_1058 = arith.index_cast %parallel_loop3A_1032 : i32 to index
        %parallel_loop3A_1059 = arith.constant 16 : index
        %parallel_loop3A_1060 = tpu.vector_load %arg11[%parallel_loop3A_1057, %parallel_loop3A_1058, %parallel_loop3A_1059] {strides = array<i32>} : memref<4x128x64xf32, #tpu.memory_space<vmem>>, vector<16xf32>,
        tpu.vector_store %arg11[%parallel_loop3A_1057, %parallel_loop3A_1058, %parallel_loop3A_1059], %parallel_loop3A_1055 {strides = array<i32>} : memref<4x128x64xf32, #tpu.memory_space<vmem>>, vector<16xf32>,
        %parallel_loop3A_1061 = arith.constant 0 : i32
        %parallel_loop3A_1062 = arith.index_cast %parallel_loop3A_1061 : i32 to index
        %parallel_loop3A_1063 = arith.index_cast %parallel_loop3A_1032 : i32 to index
        %parallel_loop3A_1064 = arith.constant 16 : index
        %parallel_loop3A_1065 = tpu.vector_load %arg9[%parallel_loop3A_1062, %parallel_loop3A_1063, %parallel_loop3A_1064] {strides = array<i32>} : memref<4x128x32xi32, #tpu.memory_space<vmem>>, vector<16xi32>,
        %parallel_loop3A_1066 = vector.bitcast %parallel_loop3A_1065 : vector<16xi32> to vector<32xbf16>
        %parallel_loop3A_1067 = arith.constant 0 : i32
        %parallel_loop3A_1068 = arith.index_cast %parallel_loop3A_1067 : i32 to index
        %parallel_loop3A_1069 = arith.index_cast %parallel_loop3A_1032 : i32 to index
        %parallel_loop3A_1070 = arith.constant 16 : index
        %parallel_loop3A_1071 = tpu.vector_load %arg10[%parallel_loop3A_1068, %parallel_loop3A_1069, %parallel_loop3A_1070] {strides = array<i32>} : memref<4x128x32xi32, #tpu.memory_space<vmem>>, vector<16xi32>,
        %parallel_loop3A_1072 = vector.bitcast %parallel_loop3A_1071 : vector<16xi32> to vector<32xbf16>
        %parallel_loop3A_1073 = tpu.unpack_subelements %parallel_loop3A_1066, 0 {pack_format = #tpu.pack_format<interleaved>} : vector<32xbf16> -> vector<16xf32>
        %parallel_loop3A_1074 = tpu.unpack_subelements %parallel_loop3A_1066, 1 {pack_format = #tpu.pack_format<interleaved>} : vector<32xbf16> -> vector<16xf32>
        %parallel_loop3A_1075 = tpu.unpack_subelements %parallel_loop3A_1072, 0 {pack_format = #tpu.pack_format<interleaved>} : vector<32xbf16> -> vector<16xf32>
        %parallel_loop3A_1076 = tpu.unpack_subelements %parallel_loop3A_1072, 1 {pack_format = #tpu.pack_format<interleaved>} : vector<32xbf16> -> vector<16xf32>
        %parallel_loop3A_1077 = arith.mulf %parallel_loop3A_1073, %parallel_loop3A_1075 : vector<16xf32>
        %parallel_loop3A_1078 = arith.constant 0 : i32
        %parallel_loop3A_1079 = arith.index_cast %parallel_loop3A_1078 : i32 to index
        %parallel_loop3A_1080 = arith.index_cast %parallel_loop3A_1032 : i32 to index
        %parallel_loop3A_1081 = arith.constant 32 : index
        %parallel_loop3A_1082 = tpu.vector_load %arg11[%parallel_loop3A_1079, %parallel_loop3A_1080, %parallel_loop3A_1081] {strides = array<i32>} : memref<4x128x64xf32, #tpu.memory_space<vmem>>, vector<16xf32>,
        tpu.vector_store %arg11[%parallel_loop3A_1079, %parallel_loop3A_1080, %parallel_loop3A_1081], %parallel_loop3A_1077 {strides = array<i32>} : memref<4x128x64xf32, #tpu.memory_space<vmem>>, vector<16xf32>,
        %parallel_loop3A_1083 = arith.mulf %parallel_loop3A_1074, %parallel_loop3A_1076 : vector<16xf32>
        %parallel_loop3A_1084 = arith.constant 0 : i32
        %parallel_loop3A_1085 = arith.index_cast %parallel_loop3A_1084 : i32 to index
        %parallel_loop3A_1086 = arith.index_cast %parallel_loop3A_1032 : i32 to index
        %parallel_loop3A_1087 = arith.constant 48 : index
        %parallel_loop3A_1088 = tpu.vector_load %arg11[%parallel_loop3A_1085, %parallel_loop3A_1086, %parallel_loop3A_1087] {strides = array<i32>} : memref<4x128x64xf32, #tpu.memory_space<vmem>>, vector<16xf32>,
        tpu.vector_store %arg11[%parallel_loop3A_1085, %parallel_loop3A_1086, %parallel_loop3A_1087], %parallel_loop3A_1083 {strides = array<i32>} : memref<4x128x64xf32, #tpu.memory_space<vmem>>, vector<16xf32>,
      } {sc.loop_unroll_factor = 4 : i64, sc.parallel_access}
      %mul3A_811 = arith.constant 128 : i32
      %mul3A_812 = arith.muli %add3A_774, %mul3A_811 : i32
      %add3A_813 = arith.addi %mul3A_2, %mul3A_812 : i32
      %dma_start3A_814 = arith.constant 0 : i32
      %dma_start3A_815 = arith.constant 0 : i32
      %dma_start3A_816 = arith.constant 0 : i32
      %dma_start3A_817 = arith.constant 0 : i32
      %dma_start3A_818 = tpu.memref_slice %arg11[%dma_start3A_814, %dma_start3A_816, %dma_start3A_817] : memref<4x128x64xf32, #tpu.memory_space<vmem>> -> memref<1x128x64xf32, #tpu.memory_space<vmem>>
      %dma_start3A_819 = tpu.memref_squeeze %dma_start3A_818 : memref<1x128x64xf32, #tpu.memory_space<vmem>> -> memref<128x64xf32, #tpu.memory_space<vmem>>
      %dma_start3A_820 = arith.constant 0 : i32
      %dma_start3A_821 = tpu.memref_slice %arg5[%add3A_813, %dma_start3A_820] : memref<425984x64xf32, #tpu.memory_space<hbm>> -> memref<128x64xf32, #tpu.memory_space<hbm>>
      %dma_start3A_822 = tpu.memref_slice %arg15[%dma_start3A_815] : memref<4x!tpu.dma_semaphore, #tpu.memory_space<semaphore_mem>> -> memref<1x!tpu.dma_semaphore, #tpu.memory_space<semaphore_mem>>
      %dma_start3A_823 = tpu.memref_squeeze %dma_start3A_822 : memref<1x!tpu.dma_semaphore, #tpu.memory_space<semaphore_mem>> -> memref<!tpu.dma_semaphore, #tpu.memory_space<semaphore_mem>>
      %dma_start3A_824 = arith.constant 0 : i32
      %dma_start3A_825 = tpu.memref_slice %arg5[%add3A_813, %dma_start3A_824] : memref<425984x64xf32, #tpu.memory_space<hbm>> -> memref<128x64xf32, #tpu.memory_space<hbm>>
      %dma_start3A_826 = arith.constant 0 : i32
      %dma_start3A_827 = arith.constant 0 : i32
      %dma_start3A_828 = tpu.memref_slice %arg11[%dma_start3A_814, %dma_start3A_826, %dma_start3A_827] : memref<4x128x64xf32, #tpu.memory_space<vmem>> -> memref<1x128x64xf32, #tpu.memory_space<vmem>>
      %dma_start3A_829 = tpu.memref_squeeze %dma_start3A_828 : memref<1x128x64xf32, #tpu.memory_space<vmem>> -> memref<128x64xf32, #tpu.memory_space<vmem>>
      tpu.enqueue_dma source(%dma_start3A_829 : memref<128x64xf32, #tpu.memory_space<vmem>>) target(%dma_start3A_825 : memref<128x64xf32, #tpu.memory_space<hbm>>) target_semaphore(%dma_start3A_823 : memref<!tpu.dma_semaphore, #tpu.memory_space<semaphore_mem>>)
      %lt3A = arith.constant 25 : i32
      %lt3A_830 = arith.cmpi slt, %scan3A_770, %lt3A : i32
      %convert_element_type3A_831 = arith.extui %lt3A_830 : i1 to i32
      %cond3A_832 = arith.constant 0 : i32
      %cond3A_833 = arith.cmpi ne, %convert_element_type3A_831, %cond3A_832 : i32
      scf.if %cond3A_833 {
        %add3A_1032 = arith.constant 4 : i32
        %add3A_1033 = arith.addi %add3A_774, %add3A_1032 : i32
        %get3A_1034 = arith.index_cast %add3A_1033 : i32 to index
        %get3A_1035 = arith.constant 0 : index
        %get3A_1036 = tpu.vector_load %arg6[%get3A_1034, %get3A_1035] {strides = array<i32>} : memref<104x128xi32, #tpu.memory_space<vmem>>, vector<16xi32>,
        %shift_right_logical3A_1037 = arith.constant 16 : i32
        %shift_right_logical3A_1038 = vector.broadcast %shift_right_logical3A_1037 : i32 to vector<16xi32>
        %shift_right_logical3A_1039 = arith.shrui %get3A_1036, %shift_right_logical3A_1038 : vector<16xi32>
        %swap3A_1040 = arith.constant 0 : i32
        %swap3A_1041 = arith.index_cast %swap3A_1040 : i32 to index
        %swap3A_1042 = arith.constant 0 : index
        %swap3A_1043 = tpu.vector_load %arg7[%swap3A_1041, %swap3A_1042] {strides = array<i32>} : memref<4x128xi32, #tpu.memory_space<vmem>>, vector<16xi32>,
        tpu.vector_store %arg7[%swap3A_1041, %swap3A_1042], %shift_right_logical3A_1039 {strides = array<i32>} : memref<4x128xi32, #tpu.memory_space<vmem>>, vector<16xi32>,
        %and3A_1044 = arith.constant 65535 : i32
        %and3A_1045 = vector.broadcast %and3A_1044 : i32 to vector<16xi32>
        %and3A_1046 = arith.andi %get3A_1036, %and3A_1045 : vector<16xi32>
        %swap3A_1047 = arith.constant 0 : i32
        %swap3A_1048 = arith.index_cast %swap3A_1047 : i32 to index
        %swap3A_1049 = arith.constant 0 : index
        %swap3A_1050 = tpu.vector_load %arg8[%swap3A_1048, %swap3A_1049] {strides = array<i32>} : memref<4x128xi32, #tpu.memory_space<vmem>>, vector<16xi32>,
        tpu.vector_store %arg8[%swap3A_1048, %swap3A_1049], %and3A_1046 {strides = array<i32>} : memref<4x128xi32, #tpu.memory_space<vmem>>, vector<16xi32>,
        %get3A_1051 = arith.index_cast %add3A_1033 : i32 to index
        %get3A_1052 = arith.constant 16 : index
        %get3A_1053 = tpu.vector_load %arg6[%get3A_1051, %get3A_1052] {strides = array<i32>} : memref<104x128xi32, #tpu.memory_space<vmem>>, vector<16xi32>,
        %shift_right_logical3A_1054 = arith.constant 16 : i32
        %shift_right_logical3A_1055 = vector.broadcast %shift_right_logical3A_1054 : i32 to vector<16xi32>
        %shift_right_logical3A_1056 = arith.shrui %get3A_1053, %shift_right_logical3A_1055 : vector<16xi32>
        %swap3A_1057 = arith.constant 0 : i32
        %swap3A_1058 = arith.index_cast %swap3A_1057 : i32 to index
        %swap3A_1059 = arith.constant 16 : index
        %swap3A_1060 = tpu.vector_load %arg7[%swap3A_1058, %swap3A_1059] {strides = array<i32>} : memref<4x128xi32, #tpu.memory_space<vmem>>, vector<16xi32>,
        tpu.vector_store %arg7[%swap3A_1058, %swap3A_1059], %shift_right_logical3A_1056 {strides = array<i32>} : memref<4x128xi32, #tpu.memory_space<vmem>>, vector<16xi32>,
        %and3A_1061 = arith.constant 65535 : i32
        %and3A_1062 = vector.broadcast %and3A_1061 : i32 to vector<16xi32>
        %and3A_1063 = arith.andi %get3A_1053, %and3A_1062 : vector<16xi32>
        %swap3A_1064 = arith.constant 0 : i32
        %swap3A_1065 = arith.index_cast %swap3A_1064 : i32 to index
        %swap3A_1066 = arith.constant 16 : index
        %swap3A_1067 = tpu.vector_load %arg8[%swap3A_1065, %swap3A_1066] {strides = array<i32>} : memref<4x128xi32, #tpu.memory_space<vmem>>, vector<16xi32>,
        tpu.vector_store %arg8[%swap3A_1065, %swap3A_1066], %and3A_1063 {strides = array<i32>} : memref<4x128xi32, #tpu.memory_space<vmem>>, vector<16xi32>,
        %get3A_1068 = arith.index_cast %add3A_1033 : i32 to index
        %get3A_1069 = arith.constant 32 : index
        %get3A_1070 = tpu.vector_load %arg6[%get3A_1068, %get3A_1069] {strides = array<i32>} : memref<104x128xi32, #tpu.memory_space<vmem>>, vector<16xi32>,
        %shift_right_logical3A_1071 = arith.constant 16 : i32
        %shift_right_logical3A_1072 = vector.broadcast %shift_right_logical3A_1071 : i32 to vector<16xi32>
        %shift_right_logical3A_1073 = arith.shrui %get3A_1070, %shift_right_logical3A_1072 : vector<16xi32>
        %swap3A_1074 = arith.constant 0 : i32
        %swap3A_1075 = arith.index_cast %swap3A_1074 : i32 to index
        %swap3A_1076 = arith.constant 32 : index
        %swap3A_1077 = tpu.vector_load %arg7[%swap3A_1075, %swap3A_1076] {strides = array<i32>} : memref<4x128xi32, #tpu.memory_space<vmem>>, vector<16xi32>,
        tpu.vector_store %arg7[%swap3A_1075, %swap3A_1076], %shift_right_logical3A_1073 {strides = array<i32>} : memref<4x128xi32, #tpu.memory_space<vmem>>, vector<16xi32>,
        %and3A_1078 = arith.constant 65535 : i32
        %and3A_1079 = vector.broadcast %and3A_1078 : i32 to vector<16xi32>
        %and3A_1080 = arith.andi %get3A_1070, %and3A_1079 : vector<16xi32>
        %swap3A_1081 = arith.constant 0 : i32
        %swap3A_1082 = arith.index_cast %swap3A_1081 : i32 to index
        %swap3A_1083 = arith.constant 32 : index
        %swap3A_1084 = tpu.vector_load %arg8[%swap3A_1082, %swap3A_1083] {strides = array<i32>} : memref<4x128xi32, #tpu.memory_space<vmem>>, vector<16xi32>,
        tpu.vector_store %arg8[%swap3A_1082, %swap3A_1083], %and3A_1080 {strides = array<i32>} : memref<4x128xi32, #tpu.memory_space<vmem>>, vector<16xi32>,
        %get3A_1085 = arith.index_cast %add3A_1033 : i32 to index
        %get3A_1086 = arith.constant 48 : index
        %get3A_1087 = tpu.vector_load %arg6[%get3A_1085, %get3A_1086] {strides = array<i32>} : memref<104x128xi32, #tpu.memory_space<vmem>>, vector<16xi32>,
        %shift_right_logical3A_1088 = arith.constant 16 : i32
        %shift_right_logical3A_1089 = vector.broadcast %shift_right_logical3A_1088 : i32 to vector<16xi32>
        %shift_right_logical3A_1090 = arith.shrui %get3A_1087, %shift_right_logical3A_1089 : vector<16xi32>
        %swap3A_1091 = arith.constant 0 : i32
        %swap3A_1092 = arith.index_cast %swap3A_1091 : i32 to index
        %swap3A_1093 = arith.constant 48 : index
        %swap3A_1094 = tpu.vector_load %arg7[%swap3A_1092, %swap3A_1093] {strides = array<i32>} : memref<4x128xi32, #tpu.memory_space<vmem>>, vector<16xi32>,
        tpu.vector_store %arg7[%swap3A_1092, %swap3A_1093], %shift_right_logical3A_1090 {strides = array<i32>} : memref<4x128xi32, #tpu.memory_space<vmem>>, vector<16xi32>,
        %and3A_1095 = arith.constant 65535 : i32
        %and3A_1096 = vector.broadcast %and3A_1095 : i32 to vector<16xi32>
        %and3A_1097 = arith.andi %get3A_1087, %and3A_1096 : vector<16xi32>
        %swap3A_1098 = arith.constant 0 : i32
        %swap3A_1099 = arith.index_cast %swap3A_1098 : i32 to index
        %swap3A_1100 = arith.constant 48 : index
        %swap3A_1101 = tpu.vector_load %arg8[%swap3A_1099, %swap3A_1100] {strides = array<i32>} : memref<4x128xi32, #tpu.memory_space<vmem>>, vector<16xi32>,
        tpu.vector_store %arg8[%swap3A_1099, %swap3A_1100], %and3A_1097 {strides = array<i32>} : memref<4x128xi32, #tpu.memory_space<vmem>>, vector<16xi32>,
        %get3A_1102 = arith.index_cast %add3A_1033 : i32 to index
        %get3A_1103 = arith.constant 64 : index
        %get3A_1104 = tpu.vector_load %arg6[%get3A_1102, %get3A_1103] {strides = array<i32>} : memref<104x128xi32, #tpu.memory_space<vmem>>, vector<16xi32>,
        %shift_right_logical3A_1105 = arith.constant 16 : i32
        %shift_right_logical3A_1106 = vector.broadcast %shift_right_logical3A_1105 : i32 to vector<16xi32>
        %shift_right_logical3A_1107 = arith.shrui %get3A_1104, %shift_right_logical3A_1106 : vector<16xi32>
        %swap3A_1108 = arith.constant 0 : i32
        %swap3A_1109 = arith.index_cast %swap3A_1108 : i32 to index
        %swap3A_1110 = arith.constant 64 : index
        %swap3A_1111 = tpu.vector_load %arg7[%swap3A_1109, %swap3A_1110] {strides = array<i32>} : memref<4x128xi32, #tpu.memory_space<vmem>>, vector<16xi32>,
        tpu.vector_store %arg7[%swap3A_1109, %swap3A_1110], %shift_right_logical3A_1107 {strides = array<i32>} : memref<4x128xi32, #tpu.memory_space<vmem>>, vector<16xi32>,
        %and3A_1112 = arith.constant 65535 : i32
        %and3A_1113 = vector.broadcast %and3A_1112 : i32 to vector<16xi32>
        %and3A_1114 = arith.andi %get3A_1104, %and3A_1113 : vector<16xi32>
        %swap3A_1115 = arith.constant 0 : i32
        %swap3A_1116 = arith.index_cast %swap3A_1115 : i32 to index
        %swap3A_1117 = arith.constant 64 : index
        %swap3A_1118 = tpu.vector_load %arg8[%swap3A_1116, %swap3A_1117] {strides = array<i32>} : memref<4x128xi32, #tpu.memory_space<vmem>>, vector<16xi32>,
        tpu.vector_store %arg8[%swap3A_1116, %swap3A_1117], %and3A_1114 {strides = array<i32>} : memref<4x128xi32, #tpu.memory_space<vmem>>, vector<16xi32>,
        %get3A_1119 = arith.index_cast %add3A_1033 : i32 to index
        %get3A_1120 = arith.constant 80 : index
        %get3A_1121 = tpu.vector_load %arg6[%get3A_1119, %get3A_1120] {strides = array<i32>} : memref<104x128xi32, #tpu.memory_space<vmem>>, vector<16xi32>,
        %shift_right_logical3A_1122 = arith.constant 16 : i32
        %shift_right_logical3A_1123 = vector.broadcast %shift_right_logical3A_1122 : i32 to vector<16xi32>
        %shift_right_logical3A_1124 = arith.shrui %get3A_1121, %shift_right_logical3A_1123 : vector<16xi32>
        %swap3A_1125 = arith.constant 0 : i32
        %swap3A_1126 = arith.index_cast %swap3A_1125 : i32 to index
        %swap3A_1127 = arith.constant 80 : index
        %swap3A_1128 = tpu.vector_load %arg7[%swap3A_1126, %swap3A_1127] {strides = array<i32>} : memref<4x128xi32, #tpu.memory_space<vmem>>, vector<16xi32>,
        tpu.vector_store %arg7[%swap3A_1126, %swap3A_1127], %shift_right_logical3A_1124 {strides = array<i32>} : memref<4x128xi32, #tpu.memory_space<vmem>>, vector<16xi32>,
        %and3A_1129 = arith.constant 65535 : i32
        %and3A_1130 = vector.broadcast %and3A_1129 : i32 to vector<16xi32>
        %and3A_1131 = arith.andi %get3A_1121, %and3A_1130 : vector<16xi32>
        %swap3A_1132 = arith.constant 0 : i32
        %swap3A_1133 = arith.index_cast %swap3A_1132 : i32 to index
        %swap3A_1134 = arith.constant 80 : index
        %swap3A_1135 = tpu.vector_load %arg8[%swap3A_1133, %swap3A_1134] {strides = array<i32>} : memref<4x128xi32, #tpu.memory_space<vmem>>, vector<16xi32>,
        tpu.vector_store %arg8[%swap3A_1133, %swap3A_1134], %and3A_1131 {strides = array<i32>} : memref<4x128xi32, #tpu.memory_space<vmem>>, vector<16xi32>,
        %get3A_1136 = arith.index_cast %add3A_1033 : i32 to index
        %get3A_1137 = arith.constant 96 : index
        %get3A_1138 = tpu.vector_load %arg6[%get3A_1136, %get3A_1137] {strides = array<i32>} : memref<104x128xi32, #tpu.memory_space<vmem>>, vector<16xi32>,
        %shift_right_logical3A_1139 = arith.constant 16 : i32
        %shift_right_logical3A_1140 = vector.broadcast %shift_right_logical3A_1139 : i32 to vector<16xi32>
        %shift_right_logical3A_1141 = arith.shrui %get3A_1138, %shift_right_logical3A_1140 : vector<16xi32>
        %swap3A_1142 = arith.constant 0 : i32
        %swap3A_1143 = arith.index_cast %swap3A_1142 : i32 to index
        %swap3A_1144 = arith.constant 96 : index
        %swap3A_1145 = tpu.vector_load %arg7[%swap3A_1143, %swap3A_1144] {strides = array<i32>} : memref<4x128xi32, #tpu.memory_space<vmem>>, vector<16xi32>,
        tpu.vector_store %arg7[%swap3A_1143, %swap3A_1144], %shift_right_logical3A_1141 {strides = array<i32>} : memref<4x128xi32, #tpu.memory_space<vmem>>, vector<16xi32>,
        %and3A_1146 = arith.constant 65535 : i32
        %and3A_1147 = vector.broadcast %and3A_1146 : i32 to vector<16xi32>
        %and3A_1148 = arith.andi %get3A_1138, %and3A_1147 : vector<16xi32>
        %swap3A_1149 = arith.constant 0 : i32
        %swap3A_1150 = arith.index_cast %swap3A_1149 : i32 to index
        %swap3A_1151 = arith.constant 96 : index
        %swap3A_1152 = tpu.vector_load %arg8[%swap3A_1150, %swap3A_1151] {strides = array<i32>} : memref<4x128xi32, #tpu.memory_space<vmem>>, vector<16xi32>,
        tpu.vector_store %arg8[%swap3A_1150, %swap3A_1151], %and3A_1148 {strides = array<i32>} : memref<4x128xi32, #tpu.memory_space<vmem>>, vector<16xi32>,
        %get3A_1153 = arith.index_cast %add3A_1033 : i32 to index
        %get3A_1154 = arith.constant 112 : index
        %get3A_1155 = tpu.vector_load %arg6[%get3A_1153, %get3A_1154] {strides = array<i32>} : memref<104x128xi32, #tpu.memory_space<vmem>>, vector<16xi32>,
        %shift_right_logical3A_1156 = arith.constant 16 : i32
        %shift_right_logical3A_1157 = vector.broadcast %shift_right_logical3A_1156 : i32 to vector<16xi32>
        %shift_right_logical3A_1158 = arith.shrui %get3A_1155, %shift_right_logical3A_1157 : vector<16xi32>
        %swap3A_1159 = arith.constant 0 : i32
        %swap3A_1160 = arith.index_cast %swap3A_1159 : i32 to index
        %swap3A_1161 = arith.constant 112 : index
        %swap3A_1162 = tpu.vector_load %arg7[%swap3A_1160, %swap3A_1161] {strides = array<i32>} : memref<4x128xi32, #tpu.memory_space<vmem>>, vector<16xi32>,
        tpu.vector_store %arg7[%swap3A_1160, %swap3A_1161], %shift_right_logical3A_1158 {strides = array<i32>} : memref<4x128xi32, #tpu.memory_space<vmem>>, vector<16xi32>,
        %and3A_1163 = arith.constant 65535 : i32
        %and3A_1164 = vector.broadcast %and3A_1163 : i32 to vector<16xi32>
        %and3A_1165 = arith.andi %get3A_1155, %and3A_1164 : vector<16xi32>
        %swap3A_1166 = arith.constant 0 : i32
        %swap3A_1167 = arith.index_cast %swap3A_1166 : i32 to index
        %swap3A_1168 = arith.constant 112 : index
        %swap3A_1169 = tpu.vector_load %arg8[%swap3A_1167, %swap3A_1168] {strides = array<i32>} : memref<4x128xi32, #tpu.memory_space<vmem>>, vector<16xi32>,
        tpu.vector_store %arg8[%swap3A_1167, %swap3A_1168], %and3A_1165 {strides = array<i32>} : memref<4x128xi32, #tpu.memory_space<vmem>>, vector<16xi32>,
        %dma_start3A_1170 = arith.constant 0 : i32
        %dma_start3A_1171 = arith.constant 0 : i32
        %dma_start3A_1172 = arith.constant 0 : i32
        %dma_start3A_1173 = arith.constant 0 : i32
        %dma_start3A_1174 = arith.constant 0 : i32
        %dma_start3A_1175 = tpu.memref_slice %arg9[%dma_start3A_1171, %dma_start3A_1173, %dma_start3A_1174] : memref<4x128x32xi32, #tpu.memory_space<vmem>> -> memref<1x128x32xi32, #tpu.memory_space<vmem>>
        %dma_start3A_1176 = tpu.memref_squeeze %dma_start3A_1175 : memref<1x128x32xi32, #tpu.memory_space<vmem>> -> memref<128x32xi32, #tpu.memory_space<vmem>>
        %dma_start3A_1177 = arith.constant 0 : i32
        %dma_start3A_1178 = tpu.memref_slice %arg7[%dma_start3A_1170, %dma_start3A_1177] : memref<4x128xi32, #tpu.memory_space<vmem>> -> memref<1x128xi32, #tpu.memory_space<vmem>>
        %dma_start3A_1179 = tpu.memref_squeeze %dma_start3A_1178 : memref<1x128xi32, #tpu.memory_space<vmem>> -> memref<128xi32, #tpu.memory_space<vmem>>
        %dma_start3A_1180 = arith.constant 0 : i32
        %dma_start3A_1181 = arith.constant 0 : i32
        %dma_start3A_1182 = tpu.memref_slice %arg12[%dma_start3A_1180, %dma_start3A_1181] : memref<1000x32xi32, #tpu.memory_space<vmem_shared>> -> memref<1000x32xi32, #tpu.memory_space<vmem_shared>>
        %dma_start3A_1183 = tpu.memref_slice %arg14[%dma_start3A_1172] : memref<4x!tpu.dma_semaphore, #tpu.memory_space<semaphore_mem>> -> memref<1x!tpu.dma_semaphore, #tpu.memory_space<semaphore_mem>>
        %dma_start3A_1184 = tpu.memref_squeeze %dma_start3A_1183 : memref<1x!tpu.dma_semaphore, #tpu.memory_space<semaphore_mem>> -> memref<!tpu.dma_semaphore, #tpu.memory_space<semaphore_mem>>
        tpu.enqueue_indirect_dma source(%dma_start3A_1182 : memref<1000x32xi32, #tpu.memory_space<vmem_shared>>) target(%dma_start3A_1176 : memref<128x32xi32, #tpu.memory_space<vmem>>) offsets(%dma_start3A_1179 : memref<128xi32, #tpu.memory_space<vmem>>) semaphore(%dma_start3A_1184 : memref<!tpu.dma_semaphore, #tpu.memory_space<semaphore_mem>>)
        %dma_start3A_1185 = arith.constant 0 : i32
        %dma_start3A_1186 = arith.constant 0 : i32
        %dma_start3A_1187 = arith.constant 0 : i32
        %dma_start3A_1188 = arith.constant 0 : i32
        %dma_start3A_1189 = arith.constant 0 : i32
        %dma_start3A_1190 = tpu.memref_slice %arg10[%dma_start3A_1186, %dma_start3A_1188, %dma_start3A_1189] : memref<4x128x32xi32, #tpu.memory_space<vmem>> -> memref<1x128x32xi32, #tpu.memory_space<vmem>>
        %dma_start3A_1191 = tpu.memref_squeeze %dma_start3A_1190 : memref<1x128x32xi32, #tpu.memory_space<vmem>> -> memref<128x32xi32, #tpu.memory_space<vmem>>
        %dma_start3A_1192 = arith.constant 0 : i32
        %dma_start3A_1193 = tpu.memref_slice %arg8[%dma_start3A_1185, %dma_start3A_1192] : memref<4x128xi32, #tpu.memory_space<vmem>> -> memref<1x128xi32, #tpu.memory_space<vmem>>
        %dma_start3A_1194 = tpu.memref_squeeze %dma_start3A_1193 : memref<1x128xi32, #tpu.memory_space<vmem>> -> memref<128xi32, #tpu.memory_space<vmem>>
        %dma_start3A_1195 = arith.constant 0 : i32
        %dma_start3A_1196 = arith.constant 0 : i32
        %dma_start3A_1197 = tpu.memref_slice %arg13[%dma_start3A_1195, %dma_start3A_1196] : memref<1000x32xi32, #tpu.memory_space<vmem_shared>> -> memref<1000x32xi32, #tpu.memory_space<vmem_shared>>
        %dma_start3A_1198 = tpu.memref_slice %arg14[%dma_start3A_1187] : memref<4x!tpu.dma_semaphore, #tpu.memory_space<semaphore_mem>> -> memref<1x!tpu.dma_semaphore, #tpu.memory_space<semaphore_mem>>
        %dma_start3A_1199 = tpu.memref_squeeze %dma_start3A_1198 : memref<1x!tpu.dma_semaphore, #tpu.memory_space<semaphore_mem>> -> memref<!tpu.dma_semaphore, #tpu.memory_space<semaphore_mem>>
        tpu.enqueue_indirect_dma source(%dma_start3A_1197 : memref<1000x32xi32, #tpu.memory_space<vmem_shared>>) target(%dma_start3A_1191 : memref<128x32xi32, #tpu.memory_space<vmem>>) offsets(%dma_start3A_1194 : memref<128xi32, #tpu.memory_space<vmem>>) semaphore(%dma_start3A_1199 : memref<!tpu.dma_semaphore, #tpu.memory_space<semaphore_mem>>)
      } else {
      }
      %mul3A_834 = arith.constant 4 : i32
      %mul3A_835 = arith.muli %scan3A_770, %mul3A_834 : i32
      %add3A_836 = arith.constant 1 : i32
      %add3A_837 = arith.addi %mul3A_835, %add3A_836 : i32
      %gt3A_838 = arith.constant 0 : i32
      %gt3A_839 = arith.cmpi sgt, %scan3A_770, %gt3A_838 : i32
      %convert_element_type3A_840 = arith.extui %gt3A_839 : i1 to i32
      %cond3A_841 = arith.constant 0 : i32
      %cond3A_842 = arith.cmpi ne, %convert_element_type3A_840, %cond3A_841 : i32
      scf.if %cond3A_842 {
        %dma_wait3A_1032 = arith.constant 1 : i32
        %dma_wait3A_1033 = arith.constant 1 : i32
        %dma_wait3A_1034 = arith.constant 0 : i32
        %dma_wait3A_1035 = arith.constant 0 : i32
        %dma_wait3A_1036 = tpu.memref_slice %arg11[%dma_wait3A_1032, %dma_wait3A_1034, %dma_wait3A_1035] : memref<4x128x64xf32, #tpu.memory_space<vmem>> -> memref<1x128x64xf32, #tpu.memory_space<vmem>>
        %dma_wait3A_1037 = tpu.memref_squeeze %dma_wait3A_1036 : memref<1x128x64xf32, #tpu.memory_space<vmem>> -> memref<128x64xf32, #tpu.memory_space<vmem>>
        %dma_wait3A_1038 = arith.constant 0 : i32
        %dma_wait3A_1039 = tpu.memref_slice %arg5[%mul3A_2, %dma_wait3A_1038] : memref<425984x64xf32, #tpu.memory_space<hbm>> -> memref<128x64xf32, #tpu.memory_space<hbm>>
        %dma_wait3A_1040 = tpu.memref_slice %arg15[%dma_wait3A_1033] : memref<4x!tpu.dma_semaphore, #tpu.memory_space<semaphore_mem>> -> memref<1x!tpu.dma_semaphore, #tpu.memory_space<semaphore_mem>>
        %dma_wait3A_1041 = tpu.memref_squeeze %dma_wait3A_1040 : memref<1x!tpu.dma_semaphore, #tpu.memory_space<semaphore_mem>> -> memref<!tpu.dma_semaphore, #tpu.memory_space<semaphore_mem>>
        %dma_wait3A_1042 = arith.constant 0 : i32
        %dma_wait3A_1043 = tpu.memref_slice %arg5[%mul3A_2, %dma_wait3A_1042] : memref<425984x64xf32, #tpu.memory_space<hbm>> -> memref<128x64xf32, #tpu.memory_space<hbm>>
        %dma_wait3A_1044 = arith.constant 0 : i32
        %dma_wait3A_1045 = arith.constant 0 : i32
        %dma_wait3A_1046 = tpu.memref_slice %arg11[%dma_wait3A_1032, %dma_wait3A_1044, %dma_wait3A_1045] : memref<4x128x64xf32, #tpu.memory_space<vmem>> -> memref<1x128x64xf32, #tpu.memory_space<vmem>>
        %dma_wait3A_1047 = tpu.memref_squeeze %dma_wait3A_1046 : memref<1x128x64xf32, #tpu.memory_space<vmem>> -> memref<128x64xf32, #tpu.memory_space<vmem>>
        tpu.wait_dma2 semaphore(%dma_wait3A_1041 : memref<!tpu.dma_semaphore, #tpu.memory_space<semaphore_mem>>) src(%dma_wait3A_1047 : memref<128x64xf32, #tpu.memory_space<vmem>>) dst(%dma_wait3A_1043 : memref<128x64xf32, #tpu.memory_space<hbm>>)
      } else {
      }
      %dma_wait3A_843 = arith.constant 1 : i32
      %dma_wait3A_844 = arith.constant 1 : i32
      %dma_wait3A_845 = arith.constant 1 : i32
      %dma_wait3A_846 = arith.constant 0 : i32
      %dma_wait3A_847 = arith.constant 0 : i32
      %dma_wait3A_848 = tpu.memref_slice %arg9[%dma_wait3A_844, %dma_wait3A_846, %dma_wait3A_847] : memref<4x128x32xi32, #tpu.memory_space<vmem>> -> memref<1x128x32xi32, #tpu.memory_space<vmem>>
      %dma_wait3A_849 = tpu.memref_squeeze %dma_wait3A_848 : memref<1x128x32xi32, #tpu.memory_space<vmem>> -> memref<128x32xi32, #tpu.memory_space<vmem>>
      %dma_wait3A_850 = arith.constant 0 : i32
      %dma_wait3A_851 = tpu.memref_slice %arg7[%dma_wait3A_843, %dma_wait3A_850] : memref<4x128xi32, #tpu.memory_space<vmem>> -> memref<1x128xi32, #tpu.memory_space<vmem>>
      %dma_wait3A_852 = tpu.memref_squeeze %dma_wait3A_851 : memref<1x128xi32, #tpu.memory_space<vmem>> -> memref<128xi32, #tpu.memory_space<vmem>>
      %dma_wait3A_853 = arith.constant 0 : i32
      %dma_wait3A_854 = arith.constant 0 : i32
      %dma_wait3A_855 = tpu.memref_slice %arg12[%dma_wait3A_853, %dma_wait3A_854] : memref<1000x32xi32, #tpu.memory_space<vmem_shared>> -> memref<1000x32xi32, #tpu.memory_space<vmem_shared>>
      %dma_wait3A_856 = tpu.memref_slice %arg14[%dma_wait3A_845] : memref<4x!tpu.dma_semaphore, #tpu.memory_space<semaphore_mem>> -> memref<1x!tpu.dma_semaphore, #tpu.memory_space<semaphore_mem>>
      %dma_wait3A_857 = tpu.memref_squeeze %dma_wait3A_856 : memref<1x!tpu.dma_semaphore, #tpu.memory_space<semaphore_mem>> -> memref<!tpu.dma_semaphore, #tpu.memory_space<semaphore_mem>>
      tpu.wait_indirect_dma semaphore(%dma_wait3A_857 : memref<!tpu.dma_semaphore, #tpu.memory_space<semaphore_mem>>) src(%dma_wait3A_855 : memref<1000x32xi32, #tpu.memory_space<vmem_shared>>) dst(%dma_wait3A_849 : memref<128x32xi32, #tpu.memory_space<vmem>>)
      %dma_wait3A_858 = arith.constant 1 : i32
      %dma_wait3A_859 = arith.constant 1 : i32
      %dma_wait3A_860 = arith.constant 1 : i32
      %dma_wait3A_861 = arith.constant 0 : i32
      %dma_wait3A_862 = arith.constant 0 : i32
      %dma_wait3A_863 = tpu.memref_slice %arg10[%dma_wait3A_859, %dma_wait3A_861, %dma_wait3A_862] : memref<4x128x32xi32, #tpu.memory_space<vmem>> -> memref<1x128x32xi32, #tpu.memory_space<vmem>>
      %dma_wait3A_864 = tpu.memref_squeeze %dma_wait3A_863 : memref<1x128x32xi32, #tpu.memory_space<vmem>> -> memref<128x32xi32, #tpu.memory_space<vmem>>
      %dma_wait3A_865 = arith.constant 0 : i32
      %dma_wait3A_866 = tpu.memref_slice %arg8[%dma_wait3A_858, %dma_wait3A_865] : memref<4x128xi32, #tpu.memory_space<vmem>> -> memref<1x128xi32, #tpu.memory_space<vmem>>
      %dma_wait3A_867 = tpu.memref_squeeze %dma_wait3A_866 : memref<1x128xi32, #tpu.memory_space<vmem>> -> memref<128xi32, #tpu.memory_space<vmem>>
      %dma_wait3A_868 = arith.constant 0 : i32
      %dma_wait3A_869 = arith.constant 0 : i32
      %dma_wait3A_870 = tpu.memref_slice %arg13[%dma_wait3A_868, %dma_wait3A_869] : memref<1000x32xi32, #tpu.memory_space<vmem_shared>> -> memref<1000x32xi32, #tpu.memory_space<vmem_shared>>
      %dma_wait3A_871 = tpu.memref_slice %arg14[%dma_wait3A_860] : memref<4x!tpu.dma_semaphore, #tpu.memory_space<semaphore_mem>> -> memref<1x!tpu.dma_semaphore, #tpu.memory_space<semaphore_mem>>
      %dma_wait3A_872 = tpu.memref_squeeze %dma_wait3A_871 : memref<1x!tpu.dma_semaphore, #tpu.memory_space<semaphore_mem>> -> memref<!tpu.dma_semaphore, #tpu.memory_space<semaphore_mem>>
      tpu.wait_indirect_dma semaphore(%dma_wait3A_872 : memref<!tpu.dma_semaphore, #tpu.memory_space<semaphore_mem>>) src(%dma_wait3A_870 : memref<1000x32xi32, #tpu.memory_space<vmem_shared>>) dst(%dma_wait3A_864 : memref<128x32xi32, #tpu.memory_space<vmem>>)
      %parallel_loop3A_873 = arith.constant 0 : i32
      %parallel_loop3A_874 = arith.constant 128 : i32
      %parallel_loop3A_875 = arith.constant 1 : i32
      scf.for %parallel_loop3A_1032 = %parallel_loop3A_873 to %parallel_loop3A_874 step %parallel_loop3A_875  : i32 {
        %parallel_loop3A_1033 = arith.constant 1 : i32
        %parallel_loop3A_1034 = arith.index_cast %parallel_loop3A_1033 : i32 to index
        %parallel_loop3A_1035 = arith.index_cast %parallel_loop3A_1032 : i32 to index
        %parallel_loop3A_1036 = arith.constant 0 : index
        %parallel_loop3A_1037 = tpu.vector_load %arg9[%parallel_loop3A_1034, %parallel_loop3A_1035, %parallel_loop3A_1036] {strides = array<i32>} : memref<4x128x32xi32, #tpu.memory_space<vmem>>, vector<16xi32>,
        %parallel_loop3A_1038 = vector.bitcast %parallel_loop3A_1037 : vector<16xi32> to vector<32xbf16>
        %parallel_loop3A_1039 = arith.constant 1 : i32
        %parallel_loop3A_1040 = arith.index_cast %parallel_loop3A_1039 : i32 to index
        %parallel_loop3A_1041 = arith.index_cast %parallel_loop3A_1032 : i32 to index
        %parallel_loop3A_1042 = arith.constant 0 : index
        %parallel_loop3A_1043 = tpu.vector_load %arg10[%parallel_loop3A_1040, %parallel_loop3A_1041, %parallel_loop3A_1042] {strides = array<i32>} : memref<4x128x32xi32, #tpu.memory_space<vmem>>, vector<16xi32>,
        %parallel_loop3A_1044 = vector.bitcast %parallel_loop3A_1043 : vector<16xi32> to vector<32xbf16>
        %parallel_loop3A_1045 = tpu.unpack_subelements %parallel_loop3A_1038, 0 {pack_format = #tpu.pack_format<interleaved>} : vector<32xbf16> -> vector<16xf32>
        %parallel_loop3A_1046 = tpu.unpack_subelements %parallel_loop3A_1038, 1 {pack_format = #tpu.pack_format<interleaved>} : vector<32xbf16> -> vector<16xf32>
        %parallel_loop3A_1047 = tpu.unpack_subelements %parallel_loop3A_1044, 0 {pack_format = #tpu.pack_format<interleaved>} : vector<32xbf16> -> vector<16xf32>
        %parallel_loop3A_1048 = tpu.unpack_subelements %parallel_loop3A_1044, 1 {pack_format = #tpu.pack_format<interleaved>} : vector<32xbf16> -> vector<16xf32>
        %parallel_loop3A_1049 = arith.mulf %parallel_loop3A_1045, %parallel_loop3A_1047 : vector<16xf32>
        %parallel_loop3A_1050 = arith.constant 1 : i32
        %parallel_loop3A_1051 = arith.index_cast %parallel_loop3A_1050 : i32 to index
        %parallel_loop3A_1052 = arith.index_cast %parallel_loop3A_1032 : i32 to index
        %parallel_loop3A_1053 = arith.constant 0 : index
        %parallel_loop3A_1054 = tpu.vector_load %arg11[%parallel_loop3A_1051, %parallel_loop3A_1052, %parallel_loop3A_1053] {strides = array<i32>} : memref<4x128x64xf32, #tpu.memory_space<vmem>>, vector<16xf32>,
        tpu.vector_store %arg11[%parallel_loop3A_1051, %parallel_loop3A_1052, %parallel_loop3A_1053], %parallel_loop3A_1049 {strides = array<i32>} : memref<4x128x64xf32, #tpu.memory_space<vmem>>, vector<16xf32>,
        %parallel_loop3A_1055 = arith.mulf %parallel_loop3A_1046, %parallel_loop3A_1048 : vector<16xf32>
        %parallel_loop3A_1056 = arith.constant 1 : i32
        %parallel_loop3A_1057 = arith.index_cast %parallel_loop3A_1056 : i32 to index
        %parallel_loop3A_1058 = arith.index_cast %parallel_loop3A_1032 : i32 to index
        %parallel_loop3A_1059 = arith.constant 16 : index
        %parallel_loop3A_1060 = tpu.vector_load %arg11[%parallel_loop3A_1057, %parallel_loop3A_1058, %parallel_loop3A_1059] {strides = array<i32>} : memref<4x128x64xf32, #tpu.memory_space<vmem>>, vector<16xf32>,
        tpu.vector_store %arg11[%parallel_loop3A_1057, %parallel_loop3A_1058, %parallel_loop3A_1059], %parallel_loop3A_1055 {strides = array<i32>} : memref<4x128x64xf32, #tpu.memory_space<vmem>>, vector<16xf32>,
        %parallel_loop3A_1061 = arith.constant 1 : i32
        %parallel_loop3A_1062 = arith.index_cast %parallel_loop3A_1061 : i32 to index
        %parallel_loop3A_1063 = arith.index_cast %parallel_loop3A_1032 : i32 to index
        %parallel_loop3A_1064 = arith.constant 16 : index
        %parallel_loop3A_1065 = tpu.vector_load %arg9[%parallel_loop3A_1062, %parallel_loop3A_1063, %parallel_loop3A_1064] {strides = array<i32>} : memref<4x128x32xi32, #tpu.memory_space<vmem>>, vector<16xi32>,
        %parallel_loop3A_1066 = vector.bitcast %parallel_loop3A_1065 : vector<16xi32> to vector<32xbf16>
        %parallel_loop3A_1067 = arith.constant 1 : i32
        %parallel_loop3A_1068 = arith.index_cast %parallel_loop3A_1067 : i32 to index
        %parallel_loop3A_1069 = arith.index_cast %parallel_loop3A_1032 : i32 to index
        %parallel_loop3A_1070 = arith.constant 16 : index
        %parallel_loop3A_1071 = tpu.vector_load %arg10[%parallel_loop3A_1068, %parallel_loop3A_1069, %parallel_loop3A_1070] {strides = array<i32>} : memref<4x128x32xi32, #tpu.memory_space<vmem>>, vector<16xi32>,
        %parallel_loop3A_1072 = vector.bitcast %parallel_loop3A_1071 : vector<16xi32> to vector<32xbf16>
        %parallel_loop3A_1073 = tpu.unpack_subelements %parallel_loop3A_1066, 0 {pack_format = #tpu.pack_format<interleaved>} : vector<32xbf16> -> vector<16xf32>
        %parallel_loop3A_1074 = tpu.unpack_subelements %parallel_loop3A_1066, 1 {pack_format = #tpu.pack_format<interleaved>} : vector<32xbf16> -> vector<16xf32>
        %parallel_loop3A_1075 = tpu.unpack_subelements %parallel_loop3A_1072, 0 {pack_format = #tpu.pack_format<interleaved>} : vector<32xbf16> -> vector<16xf32>
        %parallel_loop3A_1076 = tpu.unpack_subelements %parallel_loop3A_1072, 1 {pack_format = #tpu.pack_format<interleaved>} : vector<32xbf16> -> vector<16xf32>
        %parallel_loop3A_1077 = arith.mulf %parallel_loop3A_1073, %parallel_loop3A_1075 : vector<16xf32>
        %parallel_loop3A_1078 = arith.constant 1 : i32
        %parallel_loop3A_1079 = arith.index_cast %parallel_loop3A_1078 : i32 to index
        %parallel_loop3A_1080 = arith.index_cast %parallel_loop3A_1032 : i32 to index
        %parallel_loop3A_1081 = arith.constant 32 : index
        %parallel_loop3A_1082 = tpu.vector_load %arg11[%parallel_loop3A_1079, %parallel_loop3A_1080, %parallel_loop3A_1081] {strides = array<i32>} : memref<4x128x64xf32, #tpu.memory_space<vmem>>, vector<16xf32>,
        tpu.vector_store %arg11[%parallel_loop3A_1079, %parallel_loop3A_1080, %parallel_loop3A_1081], %parallel_loop3A_1077 {strides = array<i32>} : memref<4x128x64xf32, #tpu.memory_space<vmem>>, vector<16xf32>,
        %parallel_loop3A_1083 = arith.mulf %parallel_loop3A_1074, %parallel_loop3A_1076 : vector<16xf32>
        %parallel_loop3A_1084 = arith.constant 1 : i32
        %parallel_loop3A_1085 = arith.index_cast %parallel_loop3A_1084 : i32 to index
        %parallel_loop3A_1086 = arith.index_cast %parallel_loop3A_1032 : i32 to index
        %parallel_loop3A_1087 = arith.constant 48 : index
        %parallel_loop3A_1088 = tpu.vector_load %arg11[%parallel_loop3A_1085, %parallel_loop3A_1086, %parallel_loop3A_1087] {strides = array<i32>} : memref<4x128x64xf32, #tpu.memory_space<vmem>>, vector<16xf32>,
        tpu.vector_store %arg11[%parallel_loop3A_1085, %parallel_loop3A_1086, %parallel_loop3A_1087], %parallel_loop3A_1083 {strides = array<i32>} : memref<4x128x64xf32, #tpu.memory_space<vmem>>, vector<16xf32>,
      } {sc.loop_unroll_factor = 4 : i64, sc.parallel_access}
      %mul3A_876 = arith.constant 128 : i32
      %mul3A_877 = arith.muli %add3A_837, %mul3A_876 : i32
      %add3A_878 = arith.addi %mul3A_2, %mul3A_877 : i32
      %dma_start3A_879 = arith.constant 1 : i32
      %dma_start3A_880 = arith.constant 1 : i32
      %dma_start3A_881 = arith.constant 0 : i32
      %dma_start3A_882 = arith.constant 0 : i32
      %dma_start3A_883 = tpu.memref_slice %arg11[%dma_start3A_879, %dma_start3A_881, %dma_start3A_882] : memref<4x128x64xf32, #tpu.memory_space<vmem>> -> memref<1x128x64xf32, #tpu.memory_space<vmem>>
      %dma_start3A_884 = tpu.memref_squeeze %dma_start3A_883 : memref<1x128x64xf32, #tpu.memory_space<vmem>> -> memref<128x64xf32, #tpu.memory_space<vmem>>
      %dma_start3A_885 = arith.constant 0 : i32
      %dma_start3A_886 = tpu.memref_slice %arg5[%add3A_878, %dma_start3A_885] : memref<425984x64xf32, #tpu.memory_space<hbm>> -> memref<128x64xf32, #tpu.memory_space<hbm>>
      %dma_start3A_887 = tpu.memref_slice %arg15[%dma_start3A_880] : memref<4x!tpu.dma_semaphore, #tpu.memory_space<semaphore_mem>> -> memref<1x!tpu.dma_semaphore, #tpu.memory_space<semaphore_mem>>
      %dma_start3A_888 = tpu.memref_squeeze %dma_start3A_887 : memref<1x!tpu.dma_semaphore, #tpu.memory_space<semaphore_mem>> -> memref<!tpu.dma_semaphore, #tpu.memory_space<semaphore_mem>>
      %dma_start3A_889 = arith.constant 0 : i32
      %dma_start3A_890 = tpu.memref_slice %arg5[%add3A_878, %dma_start3A_889] : memref<425984x64xf32, #tpu.memory_space<hbm>> -> memref<128x64xf32, #tpu.memory_space<hbm>>
      %dma_start3A_891 = arith.constant 0 : i32
      %dma_start3A_892 = arith.constant 0 : i32
      %dma_start3A_893 = tpu.memref_slice %arg11[%dma_start3A_879, %dma_start3A_891, %dma_start3A_892] : memref<4x128x64xf32, #tpu.memory_space<vmem>> -> memref<1x128x64xf32, #tpu.memory_space<vmem>>
      %dma_start3A_894 = tpu.memref_squeeze %dma_start3A_893 : memref<1x128x64xf32, #tpu.memory_space<vmem>> -> memref<128x64xf32, #tpu.memory_space<vmem>>
      tpu.enqueue_dma source(%dma_start3A_894 : memref<128x64xf32, #tpu.memory_space<vmem>>) target(%dma_start3A_890 : memref<128x64xf32, #tpu.memory_space<hbm>>) target_semaphore(%dma_start3A_888 : memref<!tpu.dma_semaphore, #tpu.memory_space<semaphore_mem>>)
      %lt3A_895 = arith.constant 25 : i32
      %lt3A_896 = arith.cmpi slt, %scan3A_770, %lt3A_895 : i32
      %convert_element_type3A_897 = arith.extui %lt3A_896 : i1 to i32
      %cond3A_898 = arith.constant 0 : i32
      %cond3A_899 = arith.cmpi ne, %convert_element_type3A_897, %cond3A_898 : i32
      scf.if %cond3A_899 {
        %add3A_1032 = arith.constant 4 : i32
        %add3A_1033 = arith.addi %add3A_837, %add3A_1032 : i32
        %get3A_1034 = arith.index_cast %add3A_1033 : i32 to index
        %get3A_1035 = arith.constant 0 : index
        %get3A_1036 = tpu.vector_load %arg6[%get3A_1034, %get3A_1035] {strides = array<i32>} : memref<104x128xi32, #tpu.memory_space<vmem>>, vector<16xi32>,
        %shift_right_logical3A_1037 = arith.constant 16 : i32
        %shift_right_logical3A_1038 = vector.broadcast %shift_right_logical3A_1037 : i32 to vector<16xi32>
        %shift_right_logical3A_1039 = arith.shrui %get3A_1036, %shift_right_logical3A_1038 : vector<16xi32>
        %swap3A_1040 = arith.constant 1 : i32
        %swap3A_1041 = arith.index_cast %swap3A_1040 : i32 to index
        %swap3A_1042 = arith.constant 0 : index
        %swap3A_1043 = tpu.vector_load %arg7[%swap3A_1041, %swap3A_1042] {strides = array<i32>} : memref<4x128xi32, #tpu.memory_space<vmem>>, vector<16xi32>,
        tpu.vector_store %arg7[%swap3A_1041, %swap3A_1042], %shift_right_logical3A_1039 {strides = array<i32>} : memref<4x128xi32, #tpu.memory_space<vmem>>, vector<16xi32>,
        %and3A_1044 = arith.constant 65535 : i32
        %and3A_1045 = vector.broadcast %and3A_1044 : i32 to vector<16xi32>
        %and3A_1046 = arith.andi %get3A_1036, %and3A_1045 : vector<16xi32>
        %swap3A_1047 = arith.constant 1 : i32
        %swap3A_1048 = arith.index_cast %swap3A_1047 : i32 to index
        %swap3A_1049 = arith.constant 0 : index
        %swap3A_1050 = tpu.vector_load %arg8[%swap3A_1048, %swap3A_1049] {strides = array<i32>} : memref<4x128xi32, #tpu.memory_space<vmem>>, vector<16xi32>,
        tpu.vector_store %arg8[%swap3A_1048, %swap3A_1049], %and3A_1046 {strides = array<i32>} : memref<4x128xi32, #tpu.memory_space<vmem>>, vector<16xi32>,
        %get3A_1051 = arith.index_cast %add3A_1033 : i32 to index
        %get3A_1052 = arith.constant 16 : index
        %get3A_1053 = tpu.vector_load %arg6[%get3A_1051, %get3A_1052] {strides = array<i32>} : memref<104x128xi32, #tpu.memory_space<vmem>>, vector<16xi32>,
        %shift_right_logical3A_1054 = arith.constant 16 : i32
        %shift_right_logical3A_1055 = vector.broadcast %shift_right_logical3A_1054 : i32 to vector<16xi32>
        %shift_right_logical3A_1056 = arith.shrui %get3A_1053, %shift_right_logical3A_1055 : vector<16xi32>
        %swap3A_1057 = arith.constant 1 : i32
        %swap3A_1058 = arith.index_cast %swap3A_1057 : i32 to index
        %swap3A_1059 = arith.constant 16 : index
        %swap3A_1060 = tpu.vector_load %arg7[%swap3A_1058, %swap3A_1059] {strides = array<i32>} : memref<4x128xi32, #tpu.memory_space<vmem>>, vector<16xi32>,
        tpu.vector_store %arg7[%swap3A_1058, %swap3A_1059], %shift_right_logical3A_1056 {strides = array<i32>} : memref<4x128xi32, #tpu.memory_space<vmem>>, vector<16xi32>,
        %and3A_1061 = arith.constant 65535 : i32
        %and3A_1062 = vector.broadcast %and3A_1061 : i32 to vector<16xi32>
        %and3A_1063 = arith.andi %get3A_1053, %and3A_1062 : vector<16xi32>
        %swap3A_1064 = arith.constant 1 : i32
        %swap3A_1065 = arith.index_cast %swap3A_1064 : i32 to index
        %swap3A_1066 = arith.constant 16 : index
        %swap3A_1067 = tpu.vector_load %arg8[%swap3A_1065, %swap3A_1066] {strides = array<i32>} : memref<4x128xi32, #tpu.memory_space<vmem>>, vector<16xi32>,
        tpu.vector_store %arg8[%swap3A_1065, %swap3A_1066], %and3A_1063 {strides = array<i32>} : memref<4x128xi32, #tpu.memory_space<vmem>>, vector<16xi32>,
        %get3A_1068 = arith.index_cast %add3A_1033 : i32 to index
        %get3A_1069 = arith.constant 32 : index
        %get3A_1070 = tpu.vector_load %arg6[%get3A_1068, %get3A_1069] {strides = array<i32>} : memref<104x128xi32, #tpu.memory_space<vmem>>, vector<16xi32>,
        %shift_right_logical3A_1071 = arith.constant 16 : i32
        %shift_right_logical3A_1072 = vector.broadcast %shift_right_logical3A_1071 : i32 to vector<16xi32>
        %shift_right_logical3A_1073 = arith.shrui %get3A_1070, %shift_right_logical3A_1072 : vector<16xi32>
        %swap3A_1074 = arith.constant 1 : i32
        %swap3A_1075 = arith.index_cast %swap3A_1074 : i32 to index
        %swap3A_1076 = arith.constant 32 : index
        %swap3A_1077 = tpu.vector_load %arg7[%swap3A_1075, %swap3A_1076] {strides = array<i32>} : memref<4x128xi32, #tpu.memory_space<vmem>>, vector<16xi32>,
        tpu.vector_store %arg7[%swap3A_1075, %swap3A_1076], %shift_right_logical3A_1073 {strides = array<i32>} : memref<4x128xi32, #tpu.memory_space<vmem>>, vector<16xi32>,
        %and3A_1078 = arith.constant 65535 : i32
        %and3A_1079 = vector.broadcast %and3A_1078 : i32 to vector<16xi32>
        %and3A_1080 = arith.andi %get3A_1070, %and3A_1079 : vector<16xi32>
        %swap3A_1081 = arith.constant 1 : i32
        %swap3A_1082 = arith.index_cast %swap3A_1081 : i32 to index
        %swap3A_1083 = arith.constant 32 : index
        %swap3A_1084 = tpu.vector_load %arg8[%swap3A_1082, %swap3A_1083] {strides = array<i32>} : memref<4x128xi32, #tpu.memory_space<vmem>>, vector<16xi32>,
        tpu.vector_store %arg8[%swap3A_1082, %swap3A_1083], %and3A_1080 {strides = array<i32>} : memref<4x128xi32, #tpu.memory_space<vmem>>, vector<16xi32>,
        %get3A_1085 = arith.index_cast %add3A_1033 : i32 to index
        %get3A_1086 = arith.constant 48 : index
        %get3A_1087 = tpu.vector_load %arg6[%get3A_1085, %get3A_1086] {strides = array<i32>} : memref<104x128xi32, #tpu.memory_space<vmem>>, vector<16xi32>,
        %shift_right_logical3A_1088 = arith.constant 16 : i32
        %shift_right_logical3A_1089 = vector.broadcast %shift_right_logical3A_1088 : i32 to vector<16xi32>
        %shift_right_logical3A_1090 = arith.shrui %get3A_1087, %shift_right_logical3A_1089 : vector<16xi32>
        %swap3A_1091 = arith.constant 1 : i32
        %swap3A_1092 = arith.index_cast %swap3A_1091 : i32 to index
        %swap3A_1093 = arith.constant 48 : index
        %swap3A_1094 = tpu.vector_load %arg7[%swap3A_1092, %swap3A_1093] {strides = array<i32>} : memref<4x128xi32, #tpu.memory_space<vmem>>, vector<16xi32>,
        tpu.vector_store %arg7[%swap3A_1092, %swap3A_1093], %shift_right_logical3A_1090 {strides = array<i32>} : memref<4x128xi32, #tpu.memory_space<vmem>>, vector<16xi32>,
        %and3A_1095 = arith.constant 65535 : i32
        %and3A_1096 = vector.broadcast %and3A_1095 : i32 to vector<16xi32>
        %and3A_1097 = arith.andi %get3A_1087, %and3A_1096 : vector<16xi32>
        %swap3A_1098 = arith.constant 1 : i32
        %swap3A_1099 = arith.index_cast %swap3A_1098 : i32 to index
        %swap3A_1100 = arith.constant 48 : index
        %swap3A_1101 = tpu.vector_load %arg8[%swap3A_1099, %swap3A_1100] {strides = array<i32>} : memref<4x128xi32, #tpu.memory_space<vmem>>, vector<16xi32>,
        tpu.vector_store %arg8[%swap3A_1099, %swap3A_1100], %and3A_1097 {strides = array<i32>} : memref<4x128xi32, #tpu.memory_space<vmem>>, vector<16xi32>,
        %get3A_1102 = arith.index_cast %add3A_1033 : i32 to index
        %get3A_1103 = arith.constant 64 : index
        %get3A_1104 = tpu.vector_load %arg6[%get3A_1102, %get3A_1103] {strides = array<i32>} : memref<104x128xi32, #tpu.memory_space<vmem>>, vector<16xi32>,
        %shift_right_logical3A_1105 = arith.constant 16 : i32
        %shift_right_logical3A_1106 = vector.broadcast %shift_right_logical3A_1105 : i32 to vector<16xi32>
        %shift_right_logical3A_1107 = arith.shrui %get3A_1104, %shift_right_logical3A_1106 : vector<16xi32>
        %swap3A_1108 = arith.constant 1 : i32
        %swap3A_1109 = arith.index_cast %swap3A_1108 : i32 to index
        %swap3A_1110 = arith.constant 64 : index
        %swap3A_1111 = tpu.vector_load %arg7[%swap3A_1109, %swap3A_1110] {strides = array<i32>} : memref<4x128xi32, #tpu.memory_space<vmem>>, vector<16xi32>,
        tpu.vector_store %arg7[%swap3A_1109, %swap3A_1110], %shift_right_logical3A_1107 {strides = array<i32>} : memref<4x128xi32, #tpu.memory_space<vmem>>, vector<16xi32>,
        %and3A_1112 = arith.constant 65535 : i32
        %and3A_1113 = vector.broadcast %and3A_1112 : i32 to vector<16xi32>
        %and3A_1114 = arith.andi %get3A_1104, %and3A_1113 : vector<16xi32>
        %swap3A_1115 = arith.constant 1 : i32
        %swap3A_1116 = arith.index_cast %swap3A_1115 : i32 to index
        %swap3A_1117 = arith.constant 64 : index
        %swap3A_1118 = tpu.vector_load %arg8[%swap3A_1116, %swap3A_1117] {strides = array<i32>} : memref<4x128xi32, #tpu.memory_space<vmem>>, vector<16xi32>,
        tpu.vector_store %arg8[%swap3A_1116, %swap3A_1117], %and3A_1114 {strides = array<i32>} : memref<4x128xi32, #tpu.memory_space<vmem>>, vector<16xi32>,
        %get3A_1119 = arith.index_cast %add3A_1033 : i32 to index
        %get3A_1120 = arith.constant 80 : index
        %get3A_1121 = tpu.vector_load %arg6[%get3A_1119, %get3A_1120] {strides = array<i32>} : memref<104x128xi32, #tpu.memory_space<vmem>>, vector<16xi32>,
        %shift_right_logical3A_1122 = arith.constant 16 : i32
        %shift_right_logical3A_1123 = vector.broadcast %shift_right_logical3A_1122 : i32 to vector<16xi32>
        %shift_right_logical3A_1124 = arith.shrui %get3A_1121, %shift_right_logical3A_1123 : vector<16xi32>
        %swap3A_1125 = arith.constant 1 : i32
        %swap3A_1126 = arith.index_cast %swap3A_1125 : i32 to index
        %swap3A_1127 = arith.constant 80 : index
        %swap3A_1128 = tpu.vector_load %arg7[%swap3A_1126, %swap3A_1127] {strides = array<i32>} : memref<4x128xi32, #tpu.memory_space<vmem>>, vector<16xi32>,
        tpu.vector_store %arg7[%swap3A_1126, %swap3A_1127], %shift_right_logical3A_1124 {strides = array<i32>} : memref<4x128xi32, #tpu.memory_space<vmem>>, vector<16xi32>,
        %and3A_1129 = arith.constant 65535 : i32
        %and3A_1130 = vector.broadcast %and3A_1129 : i32 to vector<16xi32>
        %and3A_1131 = arith.andi %get3A_1121, %and3A_1130 : vector<16xi32>
        %swap3A_1132 = arith.constant 1 : i32
        %swap3A_1133 = arith.index_cast %swap3A_1132 : i32 to index
        %swap3A_1134 = arith.constant 80 : index
        %swap3A_1135 = tpu.vector_load %arg8[%swap3A_1133, %swap3A_1134] {strides = array<i32>} : memref<4x128xi32, #tpu.memory_space<vmem>>, vector<16xi32>,
        tpu.vector_store %arg8[%swap3A_1133, %swap3A_1134], %and3A_1131 {strides = array<i32>} : memref<4x128xi32, #tpu.memory_space<vmem>>, vector<16xi32>,
        %get3A_1136 = arith.index_cast %add3A_1033 : i32 to index
        %get3A_1137 = arith.constant 96 : index
        %get3A_1138 = tpu.vector_load %arg6[%get3A_1136, %get3A_1137] {strides = array<i32>} : memref<104x128xi32, #tpu.memory_space<vmem>>, vector<16xi32>,
        %shift_right_logical3A_1139 = arith.constant 16 : i32
        %shift_right_logical3A_1140 = vector.broadcast %shift_right_logical3A_1139 : i32 to vector<16xi32>
        %shift_right_logical3A_1141 = arith.shrui %get3A_1138, %shift_right_logical3A_1140 : vector<16xi32>
        %swap3A_1142 = arith.constant 1 : i32
        %swap3A_1143 = arith.index_cast %swap3A_1142 : i32 to index
        %swap3A_1144 = arith.constant 96 : index
        %swap3A_1145 = tpu.vector_load %arg7[%swap3A_1143, %swap3A_1144] {strides = array<i32>} : memref<4x128xi32, #tpu.memory_space<vmem>>, vector<16xi32>,
        tpu.vector_store %arg7[%swap3A_1143, %swap3A_1144], %shift_right_logical3A_1141 {strides = array<i32>} : memref<4x128xi32, #tpu.memory_space<vmem>>, vector<16xi32>,
        %and3A_1146 = arith.constant 65535 : i32
        %and3A_1147 = vector.broadcast %and3A_1146 : i32 to vector<16xi32>
        %and3A_1148 = arith.andi %get3A_1138, %and3A_1147 : vector<16xi32>
        %swap3A_1149 = arith.constant 1 : i32
        %swap3A_1150 = arith.index_cast %swap3A_1149 : i32 to index
        %swap3A_1151 = arith.constant 96 : index
        %swap3A_1152 = tpu.vector_load %arg8[%swap3A_1150, %swap3A_1151] {strides = array<i32>} : memref<4x128xi32, #tpu.memory_space<vmem>>, vector<16xi32>,
        tpu.vector_store %arg8[%swap3A_1150, %swap3A_1151], %and3A_1148 {strides = array<i32>} : memref<4x128xi32, #tpu.memory_space<vmem>>, vector<16xi32>,
        %get3A_1153 = arith.index_cast %add3A_1033 : i32 to index
        %get3A_1154 = arith.constant 112 : index
        %get3A_1155 = tpu.vector_load %arg6[%get3A_1153, %get3A_1154] {strides = array<i32>} : memref<104x128xi32, #tpu.memory_space<vmem>>, vector<16xi32>,
        %shift_right_logical3A_1156 = arith.constant 16 : i32
        %shift_right_logical3A_1157 = vector.broadcast %shift_right_logical3A_1156 : i32 to vector<16xi32>
        %shift_right_logical3A_1158 = arith.shrui %get3A_1155, %shift_right_logical3A_1157 : vector<16xi32>
        %swap3A_1159 = arith.constant 1 : i32
        %swap3A_1160 = arith.index_cast %swap3A_1159 : i32 to index
        %swap3A_1161 = arith.constant 112 : index
        %swap3A_1162 = tpu.vector_load %arg7[%swap3A_1160, %swap3A_1161] {strides = array<i32>} : memref<4x128xi32, #tpu.memory_space<vmem>>, vector<16xi32>,
        tpu.vector_store %arg7[%swap3A_1160, %swap3A_1161], %shift_right_logical3A_1158 {strides = array<i32>} : memref<4x128xi32, #tpu.memory_space<vmem>>, vector<16xi32>,
        %and3A_1163 = arith.constant 65535 : i32
        %and3A_1164 = vector.broadcast %and3A_1163 : i32 to vector<16xi32>
        %and3A_1165 = arith.andi %get3A_1155, %and3A_1164 : vector<16xi32>
        %swap3A_1166 = arith.constant 1 : i32
        %swap3A_1167 = arith.index_cast %swap3A_1166 : i32 to index
        %swap3A_1168 = arith.constant 112 : index
        %swap3A_1169 = tpu.vector_load %arg8[%swap3A_1167, %swap3A_1168] {strides = array<i32>} : memref<4x128xi32, #tpu.memory_space<vmem>>, vector<16xi32>,
        tpu.vector_store %arg8[%swap3A_1167, %swap3A_1168], %and3A_1165 {strides = array<i32>} : memref<4x128xi32, #tpu.memory_space<vmem>>, vector<16xi32>,
        %dma_start3A_1170 = arith.constant 1 : i32
        %dma_start3A_1171 = arith.constant 1 : i32
        %dma_start3A_1172 = arith.constant 1 : i32
        %dma_start3A_1173 = arith.constant 0 : i32
        %dma_start3A_1174 = arith.constant 0 : i32
        %dma_start3A_1175 = tpu.memref_slice %arg9[%dma_start3A_1171, %dma_start3A_1173, %dma_start3A_1174] : memref<4x128x32xi32, #tpu.memory_space<vmem>> -> memref<1x128x32xi32, #tpu.memory_space<vmem>>
        %dma_start3A_1176 = tpu.memref_squeeze %dma_start3A_1175 : memref<1x128x32xi32, #tpu.memory_space<vmem>> -> memref<128x32xi32, #tpu.memory_space<vmem>>
        %dma_start3A_1177 = arith.constant 0 : i32
        %dma_start3A_1178 = tpu.memref_slice %arg7[%dma_start3A_1170, %dma_start3A_1177] : memref<4x128xi32, #tpu.memory_space<vmem>> -> memref<1x128xi32, #tpu.memory_space<vmem>>
        %dma_start3A_1179 = tpu.memref_squeeze %dma_start3A_1178 : memref<1x128xi32, #tpu.memory_space<vmem>> -> memref<128xi32, #tpu.memory_space<vmem>>
        %dma_start3A_1180 = arith.constant 0 : i32
        %dma_start3A_1181 = arith.constant 0 : i32
        %dma_start3A_1182 = tpu.memref_slice %arg12[%dma_start3A_1180, %dma_start3A_1181] : memref<1000x32xi32, #tpu.memory_space<vmem_shared>> -> memref<1000x32xi32, #tpu.memory_space<vmem_shared>>
        %dma_start3A_1183 = tpu.memref_slice %arg14[%dma_start3A_1172] : memref<4x!tpu.dma_semaphore, #tpu.memory_space<semaphore_mem>> -> memref<1x!tpu.dma_semaphore, #tpu.memory_space<semaphore_mem>>
        %dma_start3A_1184 = tpu.memref_squeeze %dma_start3A_1183 : memref<1x!tpu.dma_semaphore, #tpu.memory_space<semaphore_mem>> -> memref<!tpu.dma_semaphore, #tpu.memory_space<semaphore_mem>>
        tpu.enqueue_indirect_dma source(%dma_start3A_1182 : memref<1000x32xi32, #tpu.memory_space<vmem_shared>>) target(%dma_start3A_1176 : memref<128x32xi32, #tpu.memory_space<vmem>>) offsets(%dma_start3A_1179 : memref<128xi32, #tpu.memory_space<vmem>>) semaphore(%dma_start3A_1184 : memref<!tpu.dma_semaphore, #tpu.memory_space<semaphore_mem>>)
        %dma_start3A_1185 = arith.constant 1 : i32
        %dma_start3A_1186 = arith.constant 1 : i32
        %dma_start3A_1187 = arith.constant 1 : i32
        %dma_start3A_1188 = arith.constant 0 : i32
        %dma_start3A_1189 = arith.constant 0 : i32
        %dma_start3A_1190 = tpu.memref_slice %arg10[%dma_start3A_1186, %dma_start3A_1188, %dma_start3A_1189] : memref<4x128x32xi32, #tpu.memory_space<vmem>> -> memref<1x128x32xi32, #tpu.memory_space<vmem>>
        %dma_start3A_1191 = tpu.memref_squeeze %dma_start3A_1190 : memref<1x128x32xi32, #tpu.memory_space<vmem>> -> memref<128x32xi32, #tpu.memory_space<vmem>>
        %dma_start3A_1192 = arith.constant 0 : i32
        %dma_start3A_1193 = tpu.memref_slice %arg8[%dma_start3A_1185, %dma_start3A_1192] : memref<4x128xi32, #tpu.memory_space<vmem>> -> memref<1x128xi32, #tpu.memory_space<vmem>>
        %dma_start3A_1194 = tpu.memref_squeeze %dma_start3A_1193 : memref<1x128xi32, #tpu.memory_space<vmem>> -> memref<128xi32, #tpu.memory_space<vmem>>
        %dma_start3A_1195 = arith.constant 0 : i32
        %dma_start3A_1196 = arith.constant 0 : i32
        %dma_start3A_1197 = tpu.memref_slice %arg13[%dma_start3A_1195, %dma_start3A_1196] : memref<1000x32xi32, #tpu.memory_space<vmem_shared>> -> memref<1000x32xi32, #tpu.memory_space<vmem_shared>>
        %dma_start3A_1198 = tpu.memref_slice %arg14[%dma_start3A_1187] : memref<4x!tpu.dma_semaphore, #tpu.memory_space<semaphore_mem>> -> memref<1x!tpu.dma_semaphore, #tpu.memory_space<semaphore_mem>>
        %dma_start3A_1199 = tpu.memref_squeeze %dma_start3A_1198 : memref<1x!tpu.dma_semaphore, #tpu.memory_space<semaphore_mem>> -> memref<!tpu.dma_semaphore, #tpu.memory_space<semaphore_mem>>
        tpu.enqueue_indirect_dma source(%dma_start3A_1197 : memref<1000x32xi32, #tpu.memory_space<vmem_shared>>) target(%dma_start3A_1191 : memref<128x32xi32, #tpu.memory_space<vmem>>) offsets(%dma_start3A_1194 : memref<128xi32, #tpu.memory_space<vmem>>) semaphore(%dma_start3A_1199 : memref<!tpu.dma_semaphore, #tpu.memory_space<semaphore_mem>>)
      } else {
      }
      %mul3A_900 = arith.constant 4 : i32
      %mul3A_901 = arith.muli %scan3A_770, %mul3A_900 : i32
      %add3A_902 = arith.constant 2 : i32
      %add3A_903 = arith.addi %mul3A_901, %add3A_902 : i32
      %gt3A_904 = arith.constant 0 : i32
      %gt3A_905 = arith.cmpi sgt, %scan3A_770, %gt3A_904 : i32
      %convert_element_type3A_906 = arith.extui %gt3A_905 : i1 to i32
      %cond3A_907 = arith.constant 0 : i32
      %cond3A_908 = arith.cmpi ne, %convert_element_type3A_906, %cond3A_907 : i32
      scf.if %cond3A_908 {
        %dma_wait3A_1032 = arith.constant 2 : i32
        %dma_wait3A_1033 = arith.constant 2 : i32
        %dma_wait3A_1034 = arith.constant 0 : i32
        %dma_wait3A_1035 = arith.constant 0 : i32
        %dma_wait3A_1036 = tpu.memref_slice %arg11[%dma_wait3A_1032, %dma_wait3A_1034, %dma_wait3A_1035] : memref<4x128x64xf32, #tpu.memory_space<vmem>> -> memref<1x128x64xf32, #tpu.memory_space<vmem>>
        %dma_wait3A_1037 = tpu.memref_squeeze %dma_wait3A_1036 : memref<1x128x64xf32, #tpu.memory_space<vmem>> -> memref<128x64xf32, #tpu.memory_space<vmem>>
        %dma_wait3A_1038 = arith.constant 0 : i32
        %dma_wait3A_1039 = tpu.memref_slice %arg5[%mul3A_2, %dma_wait3A_1038] : memref<425984x64xf32, #tpu.memory_space<hbm>> -> memref<128x64xf32, #tpu.memory_space<hbm>>
        %dma_wait3A_1040 = tpu.memref_slice %arg15[%dma_wait3A_1033] : memref<4x!tpu.dma_semaphore, #tpu.memory_space<semaphore_mem>> -> memref<1x!tpu.dma_semaphore, #tpu.memory_space<semaphore_mem>>
        %dma_wait3A_1041 = tpu.memref_squeeze %dma_wait3A_1040 : memref<1x!tpu.dma_semaphore, #tpu.memory_space<semaphore_mem>> -> memref<!tpu.dma_semaphore, #tpu.memory_space<semaphore_mem>>
        %dma_wait3A_1042 = arith.constant 0 : i32
        %dma_wait3A_1043 = tpu.memref_slice %arg5[%mul3A_2, %dma_wait3A_1042] : memref<425984x64xf32, #tpu.memory_space<hbm>> -> memref<128x64xf32, #tpu.memory_space<hbm>>
        %dma_wait3A_1044 = arith.constant 0 : i32
        %dma_wait3A_1045 = arith.constant 0 : i32
        %dma_wait3A_1046 = tpu.memref_slice %arg11[%dma_wait3A_1032, %dma_wait3A_1044, %dma_wait3A_1045] : memref<4x128x64xf32, #tpu.memory_space<vmem>> -> memref<1x128x64xf32, #tpu.memory_space<vmem>>
        %dma_wait3A_1047 = tpu.memref_squeeze %dma_wait3A_1046 : memref<1x128x64xf32, #tpu.memory_space<vmem>> -> memref<128x64xf32, #tpu.memory_space<vmem>>
        tpu.wait_dma2 semaphore(%dma_wait3A_1041 : memref<!tpu.dma_semaphore, #tpu.memory_space<semaphore_mem>>) src(%dma_wait3A_1047 : memref<128x64xf32, #tpu.memory_space<vmem>>) dst(%dma_wait3A_1043 : memref<128x64xf32, #tpu.memory_space<hbm>>)
      } else {
      }
      %dma_wait3A_909 = arith.constant 2 : i32
      %dma_wait3A_910 = arith.constant 2 : i32
      %dma_wait3A_911 = arith.constant 2 : i32
      %dma_wait3A_912 = arith.constant 0 : i32
      %dma_wait3A_913 = arith.constant 0 : i32
      %dma_wait3A_914 = tpu.memref_slice %arg9[%dma_wait3A_910, %dma_wait3A_912, %dma_wait3A_913] : memref<4x128x32xi32, #tpu.memory_space<vmem>> -> memref<1x128x32xi32, #tpu.memory_space<vmem>>
      %dma_wait3A_915 = tpu.memref_squeeze %dma_wait3A_914 : memref<1x128x32xi32, #tpu.memory_space<vmem>> -> memref<128x32xi32, #tpu.memory_space<vmem>>
      %dma_wait3A_916 = arith.constant 0 : i32
      %dma_wait3A_917 = tpu.memref_slice %arg7[%dma_wait3A_909, %dma_wait3A_916] : memref<4x128xi32, #tpu.memory_space<vmem>> -> memref<1x128xi32, #tpu.memory_space<vmem>>
      %dma_wait3A_918 = tpu.memref_squeeze %dma_wait3A_917 : memref<1x128xi32, #tpu.memory_space<vmem>> -> memref<128xi32, #tpu.memory_space<vmem>>
      %dma_wait3A_919 = arith.constant 0 : i32
      %dma_wait3A_920 = arith.constant 0 : i32
      %dma_wait3A_921 = tpu.memref_slice %arg12[%dma_wait3A_919, %dma_wait3A_920] : memref<1000x32xi32, #tpu.memory_space<vmem_shared>> -> memref<1000x32xi32, #tpu.memory_space<vmem_shared>>
      %dma_wait3A_922 = tpu.memref_slice %arg14[%dma_wait3A_911] : memref<4x!tpu.dma_semaphore, #tpu.memory_space<semaphore_mem>> -> memref<1x!tpu.dma_semaphore, #tpu.memory_space<semaphore_mem>>
      %dma_wait3A_923 = tpu.memref_squeeze %dma_wait3A_922 : memref<1x!tpu.dma_semaphore, #tpu.memory_space<semaphore_mem>> -> memref<!tpu.dma_semaphore, #tpu.memory_space<semaphore_mem>>
      tpu.wait_indirect_dma semaphore(%dma_wait3A_923 : memref<!tpu.dma_semaphore, #tpu.memory_space<semaphore_mem>>) src(%dma_wait3A_921 : memref<1000x32xi32, #tpu.memory_space<vmem_shared>>) dst(%dma_wait3A_915 : memref<128x32xi32, #tpu.memory_space<vmem>>)
      %dma_wait3A_924 = arith.constant 2 : i32
      %dma_wait3A_925 = arith.constant 2 : i32
      %dma_wait3A_926 = arith.constant 2 : i32
      %dma_wait3A_927 = arith.constant 0 : i32
      %dma_wait3A_928 = arith.constant 0 : i32
      %dma_wait3A_929 = tpu.memref_slice %arg10[%dma_wait3A_925, %dma_wait3A_927, %dma_wait3A_928] : memref<4x128x32xi32, #tpu.memory_space<vmem>> -> memref<1x128x32xi32, #tpu.memory_space<vmem>>
      %dma_wait3A_930 = tpu.memref_squeeze %dma_wait3A_929 : memref<1x128x32xi32, #tpu.memory_space<vmem>> -> memref<128x32xi32, #tpu.memory_space<vmem>>
      %dma_wait3A_931 = arith.constant 0 : i32
      %dma_wait3A_932 = tpu.memref_slice %arg8[%dma_wait3A_924, %dma_wait3A_931] : memref<4x128xi32, #tpu.memory_space<vmem>> -> memref<1x128xi32, #tpu.memory_space<vmem>>
      %dma_wait3A_933 = tpu.memref_squeeze %dma_wait3A_932 : memref<1x128xi32, #tpu.memory_space<vmem>> -> memref<128xi32, #tpu.memory_space<vmem>>
      %dma_wait3A_934 = arith.constant 0 : i32
      %dma_wait3A_935 = arith.constant 0 : i32
      %dma_wait3A_936 = tpu.memref_slice %arg13[%dma_wait3A_934, %dma_wait3A_935] : memref<1000x32xi32, #tpu.memory_space<vmem_shared>> -> memref<1000x32xi32, #tpu.memory_space<vmem_shared>>
      %dma_wait3A_937 = tpu.memref_slice %arg14[%dma_wait3A_926] : memref<4x!tpu.dma_semaphore, #tpu.memory_space<semaphore_mem>> -> memref<1x!tpu.dma_semaphore, #tpu.memory_space<semaphore_mem>>
      %dma_wait3A_938 = tpu.memref_squeeze %dma_wait3A_937 : memref<1x!tpu.dma_semaphore, #tpu.memory_space<semaphore_mem>> -> memref<!tpu.dma_semaphore, #tpu.memory_space<semaphore_mem>>
      tpu.wait_indirect_dma semaphore(%dma_wait3A_938 : memref<!tpu.dma_semaphore, #tpu.memory_space<semaphore_mem>>) src(%dma_wait3A_936 : memref<1000x32xi32, #tpu.memory_space<vmem_shared>>) dst(%dma_wait3A_930 : memref<128x32xi32, #tpu.memory_space<vmem>>)
      %parallel_loop3A_939 = arith.constant 0 : i32
      %parallel_loop3A_940 = arith.constant 128 : i32
      %parallel_loop3A_941 = arith.constant 1 : i32
      scf.for %parallel_loop3A_1032 = %parallel_loop3A_939 to %parallel_loop3A_940 step %parallel_loop3A_941  : i32 {
        %parallel_loop3A_1033 = arith.constant 2 : i32
        %parallel_loop3A_1034 = arith.index_cast %parallel_loop3A_1033 : i32 to index
        %parallel_loop3A_1035 = arith.index_cast %parallel_loop3A_1032 : i32 to index
        %parallel_loop3A_1036 = arith.constant 0 : index
        %parallel_loop3A_1037 = tpu.vector_load %arg9[%parallel_loop3A_1034, %parallel_loop3A_1035, %parallel_loop3A_1036] {strides = array<i32>} : memref<4x128x32xi32, #tpu.memory_space<vmem>>, vector<16xi32>,
        %parallel_loop3A_1038 = vector.bitcast %parallel_loop3A_1037 : vector<16xi32> to vector<32xbf16>
        %parallel_loop3A_1039 = arith.constant 2 : i32
        %parallel_loop3A_1040 = arith.index_cast %parallel_loop3A_1039 : i32 to index
        %parallel_loop3A_1041 = arith.index_cast %parallel_loop3A_1032 : i32 to index
        %parallel_loop3A_1042 = arith.constant 0 : index
        %parallel_loop3A_1043 = tpu.vector_load %arg10[%parallel_loop3A_1040, %parallel_loop3A_1041, %parallel_loop3A_1042] {strides = array<i32>} : memref<4x128x32xi32, #tpu.memory_space<vmem>>, vector<16xi32>,
        %parallel_loop3A_1044 = vector.bitcast %parallel_loop3A_1043 : vector<16xi32> to vector<32xbf16>
        %parallel_loop3A_1045 = tpu.unpack_subelements %parallel_loop3A_1038, 0 {pack_format = #tpu.pack_format<interleaved>} : vector<32xbf16> -> vector<16xf32>
        %parallel_loop3A_1046 = tpu.unpack_subelements %parallel_loop3A_1038, 1 {pack_format = #tpu.pack_format<interleaved>} : vector<32xbf16> -> vector<16xf32>
        %parallel_loop3A_1047 = tpu.unpack_subelements %parallel_loop3A_1044, 0 {pack_format = #tpu.pack_format<interleaved>} : vector<32xbf16> -> vector<16xf32>
        %parallel_loop3A_1048 = tpu.unpack_subelements %parallel_loop3A_1044, 1 {pack_format = #tpu.pack_format<interleaved>} : vector<32xbf16> -> vector<16xf32>
        %parallel_loop3A_1049 = arith.mulf %parallel_loop3A_1045, %parallel_loop3A_1047 : vector<16xf32>
        %parallel_loop3A_1050 = arith.constant 2 : i32
        %parallel_loop3A_1051 = arith.index_cast %parallel_loop3A_1050 : i32 to index
        %parallel_loop3A_1052 = arith.index_cast %parallel_loop3A_1032 : i32 to index
        %parallel_loop3A_1053 = arith.constant 0 : index
        %parallel_loop3A_1054 = tpu.vector_load %arg11[%parallel_loop3A_1051, %parallel_loop3A_1052, %parallel_loop3A_1053] {strides = array<i32>} : memref<4x128x64xf32, #tpu.memory_space<vmem>>, vector<16xf32>,
        tpu.vector_store %arg11[%parallel_loop3A_1051, %parallel_loop3A_1052, %parallel_loop3A_1053], %parallel_loop3A_1049 {strides = array<i32>} : memref<4x128x64xf32, #tpu.memory_space<vmem>>, vector<16xf32>,
        %parallel_loop3A_1055 = arith.mulf %parallel_loop3A_1046, %parallel_loop3A_1048 : vector<16xf32>
        %parallel_loop3A_1056 = arith.constant 2 : i32
        %parallel_loop3A_1057 = arith.index_cast %parallel_loop3A_1056 : i32 to index
        %parallel_loop3A_1058 = arith.index_cast %parallel_loop3A_1032 : i32 to index
        %parallel_loop3A_1059 = arith.constant 16 : index
        %parallel_loop3A_1060 = tpu.vector_load %arg11[%parallel_loop3A_1057, %parallel_loop3A_1058, %parallel_loop3A_1059] {strides = array<i32>} : memref<4x128x64xf32, #tpu.memory_space<vmem>>, vector<16xf32>,
        tpu.vector_store %arg11[%parallel_loop3A_1057, %parallel_loop3A_1058, %parallel_loop3A_1059], %parallel_loop3A_1055 {strides = array<i32>} : memref<4x128x64xf32, #tpu.memory_space<vmem>>, vector<16xf32>,
        %parallel_loop3A_1061 = arith.constant 2 : i32
        %parallel_loop3A_1062 = arith.index_cast %parallel_loop3A_1061 : i32 to index
        %parallel_loop3A_1063 = arith.index_cast %parallel_loop3A_1032 : i32 to index
        %parallel_loop3A_1064 = arith.constant 16 : index
        %parallel_loop3A_1065 = tpu.vector_load %arg9[%parallel_loop3A_1062, %parallel_loop3A_1063, %parallel_loop3A_1064] {strides = array<i32>} : memref<4x128x32xi32, #tpu.memory_space<vmem>>, vector<16xi32>,
        %parallel_loop3A_1066 = vector.bitcast %parallel_loop3A_1065 : vector<16xi32> to vector<32xbf16>
        %parallel_loop3A_1067 = arith.constant 2 : i32
        %parallel_loop3A_1068 = arith.index_cast %parallel_loop3A_1067 : i32 to index
        %parallel_loop3A_1069 = arith.index_cast %parallel_loop3A_1032 : i32 to index
        %parallel_loop3A_1070 = arith.constant 16 : index
        %parallel_loop3A_1071 = tpu.vector_load %arg10[%parallel_loop3A_1068, %parallel_loop3A_1069, %parallel_loop3A_1070] {strides = array<i32>} : memref<4x128x32xi32, #tpu.memory_space<vmem>>, vector<16xi32>,
        %parallel_loop3A_1072 = vector.bitcast %parallel_loop3A_1071 : vector<16xi32> to vector<32xbf16>
        %parallel_loop3A_1073 = tpu.unpack_subelements %parallel_loop3A_1066, 0 {pack_format = #tpu.pack_format<interleaved>} : vector<32xbf16> -> vector<16xf32>
        %parallel_loop3A_1074 = tpu.unpack_subelements %parallel_loop3A_1066, 1 {pack_format = #tpu.pack_format<interleaved>} : vector<32xbf16> -> vector<16xf32>
        %parallel_loop3A_1075 = tpu.unpack_subelements %parallel_loop3A_1072, 0 {pack_format = #tpu.pack_format<interleaved>} : vector<32xbf16> -> vector<16xf32>
        %parallel_loop3A_1076 = tpu.unpack_subelements %parallel_loop3A_1072, 1 {pack_format = #tpu.pack_format<interleaved>} : vector<32xbf16> -> vector<16xf32>
        %parallel_loop3A_1077 = arith.mulf %parallel_loop3A_1073, %parallel_loop3A_1075 : vector<16xf32>
        %parallel_loop3A_1078 = arith.constant 2 : i32
        %parallel_loop3A_1079 = arith.index_cast %parallel_loop3A_1078 : i32 to index
        %parallel_loop3A_1080 = arith.index_cast %parallel_loop3A_1032 : i32 to index
        %parallel_loop3A_1081 = arith.constant 32 : index
        %parallel_loop3A_1082 = tpu.vector_load %arg11[%parallel_loop3A_1079, %parallel_loop3A_1080, %parallel_loop3A_1081] {strides = array<i32>} : memref<4x128x64xf32, #tpu.memory_space<vmem>>, vector<16xf32>,
        tpu.vector_store %arg11[%parallel_loop3A_1079, %parallel_loop3A_1080, %parallel_loop3A_1081], %parallel_loop3A_1077 {strides = array<i32>} : memref<4x128x64xf32, #tpu.memory_space<vmem>>, vector<16xf32>,
        %parallel_loop3A_1083 = arith.mulf %parallel_loop3A_1074, %parallel_loop3A_1076 : vector<16xf32>
        %parallel_loop3A_1084 = arith.constant 2 : i32
        %parallel_loop3A_1085 = arith.index_cast %parallel_loop3A_1084 : i32 to index
        %parallel_loop3A_1086 = arith.index_cast %parallel_loop3A_1032 : i32 to index
        %parallel_loop3A_1087 = arith.constant 48 : index
        %parallel_loop3A_1088 = tpu.vector_load %arg11[%parallel_loop3A_1085, %parallel_loop3A_1086, %parallel_loop3A_1087] {strides = array<i32>} : memref<4x128x64xf32, #tpu.memory_space<vmem>>, vector<16xf32>,
        tpu.vector_store %arg11[%parallel_loop3A_1085, %parallel_loop3A_1086, %parallel_loop3A_1087], %parallel_loop3A_1083 {strides = array<i32>} : memref<4x128x64xf32, #tpu.memory_space<vmem>>, vector<16xf32>,
      } {sc.loop_unroll_factor = 4 : i64, sc.parallel_access}
      %mul3A_942 = arith.constant 128 : i32
      %mul3A_943 = arith.muli %add3A_903, %mul3A_942 : i32
      %add3A_944 = arith.addi %mul3A_2, %mul3A_943 : i32
      %dma_start3A_945 = arith.constant 2 : i32
      %dma_start3A_946 = arith.constant 2 : i32
      %dma_start3A_947 = arith.constant 0 : i32
      %dma_start3A_948 = arith.constant 0 : i32
      %dma_start3A_949 = tpu.memref_slice %arg11[%dma_start3A_945, %dma_start3A_947, %dma_start3A_948] : memref<4x128x64xf32, #tpu.memory_space<vmem>> -> memref<1x128x64xf32, #tpu.memory_space<vmem>>
      %dma_start3A_950 = tpu.memref_squeeze %dma_start3A_949 : memref<1x128x64xf32, #tpu.memory_space<vmem>> -> memref<128x64xf32, #tpu.memory_space<vmem>>
      %dma_start3A_951 = arith.constant 0 : i32
      %dma_start3A_952 = tpu.memref_slice %arg5[%add3A_944, %dma_start3A_951] : memref<425984x64xf32, #tpu.memory_space<hbm>> -> memref<128x64xf32, #tpu.memory_space<hbm>>
      %dma_start3A_953 = tpu.memref_slice %arg15[%dma_start3A_946] : memref<4x!tpu.dma_semaphore, #tpu.memory_space<semaphore_mem>> -> memref<1x!tpu.dma_semaphore, #tpu.memory_space<semaphore_mem>>
      %dma_start3A_954 = tpu.memref_squeeze %dma_start3A_953 : memref<1x!tpu.dma_semaphore, #tpu.memory_space<semaphore_mem>> -> memref<!tpu.dma_semaphore, #tpu.memory_space<semaphore_mem>>
      %dma_start3A_955 = arith.constant 0 : i32
      %dma_start3A_956 = tpu.memref_slice %arg5[%add3A_944, %dma_start3A_955] : memref<425984x64xf32, #tpu.memory_space<hbm>> -> memref<128x64xf32, #tpu.memory_space<hbm>>
      %dma_start3A_957 = arith.constant 0 : i32
      %dma_start3A_958 = arith.constant 0 : i32
      %dma_start3A_959 = tpu.memref_slice %arg11[%dma_start3A_945, %dma_start3A_957, %dma_start3A_958] : memref<4x128x64xf32, #tpu.memory_space<vmem>> -> memref<1x128x64xf32, #tpu.memory_space<vmem>>
      %dma_start3A_960 = tpu.memref_squeeze %dma_start3A_959 : memref<1x128x64xf32, #tpu.memory_space<vmem>> -> memref<128x64xf32, #tpu.memory_space<vmem>>
      tpu.enqueue_dma source(%dma_start3A_960 : memref<128x64xf32, #tpu.memory_space<vmem>>) target(%dma_start3A_956 : memref<128x64xf32, #tpu.memory_space<hbm>>) target_semaphore(%dma_start3A_954 : memref<!tpu.dma_semaphore, #tpu.memory_space<semaphore_mem>>)
      %lt3A_961 = arith.constant 25 : i32
      %lt3A_962 = arith.cmpi slt, %scan3A_770, %lt3A_961 : i32
      %convert_element_type3A_963 = arith.extui %lt3A_962 : i1 to i32
      %cond3A_964 = arith.constant 0 : i32
      %cond3A_965 = arith.cmpi ne, %convert_element_type3A_963, %cond3A_964 : i32
      scf.if %cond3A_965 {
        %add3A_1032 = arith.constant 4 : i32
        %add3A_1033 = arith.addi %add3A_903, %add3A_1032 : i32
        %get3A_1034 = arith.index_cast %add3A_1033 : i32 to index
        %get3A_1035 = arith.constant 0 : index
        %get3A_1036 = tpu.vector_load %arg6[%get3A_1034, %get3A_1035] {strides = array<i32>} : memref<104x128xi32, #tpu.memory_space<vmem>>, vector<16xi32>,
        %shift_right_logical3A_1037 = arith.constant 16 : i32
        %shift_right_logical3A_1038 = vector.broadcast %shift_right_logical3A_1037 : i32 to vector<16xi32>
        %shift_right_logical3A_1039 = arith.shrui %get3A_1036, %shift_right_logical3A_1038 : vector<16xi32>
        %swap3A_1040 = arith.constant 2 : i32
        %swap3A_1041 = arith.index_cast %swap3A_1040 : i32 to index
        %swap3A_1042 = arith.constant 0 : index
        %swap3A_1043 = tpu.vector_load %arg7[%swap3A_1041, %swap3A_1042] {strides = array<i32>} : memref<4x128xi32, #tpu.memory_space<vmem>>, vector<16xi32>,
        tpu.vector_store %arg7[%swap3A_1041, %swap3A_1042], %shift_right_logical3A_1039 {strides = array<i32>} : memref<4x128xi32, #tpu.memory_space<vmem>>, vector<16xi32>,
        %and3A_1044 = arith.constant 65535 : i32
        %and3A_1045 = vector.broadcast %and3A_1044 : i32 to vector<16xi32>
        %and3A_1046 = arith.andi %get3A_1036, %and3A_1045 : vector<16xi32>
        %swap3A_1047 = arith.constant 2 : i32
        %swap3A_1048 = arith.index_cast %swap3A_1047 : i32 to index
        %swap3A_1049 = arith.constant 0 : index
        %swap3A_1050 = tpu.vector_load %arg8[%swap3A_1048, %swap3A_1049] {strides = array<i32>} : memref<4x128xi32, #tpu.memory_space<vmem>>, vector<16xi32>,
        tpu.vector_store %arg8[%swap3A_1048, %swap3A_1049], %and3A_1046 {strides = array<i32>} : memref<4x128xi32, #tpu.memory_space<vmem>>, vector<16xi32>,
        %get3A_1051 = arith.index_cast %add3A_1033 : i32 to index
        %get3A_1052 = arith.constant 16 : index
        %get3A_1053 = tpu.vector_load %arg6[%get3A_1051, %get3A_1052] {strides = array<i32>} : memref<104x128xi32, #tpu.memory_space<vmem>>, vector<16xi32>,
        %shift_right_logical3A_1054 = arith.constant 16 : i32
        %shift_right_logical3A_1055 = vector.broadcast %shift_right_logical3A_1054 : i32 to vector<16xi32>
        %shift_right_logical3A_1056 = arith.shrui %get3A_1053, %shift_right_logical3A_1055 : vector<16xi32>
        %swap3A_1057 = arith.constant 2 : i32
        %swap3A_1058 = arith.index_cast %swap3A_1057 : i32 to index
        %swap3A_1059 = arith.constant 16 : index
        %swap3A_1060 = tpu.vector_load %arg7[%swap3A_1058, %swap3A_1059] {strides = array<i32>} : memref<4x128xi32, #tpu.memory_space<vmem>>, vector<16xi32>,
        tpu.vector_store %arg7[%swap3A_1058, %swap3A_1059], %shift_right_logical3A_1056 {strides = array<i32>} : memref<4x128xi32, #tpu.memory_space<vmem>>, vector<16xi32>,
        %and3A_1061 = arith.constant 65535 : i32
        %and3A_1062 = vector.broadcast %and3A_1061 : i32 to vector<16xi32>
        %and3A_1063 = arith.andi %get3A_1053, %and3A_1062 : vector<16xi32>
        %swap3A_1064 = arith.constant 2 : i32
        %swap3A_1065 = arith.index_cast %swap3A_1064 : i32 to index
        %swap3A_1066 = arith.constant 16 : index
        %swap3A_1067 = tpu.vector_load %arg8[%swap3A_1065, %swap3A_1066] {strides = array<i32>} : memref<4x128xi32, #tpu.memory_space<vmem>>, vector<16xi32>,
        tpu.vector_store %arg8[%swap3A_1065, %swap3A_1066], %and3A_1063 {strides = array<i32>} : memref<4x128xi32, #tpu.memory_space<vmem>>, vector<16xi32>,
        %get3A_1068 = arith.index_cast %add3A_1033 : i32 to index
        %get3A_1069 = arith.constant 32 : index
        %get3A_1070 = tpu.vector_load %arg6[%get3A_1068, %get3A_1069] {strides = array<i32>} : memref<104x128xi32, #tpu.memory_space<vmem>>, vector<16xi32>,
        %shift_right_logical3A_1071 = arith.constant 16 : i32
        %shift_right_logical3A_1072 = vector.broadcast %shift_right_logical3A_1071 : i32 to vector<16xi32>
        %shift_right_logical3A_1073 = arith.shrui %get3A_1070, %shift_right_logical3A_1072 : vector<16xi32>
        %swap3A_1074 = arith.constant 2 : i32
        %swap3A_1075 = arith.index_cast %swap3A_1074 : i32 to index
        %swap3A_1076 = arith.constant 32 : index
        %swap3A_1077 = tpu.vector_load %arg7[%swap3A_1075, %swap3A_1076] {strides = array<i32>} : memref<4x128xi32, #tpu.memory_space<vmem>>, vector<16xi32>,
        tpu.vector_store %arg7[%swap3A_1075, %swap3A_1076], %shift_right_logical3A_1073 {strides = array<i32>} : memref<4x128xi32, #tpu.memory_space<vmem>>, vector<16xi32>,
        %and3A_1078 = arith.constant 65535 : i32
        %and3A_1079 = vector.broadcast %and3A_1078 : i32 to vector<16xi32>
        %and3A_1080 = arith.andi %get3A_1070, %and3A_1079 : vector<16xi32>
        %swap3A_1081 = arith.constant 2 : i32
        %swap3A_1082 = arith.index_cast %swap3A_1081 : i32 to index
        %swap3A_1083 = arith.constant 32 : index
        %swap3A_1084 = tpu.vector_load %arg8[%swap3A_1082, %swap3A_1083] {strides = array<i32>} : memref<4x128xi32, #tpu.memory_space<vmem>>, vector<16xi32>,
        tpu.vector_store %arg8[%swap3A_1082, %swap3A_1083], %and3A_1080 {strides = array<i32>} : memref<4x128xi32, #tpu.memory_space<vmem>>, vector<16xi32>,
        %get3A_1085 = arith.index_cast %add3A_1033 : i32 to index
        %get3A_1086 = arith.constant 48 : index
        %get3A_1087 = tpu.vector_load %arg6[%get3A_1085, %get3A_1086] {strides = array<i32>} : memref<104x128xi32, #tpu.memory_space<vmem>>, vector<16xi32>,
        %shift_right_logical3A_1088 = arith.constant 16 : i32
        %shift_right_logical3A_1089 = vector.broadcast %shift_right_logical3A_1088 : i32 to vector<16xi32>
        %shift_right_logical3A_1090 = arith.shrui %get3A_1087, %shift_right_logical3A_1089 : vector<16xi32>
        %swap3A_1091 = arith.constant 2 : i32
        %swap3A_1092 = arith.index_cast %swap3A_1091 : i32 to index
        %swap3A_1093 = arith.constant 48 : index
        %swap3A_1094 = tpu.vector_load %arg7[%swap3A_1092, %swap3A_1093] {strides = array<i32>} : memref<4x128xi32, #tpu.memory_space<vmem>>, vector<16xi32>,
        tpu.vector_store %arg7[%swap3A_1092, %swap3A_1093], %shift_right_logical3A_1090 {strides = array<i32>} : memref<4x128xi32, #tpu.memory_space<vmem>>, vector<16xi32>,
        %and3A_1095 = arith.constant 65535 : i32
        %and3A_1096 = vector.broadcast %and3A_1095 : i32 to vector<16xi32>
        %and3A_1097 = arith.andi %get3A_1087, %and3A_1096 : vector<16xi32>
        %swap3A_1098 = arith.constant 2 : i32
        %swap3A_1099 = arith.index_cast %swap3A_1098 : i32 to index
        %swap3A_1100 = arith.constant 48 : index
        %swap3A_1101 = tpu.vector_load %arg8[%swap3A_1099, %swap3A_1100] {strides = array<i32>} : memref<4x128xi32, #tpu.memory_space<vmem>>, vector<16xi32>,
        tpu.vector_store %arg8[%swap3A_1099, %swap3A_1100], %and3A_1097 {strides = array<i32>} : memref<4x128xi32, #tpu.memory_space<vmem>>, vector<16xi32>,
        %get3A_1102 = arith.index_cast %add3A_1033 : i32 to index
        %get3A_1103 = arith.constant 64 : index
        %get3A_1104 = tpu.vector_load %arg6[%get3A_1102, %get3A_1103] {strides = array<i32>} : memref<104x128xi32, #tpu.memory_space<vmem>>, vector<16xi32>,
        %shift_right_logical3A_1105 = arith.constant 16 : i32
        %shift_right_logical3A_1106 = vector.broadcast %shift_right_logical3A_1105 : i32 to vector<16xi32>
        %shift_right_logical3A_1107 = arith.shrui %get3A_1104, %shift_right_logical3A_1106 : vector<16xi32>
        %swap3A_1108 = arith.constant 2 : i32
        %swap3A_1109 = arith.index_cast %swap3A_1108 : i32 to index
        %swap3A_1110 = arith.constant 64 : index
        %swap3A_1111 = tpu.vector_load %arg7[%swap3A_1109, %swap3A_1110] {strides = array<i32>} : memref<4x128xi32, #tpu.memory_space<vmem>>, vector<16xi32>,
        tpu.vector_store %arg7[%swap3A_1109, %swap3A_1110], %shift_right_logical3A_1107 {strides = array<i32>} : memref<4x128xi32, #tpu.memory_space<vmem>>, vector<16xi32>,
        %and3A_1112 = arith.constant 65535 : i32
        %and3A_1113 = vector.broadcast %and3A_1112 : i32 to vector<16xi32>
        %and3A_1114 = arith.andi %get3A_1104, %and3A_1113 : vector<16xi32>
        %swap3A_1115 = arith.constant 2 : i32
        %swap3A_1116 = arith.index_cast %swap3A_1115 : i32 to index
        %swap3A_1117 = arith.constant 64 : index
        %swap3A_1118 = tpu.vector_load %arg8[%swap3A_1116, %swap3A_1117] {strides = array<i32>} : memref<4x128xi32, #tpu.memory_space<vmem>>, vector<16xi32>,
        tpu.vector_store %arg8[%swap3A_1116, %swap3A_1117], %and3A_1114 {strides = array<i32>} : memref<4x128xi32, #tpu.memory_space<vmem>>, vector<16xi32>,
        %get3A_1119 = arith.index_cast %add3A_1033 : i32 to index
        %get3A_1120 = arith.constant 80 : index
        %get3A_1121 = tpu.vector_load %arg6[%get3A_1119, %get3A_1120] {strides = array<i32>} : memref<104x128xi32, #tpu.memory_space<vmem>>, vector<16xi32>,
        %shift_right_logical3A_1122 = arith.constant 16 : i32
        %shift_right_logical3A_1123 = vector.broadcast %shift_right_logical3A_1122 : i32 to vector<16xi32>
        %shift_right_logical3A_1124 = arith.shrui %get3A_1121, %shift_right_logical3A_1123 : vector<16xi32>
        %swap3A_1125 = arith.constant 2 : i32
        %swap3A_1126 = arith.index_cast %swap3A_1125 : i32 to index
        %swap3A_1127 = arith.constant 80 : index
        %swap3A_1128 = tpu.vector_load %arg7[%swap3A_1126, %swap3A_1127] {strides = array<i32>} : memref<4x128xi32, #tpu.memory_space<vmem>>, vector<16xi32>,
        tpu.vector_store %arg7[%swap3A_1126, %swap3A_1127], %shift_right_logical3A_1124 {strides = array<i32>} : memref<4x128xi32, #tpu.memory_space<vmem>>, vector<16xi32>,
        %and3A_1129 = arith.constant 65535 : i32
        %and3A_1130 = vector.broadcast %and3A_1129 : i32 to vector<16xi32>
        %and3A_1131 = arith.andi %get3A_1121, %and3A_1130 : vector<16xi32>
        %swap3A_1132 = arith.constant 2 : i32
        %swap3A_1133 = arith.index_cast %swap3A_1132 : i32 to index
        %swap3A_1134 = arith.constant 80 : index
        %swap3A_1135 = tpu.vector_load %arg8[%swap3A_1133, %swap3A_1134] {strides = array<i32>} : memref<4x128xi32, #tpu.memory_space<vmem>>, vector<16xi32>,
        tpu.vector_store %arg8[%swap3A_1133, %swap3A_1134], %and3A_1131 {strides = array<i32>} : memref<4x128xi32, #tpu.memory_space<vmem>>, vector<16xi32>,
        %get3A_1136 = arith.index_cast %add3A_1033 : i32 to index
        %get3A_1137 = arith.constant 96 : index
        %get3A_1138 = tpu.vector_load %arg6[%get3A_1136, %get3A_1137] {strides = array<i32>} : memref<104x128xi32, #tpu.memory_space<vmem>>, vector<16xi32>,
        %shift_right_logical3A_1139 = arith.constant 16 : i32
        %shift_right_logical3A_1140 = vector.broadcast %shift_right_logical3A_1139 : i32 to vector<16xi32>
        %shift_right_logical3A_1141 = arith.shrui %get3A_1138, %shift_right_logical3A_1140 : vector<16xi32>
        %swap3A_1142 = arith.constant 2 : i32
        %swap3A_1143 = arith.index_cast %swap3A_1142 : i32 to index
        %swap3A_1144 = arith.constant 96 : index
        %swap3A_1145 = tpu.vector_load %arg7[%swap3A_1143, %swap3A_1144] {strides = array<i32>} : memref<4x128xi32, #tpu.memory_space<vmem>>, vector<16xi32>,
        tpu.vector_store %arg7[%swap3A_1143, %swap3A_1144], %shift_right_logical3A_1141 {strides = array<i32>} : memref<4x128xi32, #tpu.memory_space<vmem>>, vector<16xi32>,
        %and3A_1146 = arith.constant 65535 : i32
        %and3A_1147 = vector.broadcast %and3A_1146 : i32 to vector<16xi32>
        %and3A_1148 = arith.andi %get3A_1138, %and3A_1147 : vector<16xi32>
        %swap3A_1149 = arith.constant 2 : i32
        %swap3A_1150 = arith.index_cast %swap3A_1149 : i32 to index
        %swap3A_1151 = arith.constant 96 : index
        %swap3A_1152 = tpu.vector_load %arg8[%swap3A_1150, %swap3A_1151] {strides = array<i32>} : memref<4x128xi32, #tpu.memory_space<vmem>>, vector<16xi32>,
        tpu.vector_store %arg8[%swap3A_1150, %swap3A_1151], %and3A_1148 {strides = array<i32>} : memref<4x128xi32, #tpu.memory_space<vmem>>, vector<16xi32>,
        %get3A_1153 = arith.index_cast %add3A_1033 : i32 to index
        %get3A_1154 = arith.constant 112 : index
        %get3A_1155 = tpu.vector_load %arg6[%get3A_1153, %get3A_1154] {strides = array<i32>} : memref<104x128xi32, #tpu.memory_space<vmem>>, vector<16xi32>,
        %shift_right_logical3A_1156 = arith.constant 16 : i32
        %shift_right_logical3A_1157 = vector.broadcast %shift_right_logical3A_1156 : i32 to vector<16xi32>
        %shift_right_logical3A_1158 = arith.shrui %get3A_1155, %shift_right_logical3A_1157 : vector<16xi32>
        %swap3A_1159 = arith.constant 2 : i32
        %swap3A_1160 = arith.index_cast %swap3A_1159 : i32 to index
        %swap3A_1161 = arith.constant 112 : index
        %swap3A_1162 = tpu.vector_load %arg7[%swap3A_1160, %swap3A_1161] {strides = array<i32>} : memref<4x128xi32, #tpu.memory_space<vmem>>, vector<16xi32>,
        tpu.vector_store %arg7[%swap3A_1160, %swap3A_1161], %shift_right_logical3A_1158 {strides = array<i32>} : memref<4x128xi32, #tpu.memory_space<vmem>>, vector<16xi32>,
        %and3A_1163 = arith.constant 65535 : i32
        %and3A_1164 = vector.broadcast %and3A_1163 : i32 to vector<16xi32>
        %and3A_1165 = arith.andi %get3A_1155, %and3A_1164 : vector<16xi32>
        %swap3A_1166 = arith.constant 2 : i32
        %swap3A_1167 = arith.index_cast %swap3A_1166 : i32 to index
        %swap3A_1168 = arith.constant 112 : index
        %swap3A_1169 = tpu.vector_load %arg8[%swap3A_1167, %swap3A_1168] {strides = array<i32>} : memref<4x128xi32, #tpu.memory_space<vmem>>, vector<16xi32>,
        tpu.vector_store %arg8[%swap3A_1167, %swap3A_1168], %and3A_1165 {strides = array<i32>} : memref<4x128xi32, #tpu.memory_space<vmem>>, vector<16xi32>,
        %dma_start3A_1170 = arith.constant 2 : i32
        %dma_start3A_1171 = arith.constant 2 : i32
        %dma_start3A_1172 = arith.constant 2 : i32
        %dma_start3A_1173 = arith.constant 0 : i32
        %dma_start3A_1174 = arith.constant 0 : i32
        %dma_start3A_1175 = tpu.memref_slice %arg9[%dma_start3A_1171, %dma_start3A_1173, %dma_start3A_1174] : memref<4x128x32xi32, #tpu.memory_space<vmem>> -> memref<1x128x32xi32, #tpu.memory_space<vmem>>
        %dma_start3A_1176 = tpu.memref_squeeze %dma_start3A_1175 : memref<1x128x32xi32, #tpu.memory_space<vmem>> -> memref<128x32xi32, #tpu.memory_space<vmem>>
        %dma_start3A_1177 = arith.constant 0 : i32
        %dma_start3A_1178 = tpu.memref_slice %arg7[%dma_start3A_1170, %dma_start3A_1177] : memref<4x128xi32, #tpu.memory_space<vmem>> -> memref<1x128xi32, #tpu.memory_space<vmem>>
        %dma_start3A_1179 = tpu.memref_squeeze %dma_start3A_1178 : memref<1x128xi32, #tpu.memory_space<vmem>> -> memref<128xi32, #tpu.memory_space<vmem>>
        %dma_start3A_1180 = arith.constant 0 : i32
        %dma_start3A_1181 = arith.constant 0 : i32
        %dma_start3A_1182 = tpu.memref_slice %arg12[%dma_start3A_1180, %dma_start3A_1181] : memref<1000x32xi32, #tpu.memory_space<vmem_shared>> -> memref<1000x32xi32, #tpu.memory_space<vmem_shared>>
        %dma_start3A_1183 = tpu.memref_slice %arg14[%dma_start3A_1172] : memref<4x!tpu.dma_semaphore, #tpu.memory_space<semaphore_mem>> -> memref<1x!tpu.dma_semaphore, #tpu.memory_space<semaphore_mem>>
        %dma_start3A_1184 = tpu.memref_squeeze %dma_start3A_1183 : memref<1x!tpu.dma_semaphore, #tpu.memory_space<semaphore_mem>> -> memref<!tpu.dma_semaphore, #tpu.memory_space<semaphore_mem>>
        tpu.enqueue_indirect_dma source(%dma_start3A_1182 : memref<1000x32xi32, #tpu.memory_space<vmem_shared>>) target(%dma_start3A_1176 : memref<128x32xi32, #tpu.memory_space<vmem>>) offsets(%dma_start3A_1179 : memref<128xi32, #tpu.memory_space<vmem>>) semaphore(%dma_start3A_1184 : memref<!tpu.dma_semaphore, #tpu.memory_space<semaphore_mem>>)
        %dma_start3A_1185 = arith.constant 2 : i32
        %dma_start3A_1186 = arith.constant 2 : i32
        %dma_start3A_1187 = arith.constant 2 : i32
        %dma_start3A_1188 = arith.constant 0 : i32
        %dma_start3A_1189 = arith.constant 0 : i32
        %dma_start3A_1190 = tpu.memref_slice %arg10[%dma_start3A_1186, %dma_start3A_1188, %dma_start3A_1189] : memref<4x128x32xi32, #tpu.memory_space<vmem>> -> memref<1x128x32xi32, #tpu.memory_space<vmem>>
        %dma_start3A_1191 = tpu.memref_squeeze %dma_start3A_1190 : memref<1x128x32xi32, #tpu.memory_space<vmem>> -> memref<128x32xi32, #tpu.memory_space<vmem>>
        %dma_start3A_1192 = arith.constant 0 : i32
        %dma_start3A_1193 = tpu.memref_slice %arg8[%dma_start3A_1185, %dma_start3A_1192] : memref<4x128xi32, #tpu.memory_space<vmem>> -> memref<1x128xi32, #tpu.memory_space<vmem>>
        %dma_start3A_1194 = tpu.memref_squeeze %dma_start3A_1193 : memref<1x128xi32, #tpu.memory_space<vmem>> -> memref<128xi32, #tpu.memory_space<vmem>>
        %dma_start3A_1195 = arith.constant 0 : i32
        %dma_start3A_1196 = arith.constant 0 : i32
        %dma_start3A_1197 = tpu.memref_slice %arg13[%dma_start3A_1195, %dma_start3A_1196] : memref<1000x32xi32, #tpu.memory_space<vmem_shared>> -> memref<1000x32xi32, #tpu.memory_space<vmem_shared>>
        %dma_start3A_1198 = tpu.memref_slice %arg14[%dma_start3A_1187] : memref<4x!tpu.dma_semaphore, #tpu.memory_space<semaphore_mem>> -> memref<1x!tpu.dma_semaphore, #tpu.memory_space<semaphore_mem>>
        %dma_start3A_1199 = tpu.memref_squeeze %dma_start3A_1198 : memref<1x!tpu.dma_semaphore, #tpu.memory_space<semaphore_mem>> -> memref<!tpu.dma_semaphore, #tpu.memory_space<semaphore_mem>>
        tpu.enqueue_indirect_dma source(%dma_start3A_1197 : memref<1000x32xi32, #tpu.memory_space<vmem_shared>>) target(%dma_start3A_1191 : memref<128x32xi32, #tpu.memory_space<vmem>>) offsets(%dma_start3A_1194 : memref<128xi32, #tpu.memory_space<vmem>>) semaphore(%dma_start3A_1199 : memref<!tpu.dma_semaphore, #tpu.memory_space<semaphore_mem>>)
      } else {
      }
      %mul3A_966 = arith.constant 4 : i32
      %mul3A_967 = arith.muli %scan3A_770, %mul3A_966 : i32
      %add3A_968 = arith.constant 3 : i32
      %add3A_969 = arith.addi %mul3A_967, %add3A_968 : i32
      %gt3A_970 = arith.constant 0 : i32
      %gt3A_971 = arith.cmpi sgt, %scan3A_770, %gt3A_970 : i32
      %convert_element_type3A_972 = arith.extui %gt3A_971 : i1 to i32
      %cond3A_973 = arith.constant 0 : i32
      %cond3A_974 = arith.cmpi ne, %convert_element_type3A_972, %cond3A_973 : i32
      scf.if %cond3A_974 {
        %dma_wait3A_1032 = arith.constant 3 : i32
        %dma_wait3A_1033 = arith.constant 3 : i32
        %dma_wait3A_1034 = arith.constant 0 : i32
        %dma_wait3A_1035 = arith.constant 0 : i32
        %dma_wait3A_1036 = tpu.memref_slice %arg11[%dma_wait3A_1032, %dma_wait3A_1034, %dma_wait3A_1035] : memref<4x128x64xf32, #tpu.memory_space<vmem>> -> memref<1x128x64xf32, #tpu.memory_space<vmem>>
        %dma_wait3A_1037 = tpu.memref_squeeze %dma_wait3A_1036 : memref<1x128x64xf32, #tpu.memory_space<vmem>> -> memref<128x64xf32, #tpu.memory_space<vmem>>
        %dma_wait3A_1038 = arith.constant 0 : i32
        %dma_wait3A_1039 = tpu.memref_slice %arg5[%mul3A_2, %dma_wait3A_1038] : memref<425984x64xf32, #tpu.memory_space<hbm>> -> memref<128x64xf32, #tpu.memory_space<hbm>>
        %dma_wait3A_1040 = tpu.memref_slice %arg15[%dma_wait3A_1033] : memref<4x!tpu.dma_semaphore, #tpu.memory_space<semaphore_mem>> -> memref<1x!tpu.dma_semaphore, #tpu.memory_space<semaphore_mem>>
        %dma_wait3A_1041 = tpu.memref_squeeze %dma_wait3A_1040 : memref<1x!tpu.dma_semaphore, #tpu.memory_space<semaphore_mem>> -> memref<!tpu.dma_semaphore, #tpu.memory_space<semaphore_mem>>
        %dma_wait3A_1042 = arith.constant 0 : i32
        %dma_wait3A_1043 = tpu.memref_slice %arg5[%mul3A_2, %dma_wait3A_1042] : memref<425984x64xf32, #tpu.memory_space<hbm>> -> memref<128x64xf32, #tpu.memory_space<hbm>>
        %dma_wait3A_1044 = arith.constant 0 : i32
        %dma_wait3A_1045 = arith.constant 0 : i32
        %dma_wait3A_1046 = tpu.memref_slice %arg11[%dma_wait3A_1032, %dma_wait3A_1044, %dma_wait3A_1045] : memref<4x128x64xf32, #tpu.memory_space<vmem>> -> memref<1x128x64xf32, #tpu.memory_space<vmem>>
        %dma_wait3A_1047 = tpu.memref_squeeze %dma_wait3A_1046 : memref<1x128x64xf32, #tpu.memory_space<vmem>> -> memref<128x64xf32, #tpu.memory_space<vmem>>
        tpu.wait_dma2 semaphore(%dma_wait3A_1041 : memref<!tpu.dma_semaphore, #tpu.memory_space<semaphore_mem>>) src(%dma_wait3A_1047 : memref<128x64xf32, #tpu.memory_space<vmem>>) dst(%dma_wait3A_1043 : memref<128x64xf32, #tpu.memory_space<hbm>>)
      } else {
      }
      %dma_wait3A_975 = arith.constant 3 : i32
      %dma_wait3A_976 = arith.constant 3 : i32
      %dma_wait3A_977 = arith.constant 3 : i32
      %dma_wait3A_978 = arith.constant 0 : i32
      %dma_wait3A_979 = arith.constant 0 : i32
      %dma_wait3A_980 = tpu.memref_slice %arg9[%dma_wait3A_976, %dma_wait3A_978, %dma_wait3A_979] : memref<4x128x32xi32, #tpu.memory_space<vmem>> -> memref<1x128x32xi32, #tpu.memory_space<vmem>>
      %dma_wait3A_981 = tpu.memref_squeeze %dma_wait3A_980 : memref<1x128x32xi32, #tpu.memory_space<vmem>> -> memref<128x32xi32, #tpu.memory_space<vmem>>
      %dma_wait3A_982 = arith.constant 0 : i32
      %dma_wait3A_983 = tpu.memref_slice %arg7[%dma_wait3A_975, %dma_wait3A_982] : memref<4x128xi32, #tpu.memory_space<vmem>> -> memref<1x128xi32, #tpu.memory_space<vmem>>
      %dma_wait3A_984 = tpu.memref_squeeze %dma_wait3A_983 : memref<1x128xi32, #tpu.memory_space<vmem>> -> memref<128xi32, #tpu.memory_space<vmem>>
      %dma_wait3A_985 = arith.constant 0 : i32
      %dma_wait3A_986 = arith.constant 0 : i32
      %dma_wait3A_987 = tpu.memref_slice %arg12[%dma_wait3A_985, %dma_wait3A_986] : memref<1000x32xi32, #tpu.memory_space<vmem_shared>> -> memref<1000x32xi32, #tpu.memory_space<vmem_shared>>
      %dma_wait3A_988 = tpu.memref_slice %arg14[%dma_wait3A_977] : memref<4x!tpu.dma_semaphore, #tpu.memory_space<semaphore_mem>> -> memref<1x!tpu.dma_semaphore, #tpu.memory_space<semaphore_mem>>
      %dma_wait3A_989 = tpu.memref_squeeze %dma_wait3A_988 : memref<1x!tpu.dma_semaphore, #tpu.memory_space<semaphore_mem>> -> memref<!tpu.dma_semaphore, #tpu.memory_space<semaphore_mem>>
      tpu.wait_indirect_dma semaphore(%dma_wait3A_989 : memref<!tpu.dma_semaphore, #tpu.memory_space<semaphore_mem>>) src(%dma_wait3A_987 : memref<1000x32xi32, #tpu.memory_space<vmem_shared>>) dst(%dma_wait3A_981 : memref<128x32xi32, #tpu.memory_space<vmem>>)
      %dma_wait3A_990 = arith.constant 3 : i32
      %dma_wait3A_991 = arith.constant 3 : i32
      %dma_wait3A_992 = arith.constant 3 : i32
      %dma_wait3A_993 = arith.constant 0 : i32
      %dma_wait3A_994 = arith.constant 0 : i32
      %dma_wait3A_995 = tpu.memref_slice %arg10[%dma_wait3A_991, %dma_wait3A_993, %dma_wait3A_994] : memref<4x128x32xi32, #tpu.memory_space<vmem>> -> memref<1x128x32xi32, #tpu.memory_space<vmem>>
      %dma_wait3A_996 = tpu.memref_squeeze %dma_wait3A_995 : memref<1x128x32xi32, #tpu.memory_space<vmem>> -> memref<128x32xi32, #tpu.memory_space<vmem>>
      %dma_wait3A_997 = arith.constant 0 : i32
      %dma_wait3A_998 = tpu.memref_slice %arg8[%dma_wait3A_990, %dma_wait3A_997] : memref<4x128xi32, #tpu.memory_space<vmem>> -> memref<1x128xi32, #tpu.memory_space<vmem>>
      %dma_wait3A_999 = tpu.memref_squeeze %dma_wait3A_998 : memref<1x128xi32, #tpu.memory_space<vmem>> -> memref<128xi32, #tpu.memory_space<vmem>>
      %dma_wait3A_1000 = arith.constant 0 : i32
      %dma_wait3A_1001 = arith.constant 0 : i32
      %dma_wait3A_1002 = tpu.memref_slice %arg13[%dma_wait3A_1000, %dma_wait3A_1001] : memref<1000x32xi32, #tpu.memory_space<vmem_shared>> -> memref<1000x32xi32, #tpu.memory_space<vmem_shared>>
      %dma_wait3A_1003 = tpu.memref_slice %arg14[%dma_wait3A_992] : memref<4x!tpu.dma_semaphore, #tpu.memory_space<semaphore_mem>> -> memref<1x!tpu.dma_semaphore, #tpu.memory_space<semaphore_mem>>
      %dma_wait3A_1004 = tpu.memref_squeeze %dma_wait3A_1003 : memref<1x!tpu.dma_semaphore, #tpu.memory_space<semaphore_mem>> -> memref<!tpu.dma_semaphore, #tpu.memory_space<semaphore_mem>>
      tpu.wait_indirect_dma semaphore(%dma_wait3A_1004 : memref<!tpu.dma_semaphore, #tpu.memory_space<semaphore_mem>>) src(%dma_wait3A_1002 : memref<1000x32xi32, #tpu.memory_space<vmem_shared>>) dst(%dma_wait3A_996 : memref<128x32xi32, #tpu.memory_space<vmem>>)
      %parallel_loop3A_1005 = arith.constant 0 : i32
      %parallel_loop3A_1006 = arith.constant 128 : i32
      %parallel_loop3A_1007 = arith.constant 1 : i32
      scf.for %parallel_loop3A_1032 = %parallel_loop3A_1005 to %parallel_loop3A_1006 step %parallel_loop3A_1007  : i32 {
        %parallel_loop3A_1033 = arith.constant 3 : i32
        %parallel_loop3A_1034 = arith.index_cast %parallel_loop3A_1033 : i32 to index
        %parallel_loop3A_1035 = arith.index_cast %parallel_loop3A_1032 : i32 to index
        %parallel_loop3A_1036 = arith.constant 0 : index
        %parallel_loop3A_1037 = tpu.vector_load %arg9[%parallel_loop3A_1034, %parallel_loop3A_1035, %parallel_loop3A_1036] {strides = array<i32>} : memref<4x128x32xi32, #tpu.memory_space<vmem>>, vector<16xi32>,
        %parallel_loop3A_1038 = vector.bitcast %parallel_loop3A_1037 : vector<16xi32> to vector<32xbf16>
        %parallel_loop3A_1039 = arith.constant 3 : i32
        %parallel_loop3A_1040 = arith.index_cast %parallel_loop3A_1039 : i32 to index
        %parallel_loop3A_1041 = arith.index_cast %parallel_loop3A_1032 : i32 to index
        %parallel_loop3A_1042 = arith.constant 0 : index
        %parallel_loop3A_1043 = tpu.vector_load %arg10[%parallel_loop3A_1040, %parallel_loop3A_1041, %parallel_loop3A_1042] {strides = array<i32>} : memref<4x128x32xi32, #tpu.memory_space<vmem>>, vector<16xi32>,
        %parallel_loop3A_1044 = vector.bitcast %parallel_loop3A_1043 : vector<16xi32> to vector<32xbf16>
        %parallel_loop3A_1045 = tpu.unpack_subelements %parallel_loop3A_1038, 0 {pack_format = #tpu.pack_format<interleaved>} : vector<32xbf16> -> vector<16xf32>
        %parallel_loop3A_1046 = tpu.unpack_subelements %parallel_loop3A_1038, 1 {pack_format = #tpu.pack_format<interleaved>} : vector<32xbf16> -> vector<16xf32>
        %parallel_loop3A_1047 = tpu.unpack_subelements %parallel_loop3A_1044, 0 {pack_format = #tpu.pack_format<interleaved>} : vector<32xbf16> -> vector<16xf32>
        %parallel_loop3A_1048 = tpu.unpack_subelements %parallel_loop3A_1044, 1 {pack_format = #tpu.pack_format<interleaved>} : vector<32xbf16> -> vector<16xf32>
        %parallel_loop3A_1049 = arith.mulf %parallel_loop3A_1045, %parallel_loop3A_1047 : vector<16xf32>
        %parallel_loop3A_1050 = arith.constant 3 : i32
        %parallel_loop3A_1051 = arith.index_cast %parallel_loop3A_1050 : i32 to index
        %parallel_loop3A_1052 = arith.index_cast %parallel_loop3A_1032 : i32 to index
        %parallel_loop3A_1053 = arith.constant 0 : index
        %parallel_loop3A_1054 = tpu.vector_load %arg11[%parallel_loop3A_1051, %parallel_loop3A_1052, %parallel_loop3A_1053] {strides = array<i32>} : memref<4x128x64xf32, #tpu.memory_space<vmem>>, vector<16xf32>,
        tpu.vector_store %arg11[%parallel_loop3A_1051, %parallel_loop3A_1052, %parallel_loop3A_1053], %parallel_loop3A_1049 {strides = array<i32>} : memref<4x128x64xf32, #tpu.memory_space<vmem>>, vector<16xf32>,
        %parallel_loop3A_1055 = arith.mulf %parallel_loop3A_1046, %parallel_loop3A_1048 : vector<16xf32>
        %parallel_loop3A_1056 = arith.constant 3 : i32
        %parallel_loop3A_1057 = arith.index_cast %parallel_loop3A_1056 : i32 to index
        %parallel_loop3A_1058 = arith.index_cast %parallel_loop3A_1032 : i32 to index
        %parallel_loop3A_1059 = arith.constant 16 : index
        %parallel_loop3A_1060 = tpu.vector_load %arg11[%parallel_loop3A_1057, %parallel_loop3A_1058, %parallel_loop3A_1059] {strides = array<i32>} : memref<4x128x64xf32, #tpu.memory_space<vmem>>, vector<16xf32>,
        tpu.vector_store %arg11[%parallel_loop3A_1057, %parallel_loop3A_1058, %parallel_loop3A_1059], %parallel_loop3A_1055 {strides = array<i32>} : memref<4x128x64xf32, #tpu.memory_space<vmem>>, vector<16xf32>,
        %parallel_loop3A_1061 = arith.constant 3 : i32
        %parallel_loop3A_1062 = arith.index_cast %parallel_loop3A_1061 : i32 to index
        %parallel_loop3A_1063 = arith.index_cast %parallel_loop3A_1032 : i32 to index
        %parallel_loop3A_1064 = arith.constant 16 : index
        %parallel_loop3A_1065 = tpu.vector_load %arg9[%parallel_loop3A_1062, %parallel_loop3A_1063, %parallel_loop3A_1064] {strides = array<i32>} : memref<4x128x32xi32, #tpu.memory_space<vmem>>, vector<16xi32>,
        %parallel_loop3A_1066 = vector.bitcast %parallel_loop3A_1065 : vector<16xi32> to vector<32xbf16>
        %parallel_loop3A_1067 = arith.constant 3 : i32
        %parallel_loop3A_1068 = arith.index_cast %parallel_loop3A_1067 : i32 to index
        %parallel_loop3A_1069 = arith.index_cast %parallel_loop3A_1032 : i32 to index
        %parallel_loop3A_1070 = arith.constant 16 : index
        %parallel_loop3A_1071 = tpu.vector_load %arg10[%parallel_loop3A_1068, %parallel_loop3A_1069, %parallel_loop3A_1070] {strides = array<i32>} : memref<4x128x32xi32, #tpu.memory_space<vmem>>, vector<16xi32>,
        %parallel_loop3A_1072 = vector.bitcast %parallel_loop3A_1071 : vector<16xi32> to vector<32xbf16>
        %parallel_loop3A_1073 = tpu.unpack_subelements %parallel_loop3A_1066, 0 {pack_format = #tpu.pack_format<interleaved>} : vector<32xbf16> -> vector<16xf32>
        %parallel_loop3A_1074 = tpu.unpack_subelements %parallel_loop3A_1066, 1 {pack_format = #tpu.pack_format<interleaved>} : vector<32xbf16> -> vector<16xf32>
        %parallel_loop3A_1075 = tpu.unpack_subelements %parallel_loop3A_1072, 0 {pack_format = #tpu.pack_format<interleaved>} : vector<32xbf16> -> vector<16xf32>
        %parallel_loop3A_1076 = tpu.unpack_subelements %parallel_loop3A_1072, 1 {pack_format = #tpu.pack_format<interleaved>} : vector<32xbf16> -> vector<16xf32>
        %parallel_loop3A_1077 = arith.mulf %parallel_loop3A_1073, %parallel_loop3A_1075 : vector<16xf32>
        %parallel_loop3A_1078 = arith.constant 3 : i32
        %parallel_loop3A_1079 = arith.index_cast %parallel_loop3A_1078 : i32 to index
        %parallel_loop3A_1080 = arith.index_cast %parallel_loop3A_1032 : i32 to index
        %parallel_loop3A_1081 = arith.constant 32 : index
        %parallel_loop3A_1082 = tpu.vector_load %arg11[%parallel_loop3A_1079, %parallel_loop3A_1080, %parallel_loop3A_1081] {strides = array<i32>} : memref<4x128x64xf32, #tpu.memory_space<vmem>>, vector<16xf32>,
        tpu.vector_store %arg11[%parallel_loop3A_1079, %parallel_loop3A_1080, %parallel_loop3A_1081], %parallel_loop3A_1077 {strides = array<i32>} : memref<4x128x64xf32, #tpu.memory_space<vmem>>, vector<16xf32>,
        %parallel_loop3A_1083 = arith.mulf %parallel_loop3A_1074, %parallel_loop3A_1076 : vector<16xf32>
        %parallel_loop3A_1084 = arith.constant 3 : i32
        %parallel_loop3A_1085 = arith.index_cast %parallel_loop3A_1084 : i32 to index
        %parallel_loop3A_1086 = arith.index_cast %parallel_loop3A_1032 : i32 to index
        %parallel_loop3A_1087 = arith.constant 48 : index
        %parallel_loop3A_1088 = tpu.vector_load %arg11[%parallel_loop3A_1085, %parallel_loop3A_1086, %parallel_loop3A_1087] {strides = array<i32>} : memref<4x128x64xf32, #tpu.memory_space<vmem>>, vector<16xf32>,
        tpu.vector_store %arg11[%parallel_loop3A_1085, %parallel_loop3A_1086, %parallel_loop3A_1087], %parallel_loop3A_1083 {strides = array<i32>} : memref<4x128x64xf32, #tpu.memory_space<vmem>>, vector<16xf32>,
      } {sc.loop_unroll_factor = 4 : i64, sc.parallel_access}
      %mul3A_1008 = arith.constant 128 : i32
      %mul3A_1009 = arith.muli %add3A_969, %mul3A_1008 : i32
      %add3A_1010 = arith.addi %mul3A_2, %mul3A_1009 : i32
      %dma_start3A_1011 = arith.constant 3 : i32
      %dma_start3A_1012 = arith.constant 3 : i32
      %dma_start3A_1013 = arith.constant 0 : i32
      %dma_start3A_1014 = arith.constant 0 : i32
      %dma_start3A_1015 = tpu.memref_slice %arg11[%dma_start3A_1011, %dma_start3A_1013, %dma_start3A_1014] : memref<4x128x64xf32, #tpu.memory_space<vmem>> -> memref<1x128x64xf32, #tpu.memory_space<vmem>>
      %dma_start3A_1016 = tpu.memref_squeeze %dma_start3A_1015 : memref<1x128x64xf32, #tpu.memory_space<vmem>> -> memref<128x64xf32, #tpu.memory_space<vmem>>
      %dma_start3A_1017 = arith.constant 0 : i32
      %dma_start3A_1018 = tpu.memref_slice %arg5[%add3A_1010, %dma_start3A_1017] : memref<425984x64xf32, #tpu.memory_space<hbm>> -> memref<128x64xf32, #tpu.memory_space<hbm>>
      %dma_start3A_1019 = tpu.memref_slice %arg15[%dma_start3A_1012] : memref<4x!tpu.dma_semaphore, #tpu.memory_space<semaphore_mem>> -> memref<1x!tpu.dma_semaphore, #tpu.memory_space<semaphore_mem>>
      %dma_start3A_1020 = tpu.memref_squeeze %dma_start3A_1019 : memref<1x!tpu.dma_semaphore, #tpu.memory_space<semaphore_mem>> -> memref<!tpu.dma_semaphore, #tpu.memory_space<semaphore_mem>>
      %dma_start3A_1021 = arith.constant 0 : i32
      %dma_start3A_1022 = tpu.memref_slice %arg5[%add3A_1010, %dma_start3A_1021] : memref<425984x64xf32, #tpu.memory_space<hbm>> -> memref<128x64xf32, #tpu.memory_space<hbm>>
      %dma_start3A_1023 = arith.constant 0 : i32
      %dma_start3A_1024 = arith.constant 0 : i32
      %dma_start3A_1025 = tpu.memref_slice %arg11[%dma_start3A_1011, %dma_start3A_1023, %dma_start3A_1024] : memref<4x128x64xf32, #tpu.memory_space<vmem>> -> memref<1x128x64xf32, #tpu.memory_space<vmem>>
      %dma_start3A_1026 = tpu.memref_squeeze %dma_start3A_1025 : memref<1x128x64xf32, #tpu.memory_space<vmem>> -> memref<128x64xf32, #tpu.memory_space<vmem>>
      tpu.enqueue_dma source(%dma_start3A_1026 : memref<128x64xf32, #tpu.memory_space<vmem>>) target(%dma_start3A_1022 : memref<128x64xf32, #tpu.memory_space<hbm>>) target_semaphore(%dma_start3A_1020 : memref<!tpu.dma_semaphore, #tpu.memory_space<semaphore_mem>>)
      %lt3A_1027 = arith.constant 25 : i32
      %lt3A_1028 = arith.cmpi slt, %scan3A_770, %lt3A_1027 : i32
      %convert_element_type3A_1029 = arith.extui %lt3A_1028 : i1 to i32
      %cond3A_1030 = arith.constant 0 : i32
      %cond3A_1031 = arith.cmpi ne, %convert_element_type3A_1029, %cond3A_1030 : i32
      scf.if %cond3A_1031 {
        %add3A_1032 = arith.constant 4 : i32
        %add3A_1033 = arith.addi %add3A_969, %add3A_1032 : i32
        %get3A_1034 = arith.index_cast %add3A_1033 : i32 to index
        %get3A_1035 = arith.constant 0 : index
        %get3A_1036 = tpu.vector_load %arg6[%get3A_1034, %get3A_1035] {strides = array<i32>} : memref<104x128xi32, #tpu.memory_space<vmem>>, vector<16xi32>,
        %shift_right_logical3A_1037 = arith.constant 16 : i32
        %shift_right_logical3A_1038 = vector.broadcast %shift_right_logical3A_1037 : i32 to vector<16xi32>
        %shift_right_logical3A_1039 = arith.shrui %get3A_1036, %shift_right_logical3A_1038 : vector<16xi32>
        %swap3A_1040 = arith.constant 3 : i32
        %swap3A_1041 = arith.index_cast %swap3A_1040 : i32 to index
        %swap3A_1042 = arith.constant 0 : index
        %swap3A_1043 = tpu.vector_load %arg7[%swap3A_1041, %swap3A_1042] {strides = array<i32>} : memref<4x128xi32, #tpu.memory_space<vmem>>, vector<16xi32>,
        tpu.vector_store %arg7[%swap3A_1041, %swap3A_1042], %shift_right_logical3A_1039 {strides = array<i32>} : memref<4x128xi32, #tpu.memory_space<vmem>>, vector<16xi32>,
        %and3A_1044 = arith.constant 65535 : i32
        %and3A_1045 = vector.broadcast %and3A_1044 : i32 to vector<16xi32>
        %and3A_1046 = arith.andi %get3A_1036, %and3A_1045 : vector<16xi32>
        %swap3A_1047 = arith.constant 3 : i32
        %swap3A_1048 = arith.index_cast %swap3A_1047 : i32 to index
        %swap3A_1049 = arith.constant 0 : index
        %swap3A_1050 = tpu.vector_load %arg8[%swap3A_1048, %swap3A_1049] {strides = array<i32>} : memref<4x128xi32, #tpu.memory_space<vmem>>, vector<16xi32>,
        tpu.vector_store %arg8[%swap3A_1048, %swap3A_1049], %and3A_1046 {strides = array<i32>} : memref<4x128xi32, #tpu.memory_space<vmem>>, vector<16xi32>,
        %get3A_1051 = arith.index_cast %add3A_1033 : i32 to index
        %get3A_1052 = arith.constant 16 : index
        %get3A_1053 = tpu.vector_load %arg6[%get3A_1051, %get3A_1052] {strides = array<i32>} : memref<104x128xi32, #tpu.memory_space<vmem>>, vector<16xi32>,
        %shift_right_logical3A_1054 = arith.constant 16 : i32
        %shift_right_logical3A_1055 = vector.broadcast %shift_right_logical3A_1054 : i32 to vector<16xi32>
        %shift_right_logical3A_1056 = arith.shrui %get3A_1053, %shift_right_logical3A_1055 : vector<16xi32>
        %swap3A_1057 = arith.constant 3 : i32
        %swap3A_1058 = arith.index_cast %swap3A_1057 : i32 to index
        %swap3A_1059 = arith.constant 16 : index
        %swap3A_1060 = tpu.vector_load %arg7[%swap3A_1058, %swap3A_1059] {strides = array<i32>} : memref<4x128xi32, #tpu.memory_space<vmem>>, vector<16xi32>,
        tpu.vector_store %arg7[%swap3A_1058, %swap3A_1059], %shift_right_logical3A_1056 {strides = array<i32>} : memref<4x128xi32, #tpu.memory_space<vmem>>, vector<16xi32>,
        %and3A_1061 = arith.constant 65535 : i32
        %and3A_1062 = vector.broadcast %and3A_1061 : i32 to vector<16xi32>
        %and3A_1063 = arith.andi %get3A_1053, %and3A_1062 : vector<16xi32>
        %swap3A_1064 = arith.constant 3 : i32
        %swap3A_1065 = arith.index_cast %swap3A_1064 : i32 to index
        %swap3A_1066 = arith.constant 16 : index
        %swap3A_1067 = tpu.vector_load %arg8[%swap3A_1065, %swap3A_1066] {strides = array<i32>} : memref<4x128xi32, #tpu.memory_space<vmem>>, vector<16xi32>,
        tpu.vector_store %arg8[%swap3A_1065, %swap3A_1066], %and3A_1063 {strides = array<i32>} : memref<4x128xi32, #tpu.memory_space<vmem>>, vector<16xi32>,
        %get3A_1068 = arith.index_cast %add3A_1033 : i32 to index
        %get3A_1069 = arith.constant 32 : index
        %get3A_1070 = tpu.vector_load %arg6[%get3A_1068, %get3A_1069] {strides = array<i32>} : memref<104x128xi32, #tpu.memory_space<vmem>>, vector<16xi32>,
        %shift_right_logical3A_1071 = arith.constant 16 : i32
        %shift_right_logical3A_1072 = vector.broadcast %shift_right_logical3A_1071 : i32 to vector<16xi32>
        %shift_right_logical3A_1073 = arith.shrui %get3A_1070, %shift_right_logical3A_1072 : vector<16xi32>
        %swap3A_1074 = arith.constant 3 : i32
        %swap3A_1075 = arith.index_cast %swap3A_1074 : i32 to index
        %swap3A_1076 = arith.constant 32 : index
        %swap3A_1077 = tpu.vector_load %arg7[%swap3A_1075, %swap3A_1076] {strides = array<i32>} : memref<4x128xi32, #tpu.memory_space<vmem>>, vector<16xi32>,
        tpu.vector_store %arg7[%swap3A_1075, %swap3A_1076], %shift_right_logical3A_1073 {strides = array<i32>} : memref<4x128xi32, #tpu.memory_space<vmem>>, vector<16xi32>,
        %and3A_1078 = arith.constant 65535 : i32
        %and3A_1079 = vector.broadcast %and3A_1078 : i32 to vector<16xi32>
        %and3A_1080 = arith.andi %get3A_1070, %and3A_1079 : vector<16xi32>
        %swap3A_1081 = arith.constant 3 : i32
        %swap3A_1082 = arith.index_cast %swap3A_1081 : i32 to index
        %swap3A_1083 = arith.constant 32 : index
        %swap3A_1084 = tpu.vector_load %arg8[%swap3A_1082, %swap3A_1083] {strides = array<i32>} : memref<4x128xi32, #tpu.memory_space<vmem>>, vector<16xi32>,
        tpu.vector_store %arg8[%swap3A_1082, %swap3A_1083], %and3A_1080 {strides = array<i32>} : memref<4x128xi32, #tpu.memory_space<vmem>>, vector<16xi32>,
        %get3A_1085 = arith.index_cast %add3A_1033 : i32 to index
        %get3A_1086 = arith.constant 48 : index
        %get3A_1087 = tpu.vector_load %arg6[%get3A_1085, %get3A_1086] {strides = array<i32>} : memref<104x128xi32, #tpu.memory_space<vmem>>, vector<16xi32>,
        %shift_right_logical3A_1088 = arith.constant 16 : i32
        %shift_right_logical3A_1089 = vector.broadcast %shift_right_logical3A_1088 : i32 to vector<16xi32>
        %shift_right_logical3A_1090 = arith.shrui %get3A_1087, %shift_right_logical3A_1089 : vector<16xi32>
        %swap3A_1091 = arith.constant 3 : i32
        %swap3A_1092 = arith.index_cast %swap3A_1091 : i32 to index
        %swap3A_1093 = arith.constant 48 : index
        %swap3A_1094 = tpu.vector_load %arg7[%swap3A_1092, %swap3A_1093] {strides = array<i32>} : memref<4x128xi32, #tpu.memory_space<vmem>>, vector<16xi32>,
        tpu.vector_store %arg7[%swap3A_1092, %swap3A_1093], %shift_right_logical3A_1090 {strides = array<i32>} : memref<4x128xi32, #tpu.memory_space<vmem>>, vector<16xi32>,
        %and3A_1095 = arith.constant 65535 : i32
        %and3A_1096 = vector.broadcast %and3A_1095 : i32 to vector<16xi32>
        %and3A_1097 = arith.andi %get3A_1087, %and3A_1096 : vector<16xi32>
        %swap3A_1098 = arith.constant 3 : i32
        %swap3A_1099 = arith.index_cast %swap3A_1098 : i32 to index
        %swap3A_1100 = arith.constant 48 : index
        %swap3A_1101 = tpu.vector_load %arg8[%swap3A_1099, %swap3A_1100] {strides = array<i32>} : memref<4x128xi32, #tpu.memory_space<vmem>>, vector<16xi32>,
        tpu.vector_store %arg8[%swap3A_1099, %swap3A_1100], %and3A_1097 {strides = array<i32>} : memref<4x128xi32, #tpu.memory_space<vmem>>, vector<16xi32>,
        %get3A_1102 = arith.index_cast %add3A_1033 : i32 to index
        %get3A_1103 = arith.constant 64 : index
        %get3A_1104 = tpu.vector_load %arg6[%get3A_1102, %get3A_1103] {strides = array<i32>} : memref<104x128xi32, #tpu.memory_space<vmem>>, vector<16xi32>,
        %shift_right_logical3A_1105 = arith.constant 16 : i32
        %shift_right_logical3A_1106 = vector.broadcast %shift_right_logical3A_1105 : i32 to vector<16xi32>
        %shift_right_logical3A_1107 = arith.shrui %get3A_1104, %shift_right_logical3A_1106 : vector<16xi32>
        %swap3A_1108 = arith.constant 3 : i32
        %swap3A_1109 = arith.index_cast %swap3A_1108 : i32 to index
        %swap3A_1110 = arith.constant 64 : index
        %swap3A_1111 = tpu.vector_load %arg7[%swap3A_1109, %swap3A_1110] {strides = array<i32>} : memref<4x128xi32, #tpu.memory_space<vmem>>, vector<16xi32>,
        tpu.vector_store %arg7[%swap3A_1109, %swap3A_1110], %shift_right_logical3A_1107 {strides = array<i32>} : memref<4x128xi32, #tpu.memory_space<vmem>>, vector<16xi32>,
        %and3A_1112 = arith.constant 65535 : i32
        %and3A_1113 = vector.broadcast %and3A_1112 : i32 to vector<16xi32>
        %and3A_1114 = arith.andi %get3A_1104, %and3A_1113 : vector<16xi32>
        %swap3A_1115 = arith.constant 3 : i32
        %swap3A_1116 = arith.index_cast %swap3A_1115 : i32 to index
        %swap3A_1117 = arith.constant 64 : index
        %swap3A_1118 = tpu.vector_load %arg8[%swap3A_1116, %swap3A_1117] {strides = array<i32>} : memref<4x128xi32, #tpu.memory_space<vmem>>, vector<16xi32>,
        tpu.vector_store %arg8[%swap3A_1116, %swap3A_1117], %and3A_1114 {strides = array<i32>} : memref<4x128xi32, #tpu.memory_space<vmem>>, vector<16xi32>,
        %get3A_1119 = arith.index_cast %add3A_1033 : i32 to index
        %get3A_1120 = arith.constant 80 : index
        %get3A_1121 = tpu.vector_load %arg6[%get3A_1119, %get3A_1120] {strides = array<i32>} : memref<104x128xi32, #tpu.memory_space<vmem>>, vector<16xi32>,
        %shift_right_logical3A_1122 = arith.constant 16 : i32
        %shift_right_logical3A_1123 = vector.broadcast %shift_right_logical3A_1122 : i32 to vector<16xi32>
        %shift_right_logical3A_1124 = arith.shrui %get3A_1121, %shift_right_logical3A_1123 : vector<16xi32>
        %swap3A_1125 = arith.constant 3 : i32
        %swap3A_1126 = arith.index_cast %swap3A_1125 : i32 to index
        %swap3A_1127 = arith.constant 80 : index
        %swap3A_1128 = tpu.vector_load %arg7[%swap3A_1126, %swap3A_1127] {strides = array<i32>} : memref<4x128xi32, #tpu.memory_space<vmem>>, vector<16xi32>,
        tpu.vector_store %arg7[%swap3A_1126, %swap3A_1127], %shift_right_logical3A_1124 {strides = array<i32>} : memref<4x128xi32, #tpu.memory_space<vmem>>, vector<16xi32>,
        %and3A_1129 = arith.constant 65535 : i32
        %and3A_1130 = vector.broadcast %and3A_1129 : i32 to vector<16xi32>
        %and3A_1131 = arith.andi %get3A_1121, %and3A_1130 : vector<16xi32>
        %swap3A_1132 = arith.constant 3 : i32
        %swap3A_1133 = arith.index_cast %swap3A_1132 : i32 to index
        %swap3A_1134 = arith.constant 80 : index
        %swap3A_1135 = tpu.vector_load %arg8[%swap3A_1133, %swap3A_1134] {strides = array<i32>} : memref<4x128xi32, #tpu.memory_space<vmem>>, vector<16xi32>,
        tpu.vector_store %arg8[%swap3A_1133, %swap3A_1134], %and3A_1131 {strides = array<i32>} : memref<4x128xi32, #tpu.memory_space<vmem>>, vector<16xi32>,
        %get3A_1136 = arith.index_cast %add3A_1033 : i32 to index
        %get3A_1137 = arith.constant 96 : index
        %get3A_1138 = tpu.vector_load %arg6[%get3A_1136, %get3A_1137] {strides = array<i32>} : memref<104x128xi32, #tpu.memory_space<vmem>>, vector<16xi32>,
        %shift_right_logical3A_1139 = arith.constant 16 : i32
        %shift_right_logical3A_1140 = vector.broadcast %shift_right_logical3A_1139 : i32 to vector<16xi32>
        %shift_right_logical3A_1141 = arith.shrui %get3A_1138, %shift_right_logical3A_1140 : vector<16xi32>
        %swap3A_1142 = arith.constant 3 : i32
        %swap3A_1143 = arith.index_cast %swap3A_1142 : i32 to index
        %swap3A_1144 = arith.constant 96 : index
        %swap3A_1145 = tpu.vector_load %arg7[%swap3A_1143, %swap3A_1144] {strides = array<i32>} : memref<4x128xi32, #tpu.memory_space<vmem>>, vector<16xi32>,
        tpu.vector_store %arg7[%swap3A_1143, %swap3A_1144], %shift_right_logical3A_1141 {strides = array<i32>} : memref<4x128xi32, #tpu.memory_space<vmem>>, vector<16xi32>,
        %and3A_1146 = arith.constant 65535 : i32
        %and3A_1147 = vector.broadcast %and3A_1146 : i32 to vector<16xi32>
        %and3A_1148 = arith.andi %get3A_1138, %and3A_1147 : vector<16xi32>
        %swap3A_1149 = arith.constant 3 : i32
        %swap3A_1150 = arith.index_cast %swap3A_1149 : i32 to index
        %swap3A_1151 = arith.constant 96 : index
        %swap3A_1152 = tpu.vector_load %arg8[%swap3A_1150, %swap3A_1151] {strides = array<i32>} : memref<4x128xi32, #tpu.memory_space<vmem>>, vector<16xi32>,
        tpu.vector_store %arg8[%swap3A_1150, %swap3A_1151], %and3A_1148 {strides = array<i32>} : memref<4x128xi32, #tpu.memory_space<vmem>>, vector<16xi32>,
        %get3A_1153 = arith.index_cast %add3A_1033 : i32 to index
        %get3A_1154 = arith.constant 112 : index
        %get3A_1155 = tpu.vector_load %arg6[%get3A_1153, %get3A_1154] {strides = array<i32>} : memref<104x128xi32, #tpu.memory_space<vmem>>, vector<16xi32>,
        %shift_right_logical3A_1156 = arith.constant 16 : i32
        %shift_right_logical3A_1157 = vector.broadcast %shift_right_logical3A_1156 : i32 to vector<16xi32>
        %shift_right_logical3A_1158 = arith.shrui %get3A_1155, %shift_right_logical3A_1157 : vector<16xi32>
        %swap3A_1159 = arith.constant 3 : i32
        %swap3A_1160 = arith.index_cast %swap3A_1159 : i32 to index
        %swap3A_1161 = arith.constant 112 : index
        %swap3A_1162 = tpu.vector_load %arg7[%swap3A_1160, %swap3A_1161] {strides = array<i32>} : memref<4x128xi32, #tpu.memory_space<vmem>>, vector<16xi32>,
        tpu.vector_store %arg7[%swap3A_1160, %swap3A_1161], %shift_right_logical3A_1158 {strides = array<i32>} : memref<4x128xi32, #tpu.memory_space<vmem>>, vector<16xi32>,
        %and3A_1163 = arith.constant 65535 : i32
        %and3A_1164 = vector.broadcast %and3A_1163 : i32 to vector<16xi32>
        %and3A_1165 = arith.andi %get3A_1155, %and3A_1164 : vector<16xi32>
        %swap3A_1166 = arith.constant 3 : i32
        %swap3A_1167 = arith.index_cast %swap3A_1166 : i32 to index
        %swap3A_1168 = arith.constant 112 : index
        %swap3A_1169 = tpu.vector_load %arg8[%swap3A_1167, %swap3A_1168] {strides = array<i32>} : memref<4x128xi32, #tpu.memory_space<vmem>>, vector<16xi32>,
        tpu.vector_store %arg8[%swap3A_1167, %swap3A_1168], %and3A_1165 {strides = array<i32>} : memref<4x128xi32, #tpu.memory_space<vmem>>, vector<16xi32>,
        %dma_start3A_1170 = arith.constant 3 : i32
        %dma_start3A_1171 = arith.constant 3 : i32
        %dma_start3A_1172 = arith.constant 3 : i32
        %dma_start3A_1173 = arith.constant 0 : i32
        %dma_start3A_1174 = arith.constant 0 : i32
        %dma_start3A_1175 = tpu.memref_slice %arg9[%dma_start3A_1171, %dma_start3A_1173, %dma_start3A_1174] : memref<4x128x32xi32, #tpu.memory_space<vmem>> -> memref<1x128x32xi32, #tpu.memory_space<vmem>>
        %dma_start3A_1176 = tpu.memref_squeeze %dma_start3A_1175 : memref<1x128x32xi32, #tpu.memory_space<vmem>> -> memref<128x32xi32, #tpu.memory_space<vmem>>
        %dma_start3A_1177 = arith.constant 0 : i32
        %dma_start3A_1178 = tpu.memref_slice %arg7[%dma_start3A_1170, %dma_start3A_1177] : memref<4x128xi32, #tpu.memory_space<vmem>> -> memref<1x128xi32, #tpu.memory_space<vmem>>
        %dma_start3A_1179 = tpu.memref_squeeze %dma_start3A_1178 : memref<1x128xi32, #tpu.memory_space<vmem>> -> memref<128xi32, #tpu.memory_space<vmem>>
        %dma_start3A_1180 = arith.constant 0 : i32
        %dma_start3A_1181 = arith.constant 0 : i32
        %dma_start3A_1182 = tpu.memref_slice %arg12[%dma_start3A_1180, %dma_start3A_1181] : memref<1000x32xi32, #tpu.memory_space<vmem_shared>> -> memref<1000x32xi32, #tpu.memory_space<vmem_shared>>
        %dma_start3A_1183 = tpu.memref_slice %arg14[%dma_start3A_1172] : memref<4x!tpu.dma_semaphore, #tpu.memory_space<semaphore_mem>> -> memref<1x!tpu.dma_semaphore, #tpu.memory_space<semaphore_mem>>
        %dma_start3A_1184 = tpu.memref_squeeze %dma_start3A_1183 : memref<1x!tpu.dma_semaphore, #tpu.memory_space<semaphore_mem>> -> memref<!tpu.dma_semaphore, #tpu.memory_space<semaphore_mem>>
        tpu.enqueue_indirect_dma source(%dma_start3A_1182 : memref<1000x32xi32, #tpu.memory_space<vmem_shared>>) target(%dma_start3A_1176 : memref<128x32xi32, #tpu.memory_space<vmem>>) offsets(%dma_start3A_1179 : memref<128xi32, #tpu.memory_space<vmem>>) semaphore(%dma_start3A_1184 : memref<!tpu.dma_semaphore, #tpu.memory_space<semaphore_mem>>)
        %dma_start3A_1185 = arith.constant 3 : i32
        %dma_start3A_1186 = arith.constant 3 : i32
        %dma_start3A_1187 = arith.constant 3 : i32
        %dma_start3A_1188 = arith.constant 0 : i32
        %dma_start3A_1189 = arith.constant 0 : i32
        %dma_start3A_1190 = tpu.memref_slice %arg10[%dma_start3A_1186, %dma_start3A_1188, %dma_start3A_1189] : memref<4x128x32xi32, #tpu.memory_space<vmem>> -> memref<1x128x32xi32, #tpu.memory_space<vmem>>
        %dma_start3A_1191 = tpu.memref_squeeze %dma_start3A_1190 : memref<1x128x32xi32, #tpu.memory_space<vmem>> -> memref<128x32xi32, #tpu.memory_space<vmem>>
        %dma_start3A_1192 = arith.constant 0 : i32
        %dma_start3A_1193 = tpu.memref_slice %arg8[%dma_start3A_1185, %dma_start3A_1192] : memref<4x128xi32, #tpu.memory_space<vmem>> -> memref<1x128xi32, #tpu.memory_space<vmem>>
        %dma_start3A_1194 = tpu.memref_squeeze %dma_start3A_1193 : memref<1x128xi32, #tpu.memory_space<vmem>> -> memref<128xi32, #tpu.memory_space<vmem>>
        %dma_start3A_1195 = arith.constant 0 : i32
        %dma_start3A_1196 = arith.constant 0 : i32
        %dma_start3A_1197 = tpu.memref_slice %arg13[%dma_start3A_1195, %dma_start3A_1196] : memref<1000x32xi32, #tpu.memory_space<vmem_shared>> -> memref<1000x32xi32, #tpu.memory_space<vmem_shared>>
        %dma_start3A_1198 = tpu.memref_slice %arg14[%dma_start3A_1187] : memref<4x!tpu.dma_semaphore, #tpu.memory_space<semaphore_mem>> -> memref<1x!tpu.dma_semaphore, #tpu.memory_space<semaphore_mem>>
        %dma_start3A_1199 = tpu.memref_squeeze %dma_start3A_1198 : memref<1x!tpu.dma_semaphore, #tpu.memory_space<semaphore_mem>> -> memref<!tpu.dma_semaphore, #tpu.memory_space<semaphore_mem>>
        tpu.enqueue_indirect_dma source(%dma_start3A_1197 : memref<1000x32xi32, #tpu.memory_space<vmem_shared>>) target(%dma_start3A_1191 : memref<128x32xi32, #tpu.memory_space<vmem>>) offsets(%dma_start3A_1194 : memref<128xi32, #tpu.memory_space<vmem>>) semaphore(%dma_start3A_1199 : memref<!tpu.dma_semaphore, #tpu.memory_space<semaphore_mem>>)
      } else {
      }
    }
    %scan3A_706 = arith.constant 26 : i32
    %dma_wait3A = arith.constant 0 : i32
    %dma_wait3A_707 = arith.constant 0 : i32
    %dma_wait3A_708 = arith.constant 0 : i32
    %dma_wait3A_709 = arith.constant 0 : i32
    %dma_wait3A_710 = tpu.memref_slice %arg11[%dma_wait3A, %dma_wait3A_708, %dma_wait3A_709] : memref<4x128x64xf32, #tpu.memory_space<vmem>> -> memref<1x128x64xf32, #tpu.memory_space<vmem>>
    %dma_wait3A_711 = tpu.memref_squeeze %dma_wait3A_710 : memref<1x128x64xf32, #tpu.memory_space<vmem>> -> memref<128x64xf32, #tpu.memory_space<vmem>>
    %dma_wait3A_712 = arith.constant 0 : i32
    %dma_wait3A_713 = tpu.memref_slice %arg5[%mul3A_2, %dma_wait3A_712] : memref<425984x64xf32, #tpu.memory_space<hbm>> -> memref<128x64xf32, #tpu.memory_space<hbm>>
    %dma_wait3A_714 = tpu.memref_slice %arg15[%dma_wait3A_707] : memref<4x!tpu.dma_semaphore, #tpu.memory_space<semaphore_mem>> -> memref<1x!tpu.dma_semaphore, #tpu.memory_space<semaphore_mem>>
    %dma_wait3A_715 = tpu.memref_squeeze %dma_wait3A_714 : memref<1x!tpu.dma_semaphore, #tpu.memory_space<semaphore_mem>> -> memref<!tpu.dma_semaphore, #tpu.memory_space<semaphore_mem>>
    %dma_wait3A_716 = arith.constant 0 : i32
    %dma_wait3A_717 = tpu.memref_slice %arg5[%mul3A_2, %dma_wait3A_716] : memref<425984x64xf32, #tpu.memory_space<hbm>> -> memref<128x64xf32, #tpu.memory_space<hbm>>
    %dma_wait3A_718 = arith.constant 0 : i32
    %dma_wait3A_719 = arith.constant 0 : i32
    %dma_wait3A_720 = tpu.memref_slice %arg11[%dma_wait3A, %dma_wait3A_718, %dma_wait3A_719] : memref<4x128x64xf32, #tpu.memory_space<vmem>> -> memref<1x128x64xf32, #tpu.memory_space<vmem>>
    %dma_wait3A_721 = tpu.memref_squeeze %dma_wait3A_720 : memref<1x128x64xf32, #tpu.memory_space<vmem>> -> memref<128x64xf32, #tpu.memory_space<vmem>>
    tpu.wait_dma2 semaphore(%dma_wait3A_715 : memref<!tpu.dma_semaphore, #tpu.memory_space<semaphore_mem>>) src(%dma_wait3A_721 : memref<128x64xf32, #tpu.memory_space<vmem>>) dst(%dma_wait3A_717 : memref<128x64xf32, #tpu.memory_space<hbm>>)
    %dma_wait3A_722 = arith.constant 1 : i32
    %dma_wait3A_723 = arith.constant 1 : i32
    %dma_wait3A_724 = arith.constant 0 : i32
    %dma_wait3A_725 = arith.constant 0 : i32
    %dma_wait3A_726 = tpu.memref_slice %arg11[%dma_wait3A_722, %dma_wait3A_724, %dma_wait3A_725] : memref<4x128x64xf32, #tpu.memory_space<vmem>> -> memref<1x128x64xf32, #tpu.memory_space<vmem>>
    %dma_wait3A_727 = tpu.memref_squeeze %dma_wait3A_726 : memref<1x128x64xf32, #tpu.memory_space<vmem>> -> memref<128x64xf32, #tpu.memory_space<vmem>>
    %dma_wait3A_728 = arith.constant 0 : i32
    %dma_wait3A_729 = tpu.memref_slice %arg5[%mul3A_2, %dma_wait3A_728] : memref<425984x64xf32, #tpu.memory_space<hbm>> -> memref<128x64xf32, #tpu.memory_space<hbm>>
    %dma_wait3A_730 = tpu.memref_slice %arg15[%dma_wait3A_723] : memref<4x!tpu.dma_semaphore, #tpu.memory_space<semaphore_mem>> -> memref<1x!tpu.dma_semaphore, #tpu.memory_space<semaphore_mem>>
    %dma_wait3A_731 = tpu.memref_squeeze %dma_wait3A_730 : memref<1x!tpu.dma_semaphore, #tpu.memory_space<semaphore_mem>> -> memref<!tpu.dma_semaphore, #tpu.memory_space<semaphore_mem>>
    %dma_wait3A_732 = arith.constant 0 : i32
    %dma_wait3A_733 = tpu.memref_slice %arg5[%mul3A_2, %dma_wait3A_732] : memref<425984x64xf32, #tpu.memory_space<hbm>> -> memref<128x64xf32, #tpu.memory_space<hbm>>
    %dma_wait3A_734 = arith.constant 0 : i32
    %dma_wait3A_735 = arith.constant 0 : i32
    %dma_wait3A_736 = tpu.memref_slice %arg11[%dma_wait3A_722, %dma_wait3A_734, %dma_wait3A_735] : memref<4x128x64xf32, #tpu.memory_space<vmem>> -> memref<1x128x64xf32, #tpu.memory_space<vmem>>
    %dma_wait3A_737 = tpu.memref_squeeze %dma_wait3A_736 : memref<1x128x64xf32, #tpu.memory_space<vmem>> -> memref<128x64xf32, #tpu.memory_space<vmem>>
    tpu.wait_dma2 semaphore(%dma_wait3A_731 : memref<!tpu.dma_semaphore, #tpu.memory_space<semaphore_mem>>) src(%dma_wait3A_737 : memref<128x64xf32, #tpu.memory_space<vmem>>) dst(%dma_wait3A_733 : memref<128x64xf32, #tpu.memory_space<hbm>>)
    %dma_wait3A_738 = arith.constant 2 : i32
    %dma_wait3A_739 = arith.constant 2 : i32
    %dma_wait3A_740 = arith.constant 0 : i32
    %dma_wait3A_741 = arith.constant 0 : i32
    %dma_wait3A_742 = tpu.memref_slice %arg11[%dma_wait3A_738, %dma_wait3A_740, %dma_wait3A_741] : memref<4x128x64xf32, #tpu.memory_space<vmem>> -> memref<1x128x64xf32, #tpu.memory_space<vmem>>
    %dma_wait3A_743 = tpu.memref_squeeze %dma_wait3A_742 : memref<1x128x64xf32, #tpu.memory_space<vmem>> -> memref<128x64xf32, #tpu.memory_space<vmem>>
    %dma_wait3A_744 = arith.constant 0 : i32
    %dma_wait3A_745 = tpu.memref_slice %arg5[%mul3A_2, %dma_wait3A_744] : memref<425984x64xf32, #tpu.memory_space<hbm>> -> memref<128x64xf32, #tpu.memory_space<hbm>>
    %dma_wait3A_746 = tpu.memref_slice %arg15[%dma_wait3A_739] : memref<4x!tpu.dma_semaphore, #tpu.memory_space<semaphore_mem>> -> memref<1x!tpu.dma_semaphore, #tpu.memory_space<semaphore_mem>>
    %dma_wait3A_747 = tpu.memref_squeeze %dma_wait3A_746 : memref<1x!tpu.dma_semaphore, #tpu.memory_space<semaphore_mem>> -> memref<!tpu.dma_semaphore, #tpu.memory_space<semaphore_mem>>
    %dma_wait3A_748 = arith.constant 0 : i32
    %dma_wait3A_749 = tpu.memref_slice %arg5[%mul3A_2, %dma_wait3A_748] : memref<425984x64xf32, #tpu.memory_space<hbm>> -> memref<128x64xf32, #tpu.memory_space<hbm>>
    %dma_wait3A_750 = arith.constant 0 : i32
    %dma_wait3A_751 = arith.constant 0 : i32
    %dma_wait3A_752 = tpu.memref_slice %arg11[%dma_wait3A_738, %dma_wait3A_750, %dma_wait3A_751] : memref<4x128x64xf32, #tpu.memory_space<vmem>> -> memref<1x128x64xf32, #tpu.memory_space<vmem>>
    %dma_wait3A_753 = tpu.memref_squeeze %dma_wait3A_752 : memref<1x128x64xf32, #tpu.memory_space<vmem>> -> memref<128x64xf32, #tpu.memory_space<vmem>>
    tpu.wait_dma2 semaphore(%dma_wait3A_747 : memref<!tpu.dma_semaphore, #tpu.memory_space<semaphore_mem>>) src(%dma_wait3A_753 : memref<128x64xf32, #tpu.memory_space<vmem>>) dst(%dma_wait3A_749 : memref<128x64xf32, #tpu.memory_space<hbm>>)
    %dma_wait3A_754 = arith.constant 3 : i32
    %dma_wait3A_755 = arith.constant 3 : i32
    %dma_wait3A_756 = arith.constant 0 : i32
    %dma_wait3A_757 = arith.constant 0 : i32
    %dma_wait3A_758 = tpu.memref_slice %arg11[%dma_wait3A_754, %dma_wait3A_756, %dma_wait3A_757] : memref<4x128x64xf32, #tpu.memory_space<vmem>> -> memref<1x128x64xf32, #tpu.memory_space<vmem>>
    %dma_wait3A_759 = tpu.memref_squeeze %dma_wait3A_758 : memref<1x128x64xf32, #tpu.memory_space<vmem>> -> memref<128x64xf32, #tpu.memory_space<vmem>>
    %dma_wait3A_760 = arith.constant 0 : i32
    %dma_wait3A_761 = tpu.memref_slice %arg5[%mul3A_2, %dma_wait3A_760] : memref<425984x64xf32, #tpu.memory_space<hbm>> -> memref<128x64xf32, #tpu.memory_space<hbm>>
    %dma_wait3A_762 = tpu.memref_slice %arg15[%dma_wait3A_755] : memref<4x!tpu.dma_semaphore, #tpu.memory_space<semaphore_mem>> -> memref<1x!tpu.dma_semaphore, #tpu.memory_space<semaphore_mem>>
    %dma_wait3A_763 = tpu.memref_squeeze %dma_wait3A_762 : memref<1x!tpu.dma_semaphore, #tpu.memory_space<semaphore_mem>> -> memref<!tpu.dma_semaphore, #tpu.memory_space<semaphore_mem>>
    %dma_wait3A_764 = arith.constant 0 : i32
    %dma_wait3A_765 = tpu.memref_slice %arg5[%mul3A_2, %dma_wait3A_764] : memref<425984x64xf32, #tpu.memory_space<hbm>> -> memref<128x64xf32, #tpu.memory_space<hbm>>
    %dma_wait3A_766 = arith.constant 0 : i32
    %dma_wait3A_767 = arith.constant 0 : i32
    %dma_wait3A_768 = tpu.memref_slice %arg11[%dma_wait3A_754, %dma_wait3A_766, %dma_wait3A_767] : memref<4x128x64xf32, #tpu.memory_space<vmem>> -> memref<1x128x64xf32, #tpu.memory_space<vmem>>
    %dma_wait3A_769 = tpu.memref_squeeze %dma_wait3A_768 : memref<1x128x64xf32, #tpu.memory_space<vmem>> -> memref<128x64xf32, #tpu.memory_space<vmem>>
    tpu.wait_dma2 semaphore(%dma_wait3A_763 : memref<!tpu.dma_semaphore, #tpu.memory_space<semaphore_mem>>) src(%dma_wait3A_769 : memref<128x64xf32, #tpu.memory_space<vmem>>) dst(%dma_wait3A_765 : memref<128x64xf32, #tpu.memory_space<hbm>>)
    return
  }
}

</mosaic_0001>

<sc_bundles>
// kernel: _qr_embed.3.cloned.1.call-start
scs
__scs_entry_jumppad:
0x0: {  	(pc) =	sbr.rel $0x88, $3  }
0x1: {  	(tag) =	ssettag $0x0;
	lr =	simm.s32 $0x1  }
0x2: {  	[smem:$0x3F9E] =	sst lr;
	_ =	strace $0xD0000000  }
0x3: {  	_ = 	snop  }
0x4: {  	_ = 	snop  }
0x5: {  	_ = 	snop  }
0x6: {  	_ = 	snop  }
0x7: {  	_ = 	snop  }
__scs_overlays_trampoline_lowered:
0x8: {  	[smem:$0x3FAD] =	sst s0  }
0x9: {  	[smem:$0x3FAE] =	sst s1  }
0xa: {  	[smem:$0x3FAF] =	sst s2  }
0xb: {  	[smem:$0x3FB0] =	sst s3  }
0xc: {  	[smem:$0x3FB1] =	sst s4  }
0xd: {  	[smem:$0x3FB2] =	sst s5  }
0xe: {  	[smem:$0x3FB3] =	sst s6  }
0xf: {  	[smem:$0x3FB4] =	sst s7  }
0x10: {  	[smem:$0x3FB5] =	sst s8  }
0x11: {  	[smem:$0x3FB6] =	sst s9;
	s0 =	simm.s32 @!p0 $0x0  }
0x12: {  	s1 =	sld [smem:$0x3F9C];
	s0 =	simm.s32 @p0 $0x1  }
0x13: {  	[smem:$0x3FB7] =	sst s0;
	s0 =	simm.s32 @!p1 $0x0  }
0x14: {  	s2 =	sld [smem:$0x3F9B];
	s0 =	simm.s32 @p1 $0x1  }
0x15: {  	[smem:$0x3FB8] =	sst s0;
	s0 =	simm.s32 @!p2 $0x0  }
0x16: {  	s3 =	sld [smem:$0x3FDB];
	s0 =	simm.s32 @p2 $0x1  }
0x17: {  	s4 =	simm.s32 $0x1BF5;
	[smem:$0x3FBA] =	sst s0  }
0x18: {  	s0 =	sld [smem:$0x3F9D];
	_ =	swait.ge [sflag:s4], $0x0  }
0x19: {  	s7 =	sld [smem:$0x3F9E]  }
0x1a: {  	s8 =	sadd.s32 $0xFFFFE003, lr  }
0x1b: {  	s9 =	sadd.s32 $0xFFFFFEF7, lr;
	s5 =	simm.s32 $0xFFFFFFFF;
	p2 =	slt.u32 s8, $0xFFFFF086  }
0x1c: {  	p1 =	slt.u32 s9, $0xF7A;
	s5 =	simm.s32 @!p2 $0x0  }
0x1d: {  	s5 =	simm.s32 @p1 $0x1;
	p0 =	seq.s32 s7, s2  }
0x1e: {  	s7 =	smul.u32 @!p0 $0xF7A, s2;
	p2 =	seq.s32 @!p0 s5, $0x0  }
0x1f: {  	s9 =	smul.u32 $0xF7A, s1;
	s8 =	simm.s32 @!p0 $0x1BF5;
	p2 =	por !p2, p0  }
0x20: {  	[sflag:s8] =	ssyncset.s32 @!p0 $0xFFFFF086;
	s6 =	sadd.s32 @!p0 s3, s7;
	s7 =	simm.s32 @!p0 $0x108  }
0x21: {  	s3 =	sadd.s32 s3, s9;
	s6 =	sadd.s32 @!p0 $0x88, s6;
	s7 =	simm.s32 @p2 $0x1082  }
0x22: {  	[simem:s7], [sflag:s8] =	dma.local @!p0 [hbm:s6], $0xF7A  }
0x23: {  	s9 =	sor.u32 $0xD0000000, s2;
	s6 =	simm.s32 $0x108;
	_ =	swait.ge @!p0 [sflag:s8], $0x0  }
0x24: {  	s3 =	sadd.s32 $0x88, s3;
	s6 =	simm.s32 @!p1 $0x1082;
	[sflag:s4] =	ssyncset.s32 $0xFFFFF086  }
0x25: {  	[simem:s6], [sflag:s4] =	dma.local [hbm:s3], $0xF7A  }
0x26: {  	[smem:$0x3F9E] =	sst s1;
	(tag) =	ssettag s2;
	_ =	strace s9  }
0x27: {  	s1 =	sld [smem:$0x3FAE]  }
0x28: {  	s2 =	sld [smem:$0x3FAF]  }
0x29: {  	s4 =	sld [smem:$0x3FB1]  }
0x2a: {  	p0 =	seq.s32 s5, $0x0;
	s5 =	sld [smem:$0x3FB2]  }
0x2b: {  	s6 =	sld [smem:$0x3FB3]  }
0x2c: {  	s7 =	sld [smem:$0x3FB4]  }
0x2d: {  	s3 =	simm.s32 $0x108;
	s8 =	sld [smem:$0x3FB5]  }
0x2e: {  	s3 =	simm.s32 @!p0 $0x1082;
	s9 =	sld [smem:$0x3FB6]  }
0x2f: {  	lr =	sadd.s32 s0, s3;
	s0 =	sld [smem:$0x3FAD]  }
0x30: {  	s3 =	sld [smem:$0x3FB0]  }
0x31: {  	[smem:$0x3FB9] =	sst s10  }
0x32: {  	s10 =	sld [smem:$0x3FB7];
	_ =	sdelay $0x3  }
0x33: {  	p0 =	seq.s32 s10, $0x1;
	s10 =	sld [smem:$0x3FB9];
	_ =	sdelay $0x3  }
0x34: {  	[smem:$0x3FB9] =	sst s10  }
0x35: {  	s10 =	sld [smem:$0x3FB8];
	_ =	sdelay $0x3  }
0x36: {  	p1 =	seq.s32 s10, $0x1;
	s10 =	sld [smem:$0x3FB9];
	_ =	sdelay $0x3  }
0x37: {  	[smem:$0x3FB9] =	sst s10  }
0x38: {  	s10 =	sld [smem:$0x3FBA]  }
0x39: {  	_ = 	snop;
	(pc) =	sbr.ind lr, $3  }
0x3a: {  	_ = 	snop  }
0x3b: {  	_ = 	snop  }
0x3c: {  	p2 =	seq.s32 s10, $0x1;
	s10 =	sld [smem:$0x3FB9]  }
0x3d: {  	_ =	shalt  }
0x3e: {  	_ =	shalt  }
0x3f: {  	_ =	shalt  }
0x40: {  	_ =	shalt  }
0x41: {  	_ =	shalt  }
0x42: {  	_ =	shalt  }
0x43: {  	_ =	shalt  }
0x44: {  	_ =	shalt  }
0x45: {  	_ =	shalt  }
0x46: {  	_ =	shalt  }
0x47: {  	_ =	shalt  }
0x48: {  	_ =	shalt  }
0x49: {  	_ =	shalt  }
0x4a: {  	_ =	shalt  }
0x4b: {  	_ =	shalt  }
0x4c: {  	_ =	shalt  }
0x4d: {  	_ =	shalt  }
0x4e: {  	_ =	shalt  }
0x4f: {  	_ =	shalt  }
0x50: {  	_ =	shalt  }
0x51: {  	_ =	shalt  }
0x52: {  	_ =	shalt  }
0x53: {  	_ =	shalt  }
0x54: {  	_ =	shalt  }
0x55: {  	_ =	shalt  }
0x56: {  	_ =	shalt  }
0x57: {  	_ =	shalt  }
0x58: {  	_ =	shalt  }
0x59: {  	_ =	shalt  }
0x5a: {  	_ =	shalt  }
0x5b: {  	_ =	shalt  }
0x5c: {  	_ =	shalt  }
0x5d: {  	_ =	shalt  }
0x5e: {  	_ =	shalt  }
0x5f: {  	_ =	shalt  }
0x60: {  	_ =	shalt  }
0x61: {  	_ =	shalt  }
0x62: {  	_ =	shalt  }
0x63: {  	_ =	shalt  }
0x64: {  	_ =	shalt  }
0x65: {  	_ =	shalt  }
0x66: {  	_ =	shalt  }
0x67: {  	_ =	shalt  }
0x68: {  	_ =	shalt  }
0x69: {  	_ =	shalt  }
0x6a: {  	_ =	shalt  }
0x6b: {  	_ =	shalt  }
0x6c: {  	_ =	shalt  }
0x6d: {  	_ =	shalt  }
0x6e: {  	_ =	shalt  }
0x6f: {  	_ =	shalt  }
0x70: {  	_ =	shalt  }
0x71: {  	_ =	shalt  }
0x72: {  	_ =	shalt  }
0x73: {  	_ =	shalt  }
0x74: {  	_ =	shalt  }
0x75: {  	_ =	shalt  }
0x76: {  	_ =	shalt  }
0x77: {  	_ =	shalt  }
0x78: {  	_ =	shalt  }
0x79: {  	_ =	shalt  }
0x7a: {  	_ =	shalt  }
0x7b: {  	_ =	shalt  }
0x7c: {  	_ =	shalt  }
0x7d: {  	_ =	shalt  }
0x7e: {  	_ =	shalt  }
0x7f: {  	_ =	shalt  }
0x80: {  	_ =	shalt  }
0x81: {  	_ =	shalt  }
0x82: {  	_ =	shalt  }
0x83: {  	_ =	shalt  }
0x84: {  	_ =	shalt  }
0x85: {  	_ =	shalt  }
0x86: {  	_ =	shalt  }
0x87: {  	_ =	shalt  }
.Lfunc_end0:
.L_simem_size_0:
called_computation.1_lowered:
.L_overlay_start_0:
0x88: {  	s2 =	sld [smem:$0x3FD9]  }
0x89: {  	s3 =	sld [smem:$0x3FFE];
	_ =	sdelay $0x1  }
0x8a: {  	s1 =	srdreg.scid  }
0x8b: {  	s0 =	sand.u32 $0x1, s1  }
0x8c: {  	s17 =	sshll.u32 s0, $0xA;
	s2 =	sadd.s32 s3, s2  }
0x8d: {  	s2 =	sadd.s32 s2, s17  }
0x8e: {  	[smem:$0x3FC5] =	sst s2  }
0x8f: {  	_ = 	snop  }
0x90: {  	s2 =	sld [smem:$0x3FC9]  }
0x91: {  	s18 =	sld [smem:$0x3FD0];
	(tm) =	ssettm $0x1  }
0x92: {  	s4 =	sld [smem:$0x3FFB];
	_ =	sdelay $0x3  }
0x93: {  	_ =	strace s4  }
0x94: {  	s4 =	sld [smem:$0x3FFC];
	_ =	sdelay $0x3  }
0x95: {  	_ =	strace s4  }
0x96: {  	s4 =	sld [smem:$0x3FFD];
	_ =	sdelay $0x3  }
0x97: {  	_ =	strace s4  }
0x98: {  	_ =	strace $0x8FFFFFFF  }
0x99: {  	s19 =	sld [smem:$0x3FDB];
	_ =	sdelay $0x1  }
0x9a: {  	s5 =	simm.s32 $_scs_section_size  }
0x9b: {  	s6 =	simm.s32 $_size__tile_overlayer_lowered;
	s7 =	simm.s32 $_tile_overlayer_lowered  }
0x9c: {  	s22 =	simm.s32 $0x1BFF;
	s21 =	sshll.u32 s7, $0x1;
	s4 =	sadd.s32 s5, s19  }
0x9d: {  	s8 =	simm.s32 $0x0;
	s20 =	sshll.u32 s6, $0x1;
	s6 =	sadd.s32 s21, s4  }
0x9e: {  	[timem:s8], [sflag:s22] =	dma.local [hbm:s6], s20  }
0x9f: {  	_ =	swait.ge [sflag:s22], s20  }
0xa0: {  	s5 =	ssub.s32 $0x0, s20;
	[sflag:s22] =	ssyncset.done $0x0  }
0xa1: {  	[sflag:s22] =	ssyncadd.s32 s5;
	_ =	sdelay $0x1  }
0xa2: {  	s23 =	simm.s32 $0x1B8B  }
0xa3: {  	_ =	swait.ge [sflag:s23], $0x1  }
0xa4: {  	[sflag:s23] =	ssyncset.done $0x0  }
0xa5: {  	s25 =	simm.s32 $0x1B8E;
	s24 =	sld [smem:$0x3FFE];
	[sflag:s23] =	ssyncadd.s32 $0xFFFFFFFF  }
0xa6: {  	s26 =	simm.s32 $execute0_lowered;
	[smem:$0x3FD2] =	sst s25  }
0xa7: {  	s6 =	sshll.u32 s26, $0x1;
	_ =	strace $0x80000046;
	[dreg:$0x1] =	wrdreg $0xFFFFFFFF  }
0xa8: {  	s28 =	simm.s32 $_size_execute0_lowered;
	s4 =	sadd.s32 s4, s6;
	[dreg:$0x0] =	wrdreg $0x0  }
0xa9: {  	s6 =	sshll.u32 s28, $0x1;
	[dreg:$0x2] =	wrdreg s4  }
0xaa: {  	[dreg:$0x3] =	wrdreg s6  }
0xab: {  	[dreg:$0x4] =	wrdreg $0xC0  }
0xac: {  	_ =	task [dreg:s8], $0x5FFFF  }
0xad: {  	[dreg:$0x1] =	wrdreg $0xFFFFFFFF  }
0xae: {  	[dreg:$0x0] =	wrdreg $0x60  }
0xaf: {  	[dreg:$0x2] =	wrdreg s2  }
0xb0: {  	[dreg:$0x3] =	wrdreg s24  }
0xb1: {  	[dreg:$0x4] =	wrdreg s18  }
0xb2: {  	[dreg:$0x5] =	wrdreg $0x138000  }
0xb3: {  	[dreg:$0x6] =	wrdreg $0x13FD00  }
0xb4: {  	[dreg:$0x7] =	wrdreg $0x9  }
0xb5: {  	_ =	task.clear_ibuf [dreg:s8], $0x8FFFF;
	_ =	strace $0x90000046  }
0xb6: {  	s29 =	simm.s32 $0x9;
	_ =	strace $0x80000048  }
0xb7: {  	_ =	swait.ge [sflag:s29], $0x1  }
0xb8: {  	[sflag:s29] =	ssyncadd.s32 $0xFFFFFFFF  }
0xb9: {  	_ =	strace $0x90000048  }
0xba: {  	_ =	sfence  }
0xbb: {  	s30 =	sld [smem:$0x0];
	_ =	sdelay $0x2  }
0xbc: {  	s31 =	sshll.u32 s1, $0xD;
	s1 =	sshrl.u32 s1, $0x2  }
0xbd: {  	s3 =	sand.u32 $0x4000, s31;
	s1 =	sadd.s32 s1, s30  }
0xbe: {  	s0 =	sor.u32 s3, s0;
	s1 =	sshll.u32 s1, $0x11  }
0xbf: {  	s0 =	sor.u32 s1, s0  }
0xc0: {  	s0 =	sadd.s32 $0x8F2B, s0  }
0xc1: {  	[sflag:s0] =	ssyncadd.remote.s32 $0x1  }
0xc2: {  	_ =	sfence.sel $0xFFFF  }
0xc3: {  	[dreg:$0x0] =	wrdreg $0xFFFFFFFF;
	(pc) =	sbr.abs _section_cstart, $3  }
0xc4: {  	[dreg:$0x1] =	wrdreg $0xFFFFFFFF  }
0xc5: {  	_ =	task.clear_ibuf [dreg:s8], $0x2FFFF;
	_ =	strace $0x9FFFFFFF  }
0xc6: {  	(tm) =	ssettm $0x7FFFFFFF  }
0xc7: {  	_ =	shalt  }
tec
execute0_lowered:
.L_overlay_start_1:
0x0: {  	(tag) =	ssettag $0x1  }
0x1: {  	s2 =	rddreg [dreg:$0x0]  }
0x2: {  	s5 =	rddreg [dreg:$0x1]  }
0x3: {  	s0 =	rddreg [dreg:$0x2]  }
0x4: {  	s1 =	rddreg [dreg:$0x3];
	s4 =	srdreg.scid  }
0x5: {  	s6 =	stileid.u32;
	s3 =	rddreg [dreg:$0x4];
	s16 =	simm.s32 $0x80  }
0x6: {  	s17 =	simm.s32 $0xA800;
	s18 =	simm.s32 $0x1;
	s19 =	simm.s32 $0xB800  }
0x7: {  	s20 =	simm.s32 $0x2;
	s21 =	simm.s32 $0xD800;
	s22 =	simm.s32 $0x3  }
0x8: {  	s23 =	simm.s32 $0xF800;
	s24 =	simm.s32 $0x4;
	s25 =	simm.s32 $0x11800  }
0x9: {  	s28 =	simm.s32 $0x6;
	s29 =	simm.s32 $0x7;
	s7 =	sand.u32 $0x1, s4  }
0xa: {  	s8 =	sshll.u32 s6, $0x1;
	s4 =	simm.s32 $0x0;
	s9 =	sadd.s32 $0x800, s5  }
0xb: {  	s5 =	sadd.s32 $0x1800, s5;
	p0 =	sne.s32 s6, $0x0;
	s8 =	sor.u32 s7, s8  }
0xc: {  	[smem:$0x7FF] =	sst s4;
	s7 =	ssub.s32 $0x2, s7;
	s11 =	smul.u32 $0x3400, s8  }
0xd: {  	_ =	strace $0x80000047;
	[dreg:$0x6] =	wrdreg s9;
	s26 =	sshrl.u32 s7, $0x1  }
0xe: {  	s6 =	simm.s32 $0x0;
	[dreg:$0x7] =	wrdreg s5;
	s30 =	ssub.s32 s7, s26  }
.Ltmp0:
0xf: {  	s10 =	sshrl.u32 s11, $0x3;
	s31 =	smax.u32 s30, $0x1;
	(pc) =	sbr.rel .LBB2_1-.Ltmp0, $4  }
0x10: {  	s8 =	smul.u32 $0xD0000, s8;
	s2 =	sadd.s32 s2, s10;
	[dreg:$0x9] =	wrdreg s31  }
0x11: {  	s5 =	simm.s32 $0x8;
	[dreg:$0x8] =	wrdreg s2;
	s2 =	sshrl.u32 @!p0 s1, $0x3  }
0x12: {  	s9 =	sor.u32 $0x80, s11;
	[dreg:$0xa] =	wrdreg s2;
	s2 =	sshrl.u32 @!p0 s3, $0x3  }
0x13: {  	s10 =	sor.u32 $0x100, s11;
	s11 =	sor.u32 $0x180, s11;
	[dreg:$0xb] =	wrdreg s2  }
.LBB2_14:
0x14: {  	s2 =	simm.s32 $0x5  }
0x15: {  	_ =	swait.ge [sflag:s2], $0x2000  }
0x16: {  	[sflag:s2] =	ssyncset.done $0x0  }
0x17: {  	[sflag:s2] =	ssyncadd.s32 $0xFFFFE000  }
0x18: {  	_ =	swait.ge [sflag:s28], $0x2000  }
0x19: {  	[sflag:s28] =	ssyncset.done $0x0  }
0x1a: {  	[sflag:s28] =	ssyncadd.s32 $0xFFFFE000  }
0x1b: {  	_ =	swait.ge [sflag:s29], $0x2000  }
0x1c: {  	[sflag:s29] =	ssyncset.done $0x0  }
0x1d: {  	[sflag:s29] =	ssyncadd.s32 $0xFFFFE000  }
0x1e: {  	_ =	swait.ge [sflag:s5], $0x2000  }
0x1f: {  	s6 =	rddreg [dreg:$0xc]  }
0x20: {  	s31 =	rddreg [dreg:$0x9];
	s6 =	sadd.s32 $0x1, s6  }
0x21: {  	p1 =	sne.s32 s6, s31  }
.Ltmp1:
0x22: {  	_ = 	snop;
	(pc) =	sbr.rel @!p1 .LBB2_15-.Ltmp1, $3  }
0x23: {  	_ =	sdelay $0x1  }
0x24: {  	[sflag:s5] =	ssyncset.done $0x0  }
0x25: {  	[sflag:s5] =	ssyncadd.s32 $0xFFFFE000  }
.LBB2_1:
0x26: {  	[dreg:$0xc] =	wrdreg s6  }
0x27: {  	s6 =	rddreg [dreg:$0x6]  }
0x28: {  	s2 =	simm.s32 @!p0 $0x1C09;
	s7 =	rddreg [dreg:$0xa]  }
0x29: {  	[spmem:s7], [sflag:s2] =	dma.local @!p0 [hbm:s6], $0xFA0  }
0x2a: {  	s6 =	simm.s32 @!p0 $0x9  }
0x2b: {  	_ =	swait.ge @!p0 [sflag:s6], $0xFA0  }
0x2c: {  	[sflag:s6] =	ssyncset.done @!p0 $0x0;
	s7 =	rddreg [dreg:$0x7]  }
0x2d: {  	s12 =	rddreg [dreg:$0xb];
	[sflag:s6] =	ssyncadd.s32 @!p0 $0xFFFFF060  }
0x2e: {  	[spmem:s12], [sflag:s2] =	dma.local @!p0 [hbm:s7], $0xFA0  }
0x2f: {  	_ =	swait.ge @!p0 [sflag:s6], $0xFA0  }
0x30: {  	[sflag:s6] =	ssyncset.done @!p0 $0x0  }
0x31: {  	s30 =	simm.s32 $0x9;
	s26 =	rddreg [dreg:$0x8];
	[sflag:s6] =	ssyncadd.s32 @!p0 $0xFFFFF060  }
0x32: {  	[tilespmem:s4], [sflag:$0x9] =	stream.linear.gather [hbm4b:s26+s4], $0x3400, $0x38;
	[tilespmem:$0x147A0] =	vst v63  }
0x33: {  	_ =	swait.ge [sflag:s30], $0x3400  }
0x34: {  	[sflag:s30] =	ssyncset.done $0x0  }
0x35: {  	s31 =	simm.s32 $0x0;
	[sflag:s30] =	ssyncadd.s32 $0xFFFFCC00  }
0x36: {  	s2 =	sand.u32 $0x3FF0, s31;
	[bflag:$0x0] =	sbarrier.arrive $0xFFFF  }
0x37: {  	v0 =	vld [tilespmem:s2+$0x0];
	_ =	sdelay $0x4  }
0x38: {  	v1 =	vcvt.s32.f32 v0;
	_ =	sdelay $0x1  }
0x39: {  	v1 =	vadd.f32 $5.000000000e-01, v1;
	_ =	sdelay $0x1  }
0x3a: {  	v1 =	vmul.f32 $1.000000050e-03, v1;
	_ =	sdelay $0x1  }
0x3b: {  	v1 =	vtrunc.f32 v1  }
0x3c: {  	v1 =	vcvt.f32.s32 v1;
	_ =	sdelay $0x1  }
0x3d: {  	v2 =	vmul.u32 $0xFFFFFC18, v1;
	_ =	sdelay $0x1  }
0x3e: {  	v1 =	vshll.u32 v1, $0x10;
	v0 =	vadd.s32 v0, v2  }
0x3f: {  	s7 =	simm.s32 $0x10;
	s6 =	simm.s32 $0x80;
	v0 =	vadd.s32 v1, v0  }
.LBB2_2:
0x40: {  	p1 =	sne.s32 s6, $0xCFC0;
	[tilespmem:s2+$0x0] =	vst v0;
	s2 =	sand.u32 $0x3FF0, s7  }
0x41: {  	v0 =	vld [tilespmem:s2+$0x0];
	_ =	sdelay $0x4  }
0x42: {  	v1 =	vcvt.s32.f32 v0;
	_ =	sdelay $0x1  }
0x43: {  	v1 =	vadd.f32 $5.000000000e-01, v1;
	_ =	sdelay $0x1  }
0x44: {  	v1 =	vmul.f32 $1.000000050e-03, v1;
	_ =	sdelay $0x1  }
0x45: {  	v1 =	vtrunc.f32 v1  }
0x46: {  	v1 =	vcvt.f32.s32 v1  }
.Ltmp2:
0x47: {  	(pc) =	sbr.rel @p1 .LBB2_2-.Ltmp2, $3  }
0x48: {  	v2 =	vmul.u32 $0xFFFFFC18, v1;
	_ =	sdelay $0x1  }
0x49: {  	v1 =	vshll.u32 v1, $0x10;
	v0 =	vadd.s32 v0, v2  }
0x4a: {  	s7 =	sshrl.u32 s6, $0x2;
	s6 =	sadd.s32 $0x40, s6;
	v0 =	vadd.s32 v1, v0  }
0x4b: {  	s6 =	sand.u32 $0x3FF0, s7;
	[tilespmem:s2+$0x0] =	vst v0  }
0x4c: {  	v0 =	vld [tilespmem:s6+$0x0];
	_ =	sdelay $0x4  }
0x4d: {  	v1 =	vcvt.s32.f32 v0;
	_ =	sdelay $0x1  }
0x4e: {  	v1 =	vadd.f32 $5.000000000e-01, v1;
	_ =	sdelay $0x1  }
0x4f: {  	v1 =	vmul.f32 $1.000000050e-03, v1;
	_ =	sdelay $0x1  }
0x50: {  	v1 =	vtrunc.f32 v1  }
0x51: {  	v1 =	vcvt.f32.s32 v1;
	_ =	sdelay $0x1  }
0x52: {  	v2 =	vmul.u32 $0xFFFFFC18, v1;
	_ =	sdelay $0x1  }
0x53: {  	v1 =	vshll.u32 v1, $0x10;
	v0 =	vadd.s32 v0, v2  }
0x54: {  	v0 =	vadd.s32 v1, v0  }
0x55: {  	[tilespmem:s6+$0x0] =	vst v0  }
0x56: {  	v0 =	vld [tilespmem:$0x0];
	_ =	sdelay $0x1  }
0x57: {  	v32 =	vld [tilespmem:$0x10];
	_ =	sdelay $0x1  }
0x58: {  	v33 =	vld [tilespmem:$0x20]  }
0x59: {  	v3 =	vshrl.u32 v0, $0x10  }
0x5a: {  	v34 =	vld [tilespmem:$0x30];
	v0 =	vand.u32 $0xFFFF, v0;
	[tilespmem:$0x3400] =	vst v3  }
0x5b: {  	v35 =	vshrl.u32 v32, $0x10;
	[tilespmem:$0x3600] =	vst v0  }
0x5c: {  	v37 =	vld [tilespmem:$0x40];
	v36 =	vand.u32 $0xFFFF, v32;
	[tilespmem:$0x3410] =	vst v35  }
0x5d: {  	v38 =	vshrl.u32 v33, $0x10;
	[tilespmem:$0x3610] =	vst v36  }
0x5e: {  	v40 =	vld [tilespmem:$0x50];
	v39 =	vand.u32 $0xFFFF, v33;
	[tilespmem:$0x3420] =	vst v38  }
0x5f: {  	v41 =	vshrl.u32 v34, $0x10;
	[tilespmem:$0x3620] =	vst v39  }
0x60: {  	v43 =	vld [tilespmem:$0x60];
	v42 =	vand.u32 $0xFFFF, v34;
	[tilespmem:$0x3430] =	vst v41  }
0x61: {  	v44 =	vshrl.u32 v37, $0x10;
	[tilespmem:$0x3630] =	vst v42  }
0x62: {  	v46 =	vld [tilespmem:$0x70];
	v45 =	vand.u32 $0xFFFF, v37;
	[tilespmem:$0x3440] =	vst v44  }
0x63: {  	v47 =	vshrl.u32 v40, $0x10;
	[tilespmem:$0x3640] =	vst v45  }
0x64: {  	v48 =	vand.u32 $0xFFFF, v40;
	[tilespmem:$0x3450] =	vst v47  }
0x65: {  	v49 =	vshrl.u32 v43, $0x10;
	[tilespmem:$0x3650] =	vst v48  }
0x66: {  	v50 =	vand.u32 $0xFFFF, v43;
	[tilespmem:$0x3460] =	vst v49  }
0x67: {  	v51 =	vshrl.u32 v46, $0x10;
	[tilespmem:$0x3660] =	vst v50  }
0x68: {  	v52 =	vand.u32 $0xFFFF, v46;
	[tilespmem:$0x3470] =	vst v51  }
0x69: {  	s13 =	simm.s32 $0x3400;
	s14 =	simm.s32 $0x3800;
	[tilespmem:$0x3670] =	vst v52  }
0x6a: {  	[tilespmem:s14], [sflag:$0x1] =	stream.indirect.gather [spmem:s1], $0x20, s13, s16, $0xb8;
	[tilespmem:$0x147A0] =	vst v63  }
0x6b: {  	s15 =	simm.s32 $0x3600;
	s26 =	simm.s32 $0x7800  }
0x6c: {  	[tilespmem:s26], [sflag:$0x1] =	stream.indirect.gather [spmem:s3], $0x20, s15, s16, $0xb8;
	[tilespmem:$0x147A0] =	vst v63  }
0x6d: {  	v53 =	vld [tilespmem:$0x80];
	_ =	sdelay $0x1  }
0x6e: {  	v54 =	vld [tilespmem:$0x90];
	_ =	sdelay $0x1  }
0x6f: {  	v55 =	vld [tilespmem:$0xA0]  }
0x70: {  	v56 =	vshrl.u32 v53, $0x10  }
0x71: {  	v57 =	vld [tilespmem:$0xB0];
	v0 =	vand.u32 $0xFFFF, v53;
	[tilespmem:$0x3480] =	vst v56  }
0x72: {  	v58 =	vshrl.u32 v54, $0x10;
	[tilespmem:$0x3680] =	vst v0  }
0x73: {  	v60 =	vld [tilespmem:$0xC0];
	v59 =	vand.u32 $0xFFFF, v54;
	[tilespmem:$0x3490] =	vst v58  }
0x74: {  	v61 =	vshrl.u32 v55, $0x10;
	[tilespmem:$0x3690] =	vst v59  }
0x75: {  	v63 =	vld [tilespmem:$0xD0];
	v62 =	vand.u32 $0xFFFF, v55;
	[tilespmem:$0x34A0] =	vst v61  }
0x76: {  	v6 =	vshrl.u32 v57, $0x10;
	[tilespmem:$0x36A0] =	vst v62  }
0x77: {  	v8 =	vld [tilespmem:$0xE0];
	v7 =	vand.u32 $0xFFFF, v57;
	[tilespmem:$0x34B0] =	vst v6  }
0x78: {  	v9 =	vshrl.u32 v60, $0x10;
	[tilespmem:$0x36B0] =	vst v7  }
0x79: {  	v11 =	vld [tilespmem:$0xF0];
	v10 =	vand.u32 $0xFFFF, v60;
	[tilespmem:$0x34C0] =	vst v9  }
0x7a: {  	v12 =	vshrl.u32 v63, $0x10;
	[tilespmem:$0x36C0] =	vst v10  }
0x7b: {  	v13 =	vand.u32 $0xFFFF, v63;
	[tilespmem:$0x34D0] =	vst v12  }
0x7c: {  	v14 =	vshrl.u32 v8, $0x10;
	[tilespmem:$0x36D0] =	vst v13  }
0x7d: {  	v15 =	vand.u32 $0xFFFF, v8;
	[tilespmem:$0x34E0] =	vst v14  }
0x7e: {  	v16 =	vshrl.u32 v11, $0x10;
	[tilespmem:$0x36E0] =	vst v15  }
0x7f: {  	v17 =	vand.u32 $0xFFFF, v11;
	[tilespmem:$0x34F0] =	vst v16  }
0x80: {  	s30 =	simm.s32 $0x3480;
	s31 =	simm.s32 $0x4800;
	[tilespmem:$0x36F0] =	vst v17  }
0x81: {  	[tilespmem:s31], [sflag:$0x2] =	stream.indirect.gather [spmem:s1], $0x20, s30, s16, $0xb8;
	[tilespmem:$0x147A0] =	vst v63  }
0x82: {  	s7 =	simm.s32 $0x8800;
	s6 =	simm.s32 $0x3680  }
0x83: {  	[tilespmem:s7], [sflag:$0x2] =	stream.indirect.gather [spmem:s3], $0x20, s6, s16, $0xb8;
	[tilespmem:$0x147A0] =	vst v63  }
0x84: {  	v18 =	vld [tilespmem:$0x100];
	_ =	sdelay $0x1  }
0x85: {  	v19 =	vld [tilespmem:$0x110];
	_ =	sdelay $0x1  }
0x86: {  	v20 =	vld [tilespmem:$0x120]  }
0x87: {  	v21 =	vshrl.u32 v18, $0x10  }
0x88: {  	v22 =	vld [tilespmem:$0x130];
	v0 =	vand.u32 $0xFFFF, v18;
	[tilespmem:$0x3500] =	vst v21  }
0x89: {  	v23 =	vshrl.u32 v19, $0x10;
	[tilespmem:$0x3700] =	vst v0  }
0x8a: {  	v25 =	vld [tilespmem:$0x140];
	v24 =	vand.u32 $0xFFFF, v19;
	[tilespmem:$0x3510] =	vst v23  }
0x8b: {  	v26 =	vshrl.u32 v20, $0x10;
	[tilespmem:$0x3710] =	vst v24  }
0x8c: {  	v28 =	vld [tilespmem:$0x150];
	v27 =	vand.u32 $0xFFFF, v20;
	[tilespmem:$0x3520] =	vst v26  }
0x8d: {  	v29 =	vshrl.u32 v22, $0x10;
	[tilespmem:$0x3720] =	vst v27  }
0x8e: {  	v31 =	vld [tilespmem:$0x160];
	v30 =	vand.u32 $0xFFFF, v22;
	[tilespmem:$0x3530] =	vst v29  }
0x8f: {  	v32 =	vshrl.u32 v25, $0x10;
	[tilespmem:$0x3730] =	vst v30  }
0x90: {  	v34 =	vld [tilespmem:$0x170];
	v33 =	vand.u32 $0xFFFF, v25;
	[tilespmem:$0x3540] =	vst v32  }
0x91: {  	v35 =	vshrl.u32 v28, $0x10;
	[tilespmem:$0x3740] =	vst v33  }
0x92: {  	v36 =	vand.u32 $0xFFFF, v28;
	[tilespmem:$0x3550] =	vst v35  }
0x93: {  	v37 =	vshrl.u32 v31, $0x10;
	[tilespmem:$0x3750] =	vst v36  }
0x94: {  	v38 =	vand.u32 $0xFFFF, v31;
	[tilespmem:$0x3560] =	vst v37  }
0x95: {  	v39 =	vshrl.u32 v34, $0x10;
	[tilespmem:$0x3760] =	vst v38  }
0x96: {  	v40 =	vand.u32 $0xFFFF, v34;
	[tilespmem:$0x3570] =	vst v39  }
0x97: {  	s12 =	simm.s32 $0x3500;
	s13 =	simm.s32 $0x5800;
	[tilespmem:$0x3770] =	vst v40  }
0x98: {  	[tilespmem:s13], [sflag:$0x3] =	stream.indirect.gather [spmem:s1], $0x20, s12, s16, $0xb8;
	[tilespmem:$0x147A0] =	vst v63  }
0x99: {  	s14 =	simm.s32 $0x3700;
	s15 =	simm.s32 $0x9800  }
0x9a: {  	[tilespmem:s15], [sflag:$0x3] =	stream.indirect.gather [spmem:s3], $0x20, s14, s16, $0xb8;
	[tilespmem:$0x147A0] =	vst v63  }
0x9b: {  	v41 =	vld [tilespmem:$0x180];
	_ =	sdelay $0x1  }
0x9c: {  	v42 =	vld [tilespmem:$0x190];
	_ =	sdelay $0x1  }
0x9d: {  	v43 =	vld [tilespmem:$0x1A0]  }
0x9e: {  	v44 =	vshrl.u32 v41, $0x10  }
0x9f: {  	v45 =	vld [tilespmem:$0x1B0];
	v0 =	vand.u32 $0xFFFF, v41;
	[tilespmem:$0x3580] =	vst v44  }
0xa0: {  	v46 =	vshrl.u32 v42, $0x10;
	[tilespmem:$0x3780] =	vst v0  }
0xa1: {  	v48 =	vld [tilespmem:$0x1C0];
	v47 =	vand.u32 $0xFFFF, v42;
	[tilespmem:$0x3590] =	vst v46  }
0xa2: {  	v49 =	vshrl.u32 v43, $0x10;
	[tilespmem:$0x3790] =	vst v47  }
0xa3: {  	v51 =	vld [tilespmem:$0x1D0];
	v50 =	vand.u32 $0xFFFF, v43;
	[tilespmem:$0x35A0] =	vst v49  }
0xa4: {  	v52 =	vshrl.u32 v45, $0x10;
	[tilespmem:$0x37A0] =	vst v50  }
0xa5: {  	v54 =	vld [tilespmem:$0x1E0];
	v53 =	vand.u32 $0xFFFF, v45;
	[tilespmem:$0x35B0] =	vst v52  }
0xa6: {  	v55 =	vshrl.u32 v48, $0x10;
	[tilespmem:$0x37B0] =	vst v53  }
0xa7: {  	v57 =	vld [tilespmem:$0x1F0];
	v56 =	vand.u32 $0xFFFF, v48;
	[tilespmem:$0x35C0] =	vst v55  }
0xa8: {  	v58 =	vshrl.u32 v51, $0x10;
	[tilespmem:$0x37C0] =	vst v56  }
0xa9: {  	v59 =	vand.u32 $0xFFFF, v51;
	[tilespmem:$0x35D0] =	vst v58  }
0xaa: {  	v60 =	vshrl.u32 v54, $0x10;
	[tilespmem:$0x37D0] =	vst v59  }
0xab: {  	v61 =	vand.u32 $0xFFFF, v54;
	[tilespmem:$0x35E0] =	vst v60  }
0xac: {  	v62 =	vshrl.u32 v57, $0x10;
	[tilespmem:$0x37E0] =	vst v61  }
0xad: {  	v63 =	vand.u32 $0xFFFF, v57;
	[tilespmem:$0x35F0] =	vst v62  }
0xae: {  	s26 =	simm.s32 $0x3580;
	s30 =	simm.s32 $0x6800;
	[tilespmem:$0x37F0] =	vst v63  }
0xaf: {  	[tilespmem:s30], [sflag:$0x4] =	stream.indirect.gather [spmem:s1], $0x20, s26, s16, $0xb8;
	[tilespmem:$0x147A0] =	vst v63  }
0xb0: {  	s31 =	simm.s32 $0x3780;
	s7 =	simm.s32 $0x0  }
0xb1: {  	[tilespmem:s17], [sflag:$0x4] =	stream.indirect.gather [spmem:s3], $0x20, s31, s16, $0xb8;
	[tilespmem:$0x147A0] =	vst v63  }
.LBB2_4:
0xb2: {  	p1 =	seq.s32 s7, $0x0  }
0xb3: {  	s2 =	simm.s32 @!p1 $0x5  }
0xb4: {  	_ =	swait.ge @!p1 [sflag:s2], $0x2000  }
0xb5: {  	[sflag:s2] =	ssyncset.done @!p1 $0x0  }
0xb6: {  	[sflag:s2] =	ssyncadd.s32 @!p1 $0xFFFFE000  }
0xb7: {  	_ =	swait.ge [sflag:s18], $0x1000  }
0xb8: {  	[sflag:s18] =	ssyncset.done $0x0  }
0xb9: {  	[sflag:s18] =	ssyncadd.s32 $0xFFFFF000  }
0xba: {  	_ =	swait.ge [sflag:s18], $0x1000  }
0xbb: {  	[sflag:s18] =	ssyncset.done $0x0  }
0xbc: {  	s26 =	simm.s32 $0x7840;
	[sflag:s18] =	ssyncadd.s32 $0xFFFFF000  }
0xbd: {  	s6 =	simm.s32 $0x3840;
	v0 =	vld [tilespmem:s26+$0x20]  }
0xbe: {  	v1 =	vld [tilespmem:s6+$0x20]  }
0xbf: {  	v3 =	vld [tilespmem:s26+$0xFFFFFFE0]  }
0xc0: {  	v4 =	vld [tilespmem:s26+$0x0]  }
0xc1: {  	v9 =	vld [tilespmem:s6+$0xFFFFFFE0]  }
0xc2: {  	v5 =	vld [tilespmem:s6+$0x0]  }
0xc3: {  	v2 =	vld [tilespmem:s6+$0xFFFFFFC0];
	v6 =	vunpack.i.u.bf16.f32 v0  }
0xc4: {  	s14 =	simm.s32 $0x38C0;
	v7 =	vld [tilespmem:s26+$0xFFFFFFC0];
	v8 =	vunpack.i.u.bf16.f32 v1;
	v1 =	vunpack.i.l.bf16.f32 v1;
	v0 =	vunpack.i.l.bf16.f32 v0  }
0xc5: {  	v12 =	vld [tilespmem:s14+$0x20];
	v13 =	vunpack.i.u.bf16.f32 v3;
	v3 =	vunpack.i.l.bf16.f32 v3;
	v6 =	vmul.f32 v6, v8  }
0xc6: {  	s15 =	simm.s32 $0xB880;
	v14 =	vunpack.i.u.bf16.f32 v9;
	v9 =	vunpack.i.l.bf16.f32 v9;
	v0 =	vmul.f32 v0, v1;
	v1 =	vld [tilespmem:s14+$0xFFFFFFC0]  }
0xc7: {  	s13 =	simm.s32 $0x78C0;
	v10 =	vunpack.i.l.bf16.f32 v4;
	v11 =	vunpack.i.l.bf16.f32 v5;
	v3 =	vmul.f32 v3, v9;
	v9 =	vld [tilespmem:s14+$0x0];
	[tilespmem:s15+$0x50] =	vst v6  }
0xc8: {  	v8 =	vunpack.i.l.bf16.f32 v2;
	v2 =	vunpack.i.u.bf16.f32 v2;
	v13 =	vmul.f32 v13, v14;
	v6 =	vld [tilespmem:s13+$0x20];
	[tilespmem:s15+$0x40] =	vst v0  }
0xc9: {  	v0 =	vunpack.i.u.bf16.f32 v5;
	v5 =	vmul.f32 v10, v11;
	v10 =	vunpack.i.u.bf16.f32 v7;
	v11 =	vld [tilespmem:s6+$0x30]  }
0xca: {  	v7 =	vunpack.i.l.bf16.f32 v7;
	[tilespmem:s15+$0xFFFFFFD0] =	vst v13;
	v2 =	vmul.f32 v10, v2;
	v10 =	vld [tilespmem:s26+$0x30]  }
0xcb: {  	v4 =	vunpack.i.u.bf16.f32 v4;
	v13 =	vld [tilespmem:s14+$0xFFFFFFE0];
	v7 =	vmul.f32 v7, v8;
	[tilespmem:s15+$0x0] =	vst v5  }
0xcc: {  	v8 =	vld [tilespmem:s13+$0xFFFFFFE0];
	v0 =	vmul.f32 v4, v0;
	v4 =	vunpack.i.l.bf16.f32 v12;
	[tilespmem:s15+$0xFFFFFF90] =	vst v2  }
0xcd: {  	v12 =	vunpack.i.u.bf16.f32 v12;
	v2 =	vld [tilespmem:s13+$0x0];
	[tilespmem:s15+$0xFFFFFF80] =	vst v7;
	v7 =	vunpack.i.l.bf16.f32 v1;
	v5 =	vunpack.i.u.bf16.f32 v1  }
0xce: {  	v1 =	vunpack.i.l.bf16.f32 v9;
	v14 =	vld [tilespmem:s6+$0xFFFFFFD0];
	v16 =	vunpack.i.u.bf16.f32 v6;
	v6 =	vunpack.i.l.bf16.f32 v6  }
0xcf: {  	[tilespmem:s15+$0xFFFFFFC0] =	vst v3;
	v3 =	vld [tilespmem:s13+$0xFFFFFFC0];
	v15 =	vunpack.i.u.bf16.f32 v11;
	v11 =	vunpack.i.l.bf16.f32 v11;
	v18 =	vunpack.i.u.bf16.f32 v10  }
0xd0: {  	[tilespmem:s15+$0x10] =	vst v0;
	v17 =	vld [tilespmem:s26+$0xFFFFFFD0];
	v4 =	vmul.f32 v6, v4;
	v6 =	vunpack.i.l.bf16.f32 v10;
	v10 =	vmul.f32 v18, v15  }
0xd1: {  	s30 =	simm.s32 $0xB980;
	v19 =	vld [tilespmem:s6+$0x10];
	v6 =	vmul.f32 v6, v11;
	v11 =	vmul.f32 v16, v12;
	v16 =	vunpack.i.u.bf16.f32 v9  }
0xd2: {  	v12 =	vld [tilespmem:s6+$0xFFFFFFF0];
	v18 =	vunpack.i.u.bf16.f32 v8;
	v8 =	vunpack.i.l.bf16.f32 v8;
	v15 =	vunpack.i.l.bf16.f32 v2;
	[tilespmem:s30+$0x40] =	vst v4  }
0xd3: {  	v21 =	vld [tilespmem:s26+$0x10];
	v0 =	vmul.f32 v15, v1;
	v9 =	vunpack.i.u.bf16.f32 v14;
	v14 =	vunpack.i.l.bf16.f32 v14;
	[tilespmem:s15+$0x60] =	vst v6  }
0xd4: {  	s6 =	simm.s32 $0x3940;
	v15 =	vld [tilespmem:s26+$0xFFFFFFF0];
	v6 =	vunpack.i.u.bf16.f32 v13;
	v13 =	vunpack.i.l.bf16.f32 v13;
	[tilespmem:s15+$0x70] =	vst v10;
	v10 =	vunpack.i.u.bf16.f32 v3  }
0xd5: {  	v20 =	vunpack.i.u.bf16.f32 v17;
	v1 =	vld [tilespmem:s6+$0xFFFFFFC0];
	v3 =	vunpack.i.l.bf16.f32 v3;
	[tilespmem:s30+$0x50] =	vst v11;
	s26 =	simm.s32 $0x7940;
	v5 =	vmul.f32 v10, v5  }
0xd6: {  	v11 =	vunpack.i.l.bf16.f32 v17;
	v17 =	vld [tilespmem:s26+$0x20];
	v6 =	vmul.f32 v18, v6;
	v8 =	vmul.f32 v8, v13;
	[tilespmem:s30+$0x0] =	vst v0  }
0xd7: {  	v18 =	vld [tilespmem:s14+$0x30];
	v13 =	vmul.f32 v20, v9;
	v0 =	vmul.f32 v11, v14;
	v11 =	vunpack.i.u.bf16.f32 v12;
	[tilespmem:s30+$0xFFFFFF90] =	vst v5  }
0xd8: {  	v22 =	vld [tilespmem:s13+$0x30];
	v4 =	vunpack.i.l.bf16.f32 v12;
	v12 =	vmul.f32 v3, v7;
	v5 =	vunpack.i.l.bf16.f32 v21;
	[tilespmem:s30+$0xFFFFFFD0] =	vst v6  }
0xd9: {  	v14 =	vld [tilespmem:s6+$0x20];
	v6 =	vunpack.i.u.bf16.f32 v21;
	[tilespmem:s15+$0xFFFFFFA0] =	vst v0;
	v10 =	vunpack.i.u.bf16.f32 v15;
	v0 =	vunpack.i.l.bf16.f32 v15  }
0xda: {  	v3 =	vld [tilespmem:s26+$0xFFFFFFE0];
	v15 =	vunpack.i.l.bf16.f32 v19;
	[tilespmem:s30+$0xFFFFFF80] =	vst v12;
	v12 =	vunpack.i.u.bf16.f32 v2;
	v7 =	vmul.f32 v0, v4  }
0xdb: {  	[tilespmem:s30+$0xFFFFFFC0] =	vst v8;
	v4 =	vunpack.i.u.bf16.f32 v19;
	v0 =	vld [tilespmem:s26+$0x0];
	v9 =	vmul.f32 v5, v15;
	v8 =	vmul.f32 v12, v16  }
0xdc: {  	v2 =	vunpack.i.l.bf16.f32 v1;
	v19 =	vmul.f32 v10, v11;
	v15 =	vmul.f32 v6, v4;
	v6 =	vld [tilespmem:s6+$0x0]  }
0xdd: {  	[tilespmem:s15+$0xFFFFFFB0] =	vst v13;
	v5 =	vld [tilespmem:s14+$0xFFFFFFD0];
	v12 =	vunpack.i.u.bf16.f32 v18;
	v18 =	vunpack.i.l.bf16.f32 v18;
	v13 =	vunpack.i.u.bf16.f32 v17  }
0xde: {  	v16 =	vunpack.i.l.bf16.f32 v17;
	v17 =	vunpack.i.u.bf16.f32 v22;
	v10 =	vld [tilespmem:s6+$0xFFFFFFE0];
	v11 =	vunpack.i.l.bf16.f32 v14;
	[tilespmem:s30+$0x10] =	vst v8  }
0xdf: {  	v63 =	vunpack.i.l.bf16.f32 v22;
	v4 =	vld [tilespmem:s13+$0xFFFFFFD0];
	v12 =	vmul.f32 v17, v12;
	v8 =	vmul.f32 v16, v11;
	[tilespmem:s15+$0xFFFFFFF0] =	vst v19  }
0xe0: {  	s12 =	sshll.u32 s7, $0x9;
	s31 =	simm.s32 $0xB980;
	s2 =	simm.s32 $0x8;
	v11 =	vld [tilespmem:s26+$0xFFFFFFC0];
	v16 =	vunpack.i.u.bf16.f32 v14;
	v14 =	vmul.f32 v63, v18;
	[tilespmem:s15+$0x30] =	vst v15;
	v15 =	vunpack.i.l.bf16.f32 v0  }
.LBB2_5:
0xe1: {  	s2 =	sadd.s32 $0x4, s2;
	v17 =	vunpack.i.u.bf16.f32 v1;
	v1 =	vunpack.i.l.bf16.f32 v6;
	v13 =	vmul.f32 v13, v16;
	v16 =	vld [tilespmem:s14+$0xFFFFFFF0];
	s30 =	sadd.s32 $0x100, s30;
	[tilespmem:s15+$0xFFFFFFE0] =	vst v7  }
0xe2: {  	v18 =	vunpack.i.u.bf16.f32 v6;
	p1 =	slt.u32 s2, $0x7C;
	v6 =	vmul.f32 v15, v1;
	v15 =	vunpack.i.u.bf16.f32 v5;
	v7 =	vld [tilespmem:s13+$0xFFFFFFF0];
	[tilespmem:s15+$0x20] =	vst v9;
	s15 =	smov.u32 s31;
	s31 =	smov.u32 s30  }
0xe3: {  	v19 =	vunpack.i.l.bf16.f32 v3;
	v9 =	vunpack.i.u.bf16.f32 v3;
	v3 =	vunpack.i.l.bf16.f32 v5;
	v5 =	vld [tilespmem:s14+$0x10];
	[tilespmem:s15+$0x60] =	vst v14;
	s14 =	smov.u32 s6  }
0xe4: {  	s6 =	sadd.s32 $0x80, s6;
	v20 =	vunpack.i.u.bf16.f32 v4;
	v14 =	vunpack.i.u.bf16.f32 v10;
	v10 =	vunpack.i.l.bf16.f32 v10;
	v21 =	vld [tilespmem:s13+$0x10];
	[tilespmem:s15+$0x70] =	vst v12;
	s13 =	smov.u32 s26  }
0xe5: {  	v4 =	vunpack.i.l.bf16.f32 v4;
	s26 =	sadd.s32 $0x80, s26;
	v1 =	vld [tilespmem:s6+$0xFFFFFFC0];
	v12 =	vunpack.i.u.bf16.f32 v11;
	v11 =	vunpack.i.l.bf16.f32 v11;
	[tilespmem:s30+$0x50] =	vst v13  }
0xe6: {  	v3 =	vmul.f32 v4, v3;
	v9 =	vmul.f32 v9, v14;
	v22 =	vld [tilespmem:s26+$0x20];
	[tilespmem:s30+$0x0] =	vst v6;
	v4 =	vunpack.i.u.bf16.f32 v16  }
0xe7: {  	v6 =	vmul.f32 v12, v17;
	v14 =	vld [tilespmem:s6+$0x20];
	[tilespmem:s30+$0x40] =	vst v8;
	v8 =	vunpack.i.l.bf16.f32 v16;
	v12 =	vunpack.i.u.bf16.f32 v7  }
0xe8: {  	v2 =	vmul.f32 v11, v2;
	v11 =	vld [tilespmem:s14+$0x30];
	[tilespmem:s15+$0xFFFFFFA0] =	vst v3;
	v3 =	vunpack.i.l.bf16.f32 v7;
	v13 =	vunpack.i.l.bf16.f32 v5  }
0xe9: {  	v5 =	vunpack.i.u.bf16.f32 v5;
	[tilespmem:s30+$0xFFFFFF90] =	vst v6;
	v16 =	vld [tilespmem:s13+$0x30];
	v7 =	vmul.f32 v3, v8;
	v6 =	vunpack.i.l.bf16.f32 v21  }
0xea: {  	v8 =	vmul.f32 v19, v10;
	v10 =	vmul.f32 v20, v15;
	v15 =	vunpack.i.u.bf16.f32 v21;
	v3 =	vld [tilespmem:s26+$0xFFFFFFE0];
	[tilespmem:s30+$0xFFFFFFD0] =	vst v9  }
0xeb: {  	v17 =	vunpack.i.u.bf16.f32 v0;
	v9 =	vmul.f32 v6, v13;
	v15 =	vmul.f32 v15, v5;
	[tilespmem:s30+$0xFFFFFF80] =	vst v2;
	v0 =	vld [tilespmem:s26+$0x0]  }
.Ltmp3:
0xec: {  	v2 =	vunpack.i.l.bf16.f32 v1;
	v6 =	vld [tilespmem:s6+$0x0];
	[tilespmem:s30+$0xFFFFFFC0] =	vst v8;
	v8 =	vmul.f32 v17, v18;
	v17 =	vmul.f32 v12, v4;
	(pc) =	sbr.rel @p1 .LBB2_5-.Ltmp3, $4  }
0xed: {  	v12 =	vunpack.i.l.bf16.f32 v14;
	v5 =	vld [tilespmem:s14+$0xFFFFFFD0];
	v18 =	vunpack.i.u.bf16.f32 v11;
	v19 =	vunpack.i.l.bf16.f32 v11;
	[tilespmem:s15+$0xFFFFFFB0] =	vst v10  }
0xee: {  	v13 =	vunpack.i.u.bf16.f32 v22;
	v11 =	vunpack.i.l.bf16.f32 v22;
	v4 =	vld [tilespmem:s13+$0xFFFFFFD0];
	[tilespmem:s30+$0x10] =	vst v8;
	v20 =	vunpack.i.u.bf16.f32 v16  }
0xef: {  	v8 =	vmul.f32 v11, v12;
	v21 =	vunpack.i.l.bf16.f32 v16;
	v10 =	vld [tilespmem:s6+$0xFFFFFFE0];
	v12 =	vmul.f32 v20, v18;
	[tilespmem:s15+$0x30] =	vst v15  }
0xf0: {  	v16 =	vunpack.i.u.bf16.f32 v14;
	v14 =	vmul.f32 v21, v19;
	v11 =	vld [tilespmem:s26+$0xFFFFFFC0];
	v15 =	vunpack.i.l.bf16.f32 v0;
	[tilespmem:s15+$0xFFFFFFF0] =	vst v17  }
0xf1: {  	[tilespmem:s15+$0xFFFFFFE0] =	vst v7  }
0xf2: {  	[tilespmem:s15+$0x20] =	vst v9  }
0xf3: {  	v7 =	vunpack.i.l.bf16.f32 v6;
	v9 =	vmul.f32 v13, v16;
	[tilespmem:s31+$0x70] =	vst v12  }
0xf4: {  	s2 =	sadd.s32 $0x100, s30;
	[tilespmem:s31+$0x60] =	vst v14;
	v7 =	vmul.f32 v15, v7  }
0xf5: {  	v12 =	vld [tilespmem:s14+$0xFFFFFFF0];
	v13 =	vunpack.i.l.bf16.f32 v5;
	[tilespmem:s2+$0x50] =	vst v9;
	v9 =	vunpack.i.l.bf16.f32 v4  }
0xf6: {  	v1 =	vunpack.i.u.bf16.f32 v1;
	v14 =	vld [tilespmem:s14+$0x10];
	[tilespmem:s2+$0x0] =	vst v7;
	v7 =	vmul.f32 v9, v13;
	v15 =	vunpack.i.u.bf16.f32 v11  }
0xf7: {  	[tilespmem:s2+$0x40] =	vst v8;
	v9 =	vld [tilespmem:s13+$0x10];
	v11 =	vunpack.i.l.bf16.f32 v11;
	v1 =	vmul.f32 v15, v1  }
0xf8: {  	v8 =	vld [tilespmem:s13+$0xFFFFFFF0];
	v13 =	vunpack.i.u.bf16.f32 v3;
	v15 =	vunpack.i.u.bf16.f32 v10;
	v2 =	vmul.f32 v11, v2;
	[tilespmem:s31+$0xFFFFFFA0] =	vst v7  }
0xf9: {  	v3 =	vunpack.i.l.bf16.f32 v3;
	v7 =	vunpack.i.l.bf16.f32 v10;
	v11 =	vld [tilespmem:s6+$0x30];
	v10 =	vmul.f32 v13, v15;
	[tilespmem:s2+$0xFFFFFF90] =	vst v1  }
0xfa: {  	v0 =	vunpack.i.u.bf16.f32 v0;
	v3 =	vmul.f32 v3, v7;
	v1 =	vunpack.i.u.bf16.f32 v6;
	v6 =	vld [tilespmem:s26+$0x30];
	[tilespmem:s2+$0xFFFFFF80] =	vst v2  }
0xfb: {  	v4 =	vunpack.i.u.bf16.f32 v4;
	v2 =	vunpack.i.u.bf16.f32 v5;
	[tilespmem:s2+$0xFFFFFFD0] =	vst v10;
	v0 =	vmul.f32 v0, v1;
	v1 =	vld [tilespmem:s6+$0xFFFFFFD0]  }
0xfc: {  	v5 =	vunpack.i.u.bf16.f32 v14;
	v2 =	vmul.f32 v4, v2;
	v4 =	vunpack.i.u.bf16.f32 v9;
	[tilespmem:s2+$0xFFFFFFC0] =	vst v3;
	v3 =	vld [tilespmem:s26+$0xFFFFFFD0]  }
0xfd: {  	v7 =	vunpack.i.u.bf16.f32 v12;
	v10 =	vunpack.i.u.bf16.f32 v8;
	v4 =	vmul.f32 v4, v5;
	[tilespmem:s2+$0x10] =	vst v0;
	v0 =	vld [tilespmem:s6+$0xFFFFFFF0]  }
0xfe: {  	v8 =	vunpack.i.l.bf16.f32 v8;
	v5 =	vunpack.i.l.bf16.f32 v12;
	v7 =	vmul.f32 v10, v7;
	[tilespmem:s31+$0xFFFFFFB0] =	vst v2;
	v2 =	vld [tilespmem:s6+$0x10]  }
0xff: {  	v10 =	vunpack.i.l.bf16.f32 v14;
	v5 =	vmul.f32 v8, v5;
	v8 =	vunpack.i.l.bf16.f32 v9;
	[tilespmem:s31+$0x30] =	vst v4;
	v4 =	vld [tilespmem:s26+$0x10]  }
0x100: {  	v9 =	vunpack.i.l.bf16.f32 v11;
	v8 =	vmul.f32 v8, v10;
	[tilespmem:s31+$0xFFFFFFF0] =	vst v7;
	v7 =	vld [tilespmem:s26+$0xFFFFFFF0];
	v10 =	vunpack.i.l.bf16.f32 v6  }
0x101: {  	v11 =	vunpack.i.u.bf16.f32 v11;
	v6 =	vunpack.i.u.bf16.f32 v6;
	[tilespmem:s31+$0xFFFFFFE0] =	vst v5;
	v9 =	vmul.f32 v10, v9  }
0x102: {  	v5 =	vmul.f32 v6, v11;
	[tilespmem:s31+$0x20] =	vst v8;
	v6 =	vunpack.i.l.bf16.f32 v1;
	v8 =	vunpack.i.l.bf16.f32 v3  }
0x103: {  	v1 =	vunpack.i.u.bf16.f32 v1;
	v3 =	vunpack.i.u.bf16.f32 v3;
	v6 =	vmul.f32 v8, v6;
	[tilespmem:s2+$0x60] =	vst v9  }
0x104: {  	v1 =	vmul.f32 v3, v1;
	[tilespmem:s2+$0x70] =	vst v5;
	v5 =	vunpack.i.u.bf16.f32 v2;
	v3 =	vunpack.i.u.bf16.f32 v4  }
0x105: {  	v8 =	vunpack.i.u.bf16.f32 v0;
	v9 =	vunpack.i.u.bf16.f32 v7;
	[tilespmem:s2+$0xFFFFFFA0] =	vst v6;
	v3 =	vmul.f32 v3, v5  }
0x106: {  	[tilespmem:s2+$0xFFFFFFB0] =	vst v1;
	v1 =	vunpack.i.l.bf16.f32 v2;
	v2 =	vunpack.i.l.bf16.f32 v4;
	v6 =	vmul.f32 v9, v8  }
0x107: {  	s14 =	sshll.u32 s7, $0xF;
	v0 =	vunpack.i.l.bf16.f32 v0;
	v5 =	vunpack.i.l.bf16.f32 v7;
	v1 =	vmul.f32 v2, v1;
	[tilespmem:s2+$0x30] =	vst v3  }
0x108: {  	s6 =	sadd.s32 s8, s14;
	v0 =	vmul.f32 v5, v0;
	[tilespmem:s2+$0xFFFFFFF0] =	vst v6  }
0x109: {  	s6 =	sshrl.u32 s6, $0x3;
	[tilespmem:s2+$0x20] =	vst v1  }
0x10a: {  	p1 =	seq.s32 s7, $0x19;
	s15 =	sadd.s32 s0, s6;
	[tilespmem:s2+$0xFFFFFFE0] =	vst v0  }
0x10b: {  	[hbm4b:s15+s4] =	stream.linear.scatter [tilespmem:s19], [sflag:$0x5], $0x2000, $0x38;
	[tilespmem:$0x147A0] =	vst v63  }
0x10c: {  	v0 =	vld @!p1 [tilespmem:s12+$0x200];
	_ =	sdelay $0x4  }
0x10d: {  	v1 =	vshrl.u32 @!p1 v0, $0x10  }
0x10e: {  	v0 =	vand.u32 @!p1 $0xFFFF, v0;
	[tilespmem:$0x3400] =	vst @!p1 v1  }
0x10f: {  	[tilespmem:$0x3600] =	vst @!p1 v0  }
0x110: {  	v0 =	vld @!p1 [tilespmem:s12+$0x210];
	_ =	sdelay $0x4  }
0x111: {  	v1 =	vshrl.u32 @!p1 v0, $0x10  }
0x112: {  	v0 =	vand.u32 @!p1 $0xFFFF, v0;
	[tilespmem:$0x3410] =	vst @!p1 v1  }
0x113: {  	[tilespmem:$0x3610] =	vst @!p1 v0  }
0x114: {  	v0 =	vld @!p1 [tilespmem:s12+$0x220];
	_ =	sdelay $0x4  }
0x115: {  	v1 =	vshrl.u32 @!p1 v0, $0x10  }
0x116: {  	v0 =	vand.u32 @!p1 $0xFFFF, v0;
	[tilespmem:$0x3420] =	vst @!p1 v1  }
0x117: {  	[tilespmem:$0x3620] =	vst @!p1 v0  }
0x118: {  	v0 =	vld @!p1 [tilespmem:s12+$0x230];
	_ =	sdelay $0x4  }
0x119: {  	v1 =	vshrl.u32 @!p1 v0, $0x10  }
0x11a: {  	v0 =	vand.u32 @!p1 $0xFFFF, v0;
	[tilespmem:$0x3430] =	vst @!p1 v1  }
0x11b: {  	[tilespmem:$0x3630] =	vst @!p1 v0  }
0x11c: {  	v0 =	vld @!p1 [tilespmem:s12+$0x240];
	_ =	sdelay $0x4  }
0x11d: {  	v1 =	vshrl.u32 @!p1 v0, $0x10  }
0x11e: {  	v0 =	vand.u32 @!p1 $0xFFFF, v0;
	[tilespmem:$0x3440] =	vst @!p1 v1  }
0x11f: {  	[tilespmem:$0x3640] =	vst @!p1 v0  }
0x120: {  	v0 =	vld @!p1 [tilespmem:s12+$0x250];
	_ =	sdelay $0x4  }
0x121: {  	v1 =	vshrl.u32 @!p1 v0, $0x10  }
0x122: {  	v0 =	vand.u32 @!p1 $0xFFFF, v0;
	[tilespmem:$0x3450] =	vst @!p1 v1  }
0x123: {  	[tilespmem:$0x3650] =	vst @!p1 v0  }
0x124: {  	v0 =	vld @!p1 [tilespmem:s12+$0x260];
	_ =	sdelay $0x4  }
0x125: {  	v1 =	vshrl.u32 @!p1 v0, $0x10  }
0x126: {  	v0 =	vand.u32 @!p1 $0xFFFF, v0;
	[tilespmem:$0x3460] =	vst @!p1 v1  }
0x127: {  	[tilespmem:$0x3660] =	vst @!p1 v0  }
0x128: {  	v0 =	vld @!p1 [tilespmem:s12+$0x270];
	_ =	sdelay $0x4  }
0x129: {  	v1 =	vshrl.u32 @!p1 v0, $0x10  }
0x12a: {  	p2 =	seq.s32 @!p1 s7, $0x0;
	v0 =	vand.u32 @!p1 $0xFFFF, v0;
	[tilespmem:$0x3470] =	vst @!p1 v1  }
0x12b: {  	s13 =	simm.s32 @!p1 $0x3800;
	s6 =	simm.s32 @!p1 $0x3400;
	s2 =	simm.s32 @!p1 $0x80;
	[tilespmem:$0x3670] =	vst @!p1 v0  }
0x12c: {  	[tilespmem:s13], [sflag:$0x1] =	stream.indirect.gather @!p1 [spmem:s1], $0x20, s6, s2, $0xb8;
	[tilespmem:$0x147A0] =	vst v63  }
0x12d: {  	p2 =	por p1, !p2;
	s6 =	simm.s32 @!p1 $0x3600;
	s13 =	simm.s32 @!p1 $0x7800  }
0x12e: {  	[tilespmem:s13], [sflag:$0x1] =	stream.indirect.gather @!p1 [spmem:s3], $0x20, s6, s2, $0xb8;
	[tilespmem:$0x147A0] =	vst v63  }
0x12f: {  	_ =	swait.ge @p2 [sflag:s28], $0x2000  }
0x130: {  	[sflag:s28] =	ssyncset.done @p2 $0x0  }
0x131: {  	[sflag:s28] =	ssyncadd.s32 @p2 $0xFFFFE000  }
0x132: {  	_ =	swait.ge [sflag:s20], $0x1000  }
0x133: {  	[sflag:s20] =	ssyncset.done $0x0  }
0x134: {  	[sflag:s20] =	ssyncadd.s32 $0xFFFFF000  }
0x135: {  	_ =	swait.ge [sflag:s20], $0x1000  }
0x136: {  	[sflag:s20] =	ssyncset.done $0x0  }
0x137: {  	s2 =	simm.s32 $0x8870;
	[sflag:s20] =	ssyncadd.s32 $0xFFFFF000  }
0x138: {  	s26 =	simm.s32 $0x4870;
	v0 =	vld [tilespmem:s2+$0xFFFFFFF0]  }
0x139: {  	v1 =	vld [tilespmem:s26+$0xFFFFFFF0]  }
0x13a: {  	v3 =	vld [tilespmem:s2+$0xFFFFFFB0]  }
0x13b: {  	v4 =	vld [tilespmem:s2+$0xFFFFFFD0]  }
0x13c: {  	v9 =	vld [tilespmem:s26+$0xFFFFFFB0]  }
0x13d: {  	v5 =	vld [tilespmem:s26+$0xFFFFFFD0]  }
0x13e: {  	v2 =	vld [tilespmem:s26+$0xFFFFFF90];
	v6 =	vunpack.i.u.bf16.f32 v0  }
0x13f: {  	s14 =	simm.s32 $0x48F0;
	v7 =	vld [tilespmem:s2+$0xFFFFFF90];
	v8 =	vunpack.i.u.bf16.f32 v1;
	v1 =	vunpack.i.l.bf16.f32 v1;
	v0 =	vunpack.i.l.bf16.f32 v0  }
0x140: {  	v12 =	vld [tilespmem:s14+$0xFFFFFFF0];
	v13 =	vunpack.i.u.bf16.f32 v3;
	v3 =	vunpack.i.l.bf16.f32 v3;
	v6 =	vmul.f32 v6, v8  }
0x141: {  	s15 =	simm.s32 $0xD8F0;
	v14 =	vunpack.i.u.bf16.f32 v9;
	v9 =	vunpack.i.l.bf16.f32 v9;
	v0 =	vmul.f32 v0, v1;
	v1 =	vld [tilespmem:s14+$0xFFFFFF90]  }
0x142: {  	s13 =	simm.s32 $0x88F0;
	v10 =	vunpack.i.l.bf16.f32 v4;
	v11 =	vunpack.i.l.bf16.f32 v5;
	v3 =	vmul.f32 v3, v9;
	v9 =	vld [tilespmem:s14+$0xFFFFFFD0];
	[tilespmem:s15+$0xFFFFFFE0] =	vst v6  }
0x143: {  	v8 =	vunpack.i.l.bf16.f32 v2;
	v2 =	vunpack.i.u.bf16.f32 v2;
	v13 =	vmul.f32 v13, v14;
	v6 =	vld [tilespmem:s13+$0xFFFFFFF0];
	[tilespmem:s15+$0xFFFFFFD0] =	vst v0  }
0x144: {  	v0 =	vunpack.i.u.bf16.f32 v5;
	v5 =	vmul.f32 v10, v11;
	v10 =	vunpack.i.u.bf16.f32 v7;
	v11 =	vld [tilespmem:s26+$0x0]  }
0x145: {  	v7 =	vunpack.i.l.bf16.f32 v7;
	[tilespmem:s15+$0xFFFFFF60] =	vst v13;
	v2 =	vmul.f32 v10, v2;
	v10 =	vld [tilespmem:s2+$0x0]  }
0x146: {  	v4 =	vunpack.i.u.bf16.f32 v4;
	v13 =	vld [tilespmem:s14+$0xFFFFFFB0];
	v7 =	vmul.f32 v7, v8;
	[tilespmem:s15+$0xFFFFFF90] =	vst v5  }
0x147: {  	v8 =	vld [tilespmem:s13+$0xFFFFFFB0];
	v0 =	vmul.f32 v4, v0;
	v4 =	vunpack.i.l.bf16.f32 v12;
	[tilespmem:s15+$0xFFFFFF20] =	vst v2  }
0x148: {  	v12 =	vunpack.i.u.bf16.f32 v12;
	v2 =	vld [tilespmem:s13+$0xFFFFFFD0];
	[tilespmem:s15+$0xFFFFFF10] =	vst v7;
	v7 =	vunpack.i.l.bf16.f32 v1;
	v5 =	vunpack.i.u.bf16.f32 v1  }
0x149: {  	v1 =	vunpack.i.l.bf16.f32 v9;
	v14 =	vld [tilespmem:s26+$0xFFFFFFA0];
	v16 =	vunpack.i.u.bf16.f32 v6;
	v6 =	vunpack.i.l.bf16.f32 v6  }
0x14a: {  	[tilespmem:s15+$0xFFFFFF50] =	vst v3;
	v3 =	vld [tilespmem:s13+$0xFFFFFF90];
	v15 =	vunpack.i.u.bf16.f32 v11;
	v11 =	vunpack.i.l.bf16.f32 v11;
	v18 =	vunpack.i.u.bf16.f32 v10  }
0x14b: {  	[tilespmem:s15+$0xFFFFFFA0] =	vst v0;
	v17 =	vld [tilespmem:s2+$0xFFFFFFA0];
	v4 =	vmul.f32 v6, v4;
	v6 =	vunpack.i.l.bf16.f32 v10;
	v10 =	vmul.f32 v18, v15  }
0x14c: {  	s30 =	simm.s32 $0xD9F0;
	v19 =	vld [tilespmem:s26+$0xFFFFFFE0];
	v6 =	vmul.f32 v6, v11;
	v11 =	vmul.f32 v16, v12;
	v16 =	vunpack.i.u.bf16.f32 v9  }
0x14d: {  	v12 =	vld [tilespmem:s26+$0xFFFFFFC0];
	v18 =	vunpack.i.u.bf16.f32 v8;
	v8 =	vunpack.i.l.bf16.f32 v8;
	v15 =	vunpack.i.l.bf16.f32 v2;
	[tilespmem:s30+$0xFFFFFFD0] =	vst v4  }
0x14e: {  	v21 =	vld [tilespmem:s2+$0xFFFFFFE0];
	v0 =	vmul.f32 v15, v1;
	v9 =	vunpack.i.u.bf16.f32 v14;
	v14 =	vunpack.i.l.bf16.f32 v14;
	[tilespmem:s15+$0xFFFFFFF0] =	vst v6  }
0x14f: {  	s6 =	simm.s32 $0x4970;
	v15 =	vld [tilespmem:s2+$0xFFFFFFC0];
	v6 =	vunpack.i.u.bf16.f32 v13;
	v13 =	vunpack.i.l.bf16.f32 v13;
	[tilespmem:s15+$0x0] =	vst v10;
	v10 =	vunpack.i.u.bf16.f32 v3  }
0x150: {  	s26 =	simm.s32 $0x8970;
	v20 =	vunpack.i.u.bf16.f32 v17;
	v1 =	vld [tilespmem:s6+$0xFFFFFF90];
	v3 =	vunpack.i.l.bf16.f32 v3;
	[tilespmem:s30+$0xFFFFFFE0] =	vst v11;
	v5 =	vmul.f32 v10, v5  }
0x151: {  	v11 =	vunpack.i.l.bf16.f32 v17;
	v17 =	vld [tilespmem:s26+$0xFFFFFFF0];
	v6 =	vmul.f32 v18, v6;
	v8 =	vmul.f32 v8, v13;
	[tilespmem:s30+$0xFFFFFF90] =	vst v0  }
0x152: {  	v18 =	vld [tilespmem:s14+$0x0];
	v13 =	vmul.f32 v20, v9;
	v0 =	vmul.f32 v11, v14;
	v11 =	vunpack.i.u.bf16.f32 v12;
	[tilespmem:s30+$0xFFFFFF20] =	vst v5  }
0x153: {  	v22 =	vld [tilespmem:s13+$0x0];
	v4 =	vunpack.i.l.bf16.f32 v12;
	v12 =	vmul.f32 v3, v7;
	v5 =	vunpack.i.l.bf16.f32 v21;
	[tilespmem:s30+$0xFFFFFF60] =	vst v6  }
0x154: {  	v14 =	vld [tilespmem:s6+$0xFFFFFFF0];
	v6 =	vunpack.i.u.bf16.f32 v21;
	[tilespmem:s15+$0xFFFFFF30] =	vst v0;
	v10 =	vunpack.i.u.bf16.f32 v15;
	v0 =	vunpack.i.l.bf16.f32 v15  }
0x155: {  	v3 =	vld [tilespmem:s26+$0xFFFFFFB0];
	v15 =	vunpack.i.l.bf16.f32 v19;
	[tilespmem:s30+$0xFFFFFF10] =	vst v12;
	v12 =	vunpack.i.u.bf16.f32 v2;
	v2 =	vunpack.i.l.bf16.f32 v1  }
0x156: {  	[tilespmem:s30+$0xFFFFFF50] =	vst v8;
	v7 =	vmul.f32 v0, v4;
	v4 =	vunpack.i.u.bf16.f32 v19;
	v0 =	vld [tilespmem:s26+$0xFFFFFFD0];
	v9 =	vmul.f32 v5, v15  }
0x157: {  	[tilespmem:s15+$0xFFFFFF40] =	vst v13;
	v13 =	vunpack.i.u.bf16.f32 v17;
	v8 =	vmul.f32 v12, v16;
	v15 =	vmul.f32 v6, v4;
	v6 =	vld [tilespmem:s6+$0xFFFFFFD0]  }
0x158: {  	v19 =	vmul.f32 v10, v11;
	v5 =	vld [tilespmem:s14+$0xFFFFFFA0];
	v12 =	vunpack.i.u.bf16.f32 v18;
	v18 =	vunpack.i.l.bf16.f32 v18  }
0x159: {  	v16 =	vunpack.i.l.bf16.f32 v17;
	v17 =	vunpack.i.u.bf16.f32 v22;
	v10 =	vld [tilespmem:s6+$0xFFFFFFB0];
	v11 =	vunpack.i.l.bf16.f32 v14;
	[tilespmem:s30+$0xFFFFFFA0] =	vst v8  }
0x15a: {  	v63 =	vunpack.i.l.bf16.f32 v22;
	v4 =	vld [tilespmem:s13+$0xFFFFFFA0];
	v12 =	vmul.f32 v17, v12;
	v8 =	vmul.f32 v16, v11;
	[tilespmem:s15+$0xFFFFFF80] =	vst v19  }
0x15b: {  	s31 =	simm.s32 $0xD9F0;
	s2 =	simm.s32 $0x8;
	v11 =	vld [tilespmem:s26+$0xFFFFFF90];
	v16 =	vunpack.i.u.bf16.f32 v14;
	v14 =	vmul.f32 v63, v18;
	[tilespmem:s15+$0xFFFFFFC0] =	vst v15;
	v15 =	vunpack.i.l.bf16.f32 v0  }
.LBB2_7:
0x15c: {  	s2 =	sadd.s32 $0x4, s2;
	v17 =	vunpack.i.u.bf16.f32 v1;
	v1 =	vunpack.i.l.bf16.f32 v6;
	v13 =	vmul.f32 v13, v16;
	v16 =	vld [tilespmem:s14+$0xFFFFFFC0];
	s30 =	sadd.s32 $0x100, s30;
	[tilespmem:s15+$0xFFFFFF70] =	vst v7  }
0x15d: {  	v18 =	vunpack.i.u.bf16.f32 v6;
	p3 =	slt.u32 s2, $0x7C;
	v6 =	vmul.f32 v15, v1;
	v15 =	vunpack.i.u.bf16.f32 v5;
	v7 =	vld [tilespmem:s13+$0xFFFFFFC0];
	[tilespmem:s15+$0xFFFFFFB0] =	vst v9;
	s15 =	smov.u32 s31;
	s31 =	smov.u32 s30  }
0x15e: {  	v19 =	vunpack.i.l.bf16.f32 v3;
	v9 =	vunpack.i.u.bf16.f32 v3;
	v3 =	vunpack.i.l.bf16.f32 v5;
	v5 =	vld [tilespmem:s14+$0xFFFFFFE0];
	[tilespmem:s15+$0xFFFFFFF0] =	vst v14;
	s14 =	smov.u32 s6  }
0x15f: {  	s6 =	sadd.s32 $0x80, s6;
	v20 =	vunpack.i.u.bf16.f32 v4;
	v14 =	vunpack.i.u.bf16.f32 v10;
	v10 =	vunpack.i.l.bf16.f32 v10;
	v21 =	vld [tilespmem:s13+$0xFFFFFFE0];
	[tilespmem:s15+$0x0] =	vst v12;
	s13 =	smov.u32 s26  }
0x160: {  	v4 =	vunpack.i.l.bf16.f32 v4;
	s26 =	sadd.s32 $0x80, s26;
	v1 =	vld [tilespmem:s6+$0xFFFFFF90];
	v12 =	vunpack.i.u.bf16.f32 v11;
	v11 =	vunpack.i.l.bf16.f32 v11;
	[tilespmem:s30+$0xFFFFFFE0] =	vst v13  }
0x161: {  	v3 =	vmul.f32 v4, v3;
	v9 =	vmul.f32 v9, v14;
	v22 =	vld [tilespmem:s26+$0xFFFFFFF0];
	[tilespmem:s30+$0xFFFFFF90] =	vst v6;
	v4 =	vunpack.i.u.bf16.f32 v16  }
0x162: {  	v6 =	vmul.f32 v12, v17;
	v14 =	vld [tilespmem:s6+$0xFFFFFFF0];
	[tilespmem:s30+$0xFFFFFFD0] =	vst v8;
	v8 =	vunpack.i.l.bf16.f32 v16;
	v12 =	vunpack.i.u.bf16.f32 v7  }
0x163: {  	v2 =	vmul.f32 v11, v2;
	v11 =	vld [tilespmem:s14+$0x0];
	[tilespmem:s15+$0xFFFFFF30] =	vst v3;
	v3 =	vunpack.i.l.bf16.f32 v7;
	v13 =	vunpack.i.l.bf16.f32 v5  }
0x164: {  	v5 =	vunpack.i.u.bf16.f32 v5;
	[tilespmem:s30+$0xFFFFFF20] =	vst v6;
	v16 =	vld [tilespmem:s13+$0x0];
	v7 =	vmul.f32 v3, v8;
	v6 =	vunpack.i.l.bf16.f32 v21  }
0x165: {  	v8 =	vmul.f32 v19, v10;
	v10 =	vmul.f32 v20, v15;
	v15 =	vunpack.i.u.bf16.f32 v21;
	v3 =	vld [tilespmem:s26+$0xFFFFFFB0];
	[tilespmem:s30+$0xFFFFFF60] =	vst v9  }
0x166: {  	v17 =	vunpack.i.u.bf16.f32 v0;
	v9 =	vmul.f32 v6, v13;
	v15 =	vmul.f32 v15, v5;
	[tilespmem:s30+$0xFFFFFF10] =	vst v2;
	v0 =	vld [tilespmem:s26+$0xFFFFFFD0]  }
.Ltmp4:
0x167: {  	v2 =	vunpack.i.l.bf16.f32 v1;
	v6 =	vld [tilespmem:s6+$0xFFFFFFD0];
	[tilespmem:s30+$0xFFFFFF50] =	vst v8;
	v8 =	vmul.f32 v17, v18;
	v17 =	vmul.f32 v12, v4;
	(pc) =	sbr.rel @p3 .LBB2_7-.Ltmp4, $4  }
0x168: {  	v12 =	vunpack.i.l.bf16.f32 v14;
	v5 =	vld [tilespmem:s14+$0xFFFFFFA0];
	v18 =	vunpack.i.u.bf16.f32 v11;
	v19 =	vunpack.i.l.bf16.f32 v11;
	[tilespmem:s15+$0xFFFFFF40] =	vst v10  }
0x169: {  	v13 =	vunpack.i.u.bf16.f32 v22;
	v11 =	vunpack.i.l.bf16.f32 v22;
	v4 =	vld [tilespmem:s13+$0xFFFFFFA0];
	[tilespmem:s30+$0xFFFFFFA0] =	vst v8;
	v20 =	vunpack.i.u.bf16.f32 v16  }
0x16a: {  	v8 =	vmul.f32 v11, v12;
	v21 =	vunpack.i.l.bf16.f32 v16;
	v10 =	vld [tilespmem:s6+$0xFFFFFFB0];
	v12 =	vmul.f32 v20, v18;
	[tilespmem:s15+$0xFFFFFFC0] =	vst v15  }
0x16b: {  	v16 =	vunpack.i.u.bf16.f32 v14;
	v14 =	vmul.f32 v21, v19;
	v11 =	vld [tilespmem:s26+$0xFFFFFF90];
	v15 =	vunpack.i.l.bf16.f32 v0;
	[tilespmem:s15+$0xFFFFFF80] =	vst v17  }
0x16c: {  	[tilespmem:s15+$0xFFFFFF70] =	vst v7  }
0x16d: {  	[tilespmem:s15+$0xFFFFFFB0] =	vst v9  }
0x16e: {  	v7 =	vunpack.i.l.bf16.f32 v6;
	v9 =	vmul.f32 v13, v16;
	[tilespmem:s31+$0x0] =	vst v12  }
0x16f: {  	s2 =	sadd.s32 $0x100, s30;
	[tilespmem:s31+$0xFFFFFFF0] =	vst v14;
	v7 =	vmul.f32 v15, v7  }
0x170: {  	v12 =	vld [tilespmem:s14+$0xFFFFFFC0];
	v13 =	vunpack.i.l.bf16.f32 v5;
	[tilespmem:s2+$0xFFFFFFE0] =	vst v9;
	v9 =	vunpack.i.l.bf16.f32 v4  }
0x171: {  	v1 =	vunpack.i.u.bf16.f32 v1;
	v14 =	vld [tilespmem:s14+$0xFFFFFFE0];
	[tilespmem:s2+$0xFFFFFF90] =	vst v7;
	v7 =	vmul.f32 v9, v13;
	v15 =	vunpack.i.u.bf16.f32 v11  }
0x172: {  	[tilespmem:s2+$0xFFFFFFD0] =	vst v8;
	v9 =	vld [tilespmem:s13+$0xFFFFFFE0];
	v11 =	vunpack.i.l.bf16.f32 v11;
	v1 =	vmul.f32 v15, v1  }
0x173: {  	v8 =	vld [tilespmem:s13+$0xFFFFFFC0];
	v13 =	vunpack.i.u.bf16.f32 v3;
	v15 =	vunpack.i.u.bf16.f32 v10;
	v2 =	vmul.f32 v11, v2;
	[tilespmem:s31+$0xFFFFFF30] =	vst v7  }
0x174: {  	v3 =	vunpack.i.l.bf16.f32 v3;
	v7 =	vunpack.i.l.bf16.f32 v10;
	v11 =	vld [tilespmem:s6+$0x0];
	v10 =	vmul.f32 v13, v15;
	[tilespmem:s2+$0xFFFFFF20] =	vst v1  }
0x175: {  	v0 =	vunpack.i.u.bf16.f32 v0;
	v3 =	vmul.f32 v3, v7;
	v1 =	vunpack.i.u.bf16.f32 v6;
	v6 =	vld [tilespmem:s26+$0x0];
	[tilespmem:s2+$0xFFFFFF10] =	vst v2  }
0x176: {  	v4 =	vunpack.i.u.bf16.f32 v4;
	v2 =	vunpack.i.u.bf16.f32 v5;
	[tilespmem:s2+$0xFFFFFF60] =	vst v10;
	v0 =	vmul.f32 v0, v1;
	v1 =	vld [tilespmem:s6+$0xFFFFFFA0]  }
0x177: {  	v5 =	vunpack.i.u.bf16.f32 v14;
	v2 =	vmul.f32 v4, v2;
	v4 =	vunpack.i.u.bf16.f32 v9;
	[tilespmem:s2+$0xFFFFFF50] =	vst v3;
	v3 =	vld [tilespmem:s26+$0xFFFFFFA0]  }
0x178: {  	v7 =	vunpack.i.u.bf16.f32 v12;
	v10 =	vunpack.i.u.bf16.f32 v8;
	v4 =	vmul.f32 v4, v5;
	[tilespmem:s2+$0xFFFFFFA0] =	vst v0;
	v0 =	vld [tilespmem:s6+$0xFFFFFFC0]  }
0x179: {  	v8 =	vunpack.i.l.bf16.f32 v8;
	v5 =	vunpack.i.l.bf16.f32 v12;
	v7 =	vmul.f32 v10, v7;
	[tilespmem:s31+$0xFFFFFF40] =	vst v2;
	v2 =	vld [tilespmem:s6+$0xFFFFFFE0]  }
0x17a: {  	v10 =	vunpack.i.l.bf16.f32 v14;
	v5 =	vmul.f32 v8, v5;
	v8 =	vunpack.i.l.bf16.f32 v9;
	[tilespmem:s31+$0xFFFFFFC0] =	vst v4;
	v4 =	vld [tilespmem:s26+$0xFFFFFFE0]  }
0x17b: {  	v9 =	vunpack.i.l.bf16.f32 v11;
	v8 =	vmul.f32 v8, v10;
	[tilespmem:s31+$0xFFFFFF80] =	vst v7;
	v7 =	vld [tilespmem:s26+$0xFFFFFFC0];
	v10 =	vunpack.i.l.bf16.f32 v6  }
0x17c: {  	v11 =	vunpack.i.u.bf16.f32 v11;
	v6 =	vunpack.i.u.bf16.f32 v6;
	[tilespmem:s31+$0xFFFFFF70] =	vst v5;
	v9 =	vmul.f32 v10, v9  }
0x17d: {  	v5 =	vmul.f32 v6, v11;
	[tilespmem:s31+$0xFFFFFFB0] =	vst v8;
	v6 =	vunpack.i.l.bf16.f32 v1;
	v8 =	vunpack.i.l.bf16.f32 v3  }
0x17e: {  	v1 =	vunpack.i.u.bf16.f32 v1;
	v3 =	vunpack.i.u.bf16.f32 v3;
	v6 =	vmul.f32 v8, v6;
	[tilespmem:s2+$0xFFFFFFF0] =	vst v9  }
0x17f: {  	v1 =	vmul.f32 v3, v1;
	[tilespmem:s2+$0x0] =	vst v5;
	v5 =	vunpack.i.u.bf16.f32 v2;
	v3 =	vunpack.i.u.bf16.f32 v4  }
0x180: {  	v8 =	vunpack.i.u.bf16.f32 v0;
	v9 =	vunpack.i.u.bf16.f32 v7;
	[tilespmem:s2+$0xFFFFFF30] =	vst v6;
	v3 =	vmul.f32 v3, v5  }
0x181: {  	[tilespmem:s2+$0xFFFFFF40] =	vst v1;
	v1 =	vunpack.i.l.bf16.f32 v2;
	v2 =	vunpack.i.l.bf16.f32 v4;
	v6 =	vmul.f32 v9, v8  }
0x182: {  	s14 =	sadd.s32 s12, s9;
	v0 =	vunpack.i.l.bf16.f32 v0;
	v5 =	vunpack.i.l.bf16.f32 v7;
	v1 =	vmul.f32 v2, v1;
	[tilespmem:s2+$0xFFFFFFC0] =	vst v3  }
0x183: {  	s6 =	sshll.u32 s14, $0x3;
	v0 =	vmul.f32 v5, v0;
	[tilespmem:s2+$0xFFFFFF80] =	vst v6  }
0x184: {  	s6 =	sand.u32 $0x1FFFF400, s6;
	[tilespmem:s2+$0xFFFFFFB0] =	vst v1  }
0x185: {  	s15 =	sadd.s32 s0, s6;
	[tilespmem:s2+$0xFFFFFF70] =	vst v0  }
0x186: {  	[hbm4b:s15+s4] =	stream.linear.scatter [tilespmem:s21], [sflag:$0x6], $0x2000, $0x38;
	[tilespmem:$0x147A0] =	vst v63  }
0x187: {  	v0 =	vld @!p1 [tilespmem:s12+$0x280];
	_ =	sdelay $0x4  }
0x188: {  	v1 =	vshrl.u32 @!p1 v0, $0x10  }
0x189: {  	v0 =	vand.u32 @!p1 $0xFFFF, v0;
	[tilespmem:$0x3480] =	vst @!p1 v1  }
0x18a: {  	[tilespmem:$0x3680] =	vst @!p1 v0  }
0x18b: {  	v0 =	vld @!p1 [tilespmem:s12+$0x290];
	_ =	sdelay $0x4  }
0x18c: {  	v1 =	vshrl.u32 @!p1 v0, $0x10  }
0x18d: {  	v0 =	vand.u32 @!p1 $0xFFFF, v0;
	[tilespmem:$0x3490] =	vst @!p1 v1  }
0x18e: {  	[tilespmem:$0x3690] =	vst @!p1 v0  }
0x18f: {  	v0 =	vld @!p1 [tilespmem:s12+$0x2A0];
	_ =	sdelay $0x4  }
0x190: {  	v1 =	vshrl.u32 @!p1 v0, $0x10  }
0x191: {  	v0 =	vand.u32 @!p1 $0xFFFF, v0;
	[tilespmem:$0x34A0] =	vst @!p1 v1  }
0x192: {  	[tilespmem:$0x36A0] =	vst @!p1 v0  }
0x193: {  	v0 =	vld @!p1 [tilespmem:s12+$0x2B0];
	_ =	sdelay $0x4  }
0x194: {  	v1 =	vshrl.u32 @!p1 v0, $0x10  }
0x195: {  	v0 =	vand.u32 @!p1 $0xFFFF, v0;
	[tilespmem:$0x34B0] =	vst @!p1 v1  }
0x196: {  	[tilespmem:$0x36B0] =	vst @!p1 v0  }
0x197: {  	v0 =	vld @!p1 [tilespmem:s12+$0x2C0];
	_ =	sdelay $0x4  }
0x198: {  	v1 =	vshrl.u32 @!p1 v0, $0x10  }
0x199: {  	v0 =	vand.u32 @!p1 $0xFFFF, v0;
	[tilespmem:$0x34C0] =	vst @!p1 v1  }
0x19a: {  	[tilespmem:$0x36C0] =	vst @!p1 v0  }
0x19b: {  	v0 =	vld @!p1 [tilespmem:s12+$0x2D0];
	_ =	sdelay $0x4  }
0x19c: {  	v1 =	vshrl.u32 @!p1 v0, $0x10  }
0x19d: {  	v0 =	vand.u32 @!p1 $0xFFFF, v0;
	[tilespmem:$0x34D0] =	vst @!p1 v1  }
0x19e: {  	[tilespmem:$0x36D0] =	vst @!p1 v0  }
0x19f: {  	v0 =	vld @!p1 [tilespmem:s12+$0x2E0];
	_ =	sdelay $0x4  }
0x1a0: {  	v1 =	vshrl.u32 @!p1 v0, $0x10  }
0x1a1: {  	v0 =	vand.u32 @!p1 $0xFFFF, v0;
	[tilespmem:$0x34E0] =	vst @!p1 v1  }
0x1a2: {  	[tilespmem:$0x36E0] =	vst @!p1 v0  }
0x1a3: {  	v0 =	vld @!p1 [tilespmem:s12+$0x2F0];
	_ =	sdelay $0x4  }
0x1a4: {  	v1 =	vshrl.u32 @!p1 v0, $0x10  }
0x1a5: {  	v0 =	vand.u32 @!p1 $0xFFFF, v0;
	[tilespmem:$0x34F0] =	vst @!p1 v1  }
0x1a6: {  	s13 =	simm.s32 @!p1 $0x4800;
	s6 =	simm.s32 @!p1 $0x3480;
	s2 =	simm.s32 @!p1 $0x80;
	[tilespmem:$0x36F0] =	vst @!p1 v0  }
0x1a7: {  	[tilespmem:s13], [sflag:$0x2] =	stream.indirect.gather @!p1 [spmem:s1], $0x20, s6, s2, $0xb8;
	[tilespmem:$0x147A0] =	vst v63  }
0x1a8: {  	s6 =	simm.s32 @!p1 $0x3680;
	s13 =	simm.s32 @!p1 $0x8800  }
0x1a9: {  	[tilespmem:s13], [sflag:$0x2] =	stream.indirect.gather @!p1 [spmem:s3], $0x20, s6, s2, $0xb8;
	[tilespmem:$0x147A0] =	vst v63  }
0x1aa: {  	_ =	swait.ge @p2 [sflag:s29], $0x2000  }
0x1ab: {  	[sflag:s29] =	ssyncset.done @p2 $0x0  }
0x1ac: {  	[sflag:s29] =	ssyncadd.s32 @p2 $0xFFFFE000  }
0x1ad: {  	_ =	swait.ge [sflag:s22], $0x1000  }
0x1ae: {  	[sflag:s22] =	ssyncset.done $0x0  }
0x1af: {  	[sflag:s22] =	ssyncadd.s32 $0xFFFFF000  }
0x1b0: {  	_ =	swait.ge [sflag:s22], $0x1000  }
0x1b1: {  	[sflag:s22] =	ssyncset.done $0x0  }
0x1b2: {  	s2 =	simm.s32 $0x9870;
	[sflag:s22] =	ssyncadd.s32 $0xFFFFF000  }
0x1b3: {  	s26 =	simm.s32 $0x5870;
	v0 =	vld [tilespmem:s2+$0xFFFFFFF0]  }
0x1b4: {  	v1 =	vld [tilespmem:s26+$0xFFFFFFF0]  }
0x1b5: {  	v3 =	vld [tilespmem:s2+$0xFFFFFFB0]  }
0x1b6: {  	v4 =	vld [tilespmem:s2+$0xFFFFFFD0]  }
0x1b7: {  	v9 =	vld [tilespmem:s26+$0xFFFFFFB0]  }
0x1b8: {  	v5 =	vld [tilespmem:s26+$0xFFFFFFD0]  }
0x1b9: {  	v2 =	vld [tilespmem:s26+$0xFFFFFF90];
	v6 =	vunpack.i.u.bf16.f32 v0  }
0x1ba: {  	s14 =	simm.s32 $0x58F0;
	v7 =	vld [tilespmem:s2+$0xFFFFFF90];
	v8 =	vunpack.i.u.bf16.f32 v1;
	v1 =	vunpack.i.l.bf16.f32 v1;
	v0 =	vunpack.i.l.bf16.f32 v0  }
0x1bb: {  	v12 =	vld [tilespmem:s14+$0xFFFFFFF0];
	v13 =	vunpack.i.u.bf16.f32 v3;
	v3 =	vunpack.i.l.bf16.f32 v3;
	v6 =	vmul.f32 v6, v8  }
0x1bc: {  	s15 =	simm.s32 $0xF8F0;
	v14 =	vunpack.i.u.bf16.f32 v9;
	v9 =	vunpack.i.l.bf16.f32 v9;
	v0 =	vmul.f32 v0, v1;
	v1 =	vld [tilespmem:s14+$0xFFFFFF90]  }
0x1bd: {  	s13 =	simm.s32 $0x98F0;
	v10 =	vunpack.i.l.bf16.f32 v4;
	v11 =	vunpack.i.l.bf16.f32 v5;
	v3 =	vmul.f32 v3, v9;
	v9 =	vld [tilespmem:s14+$0xFFFFFFD0];
	[tilespmem:s15+$0xFFFFFFE0] =	vst v6  }
0x1be: {  	v8 =	vunpack.i.l.bf16.f32 v2;
	v2 =	vunpack.i.u.bf16.f32 v2;
	v13 =	vmul.f32 v13, v14;
	v6 =	vld [tilespmem:s13+$0xFFFFFFF0];
	[tilespmem:s15+$0xFFFFFFD0] =	vst v0  }
0x1bf: {  	v0 =	vunpack.i.u.bf16.f32 v5;
	v5 =	vmul.f32 v10, v11;
	v10 =	vunpack.i.u.bf16.f32 v7;
	v11 =	vld [tilespmem:s26+$0x0]  }
0x1c0: {  	v7 =	vunpack.i.l.bf16.f32 v7;
	[tilespmem:s15+$0xFFFFFF60] =	vst v13;
	v2 =	vmul.f32 v10, v2;
	v10 =	vld [tilespmem:s2+$0x0]  }
0x1c1: {  	v4 =	vunpack.i.u.bf16.f32 v4;
	v13 =	vld [tilespmem:s14+$0xFFFFFFB0];
	v7 =	vmul.f32 v7, v8;
	[tilespmem:s15+$0xFFFFFF90] =	vst v5  }
0x1c2: {  	v8 =	vld [tilespmem:s13+$0xFFFFFFB0];
	v0 =	vmul.f32 v4, v0;
	v4 =	vunpack.i.l.bf16.f32 v12;
	[tilespmem:s15+$0xFFFFFF20] =	vst v2  }
0x1c3: {  	v12 =	vunpack.i.u.bf16.f32 v12;
	v2 =	vld [tilespmem:s13+$0xFFFFFFD0];
	[tilespmem:s15+$0xFFFFFF10] =	vst v7;
	v7 =	vunpack.i.l.bf16.f32 v1;
	v5 =	vunpack.i.u.bf16.f32 v1  }
0x1c4: {  	v1 =	vunpack.i.l.bf16.f32 v9;
	v14 =	vld [tilespmem:s26+$0xFFFFFFA0];
	v16 =	vunpack.i.u.bf16.f32 v6;
	v6 =	vunpack.i.l.bf16.f32 v6  }
0x1c5: {  	[tilespmem:s15+$0xFFFFFF50] =	vst v3;
	v3 =	vld [tilespmem:s13+$0xFFFFFF90];
	v15 =	vunpack.i.u.bf16.f32 v11;
	v11 =	vunpack.i.l.bf16.f32 v11;
	v18 =	vunpack.i.u.bf16.f32 v10  }
0x1c6: {  	[tilespmem:s15+$0xFFFFFFA0] =	vst v0;
	v17 =	vld [tilespmem:s2+$0xFFFFFFA0];
	v4 =	vmul.f32 v6, v4;
	v6 =	vunpack.i.l.bf16.f32 v10;
	v10 =	vmul.f32 v18, v15  }
0x1c7: {  	s30 =	simm.s32 $0xF9F0;
	v19 =	vld [tilespmem:s26+$0xFFFFFFE0];
	v6 =	vmul.f32 v6, v11;
	v11 =	vmul.f32 v16, v12;
	v16 =	vunpack.i.u.bf16.f32 v9  }
0x1c8: {  	v12 =	vld [tilespmem:s26+$0xFFFFFFC0];
	v18 =	vunpack.i.u.bf16.f32 v8;
	v8 =	vunpack.i.l.bf16.f32 v8;
	v15 =	vunpack.i.l.bf16.f32 v2;
	[tilespmem:s30+$0xFFFFFFD0] =	vst v4  }
0x1c9: {  	v21 =	vld [tilespmem:s2+$0xFFFFFFE0];
	v0 =	vmul.f32 v15, v1;
	v9 =	vunpack.i.u.bf16.f32 v14;
	v14 =	vunpack.i.l.bf16.f32 v14;
	[tilespmem:s15+$0xFFFFFFF0] =	vst v6  }
0x1ca: {  	s6 =	simm.s32 $0x5970;
	v15 =	vld [tilespmem:s2+$0xFFFFFFC0];
	v6 =	vunpack.i.u.bf16.f32 v13;
	v13 =	vunpack.i.l.bf16.f32 v13;
	[tilespmem:s15+$0x0] =	vst v10;
	v10 =	vunpack.i.u.bf16.f32 v3  }
0x1cb: {  	s26 =	simm.s32 $0x9970;
	v20 =	vunpack.i.u.bf16.f32 v17;
	v1 =	vld [tilespmem:s6+$0xFFFFFF90];
	v3 =	vunpack.i.l.bf16.f32 v3;
	[tilespmem:s30+$0xFFFFFFE0] =	vst v11;
	v5 =	vmul.f32 v10, v5  }
0x1cc: {  	v11 =	vunpack.i.l.bf16.f32 v17;
	v17 =	vld [tilespmem:s26+$0xFFFFFFF0];
	v6 =	vmul.f32 v18, v6;
	v8 =	vmul.f32 v8, v13;
	[tilespmem:s30+$0xFFFFFF90] =	vst v0  }
0x1cd: {  	v18 =	vld [tilespmem:s14+$0x0];
	v13 =	vmul.f32 v20, v9;
	v0 =	vmul.f32 v11, v14;
	v11 =	vunpack.i.u.bf16.f32 v12;
	[tilespmem:s30+$0xFFFFFF20] =	vst v5  }
0x1ce: {  	v22 =	vld [tilespmem:s13+$0x0];
	v4 =	vunpack.i.l.bf16.f32 v12;
	v12 =	vmul.f32 v3, v7;
	v5 =	vunpack.i.l.bf16.f32 v21;
	[tilespmem:s30+$0xFFFFFF60] =	vst v6  }
0x1cf: {  	v14 =	vld [tilespmem:s6+$0xFFFFFFF0];
	v6 =	vunpack.i.u.bf16.f32 v21;
	[tilespmem:s15+$0xFFFFFF30] =	vst v0;
	v10 =	vunpack.i.u.bf16.f32 v15;
	v0 =	vunpack.i.l.bf16.f32 v15  }
0x1d0: {  	v3 =	vld [tilespmem:s26+$0xFFFFFFB0];
	v15 =	vunpack.i.l.bf16.f32 v19;
	[tilespmem:s30+$0xFFFFFF10] =	vst v12;
	v12 =	vunpack.i.u.bf16.f32 v2;
	v2 =	vunpack.i.l.bf16.f32 v1  }
0x1d1: {  	[tilespmem:s30+$0xFFFFFF50] =	vst v8;
	v7 =	vmul.f32 v0, v4;
	v4 =	vunpack.i.u.bf16.f32 v19;
	v0 =	vld [tilespmem:s26+$0xFFFFFFD0];
	v9 =	vmul.f32 v5, v15  }
0x1d2: {  	[tilespmem:s15+$0xFFFFFF40] =	vst v13;
	v13 =	vunpack.i.u.bf16.f32 v17;
	v8 =	vmul.f32 v12, v16;
	v15 =	vmul.f32 v6, v4;
	v6 =	vld [tilespmem:s6+$0xFFFFFFD0]  }
0x1d3: {  	v19 =	vmul.f32 v10, v11;
	v5 =	vld [tilespmem:s14+$0xFFFFFFA0];
	v12 =	vunpack.i.u.bf16.f32 v18;
	v18 =	vunpack.i.l.bf16.f32 v18  }
0x1d4: {  	v16 =	vunpack.i.l.bf16.f32 v17;
	v17 =	vunpack.i.u.bf16.f32 v22;
	v10 =	vld [tilespmem:s6+$0xFFFFFFB0];
	v11 =	vunpack.i.l.bf16.f32 v14;
	[tilespmem:s30+$0xFFFFFFA0] =	vst v8  }
0x1d5: {  	v63 =	vunpack.i.l.bf16.f32 v22;
	v4 =	vld [tilespmem:s13+$0xFFFFFFA0];
	v12 =	vmul.f32 v17, v12;
	v8 =	vmul.f32 v16, v11;
	[tilespmem:s15+$0xFFFFFF80] =	vst v19  }
0x1d6: {  	s31 =	simm.s32 $0xF9F0;
	s2 =	simm.s32 $0x8;
	v11 =	vld [tilespmem:s26+$0xFFFFFF90];
	v16 =	vunpack.i.u.bf16.f32 v14;
	v14 =	vmul.f32 v63, v18;
	[tilespmem:s15+$0xFFFFFFC0] =	vst v15;
	v15 =	vunpack.i.l.bf16.f32 v0  }
.LBB2_9:
0x1d7: {  	s2 =	sadd.s32 $0x4, s2;
	v17 =	vunpack.i.u.bf16.f32 v1;
	v1 =	vunpack.i.l.bf16.f32 v6;
	v13 =	vmul.f32 v13, v16;
	v16 =	vld [tilespmem:s14+$0xFFFFFFC0];
	s30 =	sadd.s32 $0x100, s30;
	[tilespmem:s15+$0xFFFFFF70] =	vst v7  }
0x1d8: {  	v18 =	vunpack.i.u.bf16.f32 v6;
	p3 =	slt.u32 s2, $0x7C;
	v6 =	vmul.f32 v15, v1;
	v15 =	vunpack.i.u.bf16.f32 v5;
	v7 =	vld [tilespmem:s13+$0xFFFFFFC0];
	[tilespmem:s15+$0xFFFFFFB0] =	vst v9;
	s15 =	smov.u32 s31;
	s31 =	smov.u32 s30  }
0x1d9: {  	v19 =	vunpack.i.l.bf16.f32 v3;
	v9 =	vunpack.i.u.bf16.f32 v3;
	v3 =	vunpack.i.l.bf16.f32 v5;
	v5 =	vld [tilespmem:s14+$0xFFFFFFE0];
	[tilespmem:s15+$0xFFFFFFF0] =	vst v14;
	s14 =	smov.u32 s6  }
0x1da: {  	s6 =	sadd.s32 $0x80, s6;
	v20 =	vunpack.i.u.bf16.f32 v4;
	v14 =	vunpack.i.u.bf16.f32 v10;
	v10 =	vunpack.i.l.bf16.f32 v10;
	v21 =	vld [tilespmem:s13+$0xFFFFFFE0];
	[tilespmem:s15+$0x0] =	vst v12;
	s13 =	smov.u32 s26  }
0x1db: {  	v4 =	vunpack.i.l.bf16.f32 v4;
	s26 =	sadd.s32 $0x80, s26;
	v1 =	vld [tilespmem:s6+$0xFFFFFF90];
	v12 =	vunpack.i.u.bf16.f32 v11;
	v11 =	vunpack.i.l.bf16.f32 v11;
	[tilespmem:s30+$0xFFFFFFE0] =	vst v13  }
0x1dc: {  	v3 =	vmul.f32 v4, v3;
	v9 =	vmul.f32 v9, v14;
	v22 =	vld [tilespmem:s26+$0xFFFFFFF0];
	[tilespmem:s30+$0xFFFFFF90] =	vst v6;
	v4 =	vunpack.i.u.bf16.f32 v16  }
0x1dd: {  	v6 =	vmul.f32 v12, v17;
	v14 =	vld [tilespmem:s6+$0xFFFFFFF0];
	[tilespmem:s30+$0xFFFFFFD0] =	vst v8;
	v8 =	vunpack.i.l.bf16.f32 v16;
	v12 =	vunpack.i.u.bf16.f32 v7  }
0x1de: {  	v2 =	vmul.f32 v11, v2;
	v11 =	vld [tilespmem:s14+$0x0];
	[tilespmem:s15+$0xFFFFFF30] =	vst v3;
	v3 =	vunpack.i.l.bf16.f32 v7;
	v13 =	vunpack.i.l.bf16.f32 v5  }
0x1df: {  	v5 =	vunpack.i.u.bf16.f32 v5;
	[tilespmem:s30+$0xFFFFFF20] =	vst v6;
	v16 =	vld [tilespmem:s13+$0x0];
	v7 =	vmul.f32 v3, v8;
	v6 =	vunpack.i.l.bf16.f32 v21  }
0x1e0: {  	v8 =	vmul.f32 v19, v10;
	v10 =	vmul.f32 v20, v15;
	v15 =	vunpack.i.u.bf16.f32 v21;
	v3 =	vld [tilespmem:s26+$0xFFFFFFB0];
	[tilespmem:s30+$0xFFFFFF60] =	vst v9  }
0x1e1: {  	v17 =	vunpack.i.u.bf16.f32 v0;
	v9 =	vmul.f32 v6, v13;
	v15 =	vmul.f32 v15, v5;
	[tilespmem:s30+$0xFFFFFF10] =	vst v2;
	v0 =	vld [tilespmem:s26+$0xFFFFFFD0]  }
.Ltmp5:
0x1e2: {  	v2 =	vunpack.i.l.bf16.f32 v1;
	v6 =	vld [tilespmem:s6+$0xFFFFFFD0];
	[tilespmem:s30+$0xFFFFFF50] =	vst v8;
	v8 =	vmul.f32 v17, v18;
	v17 =	vmul.f32 v12, v4;
	(pc) =	sbr.rel @p3 .LBB2_9-.Ltmp5, $4  }
0x1e3: {  	v12 =	vunpack.i.l.bf16.f32 v14;
	v5 =	vld [tilespmem:s14+$0xFFFFFFA0];
	v18 =	vunpack.i.u.bf16.f32 v11;
	v19 =	vunpack.i.l.bf16.f32 v11;
	[tilespmem:s15+$0xFFFFFF40] =	vst v10  }
0x1e4: {  	v13 =	vunpack.i.u.bf16.f32 v22;
	v11 =	vunpack.i.l.bf16.f32 v22;
	v4 =	vld [tilespmem:s13+$0xFFFFFFA0];
	[tilespmem:s30+$0xFFFFFFA0] =	vst v8;
	v20 =	vunpack.i.u.bf16.f32 v16  }
0x1e5: {  	v8 =	vmul.f32 v11, v12;
	v21 =	vunpack.i.l.bf16.f32 v16;
	v10 =	vld [tilespmem:s6+$0xFFFFFFB0];
	v12 =	vmul.f32 v20, v18;
	[tilespmem:s15+$0xFFFFFFC0] =	vst v15  }
0x1e6: {  	v16 =	vunpack.i.u.bf16.f32 v14;
	v14 =	vmul.f32 v21, v19;
	v11 =	vld [tilespmem:s26+$0xFFFFFF90];
	v15 =	vunpack.i.l.bf16.f32 v0;
	[tilespmem:s15+$0xFFFFFF80] =	vst v17  }
0x1e7: {  	[tilespmem:s15+$0xFFFFFF70] =	vst v7  }
0x1e8: {  	[tilespmem:s15+$0xFFFFFFB0] =	vst v9  }
0x1e9: {  	v7 =	vunpack.i.l.bf16.f32 v6;
	v9 =	vmul.f32 v13, v16;
	[tilespmem:s31+$0x0] =	vst v12  }
0x1ea: {  	s2 =	sadd.s32 $0x100, s30;
	[tilespmem:s31+$0xFFFFFFF0] =	vst v14;
	v7 =	vmul.f32 v15, v7  }
0x1eb: {  	v12 =	vld [tilespmem:s14+$0xFFFFFFC0];
	v13 =	vunpack.i.l.bf16.f32 v5;
	[tilespmem:s2+$0xFFFFFFE0] =	vst v9;
	v9 =	vunpack.i.l.bf16.f32 v4  }
0x1ec: {  	v1 =	vunpack.i.u.bf16.f32 v1;
	v14 =	vld [tilespmem:s14+$0xFFFFFFE0];
	[tilespmem:s2+$0xFFFFFF90] =	vst v7;
	v7 =	vmul.f32 v9, v13;
	v15 =	vunpack.i.u.bf16.f32 v11  }
0x1ed: {  	[tilespmem:s2+$0xFFFFFFD0] =	vst v8;
	v9 =	vld [tilespmem:s13+$0xFFFFFFE0];
	v11 =	vunpack.i.l.bf16.f32 v11;
	v1 =	vmul.f32 v15, v1  }
0x1ee: {  	v8 =	vld [tilespmem:s13+$0xFFFFFFC0];
	v13 =	vunpack.i.u.bf16.f32 v3;
	v15 =	vunpack.i.u.bf16.f32 v10;
	v2 =	vmul.f32 v11, v2;
	[tilespmem:s31+$0xFFFFFF30] =	vst v7  }
0x1ef: {  	v3 =	vunpack.i.l.bf16.f32 v3;
	v7 =	vunpack.i.l.bf16.f32 v10;
	v11 =	vld [tilespmem:s6+$0x0];
	v10 =	vmul.f32 v13, v15;
	[tilespmem:s2+$0xFFFFFF20] =	vst v1  }
0x1f0: {  	v0 =	vunpack.i.u.bf16.f32 v0;
	v3 =	vmul.f32 v3, v7;
	v1 =	vunpack.i.u.bf16.f32 v6;
	v6 =	vld [tilespmem:s26+$0x0];
	[tilespmem:s2+$0xFFFFFF10] =	vst v2  }
0x1f1: {  	v4 =	vunpack.i.u.bf16.f32 v4;
	v2 =	vunpack.i.u.bf16.f32 v5;
	[tilespmem:s2+$0xFFFFFF60] =	vst v10;
	v0 =	vmul.f32 v0, v1;
	v1 =	vld [tilespmem:s6+$0xFFFFFFA0]  }
0x1f2: {  	v5 =	vunpack.i.u.bf16.f32 v14;
	v2 =	vmul.f32 v4, v2;
	v4 =	vunpack.i.u.bf16.f32 v9;
	[tilespmem:s2+$0xFFFFFF50] =	vst v3;
	v3 =	vld [tilespmem:s26+$0xFFFFFFA0]  }
0x1f3: {  	v7 =	vunpack.i.u.bf16.f32 v12;
	v10 =	vunpack.i.u.bf16.f32 v8;
	v4 =	vmul.f32 v4, v5;
	[tilespmem:s2+$0xFFFFFFA0] =	vst v0;
	v0 =	vld [tilespmem:s6+$0xFFFFFFC0]  }
0x1f4: {  	v8 =	vunpack.i.l.bf16.f32 v8;
	v5 =	vunpack.i.l.bf16.f32 v12;
	v7 =	vmul.f32 v10, v7;
	[tilespmem:s31+$0xFFFFFF40] =	vst v2;
	v2 =	vld [tilespmem:s6+$0xFFFFFFE0]  }
0x1f5: {  	v10 =	vunpack.i.l.bf16.f32 v14;
	v5 =	vmul.f32 v8, v5;
	v8 =	vunpack.i.l.bf16.f32 v9;
	[tilespmem:s31+$0xFFFFFFC0] =	vst v4;
	v4 =	vld [tilespmem:s26+$0xFFFFFFE0]  }
0x1f6: {  	v9 =	vunpack.i.l.bf16.f32 v11;
	v8 =	vmul.f32 v8, v10;
	[tilespmem:s31+$0xFFFFFF80] =	vst v7;
	v7 =	vld [tilespmem:s26+$0xFFFFFFC0];
	v10 =	vunpack.i.l.bf16.f32 v6  }
0x1f7: {  	v11 =	vunpack.i.u.bf16.f32 v11;
	v6 =	vunpack.i.u.bf16.f32 v6;
	[tilespmem:s31+$0xFFFFFF70] =	vst v5;
	v9 =	vmul.f32 v10, v9  }
0x1f8: {  	v5 =	vmul.f32 v6, v11;
	[tilespmem:s31+$0xFFFFFFB0] =	vst v8;
	v6 =	vunpack.i.l.bf16.f32 v1;
	v8 =	vunpack.i.l.bf16.f32 v3  }
0x1f9: {  	v1 =	vunpack.i.u.bf16.f32 v1;
	v3 =	vunpack.i.u.bf16.f32 v3;
	v6 =	vmul.f32 v8, v6;
	[tilespmem:s2+$0xFFFFFFF0] =	vst v9  }
0x1fa: {  	v1 =	vmul.f32 v3, v1;
	[tilespmem:s2+$0x0] =	vst v5;
	v5 =	vunpack.i.u.bf16.f32 v2;
	v3 =	vunpack.i.u.bf16.f32 v4  }
0x1fb: {  	v8 =	vunpack.i.u.bf16.f32 v0;
	v9 =	vunpack.i.u.bf16.f32 v7;
	[tilespmem:s2+$0xFFFFFF30] =	vst v6;
	v3 =	vmul.f32 v3, v5  }
0x1fc: {  	[tilespmem:s2+$0xFFFFFF40] =	vst v1;
	v1 =	vunpack.i.l.bf16.f32 v2;
	v2 =	vunpack.i.l.bf16.f32 v4;
	v6 =	vmul.f32 v9, v8  }
0x1fd: {  	s14 =	sadd.s32 s12, s10;
	v0 =	vunpack.i.l.bf16.f32 v0;
	v5 =	vunpack.i.l.bf16.f32 v7;
	v1 =	vmul.f32 v2, v1;
	[tilespmem:s2+$0xFFFFFFC0] =	vst v3  }
0x1fe: {  	s6 =	sshll.u32 s14, $0x3;
	v0 =	vmul.f32 v5, v0;
	[tilespmem:s2+$0xFFFFFF80] =	vst v6  }
0x1ff: {  	s6 =	sand.u32 $0x1FFFF800, s6;
	[tilespmem:s2+$0xFFFFFFB0] =	vst v1  }
0x200: {  	s15 =	sadd.s32 s0, s6;
	[tilespmem:s2+$0xFFFFFF70] =	vst v0  }
0x201: {  	[hbm4b:s15+s4] =	stream.linear.scatter [tilespmem:s23], [sflag:$0x7], $0x2000, $0x38;
	[tilespmem:$0x147A0] =	vst v63  }
0x202: {  	v0 =	vld @!p1 [tilespmem:s12+$0x300];
	_ =	sdelay $0x4  }
0x203: {  	v1 =	vshrl.u32 @!p1 v0, $0x10  }
0x204: {  	v0 =	vand.u32 @!p1 $0xFFFF, v0;
	[tilespmem:$0x3500] =	vst @!p1 v1  }
0x205: {  	[tilespmem:$0x3700] =	vst @!p1 v0  }
0x206: {  	v0 =	vld @!p1 [tilespmem:s12+$0x310];
	_ =	sdelay $0x4  }
0x207: {  	v1 =	vshrl.u32 @!p1 v0, $0x10  }
0x208: {  	v0 =	vand.u32 @!p1 $0xFFFF, v0;
	[tilespmem:$0x3510] =	vst @!p1 v1  }
0x209: {  	[tilespmem:$0x3710] =	vst @!p1 v0  }
0x20a: {  	v0 =	vld @!p1 [tilespmem:s12+$0x320];
	_ =	sdelay $0x4  }
0x20b: {  	v1 =	vshrl.u32 @!p1 v0, $0x10  }
0x20c: {  	v0 =	vand.u32 @!p1 $0xFFFF, v0;
	[tilespmem:$0x3520] =	vst @!p1 v1  }
0x20d: {  	[tilespmem:$0x3720] =	vst @!p1 v0  }
0x20e: {  	v0 =	vld @!p1 [tilespmem:s12+$0x330];
	_ =	sdelay $0x4  }
0x20f: {  	v1 =	vshrl.u32 @!p1 v0, $0x10  }
0x210: {  	v0 =	vand.u32 @!p1 $0xFFFF, v0;
	[tilespmem:$0x3530] =	vst @!p1 v1  }
0x211: {  	[tilespmem:$0x3730] =	vst @!p1 v0  }
0x212: {  	v0 =	vld @!p1 [tilespmem:s12+$0x340];
	_ =	sdelay $0x4  }
0x213: {  	v1 =	vshrl.u32 @!p1 v0, $0x10  }
0x214: {  	v0 =	vand.u32 @!p1 $0xFFFF, v0;
	[tilespmem:$0x3540] =	vst @!p1 v1  }
0x215: {  	[tilespmem:$0x3740] =	vst @!p1 v0  }
0x216: {  	v0 =	vld @!p1 [tilespmem:s12+$0x350];
	_ =	sdelay $0x4  }
0x217: {  	v1 =	vshrl.u32 @!p1 v0, $0x10  }
0x218: {  	v0 =	vand.u32 @!p1 $0xFFFF, v0;
	[tilespmem:$0x3550] =	vst @!p1 v1  }
0x219: {  	[tilespmem:$0x3750] =	vst @!p1 v0  }
0x21a: {  	v0 =	vld @!p1 [tilespmem:s12+$0x360];
	_ =	sdelay $0x4  }
0x21b: {  	v1 =	vshrl.u32 @!p1 v0, $0x10  }
0x21c: {  	v0 =	vand.u32 @!p1 $0xFFFF, v0;
	[tilespmem:$0x3560] =	vst @!p1 v1  }
0x21d: {  	[tilespmem:$0x3760] =	vst @!p1 v0  }
0x21e: {  	v0 =	vld @!p1 [tilespmem:s12+$0x370];
	_ =	sdelay $0x4  }
0x21f: {  	v1 =	vshrl.u32 @!p1 v0, $0x10  }
0x220: {  	v0 =	vand.u32 @!p1 $0xFFFF, v0;
	[tilespmem:$0x3570] =	vst @!p1 v1  }
0x221: {  	s13 =	simm.s32 @!p1 $0x5800;
	s6 =	simm.s32 @!p1 $0x3500;
	s2 =	simm.s32 @!p1 $0x80;
	[tilespmem:$0x3770] =	vst @!p1 v0  }
0x222: {  	[tilespmem:s13], [sflag:$0x3] =	stream.indirect.gather @!p1 [spmem:s1], $0x20, s6, s2, $0xb8;
	[tilespmem:$0x147A0] =	vst v63  }
0x223: {  	s6 =	simm.s32 @!p1 $0x3700;
	s13 =	simm.s32 @!p1 $0x9800  }
0x224: {  	[tilespmem:s13], [sflag:$0x3] =	stream.indirect.gather @!p1 [spmem:s3], $0x20, s6, s2, $0xb8;
	[tilespmem:$0x147A0] =	vst v63  }
0x225: {  	_ =	swait.ge @p2 [sflag:s5], $0x2000  }
0x226: {  	[sflag:s5] =	ssyncset.done @p2 $0x0  }
0x227: {  	[sflag:s5] =	ssyncadd.s32 @p2 $0xFFFFE000  }
0x228: {  	_ =	swait.ge [sflag:s24], $0x1000  }
0x229: {  	[sflag:s24] =	ssyncset.done $0x0  }
0x22a: {  	[sflag:s24] =	ssyncadd.s32 $0xFFFFF000  }
0x22b: {  	_ =	swait.ge [sflag:s24], $0x1000  }
0x22c: {  	[sflag:s24] =	ssyncset.done $0x0  }
0x22d: {  	s2 =	simm.s32 $0xA870;
	[sflag:s24] =	ssyncadd.s32 $0xFFFFF000  }
0x22e: {  	s26 =	simm.s32 $0x6870;
	v0 =	vld [tilespmem:s2+$0xFFFFFFF0]  }
0x22f: {  	v1 =	vld [tilespmem:s26+$0xFFFFFFF0]  }
0x230: {  	v3 =	vld [tilespmem:s2+$0xFFFFFFB0]  }
0x231: {  	v4 =	vld [tilespmem:s2+$0xFFFFFFD0]  }
0x232: {  	v9 =	vld [tilespmem:s26+$0xFFFFFFB0]  }
0x233: {  	v5 =	vld [tilespmem:s26+$0xFFFFFFD0]  }
0x234: {  	v2 =	vld [tilespmem:s26+$0xFFFFFF90];
	v6 =	vunpack.i.u.bf16.f32 v0  }
0x235: {  	s14 =	simm.s32 $0x68F0;
	v7 =	vld [tilespmem:s2+$0xFFFFFF90];
	v8 =	vunpack.i.u.bf16.f32 v1;
	v1 =	vunpack.i.l.bf16.f32 v1;
	v0 =	vunpack.i.l.bf16.f32 v0  }
0x236: {  	v12 =	vld [tilespmem:s14+$0xFFFFFFF0];
	v13 =	vunpack.i.u.bf16.f32 v3;
	v3 =	vunpack.i.l.bf16.f32 v3;
	v6 =	vmul.f32 v6, v8  }
0x237: {  	s15 =	simm.s32 $0x118F0;
	v14 =	vunpack.i.u.bf16.f32 v9;
	v9 =	vunpack.i.l.bf16.f32 v9;
	v0 =	vmul.f32 v0, v1;
	v1 =	vld [tilespmem:s14+$0xFFFFFF90]  }
0x238: {  	s13 =	simm.s32 $0xA8F0;
	v10 =	vunpack.i.l.bf16.f32 v4;
	v11 =	vunpack.i.l.bf16.f32 v5;
	v3 =	vmul.f32 v3, v9;
	v9 =	vld [tilespmem:s14+$0xFFFFFFD0];
	[tilespmem:s15+$0xFFFFFFE0] =	vst v6  }
0x239: {  	v8 =	vunpack.i.l.bf16.f32 v2;
	v2 =	vunpack.i.u.bf16.f32 v2;
	v13 =	vmul.f32 v13, v14;
	v6 =	vld [tilespmem:s13+$0xFFFFFFF0];
	[tilespmem:s15+$0xFFFFFFD0] =	vst v0  }
0x23a: {  	v0 =	vunpack.i.u.bf16.f32 v5;
	v5 =	vmul.f32 v10, v11;
	v10 =	vunpack.i.u.bf16.f32 v7;
	v11 =	vld [tilespmem:s26+$0x0]  }
0x23b: {  	v7 =	vunpack.i.l.bf16.f32 v7;
	[tilespmem:s15+$0xFFFFFF60] =	vst v13;
	v2 =	vmul.f32 v10, v2;
	v10 =	vld [tilespmem:s2+$0x0]  }
0x23c: {  	v4 =	vunpack.i.u.bf16.f32 v4;
	v13 =	vld [tilespmem:s14+$0xFFFFFFB0];
	v7 =	vmul.f32 v7, v8;
	[tilespmem:s15+$0xFFFFFF90] =	vst v5  }
0x23d: {  	v8 =	vld [tilespmem:s13+$0xFFFFFFB0];
	v0 =	vmul.f32 v4, v0;
	v4 =	vunpack.i.l.bf16.f32 v12;
	[tilespmem:s15+$0xFFFFFF20] =	vst v2  }
0x23e: {  	v12 =	vunpack.i.u.bf16.f32 v12;
	v2 =	vld [tilespmem:s13+$0xFFFFFFD0];
	[tilespmem:s15+$0xFFFFFF10] =	vst v7;
	v7 =	vunpack.i.l.bf16.f32 v1;
	v5 =	vunpack.i.u.bf16.f32 v1  }
0x23f: {  	v1 =	vunpack.i.l.bf16.f32 v9;
	v14 =	vld [tilespmem:s26+$0xFFFFFFA0];
	v16 =	vunpack.i.u.bf16.f32 v6;
	v6 =	vunpack.i.l.bf16.f32 v6  }
0x240: {  	[tilespmem:s15+$0xFFFFFF50] =	vst v3;
	v3 =	vld [tilespmem:s13+$0xFFFFFF90];
	v15 =	vunpack.i.u.bf16.f32 v11;
	v11 =	vunpack.i.l.bf16.f32 v11;
	v18 =	vunpack.i.u.bf16.f32 v10  }
0x241: {  	[tilespmem:s15+$0xFFFFFFA0] =	vst v0;
	v17 =	vld [tilespmem:s2+$0xFFFFFFA0];
	v4 =	vmul.f32 v6, v4;
	v6 =	vunpack.i.l.bf16.f32 v10;
	v10 =	vmul.f32 v18, v15  }
0x242: {  	s30 =	simm.s32 $0x119F0;
	v19 =	vld [tilespmem:s26+$0xFFFFFFE0];
	v6 =	vmul.f32 v6, v11;
	v11 =	vmul.f32 v16, v12;
	v16 =	vunpack.i.u.bf16.f32 v9  }
0x243: {  	v12 =	vld [tilespmem:s26+$0xFFFFFFC0];
	v18 =	vunpack.i.u.bf16.f32 v8;
	v8 =	vunpack.i.l.bf16.f32 v8;
	v15 =	vunpack.i.l.bf16.f32 v2;
	[tilespmem:s30+$0xFFFFFFD0] =	vst v4  }
0x244: {  	v21 =	vld [tilespmem:s2+$0xFFFFFFE0];
	v0 =	vmul.f32 v15, v1;
	v9 =	vunpack.i.u.bf16.f32 v14;
	v14 =	vunpack.i.l.bf16.f32 v14;
	[tilespmem:s15+$0xFFFFFFF0] =	vst v6  }
0x245: {  	s6 =	simm.s32 $0x6970;
	v15 =	vld [tilespmem:s2+$0xFFFFFFC0];
	v6 =	vunpack.i.u.bf16.f32 v13;
	v13 =	vunpack.i.l.bf16.f32 v13;
	[tilespmem:s15+$0x0] =	vst v10;
	v10 =	vunpack.i.u.bf16.f32 v3  }
0x246: {  	s26 =	simm.s32 $0xA970;
	v20 =	vunpack.i.u.bf16.f32 v17;
	v1 =	vld [tilespmem:s6+$0xFFFFFF90];
	v3 =	vunpack.i.l.bf16.f32 v3;
	[tilespmem:s30+$0xFFFFFFE0] =	vst v11;
	v5 =	vmul.f32 v10, v5  }
0x247: {  	v11 =	vunpack.i.l.bf16.f32 v17;
	v17 =	vld [tilespmem:s26+$0xFFFFFFF0];
	v6 =	vmul.f32 v18, v6;
	v8 =	vmul.f32 v8, v13;
	[tilespmem:s30+$0xFFFFFF90] =	vst v0  }
0x248: {  	v18 =	vld [tilespmem:s14+$0x0];
	v13 =	vmul.f32 v20, v9;
	v0 =	vmul.f32 v11, v14;
	v11 =	vunpack.i.u.bf16.f32 v12;
	[tilespmem:s30+$0xFFFFFF20] =	vst v5  }
0x249: {  	v22 =	vld [tilespmem:s13+$0x0];
	v4 =	vunpack.i.l.bf16.f32 v12;
	v12 =	vmul.f32 v3, v7;
	v5 =	vunpack.i.l.bf16.f32 v21;
	[tilespmem:s30+$0xFFFFFF60] =	vst v6  }
0x24a: {  	v14 =	vld [tilespmem:s6+$0xFFFFFFF0];
	v6 =	vunpack.i.u.bf16.f32 v21;
	[tilespmem:s15+$0xFFFFFF30] =	vst v0;
	v10 =	vunpack.i.u.bf16.f32 v15;
	v0 =	vunpack.i.l.bf16.f32 v15  }
0x24b: {  	v3 =	vld [tilespmem:s26+$0xFFFFFFB0];
	v15 =	vunpack.i.l.bf16.f32 v19;
	[tilespmem:s30+$0xFFFFFF10] =	vst v12;
	v12 =	vunpack.i.u.bf16.f32 v2;
	v2 =	vunpack.i.l.bf16.f32 v1  }
0x24c: {  	[tilespmem:s30+$0xFFFFFF50] =	vst v8;
	v7 =	vmul.f32 v0, v4;
	v4 =	vunpack.i.u.bf16.f32 v19;
	v0 =	vld [tilespmem:s26+$0xFFFFFFD0];
	v9 =	vmul.f32 v5, v15  }
0x24d: {  	[tilespmem:s15+$0xFFFFFF40] =	vst v13;
	v13 =	vunpack.i.u.bf16.f32 v17;
	v8 =	vmul.f32 v12, v16;
	v15 =	vmul.f32 v6, v4;
	v6 =	vld [tilespmem:s6+$0xFFFFFFD0]  }
0x24e: {  	v19 =	vmul.f32 v10, v11;
	v5 =	vld [tilespmem:s14+$0xFFFFFFA0];
	v12 =	vunpack.i.u.bf16.f32 v18;
	v18 =	vunpack.i.l.bf16.f32 v18  }
0x24f: {  	v16 =	vunpack.i.l.bf16.f32 v17;
	v17 =	vunpack.i.u.bf16.f32 v22;
	v10 =	vld [tilespmem:s6+$0xFFFFFFB0];
	v11 =	vunpack.i.l.bf16.f32 v14;
	[tilespmem:s30+$0xFFFFFFA0] =	vst v8  }
0x250: {  	v63 =	vunpack.i.l.bf16.f32 v22;
	v4 =	vld [tilespmem:s13+$0xFFFFFFA0];
	v12 =	vmul.f32 v17, v12;
	v8 =	vmul.f32 v16, v11;
	[tilespmem:s15+$0xFFFFFF80] =	vst v19  }
0x251: {  	s31 =	simm.s32 $0x119F0;
	s2 =	simm.s32 $0x8;
	v11 =	vld [tilespmem:s26+$0xFFFFFF90];
	v16 =	vunpack.i.u.bf16.f32 v14;
	v14 =	vmul.f32 v63, v18;
	[tilespmem:s15+$0xFFFFFFC0] =	vst v15;
	v15 =	vunpack.i.l.bf16.f32 v0  }
.LBB2_11:
0x252: {  	s2 =	sadd.s32 $0x4, s2;
	v17 =	vunpack.i.u.bf16.f32 v1;
	v1 =	vunpack.i.l.bf16.f32 v6;
	v13 =	vmul.f32 v13, v16;
	v16 =	vld [tilespmem:s14+$0xFFFFFFC0];
	s30 =	sadd.s32 $0x100, s30;
	[tilespmem:s15+$0xFFFFFF70] =	vst v7  }
0x253: {  	v18 =	vunpack.i.u.bf16.f32 v6;
	p2 =	slt.u32 s2, $0x7C;
	v6 =	vmul.f32 v15, v1;
	v15 =	vunpack.i.u.bf16.f32 v5;
	v7 =	vld [tilespmem:s13+$0xFFFFFFC0];
	[tilespmem:s15+$0xFFFFFFB0] =	vst v9;
	s15 =	smov.u32 s31;
	s31 =	smov.u32 s30  }
0x254: {  	v19 =	vunpack.i.l.bf16.f32 v3;
	v9 =	vunpack.i.u.bf16.f32 v3;
	v3 =	vunpack.i.l.bf16.f32 v5;
	v5 =	vld [tilespmem:s14+$0xFFFFFFE0];
	[tilespmem:s15+$0xFFFFFFF0] =	vst v14;
	s14 =	smov.u32 s6  }
0x255: {  	s6 =	sadd.s32 $0x80, s6;
	v20 =	vunpack.i.u.bf16.f32 v4;
	v14 =	vunpack.i.u.bf16.f32 v10;
	v10 =	vunpack.i.l.bf16.f32 v10;
	v21 =	vld [tilespmem:s13+$0xFFFFFFE0];
	[tilespmem:s15+$0x0] =	vst v12;
	s13 =	smov.u32 s26  }
0x256: {  	v4 =	vunpack.i.l.bf16.f32 v4;
	s26 =	sadd.s32 $0x80, s26;
	v1 =	vld [tilespmem:s6+$0xFFFFFF90];
	v12 =	vunpack.i.u.bf16.f32 v11;
	v11 =	vunpack.i.l.bf16.f32 v11;
	[tilespmem:s30+$0xFFFFFFE0] =	vst v13  }
0x257: {  	v3 =	vmul.f32 v4, v3;
	v9 =	vmul.f32 v9, v14;
	v22 =	vld [tilespmem:s26+$0xFFFFFFF0];
	[tilespmem:s30+$0xFFFFFF90] =	vst v6;
	v4 =	vunpack.i.u.bf16.f32 v16  }
0x258: {  	v6 =	vmul.f32 v12, v17;
	v14 =	vld [tilespmem:s6+$0xFFFFFFF0];
	[tilespmem:s30+$0xFFFFFFD0] =	vst v8;
	v8 =	vunpack.i.l.bf16.f32 v16;
	v12 =	vunpack.i.u.bf16.f32 v7  }
0x259: {  	v2 =	vmul.f32 v11, v2;
	v11 =	vld [tilespmem:s14+$0x0];
	[tilespmem:s15+$0xFFFFFF30] =	vst v3;
	v3 =	vunpack.i.l.bf16.f32 v7;
	v13 =	vunpack.i.l.bf16.f32 v5  }
0x25a: {  	v5 =	vunpack.i.u.bf16.f32 v5;
	[tilespmem:s30+$0xFFFFFF20] =	vst v6;
	v16 =	vld [tilespmem:s13+$0x0];
	v7 =	vmul.f32 v3, v8;
	v6 =	vunpack.i.l.bf16.f32 v21  }
0x25b: {  	v8 =	vmul.f32 v19, v10;
	v10 =	vmul.f32 v20, v15;
	v15 =	vunpack.i.u.bf16.f32 v21;
	v3 =	vld [tilespmem:s26+$0xFFFFFFB0];
	[tilespmem:s30+$0xFFFFFF60] =	vst v9  }
0x25c: {  	v17 =	vunpack.i.u.bf16.f32 v0;
	v9 =	vmul.f32 v6, v13;
	v15 =	vmul.f32 v15, v5;
	[tilespmem:s30+$0xFFFFFF10] =	vst v2;
	v0 =	vld [tilespmem:s26+$0xFFFFFFD0]  }
.Ltmp6:
0x25d: {  	v2 =	vunpack.i.l.bf16.f32 v1;
	v6 =	vld [tilespmem:s6+$0xFFFFFFD0];
	[tilespmem:s30+$0xFFFFFF50] =	vst v8;
	v8 =	vmul.f32 v17, v18;
	v17 =	vmul.f32 v12, v4;
	(pc) =	sbr.rel @p2 .LBB2_11-.Ltmp6, $4  }
0x25e: {  	v12 =	vunpack.i.l.bf16.f32 v14;
	v5 =	vld [tilespmem:s14+$0xFFFFFFA0];
	v18 =	vunpack.i.u.bf16.f32 v11;
	v19 =	vunpack.i.l.bf16.f32 v11;
	[tilespmem:s15+$0xFFFFFF40] =	vst v10  }
0x25f: {  	v13 =	vunpack.i.u.bf16.f32 v22;
	v11 =	vunpack.i.l.bf16.f32 v22;
	v4 =	vld [tilespmem:s13+$0xFFFFFFA0];
	[tilespmem:s30+$0xFFFFFFA0] =	vst v8;
	v20 =	vunpack.i.u.bf16.f32 v16  }
0x260: {  	v8 =	vmul.f32 v11, v12;
	v21 =	vunpack.i.l.bf16.f32 v16;
	v10 =	vld [tilespmem:s6+$0xFFFFFFB0];
	v12 =	vmul.f32 v20, v18;
	[tilespmem:s15+$0xFFFFFFC0] =	vst v15  }
0x261: {  	v16 =	vunpack.i.u.bf16.f32 v14;
	v14 =	vmul.f32 v21, v19;
	v11 =	vld [tilespmem:s26+$0xFFFFFF90];
	v15 =	vunpack.i.l.bf16.f32 v0;
	[tilespmem:s15+$0xFFFFFF80] =	vst v17  }
0x262: {  	[tilespmem:s15+$0xFFFFFF70] =	vst v7  }
0x263: {  	[tilespmem:s15+$0xFFFFFFB0] =	vst v9  }
0x264: {  	[tilespmem:s31+$0x0] =	vst v12  }
0x265: {  	v17 =	vunpack.i.l.bf16.f32 v6;
	v18 =	vmul.f32 v13, v16;
	s2 =	sadd.s32 $0x100, s30;
	v19 =	vld [tilespmem:s14+$0xFFFFFFC0];
	v1 =	vunpack.i.u.bf16.f32 v1;
	[tilespmem:s31+$0xFFFFFFF0] =	vst v14  }
0x266: {  	v22 =	vld [tilespmem:s14+$0xFFFFFFE0];
	v34 =	vunpack.i.u.bf16.f32 v6;
	v0 =	vunpack.i.u.bf16.f32 v0;
	v7 =	vmul.f32 v15, v17;
	[tilespmem:s2+$0xFFFFFFD0] =	vst v8  }
0x267: {  	v25 =	vld [tilespmem:s13+$0xFFFFFFE0];
	v20 =	vunpack.i.l.bf16.f32 v5;
	v0 =	vmul.f32 v0, v34;
	[tilespmem:s2+$0xFFFFFFE0] =	vst v18;
	v21 =	vunpack.i.l.bf16.f32 v4  }
0x268: {  	v27 =	vld [tilespmem:s13+$0xFFFFFFC0];
	v28 =	vunpack.i.u.bf16.f32 v3;
	[tilespmem:s2+$0xFFFFFF90] =	vst v7;
	v24 =	vmul.f32 v21, v20;
	v29 =	vunpack.i.u.bf16.f32 v10  }
0x269: {  	v30 =	vunpack.i.l.bf16.f32 v3;
	v31 =	vunpack.i.l.bf16.f32 v10;
	[tilespmem:s2+$0xFFFFFFA0] =	vst v0;
	v32 =	vmul.f32 v28, v29  }
0x26a: {  	v36 =	vunpack.i.u.bf16.f32 v5;
	v23 =	vunpack.i.u.bf16.f32 v11;
	v3 =	vmul.f32 v30, v31;
	[tilespmem:s31+$0xFFFFFF30] =	vst v24  }
0x26b: {  	v37 =	vunpack.i.u.bf16.f32 v4;
	v33 =	vld [tilespmem:s6+$0x0];
	v26 =	vunpack.i.l.bf16.f32 v11;
	v1 =	vmul.f32 v23, v1;
	[tilespmem:s2+$0xFFFFFF60] =	vst v32  }
0x26c: {  	v35 =	vld [tilespmem:s26+$0x0];
	v2 =	vmul.f32 v26, v2;
	v39 =	vunpack.i.u.bf16.f32 v22;
	v40 =	vunpack.i.u.bf16.f32 v25;
	[tilespmem:s2+$0xFFFFFF50] =	vst v3  }
0x26d: {  	v42 =	vunpack.i.u.bf16.f32 v19;
	v43 =	vunpack.i.u.bf16.f32 v27;
	v4 =	vmul.f32 v40, v39;
	[tilespmem:s2+$0xFFFFFF20] =	vst v1;
	v44 =	vld [tilespmem:s6+$0xFFFFFFC0]  }
0x26e: {  	v45 =	vunpack.i.l.bf16.f32 v19;
	v8 =	vunpack.i.l.bf16.f32 v27;
	v7 =	vmul.f32 v43, v42;
	[tilespmem:s2+$0xFFFFFF10] =	vst v2;
	v52 =	vld [tilespmem:s26+$0xFFFFFFC0]  }
0x26f: {  	v47 =	vunpack.i.l.bf16.f32 v22;
	v48 =	vunpack.i.l.bf16.f32 v25;
	v5 =	vmul.f32 v8, v45;
	v38 =	vld [tilespmem:s6+$0xFFFFFFA0];
	[tilespmem:s31+$0xFFFFFFC0] =	vst v4  }
0x270: {  	v8 =	vmul.f32 v48, v47;
	v41 =	vld [tilespmem:s26+$0xFFFFFFA0];
	[tilespmem:s31+$0xFFFFFF80] =	vst v7  }
0x271: {  	v46 =	vld [tilespmem:s6+$0xFFFFFFE0];
	v2 =	vmul.f32 v37, v36;
	v50 =	vunpack.i.l.bf16.f32 v33;
	v51 =	vunpack.i.l.bf16.f32 v35;
	[tilespmem:s31+$0xFFFFFF70] =	vst v5  }
0x272: {  	v49 =	vld [tilespmem:s26+$0xFFFFFFE0];
	v11 =	vunpack.i.u.bf16.f32 v33;
	v6 =	vunpack.i.u.bf16.f32 v35;
	[tilespmem:s31+$0xFFFFFFB0] =	vst v8;
	v9 =	vmul.f32 v51, v50  }
0x273: {  	[tilespmem:s31+$0xFFFFFF40] =	vst v2;
	v53 =	vmul.f32 v6, v11;
	v58 =	vunpack.i.u.bf16.f32 v44;
	v59 =	vunpack.i.u.bf16.f32 v52  }
0x274: {  	[tilespmem:s2+$0xFFFFFFF0] =	vst v9;
	v0 =	vunpack.i.l.bf16.f32 v44;
	v60 =	vunpack.i.l.bf16.f32 v52;
	v61 =	vmul.f32 v59, v58  }
0x275: {  	[tilespmem:s2+$0x0] =	vst v53;
	v54 =	vunpack.i.l.bf16.f32 v38;
	v55 =	vunpack.i.l.bf16.f32 v41;
	v0 =	vmul.f32 v60, v0  }
0x276: {  	v1 =	vunpack.i.u.bf16.f32 v38;
	v3 =	vunpack.i.u.bf16.f32 v41;
	v6 =	vmul.f32 v55, v54;
	[tilespmem:s2+$0xFFFFFF80] =	vst v61  }
0x277: {  	v56 =	vunpack.i.u.bf16.f32 v46;
	v57 =	vunpack.i.u.bf16.f32 v49;
	v1 =	vmul.f32 v3, v1;
	[tilespmem:s2+$0xFFFFFF70] =	vst v0  }
.Ltmp7:
0x278: {  	s30 =	sadd.s32 s12, s11;
	v62 =	vunpack.i.l.bf16.f32 v46;
	v63 =	vunpack.i.l.bf16.f32 v49;
	v3 =	vmul.f32 v57, v56;
	[tilespmem:s2+$0xFFFFFF30] =	vst v6;
	(pc) =	sbr.rel @p1 .LBB2_14-.Ltmp7, $4  }
0x279: {  	s6 =	sshll.u32 s30, $0x3;
	[tilespmem:s2+$0xFFFFFF40] =	vst v1;
	v1 =	vmul.f32 v63, v62  }
0x27a: {  	s6 =	sand.u32 $0x1FFFFC00, s6;
	[tilespmem:s2+$0xFFFFFFC0] =	vst v3  }
0x27b: {  	s31 =	sadd.s32 s0, s6;
	[tilespmem:s2+$0xFFFFFFB0] =	vst v1  }
0x27c: {  	[hbm4b:s31+s4] =	stream.linear.scatter [tilespmem:s25], [sflag:$0x8], $0x2000, $0x38;
	[tilespmem:$0x147A0] =	vst v63  }
0x27d: {  	v0 =	vld [tilespmem:s12+$0x380];
	_ =	sdelay $0x4  }
0x27e: {  	v1 =	vshrl.u32 v0, $0x10  }
0x27f: {  	v0 =	vand.u32 $0xFFFF, v0;
	[tilespmem:$0x3580] =	vst v1  }
0x280: {  	[tilespmem:$0x3780] =	vst v0  }
0x281: {  	v0 =	vld [tilespmem:s12+$0x390];
	_ =	sdelay $0x4  }
0x282: {  	v57 =	vshrl.u32 v0, $0x10  }
0x283: {  	v0 =	vand.u32 $0xFFFF, v0;
	[tilespmem:$0x3590] =	vst v57  }
0x284: {  	[tilespmem:$0x3790] =	vst v0  }
0x285: {  	v0 =	vld [tilespmem:s12+$0x3A0];
	_ =	sdelay $0x4  }
0x286: {  	v58 =	vshrl.u32 v0, $0x10  }
0x287: {  	v0 =	vand.u32 $0xFFFF, v0;
	[tilespmem:$0x35A0] =	vst v58  }
0x288: {  	[tilespmem:$0x37A0] =	vst v0  }
0x289: {  	v0 =	vld [tilespmem:s12+$0x3B0];
	_ =	sdelay $0x4  }
0x28a: {  	v59 =	vshrl.u32 v0, $0x10  }
0x28b: {  	v0 =	vand.u32 $0xFFFF, v0;
	[tilespmem:$0x35B0] =	vst v59  }
0x28c: {  	[tilespmem:$0x37B0] =	vst v0  }
0x28d: {  	v0 =	vld [tilespmem:s12+$0x3C0];
	_ =	sdelay $0x4  }
0x28e: {  	v60 =	vshrl.u32 v0, $0x10  }
0x28f: {  	v0 =	vand.u32 $0xFFFF, v0;
	[tilespmem:$0x35C0] =	vst v60  }
0x290: {  	[tilespmem:$0x37C0] =	vst v0  }
0x291: {  	v0 =	vld [tilespmem:s12+$0x3D0];
	_ =	sdelay $0x4  }
0x292: {  	v61 =	vshrl.u32 v0, $0x10  }
0x293: {  	v0 =	vand.u32 $0xFFFF, v0;
	[tilespmem:$0x35D0] =	vst v61  }
0x294: {  	[tilespmem:$0x37D0] =	vst v0  }
0x295: {  	v0 =	vld [tilespmem:s12+$0x3E0];
	_ =	sdelay $0x4  }
0x296: {  	v62 =	vshrl.u32 v0, $0x10  }
0x297: {  	v0 =	vand.u32 $0xFFFF, v0;
	[tilespmem:$0x35E0] =	vst v62  }
0x298: {  	[tilespmem:$0x37E0] =	vst v0  }
0x299: {  	v0 =	vld [tilespmem:s12+$0x3F0];
	_ =	sdelay $0x4  }
0x29a: {  	v63 =	vshrl.u32 v0, $0x10  }
.Ltmp8:
0x29b: {  	v0 =	vand.u32 $0xFFFF, v0;
	[tilespmem:$0x35F0] =	vst v63;
	(pc) =	sbr.rel .LBB2_4-.Ltmp8, $4  }
0x29c: {  	s2 =	simm.s32 $0x3580;
	s6 =	simm.s32 $0x6800;
	[tilespmem:$0x37F0] =	vst v0  }
0x29d: {  	[tilespmem:s6], [sflag:$0x4] =	stream.indirect.gather [spmem:s1], $0x20, s2, s16, $0xb8;
	[tilespmem:$0x147A0] =	vst v63  }
0x29e: {  	s31 =	simm.s32 $0x3780;
	s7 =	sadd.s32 $0x1, s7  }
0x29f: {  	[tilespmem:s17], [sflag:$0x4] =	stream.indirect.gather [spmem:s3], $0x20, s31, s16, $0xb8;
	[tilespmem:$0x147A0] =	vst v63  }
.LBB2_15:
0x2a0: {  	_ =	sfence.sel $0x180000  }
0x2a1: {  	[bflag:$0x0] =	sbarrier.arrive $0xFFFF  }
0x2a2: {  	_ =	strace $0x90000047  }
0x2a3: {  	[bflag:$0x2] =	sbarrier.arrive $0xFFFF  }
0x2a4: {  	s0 =	rddreg [dreg:$0x5]  }
0x2a5: {  	s0 =	sadd.s32 @!p0 $0x100000, s0  }
0x2a6: {  	[sflag:s0] =	ssyncadd.tile.s32 @!p0 $0x1;
	_ =	shalt  }
.Lfunc_end2:
_tile_overlayer_lowered:
.L_overlay_start_2:
0x2a7: {  	(tag) =	ssettag $0x2  }
0x2a8: {  	s0 =	rddreg [dreg:$0x0];
	s2 =	stileid.u32  }
0x2a9: {  	s1 =	rddreg [dreg:$0x1];
	p0 =	sne.s32 s2, $0x0  }
0x2aa: {  	s3 =	rddreg [dreg:$0x2];
	[bflag:$0x3] =	sbarrier.arrive $0xFFFF;
	s2 =	simm.s32 @!p0 $0x1C09  }
0x2ab: {  	[timem:s3], [sflag:s2] =	dma.local @!p0 [hbm:s0], s1  }
0x2ac: {  	s0 =	simm.s32 @!p0 $0x9  }
0x2ad: {  	_ =	swait.ge @!p0 [sflag:s0], s1  }
0x2ae: {  	s1 =	ssub.s32 @!p0 $0x0, s1;
	[sflag:s0] =	ssyncset.done @!p0 $0x0  }
0x2af: {  	[sflag:s0] =	ssyncadd.s32 @!p0 s1  }
0x2b0: {  	[bflag:$0x3] =	sbarrier.arrive $0xFFFF  }
0x2b1: {  	_ =	shalt  }

// kernel: sparse-core-data-format-call.cloned.1.call-start
scs
called_computation_lowered:
.L_overlay_start_0:
0x0: {  	s2 =	sld [smem:$0x3FD9]  }
0x1: {  	s3 =	sld [smem:$0x3FFE];
	_ =	sdelay $0x1  }
0x2: {  	s1 =	srdreg.scid  }
0x3: {  	s0 =	sand.u32 $0x1, s1  }
0x4: {  	s18 =	sshll.u32 s0, $0xA;
	s2 =	sadd.s32 s3, s2  }
0x5: {  	s2 =	sadd.s32 s2, s18  }
0x6: {  	[smem:$0x3FC5] =	sst s2  }
0x7: {  	_ = 	snop  }
0x8: {  	s2 =	sld [smem:$0x3FD0];
	(tm) =	ssettm $0x1  }
0x9: {  	s19 =	sld [smem:$0x3FFB];
	_ =	sdelay $0x3  }
0xa: {  	_ =	strace s19  }
0xb: {  	s3 =	sld [smem:$0x3FFC];
	_ =	sdelay $0x3  }
0xc: {  	_ =	strace s3  }
0xd: {  	s3 =	sld [smem:$0x3FFD];
	_ =	sdelay $0x3  }
0xe: {  	_ =	strace s3  }
0xf: {  	_ =	strace $0x8FFFFFFF  }
0x10: {  	s20 =	sld [smem:$0x3FDB];
	_ =	sdelay $0x1  }
0x11: {  	s4 =	simm.s32 $_scs_section_size  }
0x12: {  	s5 =	simm.s32 $_size__tile_overlayer_lowered;
	s6 =	simm.s32 $_tile_overlayer_lowered  }
0x13: {  	s23 =	simm.s32 $0x1BFF;
	s22 =	sshll.u32 s6, $0x1;
	s3 =	sadd.s32 s4, s20  }
0x14: {  	s7 =	simm.s32 $0x0;
	s21 =	sshll.u32 s5, $0x1;
	s5 =	sadd.s32 s22, s3  }
0x15: {  	[timem:s7], [sflag:s23] =	dma.local [hbm:s5], s21  }
0x16: {  	_ =	swait.ge [sflag:s23], s21  }
0x17: {  	s4 =	ssub.s32 $0x0, s21;
	[sflag:s23] =	ssyncset.done $0x0  }
0x18: {  	[sflag:s23] =	ssyncadd.s32 s4;
	_ =	sdelay $0x1  }
0x19: {  	s24 =	simm.s32 $0x1B8B  }
0x1a: {  	_ =	swait.ge [sflag:s24], $0x1  }
0x1b: {  	[sflag:s24] =	ssyncset.done $0x0  }
0x1c: {  	s26 =	simm.s32 $0x1B8E;
	s25 =	sld [smem:$0x3FFE];
	[sflag:s24] =	ssyncadd.s32 $0xFFFFFFFF  }
0x1d: {  	s27 =	simm.s32 $execute0_lowered;
	[smem:$0x3FD2] =	sst s26  }
0x1e: {  	s5 =	sshll.u32 s27, $0x1;
	_ =	strace $0x80000049;
	[dreg:$0x1] =	wrdreg $0xFFFFFFFF  }
0x1f: {  	s28 =	simm.s32 $_size_execute0_lowered;
	s3 =	sadd.s32 s3, s5;
	[dreg:$0x0] =	wrdreg $0x0  }
0x20: {  	s5 =	sshll.u32 s28, $0x1;
	[dreg:$0x2] =	wrdreg s3  }
0x21: {  	[dreg:$0x3] =	wrdreg s5  }
0x22: {  	[dreg:$0x4] =	wrdreg $0xC0  }
0x23: {  	_ =	task [dreg:s7], $0x5FFFF  }
0x24: {  	[dreg:$0x1] =	wrdreg $0xFFFFFFFF  }
0x25: {  	[dreg:$0x0] =	wrdreg $0x60  }
0x26: {  	[dreg:$0x2] =	wrdreg s25  }
0x27: {  	[dreg:$0x3] =	wrdreg s2  }
0x28: {  	[dreg:$0x4] =	wrdreg $0x9  }
0x29: {  	_ =	task.clear_ibuf [dreg:s7], $0x5FFFF;
	_ =	strace $0x90000049  }
0x2a: {  	s29 =	simm.s32 $0x9;
	_ =	strace $0x8000004B  }
0x2b: {  	_ =	swait.ge [sflag:s29], $0x1  }
0x2c: {  	[sflag:s29] =	ssyncadd.s32 $0xFFFFFFFF  }
0x2d: {  	_ =	strace $0x9000004B  }
0x2e: {  	_ =	sfence  }
0x2f: {  	s30 =	sld [smem:$0x0];
	_ =	sdelay $0x2  }
0x30: {  	s31 =	sshll.u32 s1, $0xD;
	s1 =	sshrl.u32 s1, $0x2  }
0x31: {  	s3 =	sand.u32 $0x4000, s31;
	s1 =	sadd.s32 s1, s30  }
0x32: {  	s0 =	sor.u32 s3, s0;
	s1 =	sshll.u32 s1, $0x11  }
0x33: {  	s0 =	sor.u32 s1, s0  }
0x34: {  	s0 =	sadd.s32 $0x8F2B, s0  }
0x35: {  	[sflag:s0] =	ssyncadd.remote.s32 $0x1  }
0x36: {  	_ =	sfence.sel $0xFFFF  }
0x37: {  	[dreg:$0x0] =	wrdreg $0xFFFFFFFF;
	(pc) =	sbr.abs _section_cstart, $3  }
0x38: {  	[dreg:$0x1] =	wrdreg $0xFFFFFFFF  }
0x39: {  	_ =	task.clear_ibuf [dreg:s7], $0x2FFFF;
	_ =	strace $0x9FFFFFFF  }
0x3a: {  	(tm) =	ssettm $0x7FFFFFFF  }
0x3b: {  	_ =	shalt  }
tec
execute0_lowered:
.L_overlay_start_1:
0x0: {  	(tag) =	ssettag $0x1  }
0x1: {  	s0 =	srdreg.scid  }
0x2: {  	s1 =	sshll.u32 s0, $0x4  }
0x3: {  	s4 =	rddreg [dreg:$0x0];
	s0 =	stileid.u32;
	s1 =	sand.u32 $0x10, s1  }
0x4: {  	s2 =	rddreg [dreg:$0x1];
	s7 =	simm.s32 $0x1;
	s1 =	sor.u32 s0, s1  }
0x5: {  	s8 =	simm.s32 $0x2;
	s11 =	simm.s32 $0x0;
	s3 =	sshll.u32 s1, $0x7  }
0x6: {  	s10 =	simm.s32 $0x0;
	s4 =	sadd.s32 $0x800, s4;
	s6 =	ssub.s32 $0x68000, s3  }
.Ltmp0:
0x7: {  	s1 =	rddreg [dreg:$0x2];
	s5 =	sand.u32 $0xF80, s6;
	(pc) =	sbr.rel .LBB1_1-.Ltmp0, $4  }
0x8: {  	_ =	strace $0x8000004A;
	s9 =	smov.u32 s3;
	p0 =	sne.s32 s5, $0x0  }
0x9: {  	s6 =	sshrl.u32 s6, $0xC;
	s5 =	simm.s32 $0x1;
	s7 =	simm.s32 @!p0 $0x0  }
0xa: {  	[sflag:s5] =	ssyncpa.u1 $0x0;
	p0 =	por $0x0, $0x0;
	s6 =	sadd.s32 s7, s6  }
0xb: {  	[sflag:s8] =	ssyncpa.u1 $0x0;
	s8 =	simm.s32 $0x340000;
	s7 =	sadd.s32 $0x1, s6  }
.LBB1_4:
0xc: {  	s14 =	sshll.u32 s11, $0x3  }
0xd: {  	s30 =	sand.u32 $0x7F, s11;
	s15 =	sand.u32 $0xFFFFFC00, s14  }
0xe: {  	s11 =	sor.u32 s30, s15  }
0xf: {  	s15 =	smulhi.u32 $0x4EC4EC4F, s11  }
0x10: {  	s14 =	smulhi.u32 $0x4EC4EC4F, s14  }
0x11: {  	s15 =	sshrl.u32 s15, $0x11  }
0x12: {  	s14 =	sshrl.u32 s14, $0x11;
	s15 =	smul.u32 $0x68000, s15  }
0x13: {  	s14 =	sand.u32 $0x3F, s14  }
0x14: {  	s14 =	smul.u32 $0xD000, s14;
	s11 =	ssub.s32 s11, s15  }
0x15: {  	[tilespmem:s13+$0x810 ss:$0x81] =	vst.msk $0xffff, v2;
	s15 =	sand.u32 $0x7, s11  }
0x16: {  	[tilespmem:s13+$0x1020 ss:$0x81] =	vst.msk $0xffff, v0;
	s14 =	sadd.s32 s2, s14;
	s11 =	sshrl.u32 s11, $0x3;
	s15 =	sshll.u32 s15, $0x12  }
0x17: {  	[tilespmem:s13+$0x0 ss:$0x81] =	vst.msk $0xffff, v1;
	s11 =	sadd.s32 s11, s14;
	s31 =	sor.u32 $0x400, s15  }
0x18: {  	[hbm4b:s11+s31] =	stream.strided.scatter [tilespmem:s12], [sflag:$0x2], $0x2000, s8, s31, $0x20;
	[tilespmem:$0x8080] =	vst v63  }
.LBB1_5:
0x19: {  	s13 =	sadd.s32 $0x1000, s9  }
0x1a: {  	p2 =	sgt.s32 s13, $0x67FFF  }
0x1b: {  	s13 =	smov.u32 @p2 s3;
	p2 =	sne.s32 s10, s7  }
.Ltmp1:
0x1c: {  	p1 =	slt.u32 s10, $0x2;
	(pc) =	sbr.rel @!p2 .LBB1_6-.Ltmp1, $4  }
0x1d: {  	s12 =	simm.s32 @!p1 $0x2  }
0x1e: {  	s14 =	sadd.s32 $0x1, s10;
	_ =	swait.ge @!p1 [sflag:s12], $0x2000  }
0x1f: {  	s11 =	smov.u32 s9;
	p0 =	por !p0, !p0;
	[sflag:s12] =	ssyncset.done @!p1 $0x0  }
0x20: {  	s10 =	smov.u32 s14;
	s9 =	smov.u32 s13;
	[sflag:s12] =	ssyncadd.s32 @!p1 $0xFFFFE000  }
.LBB1_1:
0x21: {  	p1 =	sge.u32 s10, s6  }
0x22: {  	s12 =	sand.u32 @!p1 $0x1FFFFFF, s9  }
0x23: {  	s13 =	smulhi.u32 @!p1 $0x2762763, s12;
	_ =	sdelay $0x1  }
0x24: {  	s13 =	sshrl.u32 @!p1 s13, $0xC  }
0x25: {  	s13 =	smul.u32 @!p1 $0x68000, s13;
	_ =	sdelay $0x1  }
0x26: {  	s31 =	sadd.s32 $0xFFFFFFFF, s10;
	s14 =	sxor.u32 @!p1 $0xFFFFFFFF, s10;
	s12 =	ssub.s32 @!p1 s12, s13  }
0x27: {  	s15 =	simm.s32 @!p1 $0x80;
	s14 =	sshll.u32 @!p1 s14, $0xD;
	s12 =	sshll.u32 @!p1 s12, $0x4  }
0x28: {  	s13 =	sand.u32 @!p1 $0x2000, s14;
	s14 =	simm.s32 @!p1 $0x40;
	s12 =	sadd.s32 @!p1 s4, s12  }
0x29: {  	[tilespmem:s13], [sflag:$0x1] =	stream.strided.gather @!p1 [hbm4b:s12+s14], $0x2000, s15, s14, $0x38;
	[tilespmem:$0x8080] =	vst v63  }
0x2a: {  	p1 =	sge.u32 s31, s6  }
.Ltmp2:
0x2b: {  	_ = 	snop;
	(pc) =	sbr.rel @p1 .LBB1_5-.Ltmp2, $1  }
0x2c: {  	_ =	sdelay $0x3  }
0x2d: {  	s12 =	simm.s32 $0x1  }
0x2e: {  	_ =	swait.ge [sflag:s5], $0x2000;
	s12 =	simm.s32 @!p0 $0x0  }
0x2f: {  	[sflag:s5] =	ssyncset.done $0x0;
	s13 =	sshll.u32 s12, $0xD  }
0x30: {  	[sflag:s5] =	ssyncadd.s32 $0xFFFFE000;
	s16 =	sor.u32 $0x20, s13  }
0x31: {  	s12 =	smul.u32 $0x8100, s12;
	v3 =	vld [tilespmem:s16+$0x10]  }
0x32: {  	s30 =	sand.u32 $0x1, s10;
	v2 =	vld [tilespmem:s16+$0xFFFFFFF0]  }
0x33: {  	s13 =	smul.u32 $0x8100, s30;
	s12 =	sshrl.u32 s12, $0x2;
	v0 =	vld [tilespmem:s16+$0x0]  }
0x34: {  	v1 =	vld [tilespmem:s16+$0xFFFFFFE0];
	s14 =	sor.u32 $0x4000, s12  }
0x35: {  	s31 =	sshrl.u32 s13, $0x2;
	s13 =	sadd.s32 $0x0, s14  }
0x36: {  	s15 =	simm.s32 $0x4;
	s16 =	sadd.s32 $0x40, s16;
	s12 =	sor.u32 $0x4000, s31;
	[tilespmem:s13+$0x1830 ss:$0x81] =	vst.msk $0xffff, v3  }
.LBB1_3:
0x37: {  	v3 =	vld [tilespmem:s16+$0x10];
	p1 =	sne.s32 s15, $0x1FC;
	[tilespmem:s13+$0x810 ss:$0x81] =	vst.msk $0xffff, v2;
	s17 =	smov.u32 s15;
	s15 =	sadd.s32 $0x4, s15  }
.Ltmp3:
0x38: {  	v2 =	vld [tilespmem:s16+$0xFFFFFFF0];
	[tilespmem:s13+$0x1020 ss:$0x81] =	vst.msk $0xffff, v0;
	(pc) =	sbr.rel @p1 .LBB1_3-.Ltmp3, $4  }
0x39: {  	v0 =	vld [tilespmem:s16+$0x0];
	[tilespmem:s13+$0x0 ss:$0x81] =	vst.msk $0xffff, v1  }
0x3a: {  	s13 =	sshra.s32 s17, $0x2;
	v1 =	vld [tilespmem:s16+$0xFFFFFFE0]  }
0x3b: {  	s13 =	sadd.s32 s13, s14  }
0x3c: {  	s16 =	sadd.s32 $0x40, s16;
	[tilespmem:s13+$0x1830 ss:$0x81] =	vst.msk $0xffff, v3  }
.Ltmp4:
0x3d: {  	_ = 	snop;
	(pc) =	sbr.rel .LBB1_4-.Ltmp4, $1  }
0x3e: {  	_ =	sdelay $0x3  }
.LBB1_6:
0x3f: {  	_ =	sfence.sel $0x180000  }
0x40: {  	s2 =	simm.s32 $0x1;
	[bflag:$0x0] =	sbarrier.arrive $0xFFFF  }
0x41: {  	s31 =	simm.s32 $0x2;
	[sflag:s2] =	ssyncpa.u1 $0x1  }
0x42: {  	[sflag:s31] =	ssyncpa.u1 $0x1  }
0x43: {  	p0 =	sne.s32 s0, $0x0;
	_ =	strace $0x9000004A  }
0x44: {  	s0 =	sadd.s32 @!p0 $0x100000, s1;
	[bflag:$0x2] =	sbarrier.arrive $0xFFFF  }
0x45: {  	[sflag:s0] =	ssyncadd.tile.s32 @!p0 $0x1;
	_ =	shalt  }
.Lfunc_end1:
_tile_overlayer_lowered:
.L_overlay_start_2:
0x46: {  	(tag) =	ssettag $0x2  }
0x47: {  	s0 =	rddreg [dreg:$0x0];
	s2 =	stileid.u32  }
0x48: {  	s1 =	rddreg [dreg:$0x1];
	p0 =	sne.s32 s2, $0x0  }
0x49: {  	s3 =	rddreg [dreg:$0x2];
	[bflag:$0x3] =	sbarrier.arrive $0xFFFF;
	s2 =	simm.s32 @!p0 $0x1C01  }
0x4a: {  	[timem:s3], [sflag:s2] =	dma.local @!p0 [hbm:s0], s1  }
0x4b: {  	s0 =	simm.s32 @!p0 $0x1  }
0x4c: {  	_ =	swait.ge @!p0 [sflag:s0], s1  }
0x4d: {  	s1 =	ssub.s32 @!p0 $0x0, s1;
	[sflag:s0] =	ssyncset.done @!p0 $0x0  }
0x4e: {  	[sflag:s0] =	ssyncadd.s32 @!p0 s1  }
0x4f: {  	[bflag:$0x3] =	sbarrier.arrive $0xFFFF  }
0x50: {  	_ =	shalt  }

</sc_bundles>
